<compile_context>
chip_gen: v7x
topology: tpu7x:2x2x1
jax: 0.10.2.dev20260603
libtpu: 0.0.44.dev20260713+nightly
codegen_flags: <defaults>
</compile_context>

<pallas_src>
import functools

import jax
import jax.numpy as jnp
from jax import lax
from jax.experimental import pallas as pl
from jax.experimental.pallas import tpu as pltpu
from jax.experimental.pallas import tpu_sc as plsc

ND = 10000
NE = 320000
D = 128
NDP = 10240
NC, NS = 2, 16
NW = NC * NS
EPW = NE // NW
CH = 80
NCHUNK = EPW // CH
RPT = NDP // NS
ZR = 128
NR = 2000
EB = 3200
LANES = 16



def _sc_gather_body(xs_hbm, xd_hbm, src_hbm, dst_hbm, out_hbm,
                    si_v, di_v, a_v, b_v, sem_a, sem_b):
    wid = lax.axis_index("s") * NC + lax.axis_index("c")
    base = wid * EPW

    def chunk(i, carry):
        off = base + i * CH
        pltpu.sync_copy(src_hbm.at[pl.ds(off, CH)], si_v)
        pltpu.sync_copy(dst_hbm.at[pl.ds(off, CH)], di_v)
        cpa = pltpu.async_copy(xs_hbm.at[si_v], a_v, sem_a)
        cpb = pltpu.async_copy(xd_hbm.at[di_v], b_v, sem_b)
        cpa.wait()
        cpb.wait()

        def row(r, c2):
            for j in range(D // LANES):
                s = pl.ds(j * LANES, LANES)
                a_v[r, s] = jnp.maximum(a_v[r, s] + b_v[r, s], 0.0)
            return c2

        lax.fori_loop(0, CH, row, 0)
        pltpu.sync_copy(a_v, out_hbm.at[pl.ds(off, CH)])
        return carry

    lax.fori_loop(0, NCHUNK, chunk, 0)


def _sc_gather(xs, xd, src, dst):
    mesh = plsc.VectorSubcoreMesh(core_axis_name="c", subcore_axis_name="s")
    f = pl.kernel(
        _sc_gather_body,
        mesh=mesh,
        out_type=jax.ShapeDtypeStruct((NE, D), jnp.float32),
        scratch_types=[
            pltpu.VMEM((CH,), jnp.int32),
            pltpu.VMEM((CH,), jnp.int32),
            pltpu.VMEM((CH, D), jnp.float32),
            pltpu.VMEM((CH, D), jnp.float32),
            pltpu.SemaphoreType.DMA,
            pltpu.SemaphoreType.DMA,
        ],
    )
    return f(xs, xd, src, dst)


def _sc_scatter_body(msg_hbm, dst_hbm, out_hbm, di_v, m_v, z_v, acc_sh):
    cid = lax.axis_index("c")
    sid = lax.axis_index("s")
    wid = sid * NC + cid

    def zrow(r, c):
        for j in range(D // LANES):
            z_v[r, pl.ds(j * LANES, LANES)] = jnp.zeros((LANES,), jnp.float32)
        return c

    lax.fori_loop(0, ZR, zrow, 0)

    def zcopy(k, c):
        pltpu.sync_copy(z_v, acc_sh.at[pl.ds(sid * RPT + k * ZR, ZR)])
        return c

    lax.fori_loop(0, RPT // ZR, zcopy, 0)
    plsc.subcore_barrier()

    base = wid * EPW

    def chunk(i, carry):
        off = base + i * CH
        pltpu.sync_copy(dst_hbm.at[pl.ds(off, CH)], di_v)
        pltpu.sync_copy(msg_hbm.at[pl.ds(off, CH)], m_v)
        pltpu.sync_copy(m_v, acc_sh.at[di_v], add=True)
        return carry

    lax.fori_loop(0, NCHUNK, chunk, 0)
    plsc.subcore_barrier()

    def ocopy(k, c):
        r0 = sid * RPT + k * ZR
        pltpu.sync_copy(acc_sh.at[pl.ds(r0, ZR)], out_hbm.at[cid, pl.ds(r0, ZR)])
        return c

    lax.fori_loop(0, RPT // ZR, ocopy, 0)


def _sc_scatter(msg, dst):
    mesh = plsc.VectorSubcoreMesh(core_axis_name="c", subcore_axis_name="s")
    f = pl.kernel(
        _sc_scatter_body,
        mesh=mesh,
        out_type=jax.ShapeDtypeStruct((NC, NDP, D), jnp.float32),
        scratch_types=[
            pltpu.VMEM((CH,), jnp.int32),
            pltpu.VMEM((CH, D), jnp.float32),
            pltpu.VMEM((ZR, D), jnp.float32),
            pltpu.VMEM_SHARED((NDP, D), jnp.float32),
        ],
    )
    return f(msg, dst)



def _layernorm(v, g, b):
    mu = jnp.mean(v, axis=1, keepdims=True)
    var = jnp.mean((v - mu) ** 2, axis=1, keepdims=True)
    return (v - mu) * lax.rsqrt(var + 1e-5) * g + b


def _dot(a, b):
    return jnp.dot(a, b, preferred_element_type=jnp.float32)


def _pos_measure(nin, tar):
    t = nin[:, 4:5]
    measure = jnp.logical_or(t == 0.0, t == 5.0)
    pos = jnp.where(measure, nin[:, 0:2], tar[:, 0:2])
    return t, measure, pos


def _encode_body(nin_ref, tar_ref, w0_ref, b0_ref, w1_ref, b1_ref, w2_ref,
                 b2_ref, g_ref, be_ref, ws_ref, wd_ref, bse_ref,
                 x_ref, xs_ref, xd_ref):
    nin = nin_ref[...]
    tar = tar_ref[...]
    t, _, pos = _pos_measure(nin, tar)
    w0 = w0_ref[...]
    h = (pos[:, 0:1] * w0[0:1, :] + pos[:, 1:2] * w0[1:2, :]
         + t * w0[2:3, :] + b0_ref[...])
    h = jnp.maximum(h, 0.0)
    h = jnp.maximum(_dot(h, w1_ref[...]) + b1_ref[...], 0.0)
    x = _layernorm(_dot(h, w2_ref[...]) + b2_ref[...], g_ref[...], be_ref[...])
    x_ref[...] = x
    xs_ref[...] = _dot(x, ws_ref[...]) + bse_ref[...]
    xd_ref[...] = _dot(x, wd_ref[...]) + bse_ref[...]


def _edge_body(h_ref, w1_ref, b1_ref, w2_ref, b2_ref, g_ref, be_ref, out_ref):
    h = jnp.maximum(_dot(h_ref[...], w1_ref[...]) + b1_ref[...], 0.0)
    out_ref[...] = _layernorm(_dot(h, w2_ref[...]) + b2_ref[...],
                              g_ref[...], be_ref[...])


def _node_body(x_ref, a0_ref, a1_ref, w0x_ref, w0a_ref, b0_ref, w1_ref,
               b1_ref, w2_ref, b2_ref, g_ref, be_ref, ws_ref, wd_ref, bse_ref,
               xn_ref, xs_ref, xd_ref):
    x = x_ref[...]
    agg = a0_ref[...] + a1_ref[...]
    h = jnp.maximum(_dot(x, w0x_ref[...]) + _dot(agg, w0a_ref[...])
                    + b0_ref[...], 0.0)
    h = jnp.maximum(_dot(h, w1_ref[...]) + b1_ref[...], 0.0)
    u = _layernorm(_dot(h, w2_ref[...]) + b2_ref[...], g_ref[...], be_ref[...])
    xn = x + u
    xn_ref[...] = xn
    xs_ref[...] = _dot(xn, ws_ref[...]) + bse_ref[...]
    xd_ref[...] = _dot(xn, wd_ref[...]) + bse_ref[...]


def _decode_body(x_ref, nin_ref, tar_ref, w0_ref, b0_ref, w1_ref, b1_ref,
                 w2t_ref, b2_ref, out_ref, loss_ref, nz_ref):
    i = pl.program_id(0)
    nin = nin_ref[...]
    tar = tar_ref[...]
    _, measure, pos = _pos_measure(nin, tar)
    h = jnp.maximum(_dot(x_ref[...], w0_ref[...]) + b0_ref[...], 0.0)
    h = jnp.maximum(_dot(h, w1_ref[...]) + b1_ref[...], 0.0)
    w2t = w2t_ref[...]
    o0 = jnp.sum(h * w2t[0:1, :], axis=1, keepdims=True) + b2_ref[0, 0]
    o1 = jnp.sum(h * w2t[1:2, :], axis=1, keepdims=True) + b2_ref[0, 1]
    o = jnp.concatenate([o0, o1], axis=1) + pos
    tar2 = tar[:, 0:2]
    fin = jnp.where(measure, o, tar2)
    out_ref[...] = fin
    se = jnp.sum(jnp.where(measure, (o - tar2) ** 2, 0.0))
    nzp = 2.0 * jnp.sum(measure.astype(jnp.float32))

    @pl.when(i == 0)
    def _():
        loss_ref[0, 0] = 0.0
        nz_ref[0, 0] = 0.0

    loss_ref[0, 0] += se
    nz_ref[0, 0] += nzp


def _full(shape):
    return pl.BlockSpec(shape, lambda i: (0, 0))


def _rows(shape):
    return pl.BlockSpec(shape, lambda i: (i, 0))


def _encode_call(nin8, tar8, w0p, b0, w1, b1, w2, b2, g, be, ws, wd, bse):
    grid = (ND // NR,)
    out = jax.ShapeDtypeStruct((ND, D), jnp.float32)
    return pl.pallas_call(
        _encode_body,
        grid=grid,
        in_specs=[_rows((NR, 8)), _rows((NR, 8)), _full((8, D)), _full((1, D)),
                  _full((D, D)), _full((1, D)), _full((D, D)), _full((1, D)),
                  _full((1, D)), _full((1, D)), _full((D, D)), _full((D, D)),
                  _full((1, D))],
        out_specs=[_rows((NR, D))] * 3,
        out_shape=[out] * 3,
    )(nin8, tar8, w0p, b0, w1, b1, w2, b2, g, be, ws, wd, bse)


def _edge_call(h1, w1, b1, w2, b2, g, be):
    grid = (NE // EB,)
    return pl.pallas_call(
        _edge_body,
        grid=grid,
        in_specs=[_rows((EB, D)), _full((D, D)), _full((1, D)), _full((D, D)),
                  _full((1, D)), _full((1, D)), _full((1, D))],
        out_specs=_rows((EB, D)),
        out_shape=jax.ShapeDtypeStruct((NE, D), jnp.float32),
    )(h1, w1, b1, w2, b2, g, be)


def _node_call(x, a0, a1, w0x, w0a, b0, w1, b1, w2, b2, g, be, ws, wd, bse):
    grid = (ND // NR,)
    out = jax.ShapeDtypeStruct((ND, D), jnp.float32)
    return pl.pallas_call(
        _node_body,
        grid=grid,
        in_specs=[_rows((NR, D))] * 3 + [
            _full((D, D)), _full((D, D)), _full((1, D)), _full((D, D)),
            _full((1, D)), _full((D, D)), _full((1, D)), _full((1, D)),
            _full((1, D)), _full((D, D)), _full((D, D)), _full((1, D))],
        out_specs=[_rows((NR, D))] * 3,
        out_shape=[out] * 3,
    )(x, a0, a1, w0x, w0a, b0, w1, b1, w2, b2, g, be, ws, wd, bse)


def _decode_call(x, nin8, tar8, w0, b0, w1, b1, w2t, b2):
    grid = (ND // NR,)
    scal = pl.BlockSpec((1, 1), lambda i: (0, 0), memory_space=pltpu.SMEM)
    return pl.pallas_call(
        _decode_body,
        grid=grid,
        in_specs=[_rows((NR, D)), _rows((NR, 8)), _rows((NR, 8)),
                  _full((D, D)), _full((1, D)), _full((D, D)), _full((1, D)),
                  _full((8, D)), _full((1, 8))],
        out_specs=[_rows((NR, 2)), scal, scal],
        out_shape=[jax.ShapeDtypeStruct((ND, 2), jnp.float32),
                   jax.ShapeDtypeStruct((1, 1), jnp.float32),
                   jax.ShapeDtypeStruct((1, 1), jnp.float32)],
    )(x, nin8, tar8, w0, b0, w1, b1, w2t, b2)



def _edge_parts(p):
    (w0, b0), (w1, b1), (w2, b2) = p["layers"]
    g, be = p["ln"]
    return dict(ws=w0[:D], wd=w0[D:], bse=(0.5 * b0).reshape(1, D),
                w1=w1, b1=b1.reshape(1, D), w2=w2, b2=b2.reshape(1, D),
                g=g.reshape(1, D), be=be.reshape(1, D))


def _node_parts(p):
    (w0, b0), (w1, b1), (w2, b2) = p["layers"]
    g, be = p["ln"]
    return dict(w0x=w0[:D], w0a=w0[D:], b0=b0.reshape(1, D),
                w1=w1, b1=b1.reshape(1, D), w2=w2, b2=b2.reshape(1, D),
                g=g.reshape(1, D), be=be.reshape(1, D))


def kernel(m_idx, m_gs, node_in, node_tar, params):
    nin = node_in[0]
    tar = node_tar[0]
    nin8 = jnp.pad(nin, ((0, 0), (0, 3)))
    tar8 = jnp.pad(tar, ((0, 0), (0, 6)))
    src = m_gs[0].astype(jnp.int32)
    dst = m_gs[1].astype(jnp.int32)

    enc = params["encode"]
    (ew0, eb0), (ew1, eb1), (ew2, eb2) = enc["layers"]
    eg, ebe = enc["ln"]
    ew0p = jnp.pad(ew0, ((0, 5), (0, 0)))

    edge_p = [_edge_parts(params["gn"][i]["edge"]) for i in range(2)]
    node_p = [_node_parts(params["gn"][i]["node"]) for i in range(2)]

    e0 = edge_p[0]
    x, xs, xd = _encode_call(nin8, tar8, ew0p, eb0.reshape(1, D), ew1,
                             eb1.reshape(1, D), ew2, eb2.reshape(1, D),
                             eg.reshape(1, D), ebe.reshape(1, D),
                             e0["ws"], e0["wd"], e0["bse"])

    order = [0, 1, 0, 1]
    for r in range(4):
        ep = edge_p[order[r]]
        np_ = node_p[order[r]]
        nxt = edge_p[order[r + 1]] if r < 3 else edge_p[0]
        h1 = _sc_gather(xs, xd, src, dst)
        msg = _edge_call(h1, ep["w1"], ep["b1"], ep["w2"], ep["b2"],
                         ep["g"], ep["be"])
        agg2 = _sc_scatter(msg, dst)
        a0 = agg2[0, :ND]
        a1 = agg2[1, :ND]
        x, xs, xd = _node_call(x, a0, a1, np_["w0x"], np_["w0a"], np_["b0"],
                               np_["w1"], np_["b1"], np_["w2"], np_["b2"],
                               np_["g"], np_["be"], nxt["ws"], nxt["wd"],
                               nxt["bse"])

    dec = params["decode"]
    (dw0, db0), (dw1, db1), (dw2, db2) = dec["layers"]
    dw2t = jnp.pad(dw2.T, ((0, 6), (0, 0)))
    db2p = jnp.pad(db2, (0, 6)).reshape(1, 8)
    out2, loss_s, nz_s = _decode_call(x, nin8, tar8, dw0, db0.reshape(1, D),
                                      dw1, db1.reshape(1, D), dw2t, db2p)
    nz = nz_s.reshape(())
    loss = loss_s.reshape(()) / nz
    return (loss, out2[None], nz)

# --- scband reference (transcript-rebuilt; emitter-appended) ---
"""Pipeline reference for scband-cylinder-20718922236073 (READ-ONLY COPY).

The authoritative reference and input builder live on the scoring server;
editing this copy changes nothing except your own understanding.
"""

import jax, jax.numpy as jnp
import numpy as np

PD = 2
LD = 128
N = 10000
E = 320000
MP_TIMES = 2
LAYER_NUM = 2


def _dense(key, din, dout):
    W = jax.random.normal(key, (din, dout), dtype=jnp.float32) / np.sqrt(din)
    b = jnp.zeros((dout,), dtype=jnp.float32)
    return (W, b)


def _mlp_params(key, din, dh, dout, hidden, ln):
    dims = [din] + [dh] * hidden + [dout]
    layers = []
    for i in range(len(dims) - 1):
        key, k = jax.random.split(key)
        layers.append(_dense(k, dims[i], dims[i + 1]))
    lnp = (jnp.ones((dout,), jnp.float32), jnp.zeros((dout,), jnp.float32)) if ln else None
    return {"layers": layers, "ln": lnp}


def _mlp(x, p):
    layers = p["layers"]
    n = len(layers)
    for i, (W, b) in enumerate(layers):
        x = x @ W + b
        if i < n - 1:
            x = jax.nn.relu(x)
    if p["ln"] is not None:
        g, beta = p["ln"]
        mu = x.mean(-1, keepdims=True)
        var = ((x - mu) ** 2).mean(-1, keepdims=True)
        x = (x - mu) / jnp.sqrt(var + 1e-5) * g + beta
    return x


def setup_inputs(seed: int = 0):
    key = jax.random.key(seed)
    k = lambda i: jax.random.fold_in(key, i)
    feat = jax.random.normal(k(1), (1, N, PD), jnp.float32)
    mesh_pos = jax.random.normal(k(2), (1, N, PD), jnp.float32)
    ntype = jax.random.randint(k(3), (1, N, 1), 0, 7).astype(jnp.float32)
    node_in = jnp.concatenate([feat, mesh_pos, ntype], axis=-1)  # [1, N, 2*PD+1]
    node_tar = jax.random.normal(k(4), (1, N, PD), jnp.float32)
    m_gs = jax.random.randint(k(5), (2, E), 0, N)
    m_idx = jax.random.randint(k(6), (N // 2,), 0, N)
    params = {
        "encode": _mlp_params(k(10), PD + 1, LD, LD, 2, True),
        "gn": [
            {
                "edge": _mlp_params(k(20 + i), 2 * LD, LD, LD, 2, True),
                "node": _mlp_params(k(30 + i), 2 * LD, LD, LD, 2, True),
            }
            for i in range(LAYER_NUM)
        ],
        "decode": _mlp_params(k(40), LD, LD, PD, 2, False),
    }
    return {"m_idx": m_idx, "m_gs": m_gs, "node_in": node_in, "node_tar": node_tar, "params": params}


def reference(m_idx, m_gs, node_in, node_tar, params):
    node_type = node_in[..., -1]
    # _pre: overwrite positions of preset (non type-0/5) nodes with targets
    preset = ((node_type != 0) & (node_type != 5))[..., None]
    pos_part = jnp.where(preset, node_tar[..., :PD], node_in[..., :PD])
    node_in = jnp.concatenate([pos_part, node_in[..., PD:]], axis=-1)
    # _EMD: encode nodal latent input (pos channels + type channel)
    latent = jnp.concatenate([node_in[..., :PD], node_in[..., -1:]], axis=-1)
    x = _mlp(latent, params["encode"])
    src = m_gs[0]
    dst = m_gs[1]
    for _ in range(MP_TIMES):
        for blk in params["gn"]:
            xb = x[0]
            e_in = jnp.concatenate([xb[src], xb[dst]], axis=-1)
            msg = _mlp(e_in, blk["edge"])
            agg = jax.ops.segment_sum(msg, dst, num_segments=xb.shape[0])
            xb = xb + _mlp(jnp.concatenate([xb, agg], axis=-1), blk["node"])
            x = xb[None]
    out = _mlp(x, params["decode"])
    # _update_states: residual add of input positions
    out = out + node_in[..., :PD]
    # _mask: only type-0/5 nodes are measured
    measure = ((node_type == 0) | (node_type == 5))[..., None]
    mask = jnp.where(measure, jnp.ones_like(node_tar), jnp.zeros_like(node_tar))
    out = jnp.where(measure, out, node_tar)
    loss = ((out - node_tar) ** 2 * mask).sum()
    nz = mask.sum()
    return (loss / nz, out, nz)

if __name__ == "__main__":
    import jax
    _d = setup_inputs()
    print(jax.jit(kernel)(*tuple(_d.values())))

</pallas_src>

<mosaic_0001>
#map = affine_map<(d0, d1) -> (0, 0)>
#map1 = affine_map<(d0, d1) -> (0)>
module attributes {stable_mosaic.version = 14 : i64} {
  func.func @_sc_gather_body(%arg0: i32, %arg1: i32, %arg2: memref<10000x128xf32, #tpu.memory_space<hbm>>, %arg3: memref<10000x128xf32, #tpu.memory_space<hbm>>, %arg4: memref<320000xi32, #tpu.memory_space<hbm>>, %arg5: memref<320000xi32, #tpu.memory_space<hbm>>, %arg6: memref<320000x128xf32, #tpu.memory_space<hbm>>, %arg7: memref<80xi32, #tpu.memory_space<vmem>>, %arg8: memref<80xi32, #tpu.memory_space<vmem>>, %arg9: memref<80x128xf32, #tpu.memory_space<vmem>>, %arg10: memref<80x128xf32, #tpu.memory_space<vmem>>, %arg11: memref<!tpu.dma_semaphore, #tpu.memory_space<semaphore_mem>>, %arg12: memref<!tpu.dma_semaphore, #tpu.memory_space<semaphore_mem>>) attributes {dimension_semantics = [#tpu.dimension_semantics<core_parallel>, #tpu.dimension_semantics<subcore_parallel>], iteration_bounds = array<i64: 2, 16>, scalar_prefetch = 0 : i64, scratch_operands = 6 : i64, tpu.core_type = #tpu.core_type<sc_vector_subcore>, window_params = [{transform_indices = #map}, {transform_indices = #map}, {transform_indices = #map1}, {transform_indices = #map1}, {transform_indices = #map}]} {
    %mul3A = arith.constant 2 : i32
    %mul3A_0 = arith.muli %arg1, %mul3A : i32
    %add3A = arith.addi %mul3A_0, %arg0 : i32
    %mul3A_1 = arith.constant 10000 : i32
    %mul3A_2 = arith.muli %add3A, %mul3A_1 : i32
    %scan3A = arith.constant 0 : i32
    %scan3A_3 = arith.constant 0 : i32
    %scan3A_4 = arith.constant 125 : i32
    %scan3A_5 = arith.addi %scan3A_3, %scan3A_4 : i32
    %scan3A_6 = arith.constant 1 : i32
    scf.for %scan3A_8 = %scan3A_3 to %scan3A_5 step %scan3A_6  : i32 {
      %mul3A_9 = arith.constant 80 : i32
      %mul3A_10 = arith.muli %scan3A_8, %mul3A_9 : i32
      %add3A_11 = arith.addi %mul3A_2, %mul3A_10 : i32
      "tpu.region"() ({
        %run_scoped3A = tpu.sem_alloc : memref<!tpu.dma_semaphore, #tpu.memory_space<semaphore_mem>>
        %dma_start3A_28 = tpu.memref_slice %arg4[%add3A_11] : memref<320000xi32, #tpu.memory_space<hbm>> -> memref<80xi32, #tpu.memory_space<hbm>>
        %dma_start3A_29 = tpu.memref_slice %arg4[%add3A_11] : memref<320000xi32, #tpu.memory_space<hbm>> -> memref<80xi32, #tpu.memory_space<hbm>>
        tpu.enqueue_dma source(%dma_start3A_29 : memref<80xi32, #tpu.memory_space<hbm>>) target(%arg7 : memref<80xi32, #tpu.memory_space<vmem>>) target_semaphore(%run_scoped3A : memref<!tpu.dma_semaphore, #tpu.memory_space<semaphore_mem>>)
        %dma_wait3A_30 = tpu.memref_slice %arg4[%add3A_11] : memref<320000xi32, #tpu.memory_space<hbm>> -> memref<80xi32, #tpu.memory_space<hbm>>
        %dma_wait3A_31 = tpu.memref_slice %arg4[%add3A_11] : memref<320000xi32, #tpu.memory_space<hbm>> -> memref<80xi32, #tpu.memory_space<hbm>>
        tpu.wait_dma2 semaphore(%run_scoped3A : memref<!tpu.dma_semaphore, #tpu.memory_space<semaphore_mem>>) src(%dma_wait3A_31 : memref<80xi32, #tpu.memory_space<hbm>>) dst(%arg7 : memref<80xi32, #tpu.memory_space<vmem>>)
        tpu.yield
      }) : () -> ()
      "tpu.region"() ({
        %run_scoped3A = tpu.sem_alloc : memref<!tpu.dma_semaphore, #tpu.memory_space<semaphore_mem>>
        %dma_start3A_28 = tpu.memref_slice %arg5[%add3A_11] : memref<320000xi32, #tpu.memory_space<hbm>> -> memref<80xi32, #tpu.memory_space<hbm>>
        %dma_start3A_29 = tpu.memref_slice %arg5[%add3A_11] : memref<320000xi32, #tpu.memory_space<hbm>> -> memref<80xi32, #tpu.memory_space<hbm>>
        tpu.enqueue_dma source(%dma_start3A_29 : memref<80xi32, #tpu.memory_space<hbm>>) target(%arg8 : memref<80xi32, #tpu.memory_space<vmem>>) target_semaphore(%run_scoped3A : memref<!tpu.dma_semaphore, #tpu.memory_space<semaphore_mem>>)
        %dma_wait3A_30 = tpu.memref_slice %arg5[%add3A_11] : memref<320000xi32, #tpu.memory_space<hbm>> -> memref<80xi32, #tpu.memory_space<hbm>>
        %dma_wait3A_31 = tpu.memref_slice %arg5[%add3A_11] : memref<320000xi32, #tpu.memory_space<hbm>> -> memref<80xi32, #tpu.memory_space<hbm>>
        tpu.wait_dma2 semaphore(%run_scoped3A : memref<!tpu.dma_semaphore, #tpu.memory_space<semaphore_mem>>) src(%dma_wait3A_31 : memref<80xi32, #tpu.memory_space<hbm>>) dst(%arg8 : memref<80xi32, #tpu.memory_space<vmem>>)
        tpu.yield
      }) : () -> ()
      %dma_start3A = arith.constant 0 : i32
      %dma_start3A_12 = arith.constant 0 : i32
      %dma_start3A_13 = tpu.memref_slice %arg2[%dma_start3A, %dma_start3A_12] : memref<10000x128xf32, #tpu.memory_space<hbm>> -> memref<10000x128xf32, #tpu.memory_space<hbm>>
      tpu.enqueue_indirect_dma source(%dma_start3A_13 : memref<10000x128xf32, #tpu.memory_space<hbm>>) target(%arg9 : memref<80x128xf32, #tpu.memory_space<vmem>>) offsets(%arg7 : memref<80xi32, #tpu.memory_space<vmem>>) semaphore(%arg11 : memref<!tpu.dma_semaphore, #tpu.memory_space<semaphore_mem>>)
      %dma_start3A_14 = arith.constant 0 : i32
      %dma_start3A_15 = arith.constant 0 : i32
      %dma_start3A_16 = tpu.memref_slice %arg3[%dma_start3A_14, %dma_start3A_15] : memref<10000x128xf32, #tpu.memory_space<hbm>> -> memref<10000x128xf32, #tpu.memory_space<hbm>>
      tpu.enqueue_indirect_dma source(%dma_start3A_16 : memref<10000x128xf32, #tpu.memory_space<hbm>>) target(%arg10 : memref<80x128xf32, #tpu.memory_space<vmem>>) offsets(%arg8 : memref<80xi32, #tpu.memory_space<vmem>>) semaphore(%arg12 : memref<!tpu.dma_semaphore, #tpu.memory_space<semaphore_mem>>)
      %dma_wait3A = arith.constant 0 : i32
      %dma_wait3A_17 = arith.constant 0 : i32
      %dma_wait3A_18 = tpu.memref_slice %arg2[%dma_wait3A, %dma_wait3A_17] : memref<10000x128xf32, #tpu.memory_space<hbm>> -> memref<10000x128xf32, #tpu.memory_space<hbm>>
      tpu.wait_indirect_dma semaphore(%arg11 : memref<!tpu.dma_semaphore, #tpu.memory_space<semaphore_mem>>) src(%dma_wait3A_18 : memref<10000x128xf32, #tpu.memory_space<hbm>>) dst(%arg9 : memref<80x128xf32, #tpu.memory_space<vmem>>)
      %dma_wait3A_19 = arith.constant 0 : i32
      %dma_wait3A_20 = arith.constant 0 : i32
      %dma_wait3A_21 = tpu.memref_slice %arg3[%dma_wait3A_19, %dma_wait3A_20] : memref<10000x128xf32, #tpu.memory_space<hbm>> -> memref<10000x128xf32, #tpu.memory_space<hbm>>
      tpu.wait_indirect_dma semaphore(%arg12 : memref<!tpu.dma_semaphore, #tpu.memory_space<semaphore_mem>>) src(%dma_wait3A_21 : memref<10000x128xf32, #tpu.memory_space<hbm>>) dst(%arg10 : memref<80x128xf32, #tpu.memory_space<vmem>>)
      %scan3A_22 = arith.constant 0 : i32
      %scan3A_23 = arith.constant 0 : i32
      %scan3A_24 = arith.constant 80 : i32
      %scan3A_25 = arith.addi %scan3A_23, %scan3A_24 : i32
      %scan3A_26 = arith.constant 1 : i32
      scf.for %scan3A_28 = %scan3A_23 to %scan3A_25 step %scan3A_26  : i32 {
        %get3A = arith.index_cast %scan3A_28 : i32 to index
        %get3A_29 = arith.constant 0 : index
        %get3A_30 = tpu.vector_load %arg9[%get3A, %get3A_29] {strides = array<i32>} : memref<80x128xf32, #tpu.memory_space<vmem>>, vector<1x16xf32>,
        %get3A_31 = vector.shape_cast %get3A_30 : vector<1x16xf32> to vector<16xf32>
        %get3A_32 = arith.index_cast %scan3A_28 : i32 to index
        %get3A_33 = arith.constant 0 : index
        %get3A_34 = tpu.vector_load %arg10[%get3A_32, %get3A_33] {strides = array<i32>} : memref<80x128xf32, #tpu.memory_space<vmem>>, vector<1x16xf32>,
        %get3A_35 = vector.shape_cast %get3A_34 : vector<1x16xf32> to vector<16xf32>
        %add3A_36 = arith.addf %get3A_31, %get3A_35 : vector<16xf32>
        %max3A = arith.constant 0.000000e+00 : f32
        %max3A_37 = vector.broadcast %max3A : f32 to vector<16xf32>
        %max3A_38 = arith.maximumf %add3A_36, %max3A_37 : vector<16xf32>
        %swap3A = arith.index_cast %scan3A_28 : i32 to index
        %swap3A_39 = arith.constant 0 : index
        %swap3A_40 = tpu.vector_load %arg9[%swap3A, %swap3A_39] {strides = array<i32>} : memref<80x128xf32, #tpu.memory_space<vmem>>, vector<1x16xf32>,
        %swap3A_41 = vector.shape_cast %swap3A_40 : vector<1x16xf32> to vector<16xf32>
        %swap3A_42 = vector.shape_cast %max3A_38 : vector<16xf32> to vector<1x16xf32>
        tpu.vector_store %arg9[%swap3A, %swap3A_39], %swap3A_42 {strides = array<i32>} : memref<80x128xf32, #tpu.memory_space<vmem>>, vector<1x16xf32>,
        %get3A_43 = arith.index_cast %scan3A_28 : i32 to index
        %get3A_44 = arith.constant 16 : index
        %get3A_45 = tpu.vector_load %arg9[%get3A_43, %get3A_44] {strides = array<i32>} : memref<80x128xf32, #tpu.memory_space<vmem>>, vector<1x16xf32>,
        %get3A_46 = vector.shape_cast %get3A_45 : vector<1x16xf32> to vector<16xf32>
        %get3A_47 = arith.index_cast %scan3A_28 : i32 to index
        %get3A_48 = arith.constant 16 : index
        %get3A_49 = tpu.vector_load %arg10[%get3A_47, %get3A_48] {strides = array<i32>} : memref<80x128xf32, #tpu.memory_space<vmem>>, vector<1x16xf32>,
        %get3A_50 = vector.shape_cast %get3A_49 : vector<1x16xf32> to vector<16xf32>
        %add3A_51 = arith.addf %get3A_46, %get3A_50 : vector<16xf32>
        %max3A_52 = arith.constant 0.000000e+00 : f32
        %max3A_53 = vector.broadcast %max3A_52 : f32 to vector<16xf32>
        %max3A_54 = arith.maximumf %add3A_51, %max3A_53 : vector<16xf32>
        %swap3A_55 = arith.index_cast %scan3A_28 : i32 to index
        %swap3A_56 = arith.constant 16 : index
        %swap3A_57 = tpu.vector_load %arg9[%swap3A_55, %swap3A_56] {strides = array<i32>} : memref<80x128xf32, #tpu.memory_space<vmem>>, vector<1x16xf32>,
        %swap3A_58 = vector.shape_cast %swap3A_57 : vector<1x16xf32> to vector<16xf32>
        %swap3A_59 = vector.shape_cast %max3A_54 : vector<16xf32> to vector<1x16xf32>
        tpu.vector_store %arg9[%swap3A_55, %swap3A_56], %swap3A_59 {strides = array<i32>} : memref<80x128xf32, #tpu.memory_space<vmem>>, vector<1x16xf32>,
        %get3A_60 = arith.index_cast %scan3A_28 : i32 to index
        %get3A_61 = arith.constant 32 : index
        %get3A_62 = tpu.vector_load %arg9[%get3A_60, %get3A_61] {strides = array<i32>} : memref<80x128xf32, #tpu.memory_space<vmem>>, vector<1x16xf32>,
        %get3A_63 = vector.shape_cast %get3A_62 : vector<1x16xf32> to vector<16xf32>
        %get3A_64 = arith.index_cast %scan3A_28 : i32 to index
        %get3A_65 = arith.constant 32 : index
        %get3A_66 = tpu.vector_load %arg10[%get3A_64, %get3A_65] {strides = array<i32>} : memref<80x128xf32, #tpu.memory_space<vmem>>, vector<1x16xf32>,
        %get3A_67 = vector.shape_cast %get3A_66 : vector<1x16xf32> to vector<16xf32>
        %add3A_68 = arith.addf %get3A_63, %get3A_67 : vector<16xf32>
        %max3A_69 = arith.constant 0.000000e+00 : f32
        %max3A_70 = vector.broadcast %max3A_69 : f32 to vector<16xf32>
        %max3A_71 = arith.maximumf %add3A_68, %max3A_70 : vector<16xf32>
        %swap3A_72 = arith.index_cast %scan3A_28 : i32 to index
        %swap3A_73 = arith.constant 32 : index
        %swap3A_74 = tpu.vector_load %arg9[%swap3A_72, %swap3A_73] {strides = array<i32>} : memref<80x128xf32, #tpu.memory_space<vmem>>, vector<1x16xf32>,
        %swap3A_75 = vector.shape_cast %swap3A_74 : vector<1x16xf32> to vector<16xf32>
        %swap3A_76 = vector.shape_cast %max3A_71 : vector<16xf32> to vector<1x16xf32>
        tpu.vector_store %arg9[%swap3A_72, %swap3A_73], %swap3A_76 {strides = array<i32>} : memref<80x128xf32, #tpu.memory_space<vmem>>, vector<1x16xf32>,
        %get3A_77 = arith.index_cast %scan3A_28 : i32 to index
        %get3A_78 = arith.constant 48 : index
        %get3A_79 = tpu.vector_load %arg9[%get3A_77, %get3A_78] {strides = array<i32>} : memref<80x128xf32, #tpu.memory_space<vmem>>, vector<1x16xf32>,
        %get3A_80 = vector.shape_cast %get3A_79 : vector<1x16xf32> to vector<16xf32>
        %get3A_81 = arith.index_cast %scan3A_28 : i32 to index
        %get3A_82 = arith.constant 48 : index
        %get3A_83 = tpu.vector_load %arg10[%get3A_81, %get3A_82] {strides = array<i32>} : memref<80x128xf32, #tpu.memory_space<vmem>>, vector<1x16xf32>,
        %get3A_84 = vector.shape_cast %get3A_83 : vector<1x16xf32> to vector<16xf32>
        %add3A_85 = arith.addf %get3A_80, %get3A_84 : vector<16xf32>
        %max3A_86 = arith.constant 0.000000e+00 : f32
        %max3A_87 = vector.broadcast %max3A_86 : f32 to vector<16xf32>
        %max3A_88 = arith.maximumf %add3A_85, %max3A_87 : vector<16xf32>
        %swap3A_89 = arith.index_cast %scan3A_28 : i32 to index
        %swap3A_90 = arith.constant 48 : index
        %swap3A_91 = tpu.vector_load %arg9[%swap3A_89, %swap3A_90] {strides = array<i32>} : memref<80x128xf32, #tpu.memory_space<vmem>>, vector<1x16xf32>,
        %swap3A_92 = vector.shape_cast %swap3A_91 : vector<1x16xf32> to vector<16xf32>
        %swap3A_93 = vector.shape_cast %max3A_88 : vector<16xf32> to vector<1x16xf32>
        tpu.vector_store %arg9[%swap3A_89, %swap3A_90], %swap3A_93 {strides = array<i32>} : memref<80x128xf32, #tpu.memory_space<vmem>>, vector<1x16xf32>,
        %get3A_94 = arith.index_cast %scan3A_28 : i32 to index
        %get3A_95 = arith.constant 64 : index
        %get3A_96 = tpu.vector_load %arg9[%get3A_94, %get3A_95] {strides = array<i32>} : memref<80x128xf32, #tpu.memory_space<vmem>>, vector<1x16xf32>,
        %get3A_97 = vector.shape_cast %get3A_96 : vector<1x16xf32> to vector<16xf32>
        %get3A_98 = arith.index_cast %scan3A_28 : i32 to index
        %get3A_99 = arith.constant 64 : index
        %get3A_100 = tpu.vector_load %arg10[%get3A_98, %get3A_99] {strides = array<i32>} : memref<80x128xf32, #tpu.memory_space<vmem>>, vector<1x16xf32>,
        %get3A_101 = vector.shape_cast %get3A_100 : vector<1x16xf32> to vector<16xf32>
        %add3A_102 = arith.addf %get3A_97, %get3A_101 : vector<16xf32>
        %max3A_103 = arith.constant 0.000000e+00 : f32
        %max3A_104 = vector.broadcast %max3A_103 : f32 to vector<16xf32>
        %max3A_105 = arith.maximumf %add3A_102, %max3A_104 : vector<16xf32>
        %swap3A_106 = arith.index_cast %scan3A_28 : i32 to index
        %swap3A_107 = arith.constant 64 : index
        %swap3A_108 = tpu.vector_load %arg9[%swap3A_106, %swap3A_107] {strides = array<i32>} : memref<80x128xf32, #tpu.memory_space<vmem>>, vector<1x16xf32>,
        %swap3A_109 = vector.shape_cast %swap3A_108 : vector<1x16xf32> to vector<16xf32>
        %swap3A_110 = vector.shape_cast %max3A_105 : vector<16xf32> to vector<1x16xf32>
        tpu.vector_store %arg9[%swap3A_106, %swap3A_107], %swap3A_110 {strides = array<i32>} : memref<80x128xf32, #tpu.memory_space<vmem>>, vector<1x16xf32>,
        %get3A_111 = arith.index_cast %scan3A_28 : i32 to index
        %get3A_112 = arith.constant 80 : index
        %get3A_113 = tpu.vector_load %arg9[%get3A_111, %get3A_112] {strides = array<i32>} : memref<80x128xf32, #tpu.memory_space<vmem>>, vector<1x16xf32>,
        %get3A_114 = vector.shape_cast %get3A_113 : vector<1x16xf32> to vector<16xf32>
        %get3A_115 = arith.index_cast %scan3A_28 : i32 to index
        %get3A_116 = arith.constant 80 : index
        %get3A_117 = tpu.vector_load %arg10[%get3A_115, %get3A_116] {strides = array<i32>} : memref<80x128xf32, #tpu.memory_space<vmem>>, vector<1x16xf32>,
        %get3A_118 = vector.shape_cast %get3A_117 : vector<1x16xf32> to vector<16xf32>
        %add3A_119 = arith.addf %get3A_114, %get3A_118 : vector<16xf32>
        %max3A_120 = arith.constant 0.000000e+00 : f32
        %max3A_121 = vector.broadcast %max3A_120 : f32 to vector<16xf32>
        %max3A_122 = arith.maximumf %add3A_119, %max3A_121 : vector<16xf32>
        %swap3A_123 = arith.index_cast %scan3A_28 : i32 to index
        %swap3A_124 = arith.constant 80 : index
        %swap3A_125 = tpu.vector_load %arg9[%swap3A_123, %swap3A_124] {strides = array<i32>} : memref<80x128xf32, #tpu.memory_space<vmem>>, vector<1x16xf32>,
        %swap3A_126 = vector.shape_cast %swap3A_125 : vector<1x16xf32> to vector<16xf32>
        %swap3A_127 = vector.shape_cast %max3A_122 : vector<16xf32> to vector<1x16xf32>
        tpu.vector_store %arg9[%swap3A_123, %swap3A_124], %swap3A_127 {strides = array<i32>} : memref<80x128xf32, #tpu.memory_space<vmem>>, vector<1x16xf32>,
        %get3A_128 = arith.index_cast %scan3A_28 : i32 to index
        %get3A_129 = arith.constant 96 : index
        %get3A_130 = tpu.vector_load %arg9[%get3A_128, %get3A_129] {strides = array<i32>} : memref<80x128xf32, #tpu.memory_space<vmem>>, vector<1x16xf32>,
        %get3A_131 = vector.shape_cast %get3A_130 : vector<1x16xf32> to vector<16xf32>
        %get3A_132 = arith.index_cast %scan3A_28 : i32 to index
        %get3A_133 = arith.constant 96 : index
        %get3A_134 = tpu.vector_load %arg10[%get3A_132, %get3A_133] {strides = array<i32>} : memref<80x128xf32, #tpu.memory_space<vmem>>, vector<1x16xf32>,
        %get3A_135 = vector.shape_cast %get3A_134 : vector<1x16xf32> to vector<16xf32>
        %add3A_136 = arith.addf %get3A_131, %get3A_135 : vector<16xf32>
        %max3A_137 = arith.constant 0.000000e+00 : f32
        %max3A_138 = vector.broadcast %max3A_137 : f32 to vector<16xf32>
        %max3A_139 = arith.maximumf %add3A_136, %max3A_138 : vector<16xf32>
        %swap3A_140 = arith.index_cast %scan3A_28 : i32 to index
        %swap3A_141 = arith.constant 96 : index
        %swap3A_142 = tpu.vector_load %arg9[%swap3A_140, %swap3A_141] {strides = array<i32>} : memref<80x128xf32, #tpu.memory_space<vmem>>, vector<1x16xf32>,
        %swap3A_143 = vector.shape_cast %swap3A_142 : vector<1x16xf32> to vector<16xf32>
        %swap3A_144 = vector.shape_cast %max3A_139 : vector<16xf32> to vector<1x16xf32>
        tpu.vector_store %arg9[%swap3A_140, %swap3A_141], %swap3A_144 {strides = array<i32>} : memref<80x128xf32, #tpu.memory_space<vmem>>, vector<1x16xf32>,
        %get3A_145 = arith.index_cast %scan3A_28 : i32 to index
        %get3A_146 = arith.constant 112 : index
        %get3A_147 = tpu.vector_load %arg9[%get3A_145, %get3A_146] {strides = array<i32>} : memref<80x128xf32, #tpu.memory_space<vmem>>, vector<1x16xf32>,
        %get3A_148 = vector.shape_cast %get3A_147 : vector<1x16xf32> to vector<16xf32>
        %get3A_149 = arith.index_cast %scan3A_28 : i32 to index
        %get3A_150 = arith.constant 112 : index
        %get3A_151 = tpu.vector_load %arg10[%get3A_149, %get3A_150] {strides = array<i32>} : memref<80x128xf32, #tpu.memory_space<vmem>>, vector<1x16xf32>,
        %get3A_152 = vector.shape_cast %get3A_151 : vector<1x16xf32> to vector<16xf32>
        %add3A_153 = arith.addf %get3A_148, %get3A_152 : vector<16xf32>
        %max3A_154 = arith.constant 0.000000e+00 : f32
        %max3A_155 = vector.broadcast %max3A_154 : f32 to vector<16xf32>
        %max3A_156 = arith.maximumf %add3A_153, %max3A_155 : vector<16xf32>
        %swap3A_157 = arith.index_cast %scan3A_28 : i32 to index
        %swap3A_158 = arith.constant 112 : index
        %swap3A_159 = tpu.vector_load %arg9[%swap3A_157, %swap3A_158] {strides = array<i32>} : memref<80x128xf32, #tpu.memory_space<vmem>>, vector<1x16xf32>,
        %swap3A_160 = vector.shape_cast %swap3A_159 : vector<1x16xf32> to vector<16xf32>
        %swap3A_161 = vector.shape_cast %max3A_156 : vector<16xf32> to vector<1x16xf32>
        tpu.vector_store %arg9[%swap3A_157, %swap3A_158], %swap3A_161 {strides = array<i32>} : memref<80x128xf32, #tpu.memory_space<vmem>>, vector<1x16xf32>,
      }
      %scan3A_27 = arith.constant 80 : i32
      "tpu.region"() ({
        %run_scoped3A = tpu.sem_alloc : memref<!tpu.dma_semaphore, #tpu.memory_space<semaphore_mem>>
        %dma_start3A_28 = arith.constant 0 : i32
        %dma_start3A_29 = tpu.memref_slice %arg6[%add3A_11, %dma_start3A_28] : memref<320000x128xf32, #tpu.memory_space<hbm>> -> memref<80x128xf32, #tpu.memory_space<hbm>>
        %dma_start3A_30 = arith.constant 0 : i32
        %dma_start3A_31 = tpu.memref_slice %arg6[%add3A_11, %dma_start3A_30] : memref<320000x128xf32, #tpu.memory_space<hbm>> -> memref<80x128xf32, #tpu.memory_space<hbm>>
        tpu.enqueue_dma source(%arg9 : memref<80x128xf32, #tpu.memory_space<vmem>>) target(%dma_start3A_31 : memref<80x128xf32, #tpu.memory_space<hbm>>) target_semaphore(%run_scoped3A : memref<!tpu.dma_semaphore, #tpu.memory_space<semaphore_mem>>)
        %dma_wait3A_32 = arith.constant 0 : i32
        %dma_wait3A_33 = tpu.memref_slice %arg6[%add3A_11, %dma_wait3A_32] : memref<320000x128xf32, #tpu.memory_space<hbm>> -> memref<80x128xf32, #tpu.memory_space<hbm>>
        %dma_wait3A_34 = arith.constant 0 : i32
        %dma_wait3A_35 = tpu.memref_slice %arg6[%add3A_11, %dma_wait3A_34] : memref<320000x128xf32, #tpu.memory_space<hbm>> -> memref<80x128xf32, #tpu.memory_space<hbm>>
        tpu.wait_dma2 semaphore(%run_scoped3A : memref<!tpu.dma_semaphore, #tpu.memory_space<semaphore_mem>>) src(%arg9 : memref<80x128xf32, #tpu.memory_space<vmem>>) dst(%dma_wait3A_35 : memref<80x128xf32, #tpu.memory_space<hbm>>)
        tpu.yield
      }) : () -> ()
    }
    %scan3A_7 = arith.constant 125 : i32
    return
  }
}

#map = affine_map<(d0, d1) -> (0, 0)>
#map1 = affine_map<(d0, d1) -> (0)>
#map2 = affine_map<(d0, d1) -> (0, 0, 0)>
module attributes {stable_mosaic.version = 14 : i64} {
  func.func @_sc_scatter_body(%arg0: i32, %arg1: i32, %arg2: memref<320000x128xf32, #tpu.memory_space<hbm>>, %arg3: memref<320000xi32, #tpu.memory_space<hbm>>, %arg4: memref<2x10240x128xf32, #tpu.memory_space<hbm>>, %arg5: memref<80xi32, #tpu.memory_space<vmem>>, %arg6: memref<80x128xf32, #tpu.memory_space<vmem>>, %arg7: memref<128x128xf32, #tpu.memory_space<vmem>>, %arg8: memref<10240x128xf32, #tpu.memory_space<vmem_shared>>) attributes {dimension_semantics = [#tpu.dimension_semantics<core_parallel>, #tpu.dimension_semantics<subcore_parallel>], iteration_bounds = array<i64: 2, 16>, scalar_prefetch = 0 : i64, scratch_operands = 4 : i64, tpu.core_type = #tpu.core_type<sc_vector_subcore>, window_params = [{transform_indices = #map}, {transform_indices = #map1}, {transform_indices = #map2}]} {
    %mul3A = arith.constant 2 : i32
    %mul3A_0 = arith.muli %arg1, %mul3A : i32
    %add3A = arith.addi %mul3A_0, %arg0 : i32
    %scan3A = arith.constant 0 : i32
    %scan3A_1 = arith.constant 0 : i32
    %scan3A_2 = arith.constant 128 : i32
    %scan3A_3 = arith.addi %scan3A_1, %scan3A_2 : i32
    %scan3A_4 = arith.constant 1 : i32
    scf.for %scan3A_27 = %scan3A_1 to %scan3A_3 step %scan3A_4  : i32 {
      %broadcast_in_dim3A = arith.constant 0.000000e+00 : f32
      %broadcast_in_dim3A_28 = vector.broadcast %broadcast_in_dim3A : f32 to vector<16xf32>
      %swap3A = arith.index_cast %scan3A_27 : i32 to index
      %swap3A_29 = arith.constant 0 : index
      %swap3A_30 = tpu.vector_load %arg7[%swap3A, %swap3A_29] {strides = array<i32>} : memref<128x128xf32, #tpu.memory_space<vmem>>, vector<1x16xf32>,
      %swap3A_31 = vector.shape_cast %swap3A_30 : vector<1x16xf32> to vector<16xf32>
      %swap3A_32 = vector.shape_cast %broadcast_in_dim3A_28 : vector<16xf32> to vector<1x16xf32>
      tpu.vector_store %arg7[%swap3A, %swap3A_29], %swap3A_32 {strides = array<i32>} : memref<128x128xf32, #tpu.memory_space<vmem>>, vector<1x16xf32>,
      %broadcast_in_dim3A_33 = arith.constant 0.000000e+00 : f32
      %broadcast_in_dim3A_34 = vector.broadcast %broadcast_in_dim3A_33 : f32 to vector<16xf32>
      %swap3A_35 = arith.index_cast %scan3A_27 : i32 to index
      %swap3A_36 = arith.constant 16 : index
      %swap3A_37 = tpu.vector_load %arg7[%swap3A_35, %swap3A_36] {strides = array<i32>} : memref<128x128xf32, #tpu.memory_space<vmem>>, vector<1x16xf32>,
      %swap3A_38 = vector.shape_cast %swap3A_37 : vector<1x16xf32> to vector<16xf32>
      %swap3A_39 = vector.shape_cast %broadcast_in_dim3A_34 : vector<16xf32> to vector<1x16xf32>
      tpu.vector_store %arg7[%swap3A_35, %swap3A_36], %swap3A_39 {strides = array<i32>} : memref<128x128xf32, #tpu.memory_space<vmem>>, vector<1x16xf32>,
      %broadcast_in_dim3A_40 = arith.constant 0.000000e+00 : f32
      %broadcast_in_dim3A_41 = vector.broadcast %broadcast_in_dim3A_40 : f32 to vector<16xf32>
      %swap3A_42 = arith.index_cast %scan3A_27 : i32 to index
      %swap3A_43 = arith.constant 32 : index
      %swap3A_44 = tpu.vector_load %arg7[%swap3A_42, %swap3A_43] {strides = array<i32>} : memref<128x128xf32, #tpu.memory_space<vmem>>, vector<1x16xf32>,
      %swap3A_45 = vector.shape_cast %swap3A_44 : vector<1x16xf32> to vector<16xf32>
      %swap3A_46 = vector.shape_cast %broadcast_in_dim3A_41 : vector<16xf32> to vector<1x16xf32>
      tpu.vector_store %arg7[%swap3A_42, %swap3A_43], %swap3A_46 {strides = array<i32>} : memref<128x128xf32, #tpu.memory_space<vmem>>, vector<1x16xf32>,
      %broadcast_in_dim3A_47 = arith.constant 0.000000e+00 : f32
      %broadcast_in_dim3A_48 = vector.broadcast %broadcast_in_dim3A_47 : f32 to vector<16xf32>
      %swap3A_49 = arith.index_cast %scan3A_27 : i32 to index
      %swap3A_50 = arith.constant 48 : index
      %swap3A_51 = tpu.vector_load %arg7[%swap3A_49, %swap3A_50] {strides = array<i32>} : memref<128x128xf32, #tpu.memory_space<vmem>>, vector<1x16xf32>,
      %swap3A_52 = vector.shape_cast %swap3A_51 : vector<1x16xf32> to vector<16xf32>
      %swap3A_53 = vector.shape_cast %broadcast_in_dim3A_48 : vector<16xf32> to vector<1x16xf32>
      tpu.vector_store %arg7[%swap3A_49, %swap3A_50], %swap3A_53 {strides = array<i32>} : memref<128x128xf32, #tpu.memory_space<vmem>>, vector<1x16xf32>,
      %broadcast_in_dim3A_54 = arith.constant 0.000000e+00 : f32
      %broadcast_in_dim3A_55 = vector.broadcast %broadcast_in_dim3A_54 : f32 to vector<16xf32>
      %swap3A_56 = arith.index_cast %scan3A_27 : i32 to index
      %swap3A_57 = arith.constant 64 : index
      %swap3A_58 = tpu.vector_load %arg7[%swap3A_56, %swap3A_57] {strides = array<i32>} : memref<128x128xf32, #tpu.memory_space<vmem>>, vector<1x16xf32>,
      %swap3A_59 = vector.shape_cast %swap3A_58 : vector<1x16xf32> to vector<16xf32>
      %swap3A_60 = vector.shape_cast %broadcast_in_dim3A_55 : vector<16xf32> to vector<1x16xf32>
      tpu.vector_store %arg7[%swap3A_56, %swap3A_57], %swap3A_60 {strides = array<i32>} : memref<128x128xf32, #tpu.memory_space<vmem>>, vector<1x16xf32>,
      %broadcast_in_dim3A_61 = arith.constant 0.000000e+00 : f32
      %broadcast_in_dim3A_62 = vector.broadcast %broadcast_in_dim3A_61 : f32 to vector<16xf32>
      %swap3A_63 = arith.index_cast %scan3A_27 : i32 to index
      %swap3A_64 = arith.constant 80 : index
      %swap3A_65 = tpu.vector_load %arg7[%swap3A_63, %swap3A_64] {strides = array<i32>} : memref<128x128xf32, #tpu.memory_space<vmem>>, vector<1x16xf32>,
      %swap3A_66 = vector.shape_cast %swap3A_65 : vector<1x16xf32> to vector<16xf32>
      %swap3A_67 = vector.shape_cast %broadcast_in_dim3A_62 : vector<16xf32> to vector<1x16xf32>
      tpu.vector_store %arg7[%swap3A_63, %swap3A_64], %swap3A_67 {strides = array<i32>} : memref<128x128xf32, #tpu.memory_space<vmem>>, vector<1x16xf32>,
      %broadcast_in_dim3A_68 = arith.constant 0.000000e+00 : f32
      %broadcast_in_dim3A_69 = vector.broadcast %broadcast_in_dim3A_68 : f32 to vector<16xf32>
      %swap3A_70 = arith.index_cast %scan3A_27 : i32 to index
      %swap3A_71 = arith.constant 96 : index
      %swap3A_72 = tpu.vector_load %arg7[%swap3A_70, %swap3A_71] {strides = array<i32>} : memref<128x128xf32, #tpu.memory_space<vmem>>, vector<1x16xf32>,
      %swap3A_73 = vector.shape_cast %swap3A_72 : vector<1x16xf32> to vector<16xf32>
      %swap3A_74 = vector.shape_cast %broadcast_in_dim3A_69 : vector<16xf32> to vector<1x16xf32>
      tpu.vector_store %arg7[%swap3A_70, %swap3A_71], %swap3A_74 {strides = array<i32>} : memref<128x128xf32, #tpu.memory_space<vmem>>, vector<1x16xf32>,
      %broadcast_in_dim3A_75 = arith.constant 0.000000e+00 : f32
      %broadcast_in_dim3A_76 = vector.broadcast %broadcast_in_dim3A_75 : f32 to vector<16xf32>
      %swap3A_77 = arith.index_cast %scan3A_27 : i32 to index
      %swap3A_78 = arith.constant 112 : index
      %swap3A_79 = tpu.vector_load %arg7[%swap3A_77, %swap3A_78] {strides = array<i32>} : memref<128x128xf32, #tpu.memory_space<vmem>>, vector<1x16xf32>,
      %swap3A_80 = vector.shape_cast %swap3A_79 : vector<1x16xf32> to vector<16xf32>
      %swap3A_81 = vector.shape_cast %broadcast_in_dim3A_76 : vector<16xf32> to vector<1x16xf32>
      tpu.vector_store %arg7[%swap3A_77, %swap3A_78], %swap3A_81 {strides = array<i32>} : memref<128x128xf32, #tpu.memory_space<vmem>>, vector<1x16xf32>,
    }
    %scan3A_5 = arith.constant 128 : i32
    %scan3A_6 = arith.constant 0 : i32
    %scan3A_7 = arith.constant 0 : i32
    %scan3A_8 = arith.constant 5 : i32
    %scan3A_9 = arith.addi %scan3A_7, %scan3A_8 : i32
    %scan3A_10 = arith.constant 1 : i32
    scf.for %scan3A_27 = %scan3A_7 to %scan3A_9 step %scan3A_10  : i32 {
      %mul3A_28 = arith.constant 640 : i32
      %mul3A_29 = arith.muli %arg1, %mul3A_28 : i32
      %mul3A_30 = arith.constant 128 : i32
      %mul3A_31 = arith.muli %scan3A_27, %mul3A_30 : i32
      %add3A_32 = arith.addi %mul3A_29, %mul3A_31 : i32
      "tpu.region"() ({
        %run_scoped3A = tpu.sem_alloc : memref<!tpu.dma_semaphore, #tpu.memory_space<semaphore_mem>>
        %dma_start3A = arith.constant 0 : i32
        %dma_start3A_33 = tpu.memref_slice %arg8[%add3A_32, %dma_start3A] : memref<10240x128xf32, #tpu.memory_space<vmem_shared>> -> memref<128x128xf32, #tpu.memory_space<vmem_shared>>
        %dma_start3A_34 = arith.constant 0 : i32
        %dma_start3A_35 = tpu.memref_slice %arg8[%add3A_32, %dma_start3A_34] : memref<10240x128xf32, #tpu.memory_space<vmem_shared>> -> memref<128x128xf32, #tpu.memory_space<vmem_shared>>
        tpu.enqueue_dma source(%arg7 : memref<128x128xf32, #tpu.memory_space<vmem>>) target(%dma_start3A_35 : memref<128x128xf32, #tpu.memory_space<vmem_shared>>) target_semaphore(%run_scoped3A : memref<!tpu.dma_semaphore, #tpu.memory_space<semaphore_mem>>)
        %dma_wait3A = arith.constant 0 : i32
        %dma_wait3A_36 = tpu.memref_slice %arg8[%add3A_32, %dma_wait3A] : memref<10240x128xf32, #tpu.memory_space<vmem_shared>> -> memref<128x128xf32, #tpu.memory_space<vmem_shared>>
        %dma_wait3A_37 = arith.constant 0 : i32
        %dma_wait3A_38 = tpu.memref_slice %arg8[%add3A_32, %dma_wait3A_37] : memref<10240x128xf32, #tpu.memory_space<vmem_shared>> -> memref<128x128xf32, #tpu.memory_space<vmem_shared>>
        tpu.wait_dma2 semaphore(%run_scoped3A : memref<!tpu.dma_semaphore, #tpu.memory_space<semaphore_mem>>) src(%arg7 : memref<128x128xf32, #tpu.memory_space<vmem>>) dst(%dma_wait3A_38 : memref<128x128xf32, #tpu.memory_space<vmem_shared>>)
        tpu.yield
      }) : () -> ()
    }
    %scan3A_11 = arith.constant 5 : i32
    %barrier3A = arith.constant 0 : index
    tpu.barrier barrier_id(%barrier3A)
    %mul3A_12 = arith.constant 10000 : i32
    %mul3A_13 = arith.muli %add3A, %mul3A_12 : i32
    %scan3A_14 = arith.constant 0 : i32
    %scan3A_15 = arith.constant 0 : i32
    %scan3A_16 = arith.constant 125 : i32
    %scan3A_17 = arith.addi %scan3A_15, %scan3A_16 : i32
    %scan3A_18 = arith.constant 1 : i32
    scf.for %scan3A_27 = %scan3A_15 to %scan3A_17 step %scan3A_18  : i32 {
      %mul3A_28 = arith.constant 80 : i32
      %mul3A_29 = arith.muli %scan3A_27, %mul3A_28 : i32
      %add3A_30 = arith.addi %mul3A_13, %mul3A_29 : i32
      "tpu.region"() ({
        %run_scoped3A = tpu.sem_alloc : memref<!tpu.dma_semaphore, #tpu.memory_space<semaphore_mem>>
        %dma_start3A = tpu.memref_slice %arg3[%add3A_30] : memref<320000xi32, #tpu.memory_space<hbm>> -> memref<80xi32, #tpu.memory_space<hbm>>
        %dma_start3A_31 = tpu.memref_slice %arg3[%add3A_30] : memref<320000xi32, #tpu.memory_space<hbm>> -> memref<80xi32, #tpu.memory_space<hbm>>
        tpu.enqueue_dma source(%dma_start3A_31 : memref<80xi32, #tpu.memory_space<hbm>>) target(%arg5 : memref<80xi32, #tpu.memory_space<vmem>>) target_semaphore(%run_scoped3A : memref<!tpu.dma_semaphore, #tpu.memory_space<semaphore_mem>>)
        %dma_wait3A = tpu.memref_slice %arg3[%add3A_30] : memref<320000xi32, #tpu.memory_space<hbm>> -> memref<80xi32, #tpu.memory_space<hbm>>
        %dma_wait3A_32 = tpu.memref_slice %arg3[%add3A_30] : memref<320000xi32, #tpu.memory_space<hbm>> -> memref<80xi32, #tpu.memory_space<hbm>>
        tpu.wait_dma2 semaphore(%run_scoped3A : memref<!tpu.dma_semaphore, #tpu.memory_space<semaphore_mem>>) src(%dma_wait3A_32 : memref<80xi32, #tpu.memory_space<hbm>>) dst(%arg5 : memref<80xi32, #tpu.memory_space<vmem>>)
        tpu.yield
      }) : () -> ()
      "tpu.region"() ({
        %run_scoped3A = tpu.sem_alloc : memref<!tpu.dma_semaphore, #tpu.memory_space<semaphore_mem>>
        %dma_start3A = arith.constant 0 : i32
        %dma_start3A_31 = tpu.memref_slice %arg2[%add3A_30, %dma_start3A] : memref<320000x128xf32, #tpu.memory_space<hbm>> -> memref<80x128xf32, #tpu.memory_space<hbm>>
        %dma_start3A_32 = arith.constant 0 : i32
        %dma_start3A_33 = tpu.memref_slice %arg2[%add3A_30, %dma_start3A_32] : memref<320000x128xf32, #tpu.memory_space<hbm>> -> memref<80x128xf32, #tpu.memory_space<hbm>>
        tpu.enqueue_dma source(%dma_start3A_33 : memref<80x128xf32, #tpu.memory_space<hbm>>) target(%arg6 : memref<80x128xf32, #tpu.memory_space<vmem>>) target_semaphore(%run_scoped3A : memref<!tpu.dma_semaphore, #tpu.memory_space<semaphore_mem>>)
        %dma_wait3A = arith.constant 0 : i32
        %dma_wait3A_34 = tpu.memref_slice %arg2[%add3A_30, %dma_wait3A] : memref<320000x128xf32, #tpu.memory_space<hbm>> -> memref<80x128xf32, #tpu.memory_space<hbm>>
        %dma_wait3A_35 = arith.constant 0 : i32
        %dma_wait3A_36 = tpu.memref_slice %arg2[%add3A_30, %dma_wait3A_35] : memref<320000x128xf32, #tpu.memory_space<hbm>> -> memref<80x128xf32, #tpu.memory_space<hbm>>
        tpu.wait_dma2 semaphore(%run_scoped3A : memref<!tpu.dma_semaphore, #tpu.memory_space<semaphore_mem>>) src(%dma_wait3A_36 : memref<80x128xf32, #tpu.memory_space<hbm>>) dst(%arg6 : memref<80x128xf32, #tpu.memory_space<vmem>>)
        tpu.yield
      }) : () -> ()
      "tpu.region"() ({
        %run_scoped3A = tpu.sem_alloc : memref<!tpu.dma_semaphore, #tpu.memory_space<semaphore_mem>>
        %dma_start3A = arith.constant 0 : i32
        %dma_start3A_31 = arith.constant 0 : i32
        %dma_start3A_32 = tpu.memref_slice %arg8[%dma_start3A, %dma_start3A_31] : memref<10240x128xf32, #tpu.memory_space<vmem_shared>> -> memref<10240x128xf32, #tpu.memory_space<vmem_shared>>
        tpu.enqueue_indirect_dma source(%arg6 : memref<80x128xf32, #tpu.memory_space<vmem>>) target(%dma_start3A_32 : memref<10240x128xf32, #tpu.memory_space<vmem_shared>>) offsets(%arg5 : memref<80xi32, #tpu.memory_space<vmem>>) semaphore(%run_scoped3A : memref<!tpu.dma_semaphore, #tpu.memory_space<semaphore_mem>>) {add = true}
        %dma_wait3A = arith.constant 0 : i32
        %dma_wait3A_33 = arith.constant 0 : i32
        %dma_wait3A_34 = tpu.memref_slice %arg8[%dma_wait3A, %dma_wait3A_33] : memref<10240x128xf32, #tpu.memory_space<vmem_shared>> -> memref<10240x128xf32, #tpu.memory_space<vmem_shared>>
        tpu.wait_indirect_dma semaphore(%run_scoped3A : memref<!tpu.dma_semaphore, #tpu.memory_space<semaphore_mem>>) src(%arg6 : memref<80x128xf32, #tpu.memory_space<vmem>>) dst(%dma_wait3A_34 : memref<10240x128xf32, #tpu.memory_space<vmem_shared>>)
        tpu.yield
      }) : () -> ()
    }
    %scan3A_19 = arith.constant 125 : i32
    %barrier3A_20 = arith.constant 0 : index
    tpu.barrier barrier_id(%barrier3A_20)
    %scan3A_21 = arith.constant 0 : i32
    %scan3A_22 = arith.constant 0 : i32
    %scan3A_23 = arith.constant 5 : i32
    %scan3A_24 = arith.addi %scan3A_22, %scan3A_23 : i32
    %scan3A_25 = arith.constant 1 : i32
    scf.for %scan3A_27 = %scan3A_22 to %scan3A_24 step %scan3A_25  : i32 {
      %mul3A_28 = arith.constant 640 : i32
      %mul3A_29 = arith.muli %arg1, %mul3A_28 : i32
      %mul3A_30 = arith.constant 128 : i32
      %mul3A_31 = arith.muli %scan3A_27, %mul3A_30 : i32
      %add3A_32 = arith.addi %mul3A_29, %mul3A_31 : i32
      "tpu.region"() ({
        %run_scoped3A = tpu.sem_alloc : memref<!tpu.dma_semaphore, #tpu.memory_space<semaphore_mem>>
        %dma_start3A = arith.constant 0 : i32
        %dma_start3A_33 = tpu.memref_slice %arg4[%arg0, %add3A_32, %dma_start3A] : memref<2x10240x128xf32, #tpu.memory_space<hbm>> -> memref<1x128x128xf32, #tpu.memory_space<hbm>>
        %dma_start3A_34 = tpu.memref_squeeze %dma_start3A_33 : memref<1x128x128xf32, #tpu.memory_space<hbm>> -> memref<128x128xf32, #tpu.memory_space<hbm>>
        %dma_start3A_35 = arith.constant 0 : i32
        %dma_start3A_36 = tpu.memref_slice %arg8[%add3A_32, %dma_start3A_35] : memref<10240x128xf32, #tpu.memory_space<vmem_shared>> -> memref<128x128xf32, #tpu.memory_space<vmem_shared>>
        tpu.enqueue_dma source(%dma_start3A_36 : memref<128x128xf32, #tpu.memory_space<vmem_shared>>) target(%dma_start3A_34 : memref<128x128xf32, #tpu.memory_space<hbm>>) target_semaphore(%run_scoped3A : memref<!tpu.dma_semaphore, #tpu.memory_space<semaphore_mem>>)
        %dma_wait3A = arith.constant 0 : i32
        %dma_wait3A_37 = tpu.memref_slice %arg4[%arg0, %add3A_32, %dma_wait3A] : memref<2x10240x128xf32, #tpu.memory_space<hbm>> -> memref<1x128x128xf32, #tpu.memory_space<hbm>>
        %dma_wait3A_38 = tpu.memref_squeeze %dma_wait3A_37 : memref<1x128x128xf32, #tpu.memory_space<hbm>> -> memref<128x128xf32, #tpu.memory_space<hbm>>
        %dma_wait3A_39 = arith.constant 0 : i32
        %dma_wait3A_40 = tpu.memref_slice %arg8[%add3A_32, %dma_wait3A_39] : memref<10240x128xf32, #tpu.memory_space<vmem_shared>> -> memref<128x128xf32, #tpu.memory_space<vmem_shared>>
        tpu.wait_dma2 semaphore(%run_scoped3A : memref<!tpu.dma_semaphore, #tpu.memory_space<semaphore_mem>>) src(%dma_wait3A_40 : memref<128x128xf32, #tpu.memory_space<vmem_shared>>) dst(%dma_wait3A_38 : memref<128x128xf32, #tpu.memory_space<hbm>>)
        tpu.yield
      }) : () -> ()
    }
    %scan3A_26 = arith.constant 5 : i32
    return
  }
}

#map = affine_map<(d0, d1) -> (0, 0)>
#map1 = affine_map<(d0, d1) -> (0)>
#map2 = affine_map<(d0, d1) -> (0, 0, 0)>
module attributes {stable_mosaic.version = 14 : i64} {
  func.func @_sc_scatter_body(%arg0: i32, %arg1: i32, %arg2: memref<320000x128xf32, #tpu.memory_space<hbm>>, %arg3: memref<320000xi32, #tpu.memory_space<hbm>>, %arg4: memref<2x10240x128xf32, #tpu.memory_space<hbm>>, %arg5: memref<80xi32, #tpu.memory_space<vmem>>, %arg6: memref<80x128xf32, #tpu.memory_space<vmem>>, %arg7: memref<128x128xf32, #tpu.memory_space<vmem>>, %arg8: memref<10240x128xf32, #tpu.memory_space<vmem_shared>>) attributes {dimension_semantics = [#tpu.dimension_semantics<core_parallel>, #tpu.dimension_semantics<subcore_parallel>], iteration_bounds = array<i64: 2, 16>, scalar_prefetch = 0 : i64, scratch_operands = 4 : i64, tpu.core_type = #tpu.core_type<sc_vector_subcore>, window_params = [{transform_indices = #map}, {transform_indices = #map1}, {transform_indices = #map2}]} {
    %mul3A = arith.constant 2 : i32
    %mul3A_0 = arith.muli %arg1, %mul3A : i32
    %add3A = arith.addi %mul3A_0, %arg0 : i32
    %scan3A = arith.constant 0 : i32
    %scan3A_1 = arith.constant 0 : i32
    %scan3A_2 = arith.constant 128 : i32
    %scan3A_3 = arith.addi %scan3A_1, %scan3A_2 : i32
    %scan3A_4 = arith.constant 1 : i32
    scf.for %scan3A_27 = %scan3A_1 to %scan3A_3 step %scan3A_4  : i32 {
      %broadcast_in_dim3A = arith.constant 0.000000e+00 : f32
      %broadcast_in_dim3A_28 = vector.broadcast %broadcast_in_dim3A : f32 to vector<16xf32>
      %swap3A = arith.index_cast %scan3A_27 : i32 to index
      %swap3A_29 = arith.constant 0 : index
      %swap3A_30 = tpu.vector_load %arg7[%swap3A, %swap3A_29] {strides = array<i32>} : memref<128x128xf32, #tpu.memory_space<vmem>>, vector<1x16xf32>,
      %swap3A_31 = vector.shape_cast %swap3A_30 : vector<1x16xf32> to vector<16xf32>
      %swap3A_32 = vector.shape_cast %broadcast_in_dim3A_28 : vector<16xf32> to vector<1x16xf32>
      tpu.vector_store %arg7[%swap3A, %swap3A_29], %swap3A_32 {strides = array<i32>} : memref<128x128xf32, #tpu.memory_space<vmem>>, vector<1x16xf32>,
      %broadcast_in_dim3A_33 = arith.constant 0.000000e+00 : f32
      %broadcast_in_dim3A_34 = vector.broadcast %broadcast_in_dim3A_33 : f32 to vector<16xf32>
      %swap3A_35 = arith.index_cast %scan3A_27 : i32 to index
      %swap3A_36 = arith.constant 16 : index
      %swap3A_37 = tpu.vector_load %arg7[%swap3A_35, %swap3A_36] {strides = array<i32>} : memref<128x128xf32, #tpu.memory_space<vmem>>, vector<1x16xf32>,
      %swap3A_38 = vector.shape_cast %swap3A_37 : vector<1x16xf32> to vector<16xf32>
      %swap3A_39 = vector.shape_cast %broadcast_in_dim3A_34 : vector<16xf32> to vector<1x16xf32>
      tpu.vector_store %arg7[%swap3A_35, %swap3A_36], %swap3A_39 {strides = array<i32>} : memref<128x128xf32, #tpu.memory_space<vmem>>, vector<1x16xf32>,
      %broadcast_in_dim3A_40 = arith.constant 0.000000e+00 : f32
      %broadcast_in_dim3A_41 = vector.broadcast %broadcast_in_dim3A_40 : f32 to vector<16xf32>
      %swap3A_42 = arith.index_cast %scan3A_27 : i32 to index
      %swap3A_43 = arith.constant 32 : index
      %swap3A_44 = tpu.vector_load %arg7[%swap3A_42, %swap3A_43] {strides = array<i32>} : memref<128x128xf32, #tpu.memory_space<vmem>>, vector<1x16xf32>,
      %swap3A_45 = vector.shape_cast %swap3A_44 : vector<1x16xf32> to vector<16xf32>
      %swap3A_46 = vector.shape_cast %broadcast_in_dim3A_41 : vector<16xf32> to vector<1x16xf32>
      tpu.vector_store %arg7[%swap3A_42, %swap3A_43], %swap3A_46 {strides = array<i32>} : memref<128x128xf32, #tpu.memory_space<vmem>>, vector<1x16xf32>,
      %broadcast_in_dim3A_47 = arith.constant 0.000000e+00 : f32
      %broadcast_in_dim3A_48 = vector.broadcast %broadcast_in_dim3A_47 : f32 to vector<16xf32>
      %swap3A_49 = arith.index_cast %scan3A_27 : i32 to index
      %swap3A_50 = arith.constant 48 : index
      %swap3A_51 = tpu.vector_load %arg7[%swap3A_49, %swap3A_50] {strides = array<i32>} : memref<128x128xf32, #tpu.memory_space<vmem>>, vector<1x16xf32>,
      %swap3A_52 = vector.shape_cast %swap3A_51 : vector<1x16xf32> to vector<16xf32>
      %swap3A_53 = vector.shape_cast %broadcast_in_dim3A_48 : vector<16xf32> to vector<1x16xf32>
      tpu.vector_store %arg7[%swap3A_49, %swap3A_50], %swap3A_53 {strides = array<i32>} : memref<128x128xf32, #tpu.memory_space<vmem>>, vector<1x16xf32>,
      %broadcast_in_dim3A_54 = arith.constant 0.000000e+00 : f32
      %broadcast_in_dim3A_55 = vector.broadcast %broadcast_in_dim3A_54 : f32 to vector<16xf32>
      %swap3A_56 = arith.index_cast %scan3A_27 : i32 to index
      %swap3A_57 = arith.constant 64 : index
      %swap3A_58 = tpu.vector_load %arg7[%swap3A_56, %swap3A_57] {strides = array<i32>} : memref<128x128xf32, #tpu.memory_space<vmem>>, vector<1x16xf32>,
      %swap3A_59 = vector.shape_cast %swap3A_58 : vector<1x16xf32> to vector<16xf32>
      %swap3A_60 = vector.shape_cast %broadcast_in_dim3A_55 : vector<16xf32> to vector<1x16xf32>
      tpu.vector_store %arg7[%swap3A_56, %swap3A_57], %swap3A_60 {strides = array<i32>} : memref<128x128xf32, #tpu.memory_space<vmem>>, vector<1x16xf32>,
      %broadcast_in_dim3A_61 = arith.constant 0.000000e+00 : f32
      %broadcast_in_dim3A_62 = vector.broadcast %broadcast_in_dim3A_61 : f32 to vector<16xf32>
      %swap3A_63 = arith.index_cast %scan3A_27 : i32 to index
      %swap3A_64 = arith.constant 80 : index
      %swap3A_65 = tpu.vector_load %arg7[%swap3A_63, %swap3A_64] {strides = array<i32>} : memref<128x128xf32, #tpu.memory_space<vmem>>, vector<1x16xf32>,
      %swap3A_66 = vector.shape_cast %swap3A_65 : vector<1x16xf32> to vector<16xf32>
      %swap3A_67 = vector.shape_cast %broadcast_in_dim3A_62 : vector<16xf32> to vector<1x16xf32>
      tpu.vector_store %arg7[%swap3A_63, %swap3A_64], %swap3A_67 {strides = array<i32>} : memref<128x128xf32, #tpu.memory_space<vmem>>, vector<1x16xf32>,
      %broadcast_in_dim3A_68 = arith.constant 0.000000e+00 : f32
      %broadcast_in_dim3A_69 = vector.broadcast %broadcast_in_dim3A_68 : f32 to vector<16xf32>
      %swap3A_70 = arith.index_cast %scan3A_27 : i32 to index
      %swap3A_71 = arith.constant 96 : index
      %swap3A_72 = tpu.vector_load %arg7[%swap3A_70, %swap3A_71] {strides = array<i32>} : memref<128x128xf32, #tpu.memory_space<vmem>>, vector<1x16xf32>,
      %swap3A_73 = vector.shape_cast %swap3A_72 : vector<1x16xf32> to vector<16xf32>
      %swap3A_74 = vector.shape_cast %broadcast_in_dim3A_69 : vector<16xf32> to vector<1x16xf32>
      tpu.vector_store %arg7[%swap3A_70, %swap3A_71], %swap3A_74 {strides = array<i32>} : memref<128x128xf32, #tpu.memory_space<vmem>>, vector<1x16xf32>,
      %broadcast_in_dim3A_75 = arith.constant 0.000000e+00 : f32
      %broadcast_in_dim3A_76 = vector.broadcast %broadcast_in_dim3A_75 : f32 to vector<16xf32>
      %swap3A_77 = arith.index_cast %scan3A_27 : i32 to index
      %swap3A_78 = arith.constant 112 : index
      %swap3A_79 = tpu.vector_load %arg7[%swap3A_77, %swap3A_78] {strides = array<i32>} : memref<128x128xf32, #tpu.memory_space<vmem>>, vector<1x16xf32>,
      %swap3A_80 = vector.shape_cast %swap3A_79 : vector<1x16xf32> to vector<16xf32>
      %swap3A_81 = vector.shape_cast %broadcast_in_dim3A_76 : vector<16xf32> to vector<1x16xf32>
      tpu.vector_store %arg7[%swap3A_77, %swap3A_78], %swap3A_81 {strides = array<i32>} : memref<128x128xf32, #tpu.memory_space<vmem>>, vector<1x16xf32>,
    }
    %scan3A_5 = arith.constant 128 : i32
    %scan3A_6 = arith.constant 0 : i32
    %scan3A_7 = arith.constant 0 : i32
    %scan3A_8 = arith.constant 5 : i32
    %scan3A_9 = arith.addi %scan3A_7, %scan3A_8 : i32
    %scan3A_10 = arith.constant 1 : i32
    scf.for %scan3A_27 = %scan3A_7 to %scan3A_9 step %scan3A_10  : i32 {
      %mul3A_28 = arith.constant 640 : i32
      %mul3A_29 = arith.muli %arg1, %mul3A_28 : i32
      %mul3A_30 = arith.constant 128 : i32
      %mul3A_31 = arith.muli %scan3A_27, %mul3A_30 : i32
      %add3A_32 = arith.addi %mul3A_29, %mul3A_31 : i32
      "tpu.region"() ({
        %run_scoped3A = tpu.sem_alloc : memref<!tpu.dma_semaphore, #tpu.memory_space<semaphore_mem>>
        %dma_start3A = arith.constant 0 : i32
        %dma_start3A_33 = tpu.memref_slice %arg8[%add3A_32, %dma_start3A] : memref<10240x128xf32, #tpu.memory_space<vmem_shared>> -> memref<128x128xf32, #tpu.memory_space<vmem_shared>>
        %dma_start3A_34 = arith.constant 0 : i32
        %dma_start3A_35 = tpu.memref_slice %arg8[%add3A_32, %dma_start3A_34] : memref<10240x128xf32, #tpu.memory_space<vmem_shared>> -> memref<128x128xf32, #tpu.memory_space<vmem_shared>>
        tpu.enqueue_dma source(%arg7 : memref<128x128xf32, #tpu.memory_space<vmem>>) target(%dma_start3A_35 : memref<128x128xf32, #tpu.memory_space<vmem_shared>>) target_semaphore(%run_scoped3A : memref<!tpu.dma_semaphore, #tpu.memory_space<semaphore_mem>>)
        %dma_wait3A = arith.constant 0 : i32
        %dma_wait3A_36 = tpu.memref_slice %arg8[%add3A_32, %dma_wait3A] : memref<10240x128xf32, #tpu.memory_space<vmem_shared>> -> memref<128x128xf32, #tpu.memory_space<vmem_shared>>
        %dma_wait3A_37 = arith.constant 0 : i32
        %dma_wait3A_38 = tpu.memref_slice %arg8[%add3A_32, %dma_wait3A_37] : memref<10240x128xf32, #tpu.memory_space<vmem_shared>> -> memref<128x128xf32, #tpu.memory_space<vmem_shared>>
        tpu.wait_dma2 semaphore(%run_scoped3A : memref<!tpu.dma_semaphore, #tpu.memory_space<semaphore_mem>>) src(%arg7 : memref<128x128xf32, #tpu.memory_space<vmem>>) dst(%dma_wait3A_38 : memref<128x128xf32, #tpu.memory_space<vmem_shared>>)
        tpu.yield
      }) : () -> ()
    }
    %scan3A_11 = arith.constant 5 : i32
    %barrier3A = arith.constant 0 : index
    tpu.barrier barrier_id(%barrier3A)
    %mul3A_12 = arith.constant 10000 : i32
    %mul3A_13 = arith.muli %add3A, %mul3A_12 : i32
    %scan3A_14 = arith.constant 0 : i32
    %scan3A_15 = arith.constant 0 : i32
    %scan3A_16 = arith.constant 125 : i32
    %scan3A_17 = arith.addi %scan3A_15, %scan3A_16 : i32
    %scan3A_18 = arith.constant 1 : i32
    scf.for %scan3A_27 = %scan3A_15 to %scan3A_17 step %scan3A_18  : i32 {
      %mul3A_28 = arith.constant 80 : i32
      %mul3A_29 = arith.muli %scan3A_27, %mul3A_28 : i32
      %add3A_30 = arith.addi %mul3A_13, %mul3A_29 : i32
      "tpu.region"() ({
        %run_scoped3A = tpu.sem_alloc : memref<!tpu.dma_semaphore, #tpu.memory_space<semaphore_mem>>
        %dma_start3A = tpu.memref_slice %arg3[%add3A_30] : memref<320000xi32, #tpu.memory_space<hbm>> -> memref<80xi32, #tpu.memory_space<hbm>>
        %dma_start3A_31 = tpu.memref_slice %arg3[%add3A_30] : memref<320000xi32, #tpu.memory_space<hbm>> -> memref<80xi32, #tpu.memory_space<hbm>>
        tpu.enqueue_dma source(%dma_start3A_31 : memref<80xi32, #tpu.memory_space<hbm>>) target(%arg5 : memref<80xi32, #tpu.memory_space<vmem>>) target_semaphore(%run_scoped3A : memref<!tpu.dma_semaphore, #tpu.memory_space<semaphore_mem>>)
        %dma_wait3A = tpu.memref_slice %arg3[%add3A_30] : memref<320000xi32, #tpu.memory_space<hbm>> -> memref<80xi32, #tpu.memory_space<hbm>>
        %dma_wait3A_32 = tpu.memref_slice %arg3[%add3A_30] : memref<320000xi32, #tpu.memory_space<hbm>> -> memref<80xi32, #tpu.memory_space<hbm>>
        tpu.wait_dma2 semaphore(%run_scoped3A : memref<!tpu.dma_semaphore, #tpu.memory_space<semaphore_mem>>) src(%dma_wait3A_32 : memref<80xi32, #tpu.memory_space<hbm>>) dst(%arg5 : memref<80xi32, #tpu.memory_space<vmem>>)
        tpu.yield
      }) : () -> ()
      "tpu.region"() ({
        %run_scoped3A = tpu.sem_alloc : memref<!tpu.dma_semaphore, #tpu.memory_space<semaphore_mem>>
        %dma_start3A = arith.constant 0 : i32
        %dma_start3A_31 = tpu.memref_slice %arg2[%add3A_30, %dma_start3A] : memref<320000x128xf32, #tpu.memory_space<hbm>> -> memref<80x128xf32, #tpu.memory_space<hbm>>
        %dma_start3A_32 = arith.constant 0 : i32
        %dma_start3A_33 = tpu.memref_slice %arg2[%add3A_30, %dma_start3A_32] : memref<320000x128xf32, #tpu.memory_space<hbm>> -> memref<80x128xf32, #tpu.memory_space<hbm>>
        tpu.enqueue_dma source(%dma_start3A_33 : memref<80x128xf32, #tpu.memory_space<hbm>>) target(%arg6 : memref<80x128xf32, #tpu.memory_space<vmem>>) target_semaphore(%run_scoped3A : memref<!tpu.dma_semaphore, #tpu.memory_space<semaphore_mem>>)
        %dma_wait3A = arith.constant 0 : i32
        %dma_wait3A_34 = tpu.memref_slice %arg2[%add3A_30, %dma_wait3A] : memref<320000x128xf32, #tpu.memory_space<hbm>> -> memref<80x128xf32, #tpu.memory_space<hbm>>
        %dma_wait3A_35 = arith.constant 0 : i32
        %dma_wait3A_36 = tpu.memref_slice %arg2[%add3A_30, %dma_wait3A_35] : memref<320000x128xf32, #tpu.memory_space<hbm>> -> memref<80x128xf32, #tpu.memory_space<hbm>>
        tpu.wait_dma2 semaphore(%run_scoped3A : memref<!tpu.dma_semaphore, #tpu.memory_space<semaphore_mem>>) src(%dma_wait3A_36 : memref<80x128xf32, #tpu.memory_space<hbm>>) dst(%arg6 : memref<80x128xf32, #tpu.memory_space<vmem>>)
        tpu.yield
      }) : () -> ()
      "tpu.region"() ({
        %run_scoped3A = tpu.sem_alloc : memref<!tpu.dma_semaphore, #tpu.memory_space<semaphore_mem>>
        %dma_start3A = arith.constant 0 : i32
        %dma_start3A_31 = arith.constant 0 : i32
        %dma_start3A_32 = tpu.memref_slice %arg8[%dma_start3A, %dma_start3A_31] : memref<10240x128xf32, #tpu.memory_space<vmem_shared>> -> memref<10240x128xf32, #tpu.memory_space<vmem_shared>>
        tpu.enqueue_indirect_dma source(%arg6 : memref<80x128xf32, #tpu.memory_space<vmem>>) target(%dma_start3A_32 : memref<10240x128xf32, #tpu.memory_space<vmem_shared>>) offsets(%arg5 : memref<80xi32, #tpu.memory_space<vmem>>) semaphore(%run_scoped3A : memref<!tpu.dma_semaphore, #tpu.memory_space<semaphore_mem>>) {add = true}
        %dma_wait3A = arith.constant 0 : i32
        %dma_wait3A_33 = arith.constant 0 : i32
        %dma_wait3A_34 = tpu.memref_slice %arg8[%dma_wait3A, %dma_wait3A_33] : memref<10240x128xf32, #tpu.memory_space<vmem_shared>> -> memref<10240x128xf32, #tpu.memory_space<vmem_shared>>
        tpu.wait_indirect_dma semaphore(%run_scoped3A : memref<!tpu.dma_semaphore, #tpu.memory_space<semaphore_mem>>) src(%arg6 : memref<80x128xf32, #tpu.memory_space<vmem>>) dst(%dma_wait3A_34 : memref<10240x128xf32, #tpu.memory_space<vmem_shared>>)
        tpu.yield
      }) : () -> ()
    }
    %scan3A_19 = arith.constant 125 : i32
    %barrier3A_20 = arith.constant 0 : index
    tpu.barrier barrier_id(%barrier3A_20)
    %scan3A_21 = arith.constant 0 : i32
    %scan3A_22 = arith.constant 0 : i32
    %scan3A_23 = arith.constant 5 : i32
    %scan3A_24 = arith.addi %scan3A_22, %scan3A_23 : i32
    %scan3A_25 = arith.constant 1 : i32
    scf.for %scan3A_27 = %scan3A_22 to %scan3A_24 step %scan3A_25  : i32 {
      %mul3A_28 = arith.constant 640 : i32
      %mul3A_29 = arith.muli %arg1, %mul3A_28 : i32
      %mul3A_30 = arith.constant 128 : i32
      %mul3A_31 = arith.muli %scan3A_27, %mul3A_30 : i32
      %add3A_32 = arith.addi %mul3A_29, %mul3A_31 : i32
      "tpu.region"() ({
        %run_scoped3A = tpu.sem_alloc : memref<!tpu.dma_semaphore, #tpu.memory_space<semaphore_mem>>
        %dma_start3A = arith.constant 0 : i32
        %dma_start3A_33 = tpu.memref_slice %arg4[%arg0, %add3A_32, %dma_start3A] : memref<2x10240x128xf32, #tpu.memory_space<hbm>> -> memref<1x128x128xf32, #tpu.memory_space<hbm>>
        %dma_start3A_34 = tpu.memref_squeeze %dma_start3A_33 : memref<1x128x128xf32, #tpu.memory_space<hbm>> -> memref<128x128xf32, #tpu.memory_space<hbm>>
        %dma_start3A_35 = arith.constant 0 : i32
        %dma_start3A_36 = tpu.memref_slice %arg8[%add3A_32, %dma_start3A_35] : memref<10240x128xf32, #tpu.memory_space<vmem_shared>> -> memref<128x128xf32, #tpu.memory_space<vmem_shared>>
        tpu.enqueue_dma source(%dma_start3A_36 : memref<128x128xf32, #tpu.memory_space<vmem_shared>>) target(%dma_start3A_34 : memref<128x128xf32, #tpu.memory_space<hbm>>) target_semaphore(%run_scoped3A : memref<!tpu.dma_semaphore, #tpu.memory_space<semaphore_mem>>)
        %dma_wait3A = arith.constant 0 : i32
        %dma_wait3A_37 = tpu.memref_slice %arg4[%arg0, %add3A_32, %dma_wait3A] : memref<2x10240x128xf32, #tpu.memory_space<hbm>> -> memref<1x128x128xf32, #tpu.memory_space<hbm>>
        %dma_wait3A_38 = tpu.memref_squeeze %dma_wait3A_37 : memref<1x128x128xf32, #tpu.memory_space<hbm>> -> memref<128x128xf32, #tpu.memory_space<hbm>>
        %dma_wait3A_39 = arith.constant 0 : i32
        %dma_wait3A_40 = tpu.memref_slice %arg8[%add3A_32, %dma_wait3A_39] : memref<10240x128xf32, #tpu.memory_space<vmem_shared>> -> memref<128x128xf32, #tpu.memory_space<vmem_shared>>
        tpu.wait_dma2 semaphore(%run_scoped3A : memref<!tpu.dma_semaphore, #tpu.memory_space<semaphore_mem>>) src(%dma_wait3A_40 : memref<128x128xf32, #tpu.memory_space<vmem_shared>>) dst(%dma_wait3A_38 : memref<128x128xf32, #tpu.memory_space<hbm>>)
        tpu.yield
      }) : () -> ()
    }
    %scan3A_26 = arith.constant 5 : i32
    return
  }
}

#map = affine_map<(d0, d1) -> (0, 0)>
#map1 = affine_map<(d0, d1) -> (0)>
module attributes {stable_mosaic.version = 14 : i64} {
  func.func @_sc_gather_body(%arg0: i32, %arg1: i32, %arg2: memref<10000x128xf32, #tpu.memory_space<hbm>>, %arg3: memref<10000x128xf32, #tpu.memory_space<hbm>>, %arg4: memref<320000xi32, #tpu.memory_space<hbm>>, %arg5: memref<320000xi32, #tpu.memory_space<hbm>>, %arg6: memref<320000x128xf32, #tpu.memory_space<hbm>>, %arg7: memref<80xi32, #tpu.memory_space<vmem>>, %arg8: memref<80xi32, #tpu.memory_space<vmem>>, %arg9: memref<80x128xf32, #tpu.memory_space<vmem>>, %arg10: memref<80x128xf32, #tpu.memory_space<vmem>>, %arg11: memref<!tpu.dma_semaphore, #tpu.memory_space<semaphore_mem>>, %arg12: memref<!tpu.dma_semaphore, #tpu.memory_space<semaphore_mem>>) attributes {dimension_semantics = [#tpu.dimension_semantics<core_parallel>, #tpu.dimension_semantics<subcore_parallel>], iteration_bounds = array<i64: 2, 16>, scalar_prefetch = 0 : i64, scratch_operands = 6 : i64, tpu.core_type = #tpu.core_type<sc_vector_subcore>, window_params = [{transform_indices = #map}, {transform_indices = #map}, {transform_indices = #map1}, {transform_indices = #map1}, {transform_indices = #map}]} {
    %mul3A = arith.constant 2 : i32
    %mul3A_0 = arith.muli %arg1, %mul3A : i32
    %add3A = arith.addi %mul3A_0, %arg0 : i32
    %mul3A_1 = arith.constant 10000 : i32
    %mul3A_2 = arith.muli %add3A, %mul3A_1 : i32
    %scan3A = arith.constant 0 : i32
    %scan3A_3 = arith.constant 0 : i32
    %scan3A_4 = arith.constant 125 : i32
    %scan3A_5 = arith.addi %scan3A_3, %scan3A_4 : i32
    %scan3A_6 = arith.constant 1 : i32
    scf.for %scan3A_8 = %scan3A_3 to %scan3A_5 step %scan3A_6  : i32 {
      %mul3A_9 = arith.constant 80 : i32
      %mul3A_10 = arith.muli %scan3A_8, %mul3A_9 : i32
      %add3A_11 = arith.addi %mul3A_2, %mul3A_10 : i32
      "tpu.region"() ({
        %run_scoped3A = tpu.sem_alloc : memref<!tpu.dma_semaphore, #tpu.memory_space<semaphore_mem>>
        %dma_start3A_28 = tpu.memref_slice %arg4[%add3A_11] : memref<320000xi32, #tpu.memory_space<hbm>> -> memref<80xi32, #tpu.memory_space<hbm>>
        %dma_start3A_29 = tpu.memref_slice %arg4[%add3A_11] : memref<320000xi32, #tpu.memory_space<hbm>> -> memref<80xi32, #tpu.memory_space<hbm>>
        tpu.enqueue_dma source(%dma_start3A_29 : memref<80xi32, #tpu.memory_space<hbm>>) target(%arg7 : memref<80xi32, #tpu.memory_space<vmem>>) target_semaphore(%run_scoped3A : memref<!tpu.dma_semaphore, #tpu.memory_space<semaphore_mem>>)
        %dma_wait3A_30 = tpu.memref_slice %arg4[%add3A_11] : memref<320000xi32, #tpu.memory_space<hbm>> -> memref<80xi32, #tpu.memory_space<hbm>>
        %dma_wait3A_31 = tpu.memref_slice %arg4[%add3A_11] : memref<320000xi32, #tpu.memory_space<hbm>> -> memref<80xi32, #tpu.memory_space<hbm>>
        tpu.wait_dma2 semaphore(%run_scoped3A : memref<!tpu.dma_semaphore, #tpu.memory_space<semaphore_mem>>) src(%dma_wait3A_31 : memref<80xi32, #tpu.memory_space<hbm>>) dst(%arg7 : memref<80xi32, #tpu.memory_space<vmem>>)
        tpu.yield
      }) : () -> ()
      "tpu.region"() ({
        %run_scoped3A = tpu.sem_alloc : memref<!tpu.dma_semaphore, #tpu.memory_space<semaphore_mem>>
        %dma_start3A_28 = tpu.memref_slice %arg5[%add3A_11] : memref<320000xi32, #tpu.memory_space<hbm>> -> memref<80xi32, #tpu.memory_space<hbm>>
        %dma_start3A_29 = tpu.memref_slice %arg5[%add3A_11] : memref<320000xi32, #tpu.memory_space<hbm>> -> memref<80xi32, #tpu.memory_space<hbm>>
        tpu.enqueue_dma source(%dma_start3A_29 : memref<80xi32, #tpu.memory_space<hbm>>) target(%arg8 : memref<80xi32, #tpu.memory_space<vmem>>) target_semaphore(%run_scoped3A : memref<!tpu.dma_semaphore, #tpu.memory_space<semaphore_mem>>)
        %dma_wait3A_30 = tpu.memref_slice %arg5[%add3A_11] : memref<320000xi32, #tpu.memory_space<hbm>> -> memref<80xi32, #tpu.memory_space<hbm>>
        %dma_wait3A_31 = tpu.memref_slice %arg5[%add3A_11] : memref<320000xi32, #tpu.memory_space<hbm>> -> memref<80xi32, #tpu.memory_space<hbm>>
        tpu.wait_dma2 semaphore(%run_scoped3A : memref<!tpu.dma_semaphore, #tpu.memory_space<semaphore_mem>>) src(%dma_wait3A_31 : memref<80xi32, #tpu.memory_space<hbm>>) dst(%arg8 : memref<80xi32, #tpu.memory_space<vmem>>)
        tpu.yield
      }) : () -> ()
      %dma_start3A = arith.constant 0 : i32
      %dma_start3A_12 = arith.constant 0 : i32
      %dma_start3A_13 = tpu.memref_slice %arg2[%dma_start3A, %dma_start3A_12] : memref<10000x128xf32, #tpu.memory_space<hbm>> -> memref<10000x128xf32, #tpu.memory_space<hbm>>
      tpu.enqueue_indirect_dma source(%dma_start3A_13 : memref<10000x128xf32, #tpu.memory_space<hbm>>) target(%arg9 : memref<80x128xf32, #tpu.memory_space<vmem>>) offsets(%arg7 : memref<80xi32, #tpu.memory_space<vmem>>) semaphore(%arg11 : memref<!tpu.dma_semaphore, #tpu.memory_space<semaphore_mem>>)
      %dma_start3A_14 = arith.constant 0 : i32
      %dma_start3A_15 = arith.constant 0 : i32
      %dma_start3A_16 = tpu.memref_slice %arg3[%dma_start3A_14, %dma_start3A_15] : memref<10000x128xf32, #tpu.memory_space<hbm>> -> memref<10000x128xf32, #tpu.memory_space<hbm>>
      tpu.enqueue_indirect_dma source(%dma_start3A_16 : memref<10000x128xf32, #tpu.memory_space<hbm>>) target(%arg10 : memref<80x128xf32, #tpu.memory_space<vmem>>) offsets(%arg8 : memref<80xi32, #tpu.memory_space<vmem>>) semaphore(%arg12 : memref<!tpu.dma_semaphore, #tpu.memory_space<semaphore_mem>>)
      %dma_wait3A = arith.constant 0 : i32
      %dma_wait3A_17 = arith.constant 0 : i32
      %dma_wait3A_18 = tpu.memref_slice %arg2[%dma_wait3A, %dma_wait3A_17] : memref<10000x128xf32, #tpu.memory_space<hbm>> -> memref<10000x128xf32, #tpu.memory_space<hbm>>
      tpu.wait_indirect_dma semaphore(%arg11 : memref<!tpu.dma_semaphore, #tpu.memory_space<semaphore_mem>>) src(%dma_wait3A_18 : memref<10000x128xf32, #tpu.memory_space<hbm>>) dst(%arg9 : memref<80x128xf32, #tpu.memory_space<vmem>>)
      %dma_wait3A_19 = arith.constant 0 : i32
      %dma_wait3A_20 = arith.constant 0 : i32
      %dma_wait3A_21 = tpu.memref_slice %arg3[%dma_wait3A_19, %dma_wait3A_20] : memref<10000x128xf32, #tpu.memory_space<hbm>> -> memref<10000x128xf32, #tpu.memory_space<hbm>>
      tpu.wait_indirect_dma semaphore(%arg12 : memref<!tpu.dma_semaphore, #tpu.memory_space<semaphore_mem>>) src(%dma_wait3A_21 : memref<10000x128xf32, #tpu.memory_space<hbm>>) dst(%arg10 : memref<80x128xf32, #tpu.memory_space<vmem>>)
      %scan3A_22 = arith.constant 0 : i32
      %scan3A_23 = arith.constant 0 : i32
      %scan3A_24 = arith.constant 80 : i32
      %scan3A_25 = arith.addi %scan3A_23, %scan3A_24 : i32
      %scan3A_26 = arith.constant 1 : i32
      scf.for %scan3A_28 = %scan3A_23 to %scan3A_25 step %scan3A_26  : i32 {
        %get3A = arith.index_cast %scan3A_28 : i32 to index
        %get3A_29 = arith.constant 0 : index
        %get3A_30 = tpu.vector_load %arg9[%get3A, %get3A_29] {strides = array<i32>} : memref<80x128xf32, #tpu.memory_space<vmem>>, vector<1x16xf32>,
        %get3A_31 = vector.shape_cast %get3A_30 : vector<1x16xf32> to vector<16xf32>
        %get3A_32 = arith.index_cast %scan3A_28 : i32 to index
        %get3A_33 = arith.constant 0 : index
        %get3A_34 = tpu.vector_load %arg10[%get3A_32, %get3A_33] {strides = array<i32>} : memref<80x128xf32, #tpu.memory_space<vmem>>, vector<1x16xf32>,
        %get3A_35 = vector.shape_cast %get3A_34 : vector<1x16xf32> to vector<16xf32>
        %add3A_36 = arith.addf %get3A_31, %get3A_35 : vector<16xf32>
        %max3A = arith.constant 0.000000e+00 : f32
        %max3A_37 = vector.broadcast %max3A : f32 to vector<16xf32>
        %max3A_38 = arith.maximumf %add3A_36, %max3A_37 : vector<16xf32>
        %swap3A = arith.index_cast %scan3A_28 : i32 to index
        %swap3A_39 = arith.constant 0 : index
        %swap3A_40 = tpu.vector_load %arg9[%swap3A, %swap3A_39] {strides = array<i32>} : memref<80x128xf32, #tpu.memory_space<vmem>>, vector<1x16xf32>,
        %swap3A_41 = vector.shape_cast %swap3A_40 : vector<1x16xf32> to vector<16xf32>
        %swap3A_42 = vector.shape_cast %max3A_38 : vector<16xf32> to vector<1x16xf32>
        tpu.vector_store %arg9[%swap3A, %swap3A_39], %swap3A_42 {strides = array<i32>} : memref<80x128xf32, #tpu.memory_space<vmem>>, vector<1x16xf32>,
        %get3A_43 = arith.index_cast %scan3A_28 : i32 to index
        %get3A_44 = arith.constant 16 : index
        %get3A_45 = tpu.vector_load %arg9[%get3A_43, %get3A_44] {strides = array<i32>} : memref<80x128xf32, #tpu.memory_space<vmem>>, vector<1x16xf32>,
        %get3A_46 = vector.shape_cast %get3A_45 : vector<1x16xf32> to vector<16xf32>
        %get3A_47 = arith.index_cast %scan3A_28 : i32 to index
        %get3A_48 = arith.constant 16 : index
        %get3A_49 = tpu.vector_load %arg10[%get3A_47, %get3A_48] {strides = array<i32>} : memref<80x128xf32, #tpu.memory_space<vmem>>, vector<1x16xf32>,
        %get3A_50 = vector.shape_cast %get3A_49 : vector<1x16xf32> to vector<16xf32>
        %add3A_51 = arith.addf %get3A_46, %get3A_50 : vector<16xf32>
        %max3A_52 = arith.constant 0.000000e+00 : f32
        %max3A_53 = vector.broadcast %max3A_52 : f32 to vector<16xf32>
        %max3A_54 = arith.maximumf %add3A_51, %max3A_53 : vector<16xf32>
        %swap3A_55 = arith.index_cast %scan3A_28 : i32 to index
        %swap3A_56 = arith.constant 16 : index
        %swap3A_57 = tpu.vector_load %arg9[%swap3A_55, %swap3A_56] {strides = array<i32>} : memref<80x128xf32, #tpu.memory_space<vmem>>, vector<1x16xf32>,
        %swap3A_58 = vector.shape_cast %swap3A_57 : vector<1x16xf32> to vector<16xf32>
        %swap3A_59 = vector.shape_cast %max3A_54 : vector<16xf32> to vector<1x16xf32>
        tpu.vector_store %arg9[%swap3A_55, %swap3A_56], %swap3A_59 {strides = array<i32>} : memref<80x128xf32, #tpu.memory_space<vmem>>, vector<1x16xf32>,
        %get3A_60 = arith.index_cast %scan3A_28 : i32 to index
        %get3A_61 = arith.constant 32 : index
        %get3A_62 = tpu.vector_load %arg9[%get3A_60, %get3A_61] {strides = array<i32>} : memref<80x128xf32, #tpu.memory_space<vmem>>, vector<1x16xf32>,
        %get3A_63 = vector.shape_cast %get3A_62 : vector<1x16xf32> to vector<16xf32>
        %get3A_64 = arith.index_cast %scan3A_28 : i32 to index
        %get3A_65 = arith.constant 32 : index
        %get3A_66 = tpu.vector_load %arg10[%get3A_64, %get3A_65] {strides = array<i32>} : memref<80x128xf32, #tpu.memory_space<vmem>>, vector<1x16xf32>,
        %get3A_67 = vector.shape_cast %get3A_66 : vector<1x16xf32> to vector<16xf32>
        %add3A_68 = arith.addf %get3A_63, %get3A_67 : vector<16xf32>
        %max3A_69 = arith.constant 0.000000e+00 : f32
        %max3A_70 = vector.broadcast %max3A_69 : f32 to vector<16xf32>
        %max3A_71 = arith.maximumf %add3A_68, %max3A_70 : vector<16xf32>
        %swap3A_72 = arith.index_cast %scan3A_28 : i32 to index
        %swap3A_73 = arith.constant 32 : index
        %swap3A_74 = tpu.vector_load %arg9[%swap3A_72, %swap3A_73] {strides = array<i32>} : memref<80x128xf32, #tpu.memory_space<vmem>>, vector<1x16xf32>,
        %swap3A_75 = vector.shape_cast %swap3A_74 : vector<1x16xf32> to vector<16xf32>
        %swap3A_76 = vector.shape_cast %max3A_71 : vector<16xf32> to vector<1x16xf32>
        tpu.vector_store %arg9[%swap3A_72, %swap3A_73], %swap3A_76 {strides = array<i32>} : memref<80x128xf32, #tpu.memory_space<vmem>>, vector<1x16xf32>,
        %get3A_77 = arith.index_cast %scan3A_28 : i32 to index
        %get3A_78 = arith.constant 48 : index
        %get3A_79 = tpu.vector_load %arg9[%get3A_77, %get3A_78] {strides = array<i32>} : memref<80x128xf32, #tpu.memory_space<vmem>>, vector<1x16xf32>,
        %get3A_80 = vector.shape_cast %get3A_79 : vector<1x16xf32> to vector<16xf32>
        %get3A_81 = arith.index_cast %scan3A_28 : i32 to index
        %get3A_82 = arith.constant 48 : index
        %get3A_83 = tpu.vector_load %arg10[%get3A_81, %get3A_82] {strides = array<i32>} : memref<80x128xf32, #tpu.memory_space<vmem>>, vector<1x16xf32>,
        %get3A_84 = vector.shape_cast %get3A_83 : vector<1x16xf32> to vector<16xf32>
        %add3A_85 = arith.addf %get3A_80, %get3A_84 : vector<16xf32>
        %max3A_86 = arith.constant 0.000000e+00 : f32
        %max3A_87 = vector.broadcast %max3A_86 : f32 to vector<16xf32>
        %max3A_88 = arith.maximumf %add3A_85, %max3A_87 : vector<16xf32>
        %swap3A_89 = arith.index_cast %scan3A_28 : i32 to index
        %swap3A_90 = arith.constant 48 : index
        %swap3A_91 = tpu.vector_load %arg9[%swap3A_89, %swap3A_90] {strides = array<i32>} : memref<80x128xf32, #tpu.memory_space<vmem>>, vector<1x16xf32>,
        %swap3A_92 = vector.shape_cast %swap3A_91 : vector<1x16xf32> to vector<16xf32>
        %swap3A_93 = vector.shape_cast %max3A_88 : vector<16xf32> to vector<1x16xf32>
        tpu.vector_store %arg9[%swap3A_89, %swap3A_90], %swap3A_93 {strides = array<i32>} : memref<80x128xf32, #tpu.memory_space<vmem>>, vector<1x16xf32>,
        %get3A_94 = arith.index_cast %scan3A_28 : i32 to index
        %get3A_95 = arith.constant 64 : index
        %get3A_96 = tpu.vector_load %arg9[%get3A_94, %get3A_95] {strides = array<i32>} : memref<80x128xf32, #tpu.memory_space<vmem>>, vector<1x16xf32>,
        %get3A_97 = vector.shape_cast %get3A_96 : vector<1x16xf32> to vector<16xf32>
        %get3A_98 = arith.index_cast %scan3A_28 : i32 to index
        %get3A_99 = arith.constant 64 : index
        %get3A_100 = tpu.vector_load %arg10[%get3A_98, %get3A_99] {strides = array<i32>} : memref<80x128xf32, #tpu.memory_space<vmem>>, vector<1x16xf32>,
        %get3A_101 = vector.shape_cast %get3A_100 : vector<1x16xf32> to vector<16xf32>
        %add3A_102 = arith.addf %get3A_97, %get3A_101 : vector<16xf32>
        %max3A_103 = arith.constant 0.000000e+00 : f32
        %max3A_104 = vector.broadcast %max3A_103 : f32 to vector<16xf32>
        %max3A_105 = arith.maximumf %add3A_102, %max3A_104 : vector<16xf32>
        %swap3A_106 = arith.index_cast %scan3A_28 : i32 to index
        %swap3A_107 = arith.constant 64 : index
        %swap3A_108 = tpu.vector_load %arg9[%swap3A_106, %swap3A_107] {strides = array<i32>} : memref<80x128xf32, #tpu.memory_space<vmem>>, vector<1x16xf32>,
        %swap3A_109 = vector.shape_cast %swap3A_108 : vector<1x16xf32> to vector<16xf32>
        %swap3A_110 = vector.shape_cast %max3A_105 : vector<16xf32> to vector<1x16xf32>
        tpu.vector_store %arg9[%swap3A_106, %swap3A_107], %swap3A_110 {strides = array<i32>} : memref<80x128xf32, #tpu.memory_space<vmem>>, vector<1x16xf32>,
        %get3A_111 = arith.index_cast %scan3A_28 : i32 to index
        %get3A_112 = arith.constant 80 : index
        %get3A_113 = tpu.vector_load %arg9[%get3A_111, %get3A_112] {strides = array<i32>} : memref<80x128xf32, #tpu.memory_space<vmem>>, vector<1x16xf32>,
        %get3A_114 = vector.shape_cast %get3A_113 : vector<1x16xf32> to vector<16xf32>
        %get3A_115 = arith.index_cast %scan3A_28 : i32 to index
        %get3A_116 = arith.constant 80 : index
        %get3A_117 = tpu.vector_load %arg10[%get3A_115, %get3A_116] {strides = array<i32>} : memref<80x128xf32, #tpu.memory_space<vmem>>, vector<1x16xf32>,
        %get3A_118 = vector.shape_cast %get3A_117 : vector<1x16xf32> to vector<16xf32>
        %add3A_119 = arith.addf %get3A_114, %get3A_118 : vector<16xf32>
        %max3A_120 = arith.constant 0.000000e+00 : f32
        %max3A_121 = vector.broadcast %max3A_120 : f32 to vector<16xf32>
        %max3A_122 = arith.maximumf %add3A_119, %max3A_121 : vector<16xf32>
        %swap3A_123 = arith.index_cast %scan3A_28 : i32 to index
        %swap3A_124 = arith.constant 80 : index
        %swap3A_125 = tpu.vector_load %arg9[%swap3A_123, %swap3A_124] {strides = array<i32>} : memref<80x128xf32, #tpu.memory_space<vmem>>, vector<1x16xf32>,
        %swap3A_126 = vector.shape_cast %swap3A_125 : vector<1x16xf32> to vector<16xf32>
        %swap3A_127 = vector.shape_cast %max3A_122 : vector<16xf32> to vector<1x16xf32>
        tpu.vector_store %arg9[%swap3A_123, %swap3A_124], %swap3A_127 {strides = array<i32>} : memref<80x128xf32, #tpu.memory_space<vmem>>, vector<1x16xf32>,
        %get3A_128 = arith.index_cast %scan3A_28 : i32 to index
        %get3A_129 = arith.constant 96 : index
        %get3A_130 = tpu.vector_load %arg9[%get3A_128, %get3A_129] {strides = array<i32>} : memref<80x128xf32, #tpu.memory_space<vmem>>, vector<1x16xf32>,
        %get3A_131 = vector.shape_cast %get3A_130 : vector<1x16xf32> to vector<16xf32>
        %get3A_132 = arith.index_cast %scan3A_28 : i32 to index
        %get3A_133 = arith.constant 96 : index
        %get3A_134 = tpu.vector_load %arg10[%get3A_132, %get3A_133] {strides = array<i32>} : memref<80x128xf32, #tpu.memory_space<vmem>>, vector<1x16xf32>,
        %get3A_135 = vector.shape_cast %get3A_134 : vector<1x16xf32> to vector<16xf32>
        %add3A_136 = arith.addf %get3A_131, %get3A_135 : vector<16xf32>
        %max3A_137 = arith.constant 0.000000e+00 : f32
        %max3A_138 = vector.broadcast %max3A_137 : f32 to vector<16xf32>
        %max3A_139 = arith.maximumf %add3A_136, %max3A_138 : vector<16xf32>
        %swap3A_140 = arith.index_cast %scan3A_28 : i32 to index
        %swap3A_141 = arith.constant 96 : index
        %swap3A_142 = tpu.vector_load %arg9[%swap3A_140, %swap3A_141] {strides = array<i32>} : memref<80x128xf32, #tpu.memory_space<vmem>>, vector<1x16xf32>,
        %swap3A_143 = vector.shape_cast %swap3A_142 : vector<1x16xf32> to vector<16xf32>
        %swap3A_144 = vector.shape_cast %max3A_139 : vector<16xf32> to vector<1x16xf32>
        tpu.vector_store %arg9[%swap3A_140, %swap3A_141], %swap3A_144 {strides = array<i32>} : memref<80x128xf32, #tpu.memory_space<vmem>>, vector<1x16xf32>,
        %get3A_145 = arith.index_cast %scan3A_28 : i32 to index
        %get3A_146 = arith.constant 112 : index
        %get3A_147 = tpu.vector_load %arg9[%get3A_145, %get3A_146] {strides = array<i32>} : memref<80x128xf32, #tpu.memory_space<vmem>>, vector<1x16xf32>,
        %get3A_148 = vector.shape_cast %get3A_147 : vector<1x16xf32> to vector<16xf32>
        %get3A_149 = arith.index_cast %scan3A_28 : i32 to index
        %get3A_150 = arith.constant 112 : index
        %get3A_151 = tpu.vector_load %arg10[%get3A_149, %get3A_150] {strides = array<i32>} : memref<80x128xf32, #tpu.memory_space<vmem>>, vector<1x16xf32>,
        %get3A_152 = vector.shape_cast %get3A_151 : vector<1x16xf32> to vector<16xf32>
        %add3A_153 = arith.addf %get3A_148, %get3A_152 : vector<16xf32>
        %max3A_154 = arith.constant 0.000000e+00 : f32
        %max3A_155 = vector.broadcast %max3A_154 : f32 to vector<16xf32>
        %max3A_156 = arith.maximumf %add3A_153, %max3A_155 : vector<16xf32>
        %swap3A_157 = arith.index_cast %scan3A_28 : i32 to index
        %swap3A_158 = arith.constant 112 : index
        %swap3A_159 = tpu.vector_load %arg9[%swap3A_157, %swap3A_158] {strides = array<i32>} : memref<80x128xf32, #tpu.memory_space<vmem>>, vector<1x16xf32>,
        %swap3A_160 = vector.shape_cast %swap3A_159 : vector<1x16xf32> to vector<16xf32>
        %swap3A_161 = vector.shape_cast %max3A_156 : vector<16xf32> to vector<1x16xf32>
        tpu.vector_store %arg9[%swap3A_157, %swap3A_158], %swap3A_161 {strides = array<i32>} : memref<80x128xf32, #tpu.memory_space<vmem>>, vector<1x16xf32>,
      }
      %scan3A_27 = arith.constant 80 : i32
      "tpu.region"() ({
        %run_scoped3A = tpu.sem_alloc : memref<!tpu.dma_semaphore, #tpu.memory_space<semaphore_mem>>
        %dma_start3A_28 = arith.constant 0 : i32
        %dma_start3A_29 = tpu.memref_slice %arg6[%add3A_11, %dma_start3A_28] : memref<320000x128xf32, #tpu.memory_space<hbm>> -> memref<80x128xf32, #tpu.memory_space<hbm>>
        %dma_start3A_30 = arith.constant 0 : i32
        %dma_start3A_31 = tpu.memref_slice %arg6[%add3A_11, %dma_start3A_30] : memref<320000x128xf32, #tpu.memory_space<hbm>> -> memref<80x128xf32, #tpu.memory_space<hbm>>
        tpu.enqueue_dma source(%arg9 : memref<80x128xf32, #tpu.memory_space<vmem>>) target(%dma_start3A_31 : memref<80x128xf32, #tpu.memory_space<hbm>>) target_semaphore(%run_scoped3A : memref<!tpu.dma_semaphore, #tpu.memory_space<semaphore_mem>>)
        %dma_wait3A_32 = arith.constant 0 : i32
        %dma_wait3A_33 = tpu.memref_slice %arg6[%add3A_11, %dma_wait3A_32] : memref<320000x128xf32, #tpu.memory_space<hbm>> -> memref<80x128xf32, #tpu.memory_space<hbm>>
        %dma_wait3A_34 = arith.constant 0 : i32
        %dma_wait3A_35 = tpu.memref_slice %arg6[%add3A_11, %dma_wait3A_34] : memref<320000x128xf32, #tpu.memory_space<hbm>> -> memref<80x128xf32, #tpu.memory_space<hbm>>
        tpu.wait_dma2 semaphore(%run_scoped3A : memref<!tpu.dma_semaphore, #tpu.memory_space<semaphore_mem>>) src(%arg9 : memref<80x128xf32, #tpu.memory_space<vmem>>) dst(%dma_wait3A_35 : memref<80x128xf32, #tpu.memory_space<hbm>>)
        tpu.yield
      }) : () -> ()
    }
    %scan3A_7 = arith.constant 125 : i32
    return
  }
}

#map = affine_map<(d0, d1) -> (0, 0)>
#map1 = affine_map<(d0, d1) -> (0)>
#map2 = affine_map<(d0, d1) -> (0, 0, 0)>
module attributes {stable_mosaic.version = 14 : i64} {
  func.func @_sc_scatter_body(%arg0: i32, %arg1: i32, %arg2: memref<320000x128xf32, #tpu.memory_space<hbm>>, %arg3: memref<320000xi32, #tpu.memory_space<hbm>>, %arg4: memref<2x10240x128xf32, #tpu.memory_space<hbm>>, %arg5: memref<80xi32, #tpu.memory_space<vmem>>, %arg6: memref<80x128xf32, #tpu.memory_space<vmem>>, %arg7: memref<128x128xf32, #tpu.memory_space<vmem>>, %arg8: memref<10240x128xf32, #tpu.memory_space<vmem_shared>>) attributes {dimension_semantics = [#tpu.dimension_semantics<core_parallel>, #tpu.dimension_semantics<subcore_parallel>], iteration_bounds = array<i64: 2, 16>, scalar_prefetch = 0 : i64, scratch_operands = 4 : i64, tpu.core_type = #tpu.core_type<sc_vector_subcore>, window_params = [{transform_indices = #map}, {transform_indices = #map1}, {transform_indices = #map2}]} {
    %mul3A = arith.constant 2 : i32
    %mul3A_0 = arith.muli %arg1, %mul3A : i32
    %add3A = arith.addi %mul3A_0, %arg0 : i32
    %scan3A = arith.constant 0 : i32
    %scan3A_1 = arith.constant 0 : i32
    %scan3A_2 = arith.constant 128 : i32
    %scan3A_3 = arith.addi %scan3A_1, %scan3A_2 : i32
    %scan3A_4 = arith.constant 1 : i32
    scf.for %scan3A_27 = %scan3A_1 to %scan3A_3 step %scan3A_4  : i32 {
      %broadcast_in_dim3A = arith.constant 0.000000e+00 : f32
      %broadcast_in_dim3A_28 = vector.broadcast %broadcast_in_dim3A : f32 to vector<16xf32>
      %swap3A = arith.index_cast %scan3A_27 : i32 to index
      %swap3A_29 = arith.constant 0 : index
      %swap3A_30 = tpu.vector_load %arg7[%swap3A, %swap3A_29] {strides = array<i32>} : memref<128x128xf32, #tpu.memory_space<vmem>>, vector<1x16xf32>,
      %swap3A_31 = vector.shape_cast %swap3A_30 : vector<1x16xf32> to vector<16xf32>
      %swap3A_32 = vector.shape_cast %broadcast_in_dim3A_28 : vector<16xf32> to vector<1x16xf32>
      tpu.vector_store %arg7[%swap3A, %swap3A_29], %swap3A_32 {strides = array<i32>} : memref<128x128xf32, #tpu.memory_space<vmem>>, vector<1x16xf32>,
      %broadcast_in_dim3A_33 = arith.constant 0.000000e+00 : f32
      %broadcast_in_dim3A_34 = vector.broadcast %broadcast_in_dim3A_33 : f32 to vector<16xf32>
      %swap3A_35 = arith.index_cast %scan3A_27 : i32 to index
      %swap3A_36 = arith.constant 16 : index
      %swap3A_37 = tpu.vector_load %arg7[%swap3A_35, %swap3A_36] {strides = array<i32>} : memref<128x128xf32, #tpu.memory_space<vmem>>, vector<1x16xf32>,
      %swap3A_38 = vector.shape_cast %swap3A_37 : vector<1x16xf32> to vector<16xf32>
      %swap3A_39 = vector.shape_cast %broadcast_in_dim3A_34 : vector<16xf32> to vector<1x16xf32>
      tpu.vector_store %arg7[%swap3A_35, %swap3A_36], %swap3A_39 {strides = array<i32>} : memref<128x128xf32, #tpu.memory_space<vmem>>, vector<1x16xf32>,
      %broadcast_in_dim3A_40 = arith.constant 0.000000e+00 : f32
      %broadcast_in_dim3A_41 = vector.broadcast %broadcast_in_dim3A_40 : f32 to vector<16xf32>
      %swap3A_42 = arith.index_cast %scan3A_27 : i32 to index
      %swap3A_43 = arith.constant 32 : index
      %swap3A_44 = tpu.vector_load %arg7[%swap3A_42, %swap3A_43] {strides = array<i32>} : memref<128x128xf32, #tpu.memory_space<vmem>>, vector<1x16xf32>,
      %swap3A_45 = vector.shape_cast %swap3A_44 : vector<1x16xf32> to vector<16xf32>
      %swap3A_46 = vector.shape_cast %broadcast_in_dim3A_41 : vector<16xf32> to vector<1x16xf32>
      tpu.vector_store %arg7[%swap3A_42, %swap3A_43], %swap3A_46 {strides = array<i32>} : memref<128x128xf32, #tpu.memory_space<vmem>>, vector<1x16xf32>,
      %broadcast_in_dim3A_47 = arith.constant 0.000000e+00 : f32
      %broadcast_in_dim3A_48 = vector.broadcast %broadcast_in_dim3A_47 : f32 to vector<16xf32>
      %swap3A_49 = arith.index_cast %scan3A_27 : i32 to index
      %swap3A_50 = arith.constant 48 : index
      %swap3A_51 = tpu.vector_load %arg7[%swap3A_49, %swap3A_50] {strides = array<i32>} : memref<128x128xf32, #tpu.memory_space<vmem>>, vector<1x16xf32>,
      %swap3A_52 = vector.shape_cast %swap3A_51 : vector<1x16xf32> to vector<16xf32>
      %swap3A_53 = vector.shape_cast %broadcast_in_dim3A_48 : vector<16xf32> to vector<1x16xf32>
      tpu.vector_store %arg7[%swap3A_49, %swap3A_50], %swap3A_53 {strides = array<i32>} : memref<128x128xf32, #tpu.memory_space<vmem>>, vector<1x16xf32>,
      %broadcast_in_dim3A_54 = arith.constant 0.000000e+00 : f32
      %broadcast_in_dim3A_55 = vector.broadcast %broadcast_in_dim3A_54 : f32 to vector<16xf32>
      %swap3A_56 = arith.index_cast %scan3A_27 : i32 to index
      %swap3A_57 = arith.constant 64 : index
      %swap3A_58 = tpu.vector_load %arg7[%swap3A_56, %swap3A_57] {strides = array<i32>} : memref<128x128xf32, #tpu.memory_space<vmem>>, vector<1x16xf32>,
      %swap3A_59 = vector.shape_cast %swap3A_58 : vector<1x16xf32> to vector<16xf32>
      %swap3A_60 = vector.shape_cast %broadcast_in_dim3A_55 : vector<16xf32> to vector<1x16xf32>
      tpu.vector_store %arg7[%swap3A_56, %swap3A_57], %swap3A_60 {strides = array<i32>} : memref<128x128xf32, #tpu.memory_space<vmem>>, vector<1x16xf32>,
      %broadcast_in_dim3A_61 = arith.constant 0.000000e+00 : f32
      %broadcast_in_dim3A_62 = vector.broadcast %broadcast_in_dim3A_61 : f32 to vector<16xf32>
      %swap3A_63 = arith.index_cast %scan3A_27 : i32 to index
      %swap3A_64 = arith.constant 80 : index
      %swap3A_65 = tpu.vector_load %arg7[%swap3A_63, %swap3A_64] {strides = array<i32>} : memref<128x128xf32, #tpu.memory_space<vmem>>, vector<1x16xf32>,
      %swap3A_66 = vector.shape_cast %swap3A_65 : vector<1x16xf32> to vector<16xf32>
      %swap3A_67 = vector.shape_cast %broadcast_in_dim3A_62 : vector<16xf32> to vector<1x16xf32>
      tpu.vector_store %arg7[%swap3A_63, %swap3A_64], %swap3A_67 {strides = array<i32>} : memref<128x128xf32, #tpu.memory_space<vmem>>, vector<1x16xf32>,
      %broadcast_in_dim3A_68 = arith.constant 0.000000e+00 : f32
      %broadcast_in_dim3A_69 = vector.broadcast %broadcast_in_dim3A_68 : f32 to vector<16xf32>
      %swap3A_70 = arith.index_cast %scan3A_27 : i32 to index
      %swap3A_71 = arith.constant 96 : index
      %swap3A_72 = tpu.vector_load %arg7[%swap3A_70, %swap3A_71] {strides = array<i32>} : memref<128x128xf32, #tpu.memory_space<vmem>>, vector<1x16xf32>,
      %swap3A_73 = vector.shape_cast %swap3A_72 : vector<1x16xf32> to vector<16xf32>
      %swap3A_74 = vector.shape_cast %broadcast_in_dim3A_69 : vector<16xf32> to vector<1x16xf32>
      tpu.vector_store %arg7[%swap3A_70, %swap3A_71], %swap3A_74 {strides = array<i32>} : memref<128x128xf32, #tpu.memory_space<vmem>>, vector<1x16xf32>,
      %broadcast_in_dim3A_75 = arith.constant 0.000000e+00 : f32
      %broadcast_in_dim3A_76 = vector.broadcast %broadcast_in_dim3A_75 : f32 to vector<16xf32>
      %swap3A_77 = arith.index_cast %scan3A_27 : i32 to index
      %swap3A_78 = arith.constant 112 : index
      %swap3A_79 = tpu.vector_load %arg7[%swap3A_77, %swap3A_78] {strides = array<i32>} : memref<128x128xf32, #tpu.memory_space<vmem>>, vector<1x16xf32>,
      %swap3A_80 = vector.shape_cast %swap3A_79 : vector<1x16xf32> to vector<16xf32>
      %swap3A_81 = vector.shape_cast %broadcast_in_dim3A_76 : vector<16xf32> to vector<1x16xf32>
      tpu.vector_store %arg7[%swap3A_77, %swap3A_78], %swap3A_81 {strides = array<i32>} : memref<128x128xf32, #tpu.memory_space<vmem>>, vector<1x16xf32>,
    }
    %scan3A_5 = arith.constant 128 : i32
    %scan3A_6 = arith.constant 0 : i32
    %scan3A_7 = arith.constant 0 : i32
    %scan3A_8 = arith.constant 5 : i32
    %scan3A_9 = arith.addi %scan3A_7, %scan3A_8 : i32
    %scan3A_10 = arith.constant 1 : i32
    scf.for %scan3A_27 = %scan3A_7 to %scan3A_9 step %scan3A_10  : i32 {
      %mul3A_28 = arith.constant 640 : i32
      %mul3A_29 = arith.muli %arg1, %mul3A_28 : i32
      %mul3A_30 = arith.constant 128 : i32
      %mul3A_31 = arith.muli %scan3A_27, %mul3A_30 : i32
      %add3A_32 = arith.addi %mul3A_29, %mul3A_31 : i32
      "tpu.region"() ({
        %run_scoped3A = tpu.sem_alloc : memref<!tpu.dma_semaphore, #tpu.memory_space<semaphore_mem>>
        %dma_start3A = arith.constant 0 : i32
        %dma_start3A_33 = tpu.memref_slice %arg8[%add3A_32, %dma_start3A] : memref<10240x128xf32, #tpu.memory_space<vmem_shared>> -> memref<128x128xf32, #tpu.memory_space<vmem_shared>>
        %dma_start3A_34 = arith.constant 0 : i32
        %dma_start3A_35 = tpu.memref_slice %arg8[%add3A_32, %dma_start3A_34] : memref<10240x128xf32, #tpu.memory_space<vmem_shared>> -> memref<128x128xf32, #tpu.memory_space<vmem_shared>>
        tpu.enqueue_dma source(%arg7 : memref<128x128xf32, #tpu.memory_space<vmem>>) target(%dma_start3A_35 : memref<128x128xf32, #tpu.memory_space<vmem_shared>>) target_semaphore(%run_scoped3A : memref<!tpu.dma_semaphore, #tpu.memory_space<semaphore_mem>>)
        %dma_wait3A = arith.constant 0 : i32
        %dma_wait3A_36 = tpu.memref_slice %arg8[%add3A_32, %dma_wait3A] : memref<10240x128xf32, #tpu.memory_space<vmem_shared>> -> memref<128x128xf32, #tpu.memory_space<vmem_shared>>
        %dma_wait3A_37 = arith.constant 0 : i32
        %dma_wait3A_38 = tpu.memref_slice %arg8[%add3A_32, %dma_wait3A_37] : memref<10240x128xf32, #tpu.memory_space<vmem_shared>> -> memref<128x128xf32, #tpu.memory_space<vmem_shared>>
        tpu.wait_dma2 semaphore(%run_scoped3A : memref<!tpu.dma_semaphore, #tpu.memory_space<semaphore_mem>>) src(%arg7 : memref<128x128xf32, #tpu.memory_space<vmem>>) dst(%dma_wait3A_38 : memref<128x128xf32, #tpu.memory_space<vmem_shared>>)
        tpu.yield
      }) : () -> ()
    }
    %scan3A_11 = arith.constant 5 : i32
    %barrier3A = arith.constant 0 : index
    tpu.barrier barrier_id(%barrier3A)
    %mul3A_12 = arith.constant 10000 : i32
    %mul3A_13 = arith.muli %add3A, %mul3A_12 : i32
    %scan3A_14 = arith.constant 0 : i32
    %scan3A_15 = arith.constant 0 : i32
    %scan3A_16 = arith.constant 125 : i32
    %scan3A_17 = arith.addi %scan3A_15, %scan3A_16 : i32
    %scan3A_18 = arith.constant 1 : i32
    scf.for %scan3A_27 = %scan3A_15 to %scan3A_17 step %scan3A_18  : i32 {
      %mul3A_28 = arith.constant 80 : i32
      %mul3A_29 = arith.muli %scan3A_27, %mul3A_28 : i32
      %add3A_30 = arith.addi %mul3A_13, %mul3A_29 : i32
      "tpu.region"() ({
        %run_scoped3A = tpu.sem_alloc : memref<!tpu.dma_semaphore, #tpu.memory_space<semaphore_mem>>
        %dma_start3A = tpu.memref_slice %arg3[%add3A_30] : memref<320000xi32, #tpu.memory_space<hbm>> -> memref<80xi32, #tpu.memory_space<hbm>>
        %dma_start3A_31 = tpu.memref_slice %arg3[%add3A_30] : memref<320000xi32, #tpu.memory_space<hbm>> -> memref<80xi32, #tpu.memory_space<hbm>>
        tpu.enqueue_dma source(%dma_start3A_31 : memref<80xi32, #tpu.memory_space<hbm>>) target(%arg5 : memref<80xi32, #tpu.memory_space<vmem>>) target_semaphore(%run_scoped3A : memref<!tpu.dma_semaphore, #tpu.memory_space<semaphore_mem>>)
        %dma_wait3A = tpu.memref_slice %arg3[%add3A_30] : memref<320000xi32, #tpu.memory_space<hbm>> -> memref<80xi32, #tpu.memory_space<hbm>>
        %dma_wait3A_32 = tpu.memref_slice %arg3[%add3A_30] : memref<320000xi32, #tpu.memory_space<hbm>> -> memref<80xi32, #tpu.memory_space<hbm>>
        tpu.wait_dma2 semaphore(%run_scoped3A : memref<!tpu.dma_semaphore, #tpu.memory_space<semaphore_mem>>) src(%dma_wait3A_32 : memref<80xi32, #tpu.memory_space<hbm>>) dst(%arg5 : memref<80xi32, #tpu.memory_space<vmem>>)
        tpu.yield
      }) : () -> ()
      "tpu.region"() ({
        %run_scoped3A = tpu.sem_alloc : memref<!tpu.dma_semaphore, #tpu.memory_space<semaphore_mem>>
        %dma_start3A = arith.constant 0 : i32
        %dma_start3A_31 = tpu.memref_slice %arg2[%add3A_30, %dma_start3A] : memref<320000x128xf32, #tpu.memory_space<hbm>> -> memref<80x128xf32, #tpu.memory_space<hbm>>
        %dma_start3A_32 = arith.constant 0 : i32
        %dma_start3A_33 = tpu.memref_slice %arg2[%add3A_30, %dma_start3A_32] : memref<320000x128xf32, #tpu.memory_space<hbm>> -> memref<80x128xf32, #tpu.memory_space<hbm>>
        tpu.enqueue_dma source(%dma_start3A_33 : memref<80x128xf32, #tpu.memory_space<hbm>>) target(%arg6 : memref<80x128xf32, #tpu.memory_space<vmem>>) target_semaphore(%run_scoped3A : memref<!tpu.dma_semaphore, #tpu.memory_space<semaphore_mem>>)
        %dma_wait3A = arith.constant 0 : i32
        %dma_wait3A_34 = tpu.memref_slice %arg2[%add3A_30, %dma_wait3A] : memref<320000x128xf32, #tpu.memory_space<hbm>> -> memref<80x128xf32, #tpu.memory_space<hbm>>
        %dma_wait3A_35 = arith.constant 0 : i32
        %dma_wait3A_36 = tpu.memref_slice %arg2[%add3A_30, %dma_wait3A_35] : memref<320000x128xf32, #tpu.memory_space<hbm>> -> memref<80x128xf32, #tpu.memory_space<hbm>>
        tpu.wait_dma2 semaphore(%run_scoped3A : memref<!tpu.dma_semaphore, #tpu.memory_space<semaphore_mem>>) src(%dma_wait3A_36 : memref<80x128xf32, #tpu.memory_space<hbm>>) dst(%arg6 : memref<80x128xf32, #tpu.memory_space<vmem>>)
        tpu.yield
      }) : () -> ()
      "tpu.region"() ({
        %run_scoped3A = tpu.sem_alloc : memref<!tpu.dma_semaphore, #tpu.memory_space<semaphore_mem>>
        %dma_start3A = arith.constant 0 : i32
        %dma_start3A_31 = arith.constant 0 : i32
        %dma_start3A_32 = tpu.memref_slice %arg8[%dma_start3A, %dma_start3A_31] : memref<10240x128xf32, #tpu.memory_space<vmem_shared>> -> memref<10240x128xf32, #tpu.memory_space<vmem_shared>>
        tpu.enqueue_indirect_dma source(%arg6 : memref<80x128xf32, #tpu.memory_space<vmem>>) target(%dma_start3A_32 : memref<10240x128xf32, #tpu.memory_space<vmem_shared>>) offsets(%arg5 : memref<80xi32, #tpu.memory_space<vmem>>) semaphore(%run_scoped3A : memref<!tpu.dma_semaphore, #tpu.memory_space<semaphore_mem>>) {add = true}
        %dma_wait3A = arith.constant 0 : i32
        %dma_wait3A_33 = arith.constant 0 : i32
        %dma_wait3A_34 = tpu.memref_slice %arg8[%dma_wait3A, %dma_wait3A_33] : memref<10240x128xf32, #tpu.memory_space<vmem_shared>> -> memref<10240x128xf32, #tpu.memory_space<vmem_shared>>
        tpu.wait_indirect_dma semaphore(%run_scoped3A : memref<!tpu.dma_semaphore, #tpu.memory_space<semaphore_mem>>) src(%arg6 : memref<80x128xf32, #tpu.memory_space<vmem>>) dst(%dma_wait3A_34 : memref<10240x128xf32, #tpu.memory_space<vmem_shared>>)
        tpu.yield
      }) : () -> ()
    }
    %scan3A_19 = arith.constant 125 : i32
    %barrier3A_20 = arith.constant 0 : index
    tpu.barrier barrier_id(%barrier3A_20)
    %scan3A_21 = arith.constant 0 : i32
    %scan3A_22 = arith.constant 0 : i32
    %scan3A_23 = arith.constant 5 : i32
    %scan3A_24 = arith.addi %scan3A_22, %scan3A_23 : i32
    %scan3A_25 = arith.constant 1 : i32
    scf.for %scan3A_27 = %scan3A_22 to %scan3A_24 step %scan3A_25  : i32 {
      %mul3A_28 = arith.constant 640 : i32
      %mul3A_29 = arith.muli %arg1, %mul3A_28 : i32
      %mul3A_30 = arith.constant 128 : i32
      %mul3A_31 = arith.muli %scan3A_27, %mul3A_30 : i32
      %add3A_32 = arith.addi %mul3A_29, %mul3A_31 : i32
      "tpu.region"() ({
        %run_scoped3A = tpu.sem_alloc : memref<!tpu.dma_semaphore, #tpu.memory_space<semaphore_mem>>
        %dma_start3A = arith.constant 0 : i32
        %dma_start3A_33 = tpu.memref_slice %arg4[%arg0, %add3A_32, %dma_start3A] : memref<2x10240x128xf32, #tpu.memory_space<hbm>> -> memref<1x128x128xf32, #tpu.memory_space<hbm>>
        %dma_start3A_34 = tpu.memref_squeeze %dma_start3A_33 : memref<1x128x128xf32, #tpu.memory_space<hbm>> -> memref<128x128xf32, #tpu.memory_space<hbm>>
        %dma_start3A_35 = arith.constant 0 : i32
        %dma_start3A_36 = tpu.memref_slice %arg8[%add3A_32, %dma_start3A_35] : memref<10240x128xf32, #tpu.memory_space<vmem_shared>> -> memref<128x128xf32, #tpu.memory_space<vmem_shared>>
        tpu.enqueue_dma source(%dma_start3A_36 : memref<128x128xf32, #tpu.memory_space<vmem_shared>>) target(%dma_start3A_34 : memref<128x128xf32, #tpu.memory_space<hbm>>) target_semaphore(%run_scoped3A : memref<!tpu.dma_semaphore, #tpu.memory_space<semaphore_mem>>)
        %dma_wait3A = arith.constant 0 : i32
        %dma_wait3A_37 = tpu.memref_slice %arg4[%arg0, %add3A_32, %dma_wait3A] : memref<2x10240x128xf32, #tpu.memory_space<hbm>> -> memref<1x128x128xf32, #tpu.memory_space<hbm>>
        %dma_wait3A_38 = tpu.memref_squeeze %dma_wait3A_37 : memref<1x128x128xf32, #tpu.memory_space<hbm>> -> memref<128x128xf32, #tpu.memory_space<hbm>>
        %dma_wait3A_39 = arith.constant 0 : i32
        %dma_wait3A_40 = tpu.memref_slice %arg8[%add3A_32, %dma_wait3A_39] : memref<10240x128xf32, #tpu.memory_space<vmem_shared>> -> memref<128x128xf32, #tpu.memory_space<vmem_shared>>
        tpu.wait_dma2 semaphore(%run_scoped3A : memref<!tpu.dma_semaphore, #tpu.memory_space<semaphore_mem>>) src(%dma_wait3A_40 : memref<128x128xf32, #tpu.memory_space<vmem_shared>>) dst(%dma_wait3A_38 : memref<128x128xf32, #tpu.memory_space<hbm>>)
        tpu.yield
      }) : () -> ()
    }
    %scan3A_26 = arith.constant 5 : i32
    return
  }
}

#map = affine_map<(d0, d1) -> (0, 0)>
#map1 = affine_map<(d0, d1) -> (0)>
module attributes {stable_mosaic.version = 14 : i64} {
  func.func @_sc_gather_body(%arg0: i32, %arg1: i32, %arg2: memref<10000x128xf32, #tpu.memory_space<hbm>>, %arg3: memref<10000x128xf32, #tpu.memory_space<hbm>>, %arg4: memref<320000xi32, #tpu.memory_space<hbm>>, %arg5: memref<320000xi32, #tpu.memory_space<hbm>>, %arg6: memref<320000x128xf32, #tpu.memory_space<hbm>>, %arg7: memref<80xi32, #tpu.memory_space<vmem>>, %arg8: memref<80xi32, #tpu.memory_space<vmem>>, %arg9: memref<80x128xf32, #tpu.memory_space<vmem>>, %arg10: memref<80x128xf32, #tpu.memory_space<vmem>>, %arg11: memref<!tpu.dma_semaphore, #tpu.memory_space<semaphore_mem>>, %arg12: memref<!tpu.dma_semaphore, #tpu.memory_space<semaphore_mem>>) attributes {dimension_semantics = [#tpu.dimension_semantics<core_parallel>, #tpu.dimension_semantics<subcore_parallel>], iteration_bounds = array<i64: 2, 16>, scalar_prefetch = 0 : i64, scratch_operands = 6 : i64, tpu.core_type = #tpu.core_type<sc_vector_subcore>, window_params = [{transform_indices = #map}, {transform_indices = #map}, {transform_indices = #map1}, {transform_indices = #map1}, {transform_indices = #map}]} {
    %mul3A = arith.constant 2 : i32
    %mul3A_0 = arith.muli %arg1, %mul3A : i32
    %add3A = arith.addi %mul3A_0, %arg0 : i32
    %mul3A_1 = arith.constant 10000 : i32
    %mul3A_2 = arith.muli %add3A, %mul3A_1 : i32
    %scan3A = arith.constant 0 : i32
    %scan3A_3 = arith.constant 0 : i32
    %scan3A_4 = arith.constant 125 : i32
    %scan3A_5 = arith.addi %scan3A_3, %scan3A_4 : i32
    %scan3A_6 = arith.constant 1 : i32
    scf.for %scan3A_8 = %scan3A_3 to %scan3A_5 step %scan3A_6  : i32 {
      %mul3A_9 = arith.constant 80 : i32
      %mul3A_10 = arith.muli %scan3A_8, %mul3A_9 : i32
      %add3A_11 = arith.addi %mul3A_2, %mul3A_10 : i32
      "tpu.region"() ({
        %run_scoped3A = tpu.sem_alloc : memref<!tpu.dma_semaphore, #tpu.memory_space<semaphore_mem>>
        %dma_start3A_28 = tpu.memref_slice %arg4[%add3A_11] : memref<320000xi32, #tpu.memory_space<hbm>> -> memref<80xi32, #tpu.memory_space<hbm>>
        %dma_start3A_29 = tpu.memref_slice %arg4[%add3A_11] : memref<320000xi32, #tpu.memory_space<hbm>> -> memref<80xi32, #tpu.memory_space<hbm>>
        tpu.enqueue_dma source(%dma_start3A_29 : memref<80xi32, #tpu.memory_space<hbm>>) target(%arg7 : memref<80xi32, #tpu.memory_space<vmem>>) target_semaphore(%run_scoped3A : memref<!tpu.dma_semaphore, #tpu.memory_space<semaphore_mem>>)
        %dma_wait3A_30 = tpu.memref_slice %arg4[%add3A_11] : memref<320000xi32, #tpu.memory_space<hbm>> -> memref<80xi32, #tpu.memory_space<hbm>>
        %dma_wait3A_31 = tpu.memref_slice %arg4[%add3A_11] : memref<320000xi32, #tpu.memory_space<hbm>> -> memref<80xi32, #tpu.memory_space<hbm>>
        tpu.wait_dma2 semaphore(%run_scoped3A : memref<!tpu.dma_semaphore, #tpu.memory_space<semaphore_mem>>) src(%dma_wait3A_31 : memref<80xi32, #tpu.memory_space<hbm>>) dst(%arg7 : memref<80xi32, #tpu.memory_space<vmem>>)
        tpu.yield
      }) : () -> ()
      "tpu.region"() ({
        %run_scoped3A = tpu.sem_alloc : memref<!tpu.dma_semaphore, #tpu.memory_space<semaphore_mem>>
        %dma_start3A_28 = tpu.memref_slice %arg5[%add3A_11] : memref<320000xi32, #tpu.memory_space<hbm>> -> memref<80xi32, #tpu.memory_space<hbm>>
        %dma_start3A_29 = tpu.memref_slice %arg5[%add3A_11] : memref<320000xi32, #tpu.memory_space<hbm>> -> memref<80xi32, #tpu.memory_space<hbm>>
        tpu.enqueue_dma source(%dma_start3A_29 : memref<80xi32, #tpu.memory_space<hbm>>) target(%arg8 : memref<80xi32, #tpu.memory_space<vmem>>) target_semaphore(%run_scoped3A : memref<!tpu.dma_semaphore, #tpu.memory_space<semaphore_mem>>)
        %dma_wait3A_30 = tpu.memref_slice %arg5[%add3A_11] : memref<320000xi32, #tpu.memory_space<hbm>> -> memref<80xi32, #tpu.memory_space<hbm>>
        %dma_wait3A_31 = tpu.memref_slice %arg5[%add3A_11] : memref<320000xi32, #tpu.memory_space<hbm>> -> memref<80xi32, #tpu.memory_space<hbm>>
        tpu.wait_dma2 semaphore(%run_scoped3A : memref<!tpu.dma_semaphore, #tpu.memory_space<semaphore_mem>>) src(%dma_wait3A_31 : memref<80xi32, #tpu.memory_space<hbm>>) dst(%arg8 : memref<80xi32, #tpu.memory_space<vmem>>)
        tpu.yield
      }) : () -> ()
      %dma_start3A = arith.constant 0 : i32
      %dma_start3A_12 = arith.constant 0 : i32
      %dma_start3A_13 = tpu.memref_slice %arg2[%dma_start3A, %dma_start3A_12] : memref<10000x128xf32, #tpu.memory_space<hbm>> -> memref<10000x128xf32, #tpu.memory_space<hbm>>
      tpu.enqueue_indirect_dma source(%dma_start3A_13 : memref<10000x128xf32, #tpu.memory_space<hbm>>) target(%arg9 : memref<80x128xf32, #tpu.memory_space<vmem>>) offsets(%arg7 : memref<80xi32, #tpu.memory_space<vmem>>) semaphore(%arg11 : memref<!tpu.dma_semaphore, #tpu.memory_space<semaphore_mem>>)
      %dma_start3A_14 = arith.constant 0 : i32
      %dma_start3A_15 = arith.constant 0 : i32
      %dma_start3A_16 = tpu.memref_slice %arg3[%dma_start3A_14, %dma_start3A_15] : memref<10000x128xf32, #tpu.memory_space<hbm>> -> memref<10000x128xf32, #tpu.memory_space<hbm>>
      tpu.enqueue_indirect_dma source(%dma_start3A_16 : memref<10000x128xf32, #tpu.memory_space<hbm>>) target(%arg10 : memref<80x128xf32, #tpu.memory_space<vmem>>) offsets(%arg8 : memref<80xi32, #tpu.memory_space<vmem>>) semaphore(%arg12 : memref<!tpu.dma_semaphore, #tpu.memory_space<semaphore_mem>>)
      %dma_wait3A = arith.constant 0 : i32
      %dma_wait3A_17 = arith.constant 0 : i32
      %dma_wait3A_18 = tpu.memref_slice %arg2[%dma_wait3A, %dma_wait3A_17] : memref<10000x128xf32, #tpu.memory_space<hbm>> -> memref<10000x128xf32, #tpu.memory_space<hbm>>
      tpu.wait_indirect_dma semaphore(%arg11 : memref<!tpu.dma_semaphore, #tpu.memory_space<semaphore_mem>>) src(%dma_wait3A_18 : memref<10000x128xf32, #tpu.memory_space<hbm>>) dst(%arg9 : memref<80x128xf32, #tpu.memory_space<vmem>>)
      %dma_wait3A_19 = arith.constant 0 : i32
      %dma_wait3A_20 = arith.constant 0 : i32
      %dma_wait3A_21 = tpu.memref_slice %arg3[%dma_wait3A_19, %dma_wait3A_20] : memref<10000x128xf32, #tpu.memory_space<hbm>> -> memref<10000x128xf32, #tpu.memory_space<hbm>>
      tpu.wait_indirect_dma semaphore(%arg12 : memref<!tpu.dma_semaphore, #tpu.memory_space<semaphore_mem>>) src(%dma_wait3A_21 : memref<10000x128xf32, #tpu.memory_space<hbm>>) dst(%arg10 : memref<80x128xf32, #tpu.memory_space<vmem>>)
      %scan3A_22 = arith.constant 0 : i32
      %scan3A_23 = arith.constant 0 : i32
      %scan3A_24 = arith.constant 80 : i32
      %scan3A_25 = arith.addi %scan3A_23, %scan3A_24 : i32
      %scan3A_26 = arith.constant 1 : i32
      scf.for %scan3A_28 = %scan3A_23 to %scan3A_25 step %scan3A_26  : i32 {
        %get3A = arith.index_cast %scan3A_28 : i32 to index
        %get3A_29 = arith.constant 0 : index
        %get3A_30 = tpu.vector_load %arg9[%get3A, %get3A_29] {strides = array<i32>} : memref<80x128xf32, #tpu.memory_space<vmem>>, vector<1x16xf32>,
        %get3A_31 = vector.shape_cast %get3A_30 : vector<1x16xf32> to vector<16xf32>
        %get3A_32 = arith.index_cast %scan3A_28 : i32 to index
        %get3A_33 = arith.constant 0 : index
        %get3A_34 = tpu.vector_load %arg10[%get3A_32, %get3A_33] {strides = array<i32>} : memref<80x128xf32, #tpu.memory_space<vmem>>, vector<1x16xf32>,
        %get3A_35 = vector.shape_cast %get3A_34 : vector<1x16xf32> to vector<16xf32>
        %add3A_36 = arith.addf %get3A_31, %get3A_35 : vector<16xf32>
        %max3A = arith.constant 0.000000e+00 : f32
        %max3A_37 = vector.broadcast %max3A : f32 to vector<16xf32>
        %max3A_38 = arith.maximumf %add3A_36, %max3A_37 : vector<16xf32>
        %swap3A = arith.index_cast %scan3A_28 : i32 to index
        %swap3A_39 = arith.constant 0 : index
        %swap3A_40 = tpu.vector_load %arg9[%swap3A, %swap3A_39] {strides = array<i32>} : memref<80x128xf32, #tpu.memory_space<vmem>>, vector<1x16xf32>,
        %swap3A_41 = vector.shape_cast %swap3A_40 : vector<1x16xf32> to vector<16xf32>
        %swap3A_42 = vector.shape_cast %max3A_38 : vector<16xf32> to vector<1x16xf32>
        tpu.vector_store %arg9[%swap3A, %swap3A_39], %swap3A_42 {strides = array<i32>} : memref<80x128xf32, #tpu.memory_space<vmem>>, vector<1x16xf32>,
        %get3A_43 = arith.index_cast %scan3A_28 : i32 to index
        %get3A_44 = arith.constant 16 : index
        %get3A_45 = tpu.vector_load %arg9[%get3A_43, %get3A_44] {strides = array<i32>} : memref<80x128xf32, #tpu.memory_space<vmem>>, vector<1x16xf32>,
        %get3A_46 = vector.shape_cast %get3A_45 : vector<1x16xf32> to vector<16xf32>
        %get3A_47 = arith.index_cast %scan3A_28 : i32 to index
        %get3A_48 = arith.constant 16 : index
        %get3A_49 = tpu.vector_load %arg10[%get3A_47, %get3A_48] {strides = array<i32>} : memref<80x128xf32, #tpu.memory_space<vmem>>, vector<1x16xf32>,
        %get3A_50 = vector.shape_cast %get3A_49 : vector<1x16xf32> to vector<16xf32>
        %add3A_51 = arith.addf %get3A_46, %get3A_50 : vector<16xf32>
        %max3A_52 = arith.constant 0.000000e+00 : f32
        %max3A_53 = vector.broadcast %max3A_52 : f32 to vector<16xf32>
        %max3A_54 = arith.maximumf %add3A_51, %max3A_53 : vector<16xf32>
        %swap3A_55 = arith.index_cast %scan3A_28 : i32 to index
        %swap3A_56 = arith.constant 16 : index
        %swap3A_57 = tpu.vector_load %arg9[%swap3A_55, %swap3A_56] {strides = array<i32>} : memref<80x128xf32, #tpu.memory_space<vmem>>, vector<1x16xf32>,
        %swap3A_58 = vector.shape_cast %swap3A_57 : vector<1x16xf32> to vector<16xf32>
        %swap3A_59 = vector.shape_cast %max3A_54 : vector<16xf32> to vector<1x16xf32>
        tpu.vector_store %arg9[%swap3A_55, %swap3A_56], %swap3A_59 {strides = array<i32>} : memref<80x128xf32, #tpu.memory_space<vmem>>, vector<1x16xf32>,
        %get3A_60 = arith.index_cast %scan3A_28 : i32 to index
        %get3A_61 = arith.constant 32 : index
        %get3A_62 = tpu.vector_load %arg9[%get3A_60, %get3A_61] {strides = array<i32>} : memref<80x128xf32, #tpu.memory_space<vmem>>, vector<1x16xf32>,
        %get3A_63 = vector.shape_cast %get3A_62 : vector<1x16xf32> to vector<16xf32>
        %get3A_64 = arith.index_cast %scan3A_28 : i32 to index
        %get3A_65 = arith.constant 32 : index
        %get3A_66 = tpu.vector_load %arg10[%get3A_64, %get3A_65] {strides = array<i32>} : memref<80x128xf32, #tpu.memory_space<vmem>>, vector<1x16xf32>,
        %get3A_67 = vector.shape_cast %get3A_66 : vector<1x16xf32> to vector<16xf32>
        %add3A_68 = arith.addf %get3A_63, %get3A_67 : vector<16xf32>
        %max3A_69 = arith.constant 0.000000e+00 : f32
        %max3A_70 = vector.broadcast %max3A_69 : f32 to vector<16xf32>
        %max3A_71 = arith.maximumf %add3A_68, %max3A_70 : vector<16xf32>
        %swap3A_72 = arith.index_cast %scan3A_28 : i32 to index
        %swap3A_73 = arith.constant 32 : index
        %swap3A_74 = tpu.vector_load %arg9[%swap3A_72, %swap3A_73] {strides = array<i32>} : memref<80x128xf32, #tpu.memory_space<vmem>>, vector<1x16xf32>,
        %swap3A_75 = vector.shape_cast %swap3A_74 : vector<1x16xf32> to vector<16xf32>
        %swap3A_76 = vector.shape_cast %max3A_71 : vector<16xf32> to vector<1x16xf32>
        tpu.vector_store %arg9[%swap3A_72, %swap3A_73], %swap3A_76 {strides = array<i32>} : memref<80x128xf32, #tpu.memory_space<vmem>>, vector<1x16xf32>,
        %get3A_77 = arith.index_cast %scan3A_28 : i32 to index
        %get3A_78 = arith.constant 48 : index
        %get3A_79 = tpu.vector_load %arg9[%get3A_77, %get3A_78] {strides = array<i32>} : memref<80x128xf32, #tpu.memory_space<vmem>>, vector<1x16xf32>,
        %get3A_80 = vector.shape_cast %get3A_79 : vector<1x16xf32> to vector<16xf32>
        %get3A_81 = arith.index_cast %scan3A_28 : i32 to index
        %get3A_82 = arith.constant 48 : index
        %get3A_83 = tpu.vector_load %arg10[%get3A_81, %get3A_82] {strides = array<i32>} : memref<80x128xf32, #tpu.memory_space<vmem>>, vector<1x16xf32>,
        %get3A_84 = vector.shape_cast %get3A_83 : vector<1x16xf32> to vector<16xf32>
        %add3A_85 = arith.addf %get3A_80, %get3A_84 : vector<16xf32>
        %max3A_86 = arith.constant 0.000000e+00 : f32
        %max3A_87 = vector.broadcast %max3A_86 : f32 to vector<16xf32>
        %max3A_88 = arith.maximumf %add3A_85, %max3A_87 : vector<16xf32>
        %swap3A_89 = arith.index_cast %scan3A_28 : i32 to index
        %swap3A_90 = arith.constant 48 : index
        %swap3A_91 = tpu.vector_load %arg9[%swap3A_89, %swap3A_90] {strides = array<i32>} : memref<80x128xf32, #tpu.memory_space<vmem>>, vector<1x16xf32>,
        %swap3A_92 = vector.shape_cast %swap3A_91 : vector<1x16xf32> to vector<16xf32>
        %swap3A_93 = vector.shape_cast %max3A_88 : vector<16xf32> to vector<1x16xf32>
        tpu.vector_store %arg9[%swap3A_89, %swap3A_90], %swap3A_93 {strides = array<i32>} : memref<80x128xf32, #tpu.memory_space<vmem>>, vector<1x16xf32>,
        %get3A_94 = arith.index_cast %scan3A_28 : i32 to index
        %get3A_95 = arith.constant 64 : index
        %get3A_96 = tpu.vector_load %arg9[%get3A_94, %get3A_95] {strides = array<i32>} : memref<80x128xf32, #tpu.memory_space<vmem>>, vector<1x16xf32>,
        %get3A_97 = vector.shape_cast %get3A_96 : vector<1x16xf32> to vector<16xf32>
        %get3A_98 = arith.index_cast %scan3A_28 : i32 to index
        %get3A_99 = arith.constant 64 : index
        %get3A_100 = tpu.vector_load %arg10[%get3A_98, %get3A_99] {strides = array<i32>} : memref<80x128xf32, #tpu.memory_space<vmem>>, vector<1x16xf32>,
        %get3A_101 = vector.shape_cast %get3A_100 : vector<1x16xf32> to vector<16xf32>
        %add3A_102 = arith.addf %get3A_97, %get3A_101 : vector<16xf32>
        %max3A_103 = arith.constant 0.000000e+00 : f32
        %max3A_104 = vector.broadcast %max3A_103 : f32 to vector<16xf32>
        %max3A_105 = arith.maximumf %add3A_102, %max3A_104 : vector<16xf32>
        %swap3A_106 = arith.index_cast %scan3A_28 : i32 to index
        %swap3A_107 = arith.constant 64 : index
        %swap3A_108 = tpu.vector_load %arg9[%swap3A_106, %swap3A_107] {strides = array<i32>} : memref<80x128xf32, #tpu.memory_space<vmem>>, vector<1x16xf32>,
        %swap3A_109 = vector.shape_cast %swap3A_108 : vector<1x16xf32> to vector<16xf32>
        %swap3A_110 = vector.shape_cast %max3A_105 : vector<16xf32> to vector<1x16xf32>
        tpu.vector_store %arg9[%swap3A_106, %swap3A_107], %swap3A_110 {strides = array<i32>} : memref<80x128xf32, #tpu.memory_space<vmem>>, vector<1x16xf32>,
        %get3A_111 = arith.index_cast %scan3A_28 : i32 to index
        %get3A_112 = arith.constant 80 : index
        %get3A_113 = tpu.vector_load %arg9[%get3A_111, %get3A_112] {strides = array<i32>} : memref<80x128xf32, #tpu.memory_space<vmem>>, vector<1x16xf32>,
        %get3A_114 = vector.shape_cast %get3A_113 : vector<1x16xf32> to vector<16xf32>
        %get3A_115 = arith.index_cast %scan3A_28 : i32 to index
        %get3A_116 = arith.constant 80 : index
        %get3A_117 = tpu.vector_load %arg10[%get3A_115, %get3A_116] {strides = array<i32>} : memref<80x128xf32, #tpu.memory_space<vmem>>, vector<1x16xf32>,
        %get3A_118 = vector.shape_cast %get3A_117 : vector<1x16xf32> to vector<16xf32>
        %add3A_119 = arith.addf %get3A_114, %get3A_118 : vector<16xf32>
        %max3A_120 = arith.constant 0.000000e+00 : f32
        %max3A_121 = vector.broadcast %max3A_120 : f32 to vector<16xf32>
        %max3A_122 = arith.maximumf %add3A_119, %max3A_121 : vector<16xf32>
        %swap3A_123 = arith.index_cast %scan3A_28 : i32 to index
        %swap3A_124 = arith.constant 80 : index
        %swap3A_125 = tpu.vector_load %arg9[%swap3A_123, %swap3A_124] {strides = array<i32>} : memref<80x128xf32, #tpu.memory_space<vmem>>, vector<1x16xf32>,
        %swap3A_126 = vector.shape_cast %swap3A_125 : vector<1x16xf32> to vector<16xf32>
        %swap3A_127 = vector.shape_cast %max3A_122 : vector<16xf32> to vector<1x16xf32>
        tpu.vector_store %arg9[%swap3A_123, %swap3A_124], %swap3A_127 {strides = array<i32>} : memref<80x128xf32, #tpu.memory_space<vmem>>, vector<1x16xf32>,
        %get3A_128 = arith.index_cast %scan3A_28 : i32 to index
        %get3A_129 = arith.constant 96 : index
        %get3A_130 = tpu.vector_load %arg9[%get3A_128, %get3A_129] {strides = array<i32>} : memref<80x128xf32, #tpu.memory_space<vmem>>, vector<1x16xf32>,
        %get3A_131 = vector.shape_cast %get3A_130 : vector<1x16xf32> to vector<16xf32>
        %get3A_132 = arith.index_cast %scan3A_28 : i32 to index
        %get3A_133 = arith.constant 96 : index
        %get3A_134 = tpu.vector_load %arg10[%get3A_132, %get3A_133] {strides = array<i32>} : memref<80x128xf32, #tpu.memory_space<vmem>>, vector<1x16xf32>,
        %get3A_135 = vector.shape_cast %get3A_134 : vector<1x16xf32> to vector<16xf32>
        %add3A_136 = arith.addf %get3A_131, %get3A_135 : vector<16xf32>
        %max3A_137 = arith.constant 0.000000e+00 : f32
        %max3A_138 = vector.broadcast %max3A_137 : f32 to vector<16xf32>
        %max3A_139 = arith.maximumf %add3A_136, %max3A_138 : vector<16xf32>
        %swap3A_140 = arith.index_cast %scan3A_28 : i32 to index
        %swap3A_141 = arith.constant 96 : index
        %swap3A_142 = tpu.vector_load %arg9[%swap3A_140, %swap3A_141] {strides = array<i32>} : memref<80x128xf32, #tpu.memory_space<vmem>>, vector<1x16xf32>,
        %swap3A_143 = vector.shape_cast %swap3A_142 : vector<1x16xf32> to vector<16xf32>
        %swap3A_144 = vector.shape_cast %max3A_139 : vector<16xf32> to vector<1x16xf32>
        tpu.vector_store %arg9[%swap3A_140, %swap3A_141], %swap3A_144 {strides = array<i32>} : memref<80x128xf32, #tpu.memory_space<vmem>>, vector<1x16xf32>,
        %get3A_145 = arith.index_cast %scan3A_28 : i32 to index
        %get3A_146 = arith.constant 112 : index
        %get3A_147 = tpu.vector_load %arg9[%get3A_145, %get3A_146] {strides = array<i32>} : memref<80x128xf32, #tpu.memory_space<vmem>>, vector<1x16xf32>,
        %get3A_148 = vector.shape_cast %get3A_147 : vector<1x16xf32> to vector<16xf32>
        %get3A_149 = arith.index_cast %scan3A_28 : i32 to index
        %get3A_150 = arith.constant 112 : index
        %get3A_151 = tpu.vector_load %arg10[%get3A_149, %get3A_150] {strides = array<i32>} : memref<80x128xf32, #tpu.memory_space<vmem>>, vector<1x16xf32>,
        %get3A_152 = vector.shape_cast %get3A_151 : vector<1x16xf32> to vector<16xf32>
        %add3A_153 = arith.addf %get3A_148, %get3A_152 : vector<16xf32>
        %max3A_154 = arith.constant 0.000000e+00 : f32
        %max3A_155 = vector.broadcast %max3A_154 : f32 to vector<16xf32>
        %max3A_156 = arith.maximumf %add3A_153, %max3A_155 : vector<16xf32>
        %swap3A_157 = arith.index_cast %scan3A_28 : i32 to index
        %swap3A_158 = arith.constant 112 : index
        %swap3A_159 = tpu.vector_load %arg9[%swap3A_157, %swap3A_158] {strides = array<i32>} : memref<80x128xf32, #tpu.memory_space<vmem>>, vector<1x16xf32>,
        %swap3A_160 = vector.shape_cast %swap3A_159 : vector<1x16xf32> to vector<16xf32>
        %swap3A_161 = vector.shape_cast %max3A_156 : vector<16xf32> to vector<1x16xf32>
        tpu.vector_store %arg9[%swap3A_157, %swap3A_158], %swap3A_161 {strides = array<i32>} : memref<80x128xf32, #tpu.memory_space<vmem>>, vector<1x16xf32>,
      }
      %scan3A_27 = arith.constant 80 : i32
      "tpu.region"() ({
        %run_scoped3A = tpu.sem_alloc : memref<!tpu.dma_semaphore, #tpu.memory_space<semaphore_mem>>
        %dma_start3A_28 = arith.constant 0 : i32
        %dma_start3A_29 = tpu.memref_slice %arg6[%add3A_11, %dma_start3A_28] : memref<320000x128xf32, #tpu.memory_space<hbm>> -> memref<80x128xf32, #tpu.memory_space<hbm>>
        %dma_start3A_30 = arith.constant 0 : i32
        %dma_start3A_31 = tpu.memref_slice %arg6[%add3A_11, %dma_start3A_30] : memref<320000x128xf32, #tpu.memory_space<hbm>> -> memref<80x128xf32, #tpu.memory_space<hbm>>
        tpu.enqueue_dma source(%arg9 : memref<80x128xf32, #tpu.memory_space<vmem>>) target(%dma_start3A_31 : memref<80x128xf32, #tpu.memory_space<hbm>>) target_semaphore(%run_scoped3A : memref<!tpu.dma_semaphore, #tpu.memory_space<semaphore_mem>>)
        %dma_wait3A_32 = arith.constant 0 : i32
        %dma_wait3A_33 = tpu.memref_slice %arg6[%add3A_11, %dma_wait3A_32] : memref<320000x128xf32, #tpu.memory_space<hbm>> -> memref<80x128xf32, #tpu.memory_space<hbm>>
        %dma_wait3A_34 = arith.constant 0 : i32
        %dma_wait3A_35 = tpu.memref_slice %arg6[%add3A_11, %dma_wait3A_34] : memref<320000x128xf32, #tpu.memory_space<hbm>> -> memref<80x128xf32, #tpu.memory_space<hbm>>
        tpu.wait_dma2 semaphore(%run_scoped3A : memref<!tpu.dma_semaphore, #tpu.memory_space<semaphore_mem>>) src(%arg9 : memref<80x128xf32, #tpu.memory_space<vmem>>) dst(%dma_wait3A_35 : memref<80x128xf32, #tpu.memory_space<hbm>>)
        tpu.yield
      }) : () -> ()
    }
    %scan3A_7 = arith.constant 125 : i32
    return
  }
}

#map = affine_map<(d0, d1) -> (0, 0)>
#map1 = affine_map<(d0, d1) -> (0)>
module attributes {stable_mosaic.version = 14 : i64} {
  func.func @_sc_gather_body(%arg0: i32, %arg1: i32, %arg2: memref<10000x128xf32, #tpu.memory_space<hbm>>, %arg3: memref<10000x128xf32, #tpu.memory_space<hbm>>, %arg4: memref<320000xi32, #tpu.memory_space<hbm>>, %arg5: memref<320000xi32, #tpu.memory_space<hbm>>, %arg6: memref<320000x128xf32, #tpu.memory_space<hbm>>, %arg7: memref<80xi32, #tpu.memory_space<vmem>>, %arg8: memref<80xi32, #tpu.memory_space<vmem>>, %arg9: memref<80x128xf32, #tpu.memory_space<vmem>>, %arg10: memref<80x128xf32, #tpu.memory_space<vmem>>, %arg11: memref<!tpu.dma_semaphore, #tpu.memory_space<semaphore_mem>>, %arg12: memref<!tpu.dma_semaphore, #tpu.memory_space<semaphore_mem>>) attributes {dimension_semantics = [#tpu.dimension_semantics<core_parallel>, #tpu.dimension_semantics<subcore_parallel>], iteration_bounds = array<i64: 2, 16>, scalar_prefetch = 0 : i64, scratch_operands = 6 : i64, tpu.core_type = #tpu.core_type<sc_vector_subcore>, window_params = [{transform_indices = #map}, {transform_indices = #map}, {transform_indices = #map1}, {transform_indices = #map1}, {transform_indices = #map}]} {
    %mul3A = arith.constant 2 : i32
    %mul3A_0 = arith.muli %arg1, %mul3A : i32
    %add3A = arith.addi %mul3A_0, %arg0 : i32
    %mul3A_1 = arith.constant 10000 : i32
    %mul3A_2 = arith.muli %add3A, %mul3A_1 : i32
    %scan3A = arith.constant 0 : i32
    %scan3A_3 = arith.constant 0 : i32
    %scan3A_4 = arith.constant 125 : i32
    %scan3A_5 = arith.addi %scan3A_3, %scan3A_4 : i32
    %scan3A_6 = arith.constant 1 : i32
    scf.for %scan3A_8 = %scan3A_3 to %scan3A_5 step %scan3A_6  : i32 {
      %mul3A_9 = arith.constant 80 : i32
      %mul3A_10 = arith.muli %scan3A_8, %mul3A_9 : i32
      %add3A_11 = arith.addi %mul3A_2, %mul3A_10 : i32
      "tpu.region"() ({
        %run_scoped3A = tpu.sem_alloc : memref<!tpu.dma_semaphore, #tpu.memory_space<semaphore_mem>>
        %dma_start3A_28 = tpu.memref_slice %arg4[%add3A_11] : memref<320000xi32, #tpu.memory_space<hbm>> -> memref<80xi32, #tpu.memory_space<hbm>>
        %dma_start3A_29 = tpu.memref_slice %arg4[%add3A_11] : memref<320000xi32, #tpu.memory_space<hbm>> -> memref<80xi32, #tpu.memory_space<hbm>>
        tpu.enqueue_dma source(%dma_start3A_29 : memref<80xi32, #tpu.memory_space<hbm>>) target(%arg7 : memref<80xi32, #tpu.memory_space<vmem>>) target_semaphore(%run_scoped3A : memref<!tpu.dma_semaphore, #tpu.memory_space<semaphore_mem>>)
        %dma_wait3A_30 = tpu.memref_slice %arg4[%add3A_11] : memref<320000xi32, #tpu.memory_space<hbm>> -> memref<80xi32, #tpu.memory_space<hbm>>
        %dma_wait3A_31 = tpu.memref_slice %arg4[%add3A_11] : memref<320000xi32, #tpu.memory_space<hbm>> -> memref<80xi32, #tpu.memory_space<hbm>>
        tpu.wait_dma2 semaphore(%run_scoped3A : memref<!tpu.dma_semaphore, #tpu.memory_space<semaphore_mem>>) src(%dma_wait3A_31 : memref<80xi32, #tpu.memory_space<hbm>>) dst(%arg7 : memref<80xi32, #tpu.memory_space<vmem>>)
        tpu.yield
      }) : () -> ()
      "tpu.region"() ({
        %run_scoped3A = tpu.sem_alloc : memref<!tpu.dma_semaphore, #tpu.memory_space<semaphore_mem>>
        %dma_start3A_28 = tpu.memref_slice %arg5[%add3A_11] : memref<320000xi32, #tpu.memory_space<hbm>> -> memref<80xi32, #tpu.memory_space<hbm>>
        %dma_start3A_29 = tpu.memref_slice %arg5[%add3A_11] : memref<320000xi32, #tpu.memory_space<hbm>> -> memref<80xi32, #tpu.memory_space<hbm>>
        tpu.enqueue_dma source(%dma_start3A_29 : memref<80xi32, #tpu.memory_space<hbm>>) target(%arg8 : memref<80xi32, #tpu.memory_space<vmem>>) target_semaphore(%run_scoped3A : memref<!tpu.dma_semaphore, #tpu.memory_space<semaphore_mem>>)
        %dma_wait3A_30 = tpu.memref_slice %arg5[%add3A_11] : memref<320000xi32, #tpu.memory_space<hbm>> -> memref<80xi32, #tpu.memory_space<hbm>>
        %dma_wait3A_31 = tpu.memref_slice %arg5[%add3A_11] : memref<320000xi32, #tpu.memory_space<hbm>> -> memref<80xi32, #tpu.memory_space<hbm>>
        tpu.wait_dma2 semaphore(%run_scoped3A : memref<!tpu.dma_semaphore, #tpu.memory_space<semaphore_mem>>) src(%dma_wait3A_31 : memref<80xi32, #tpu.memory_space<hbm>>) dst(%arg8 : memref<80xi32, #tpu.memory_space<vmem>>)
        tpu.yield
      }) : () -> ()
      %dma_start3A = arith.constant 0 : i32
      %dma_start3A_12 = arith.constant 0 : i32
      %dma_start3A_13 = tpu.memref_slice %arg2[%dma_start3A, %dma_start3A_12] : memref<10000x128xf32, #tpu.memory_space<hbm>> -> memref<10000x128xf32, #tpu.memory_space<hbm>>
      tpu.enqueue_indirect_dma source(%dma_start3A_13 : memref<10000x128xf32, #tpu.memory_space<hbm>>) target(%arg9 : memref<80x128xf32, #tpu.memory_space<vmem>>) offsets(%arg7 : memref<80xi32, #tpu.memory_space<vmem>>) semaphore(%arg11 : memref<!tpu.dma_semaphore, #tpu.memory_space<semaphore_mem>>)
      %dma_start3A_14 = arith.constant 0 : i32
      %dma_start3A_15 = arith.constant 0 : i32
      %dma_start3A_16 = tpu.memref_slice %arg3[%dma_start3A_14, %dma_start3A_15] : memref<10000x128xf32, #tpu.memory_space<hbm>> -> memref<10000x128xf32, #tpu.memory_space<hbm>>
      tpu.enqueue_indirect_dma source(%dma_start3A_16 : memref<10000x128xf32, #tpu.memory_space<hbm>>) target(%arg10 : memref<80x128xf32, #tpu.memory_space<vmem>>) offsets(%arg8 : memref<80xi32, #tpu.memory_space<vmem>>) semaphore(%arg12 : memref<!tpu.dma_semaphore, #tpu.memory_space<semaphore_mem>>)
      %dma_wait3A = arith.constant 0 : i32
      %dma_wait3A_17 = arith.constant 0 : i32
      %dma_wait3A_18 = tpu.memref_slice %arg2[%dma_wait3A, %dma_wait3A_17] : memref<10000x128xf32, #tpu.memory_space<hbm>> -> memref<10000x128xf32, #tpu.memory_space<hbm>>
      tpu.wait_indirect_dma semaphore(%arg11 : memref<!tpu.dma_semaphore, #tpu.memory_space<semaphore_mem>>) src(%dma_wait3A_18 : memref<10000x128xf32, #tpu.memory_space<hbm>>) dst(%arg9 : memref<80x128xf32, #tpu.memory_space<vmem>>)
      %dma_wait3A_19 = arith.constant 0 : i32
      %dma_wait3A_20 = arith.constant 0 : i32
      %dma_wait3A_21 = tpu.memref_slice %arg3[%dma_wait3A_19, %dma_wait3A_20] : memref<10000x128xf32, #tpu.memory_space<hbm>> -> memref<10000x128xf32, #tpu.memory_space<hbm>>
      tpu.wait_indirect_dma semaphore(%arg12 : memref<!tpu.dma_semaphore, #tpu.memory_space<semaphore_mem>>) src(%dma_wait3A_21 : memref<10000x128xf32, #tpu.memory_space<hbm>>) dst(%arg10 : memref<80x128xf32, #tpu.memory_space<vmem>>)
      %scan3A_22 = arith.constant 0 : i32
      %scan3A_23 = arith.constant 0 : i32
      %scan3A_24 = arith.constant 80 : i32
      %scan3A_25 = arith.addi %scan3A_23, %scan3A_24 : i32
      %scan3A_26 = arith.constant 1 : i32
      scf.for %scan3A_28 = %scan3A_23 to %scan3A_25 step %scan3A_26  : i32 {
        %get3A = arith.index_cast %scan3A_28 : i32 to index
        %get3A_29 = arith.constant 0 : index
        %get3A_30 = tpu.vector_load %arg9[%get3A, %get3A_29] {strides = array<i32>} : memref<80x128xf32, #tpu.memory_space<vmem>>, vector<1x16xf32>,
        %get3A_31 = vector.shape_cast %get3A_30 : vector<1x16xf32> to vector<16xf32>
        %get3A_32 = arith.index_cast %scan3A_28 : i32 to index
        %get3A_33 = arith.constant 0 : index
        %get3A_34 = tpu.vector_load %arg10[%get3A_32, %get3A_33] {strides = array<i32>} : memref<80x128xf32, #tpu.memory_space<vmem>>, vector<1x16xf32>,
        %get3A_35 = vector.shape_cast %get3A_34 : vector<1x16xf32> to vector<16xf32>
        %add3A_36 = arith.addf %get3A_31, %get3A_35 : vector<16xf32>
        %max3A = arith.constant 0.000000e+00 : f32
        %max3A_37 = vector.broadcast %max3A : f32 to vector<16xf32>
        %max3A_38 = arith.maximumf %add3A_36, %max3A_37 : vector<16xf32>
        %swap3A = arith.index_cast %scan3A_28 : i32 to index
        %swap3A_39 = arith.constant 0 : index
        %swap3A_40 = tpu.vector_load %arg9[%swap3A, %swap3A_39] {strides = array<i32>} : memref<80x128xf32, #tpu.memory_space<vmem>>, vector<1x16xf32>,
        %swap3A_41 = vector.shape_cast %swap3A_40 : vector<1x16xf32> to vector<16xf32>
        %swap3A_42 = vector.shape_cast %max3A_38 : vector<16xf32> to vector<1x16xf32>
        tpu.vector_store %arg9[%swap3A, %swap3A_39], %swap3A_42 {strides = array<i32>} : memref<80x128xf32, #tpu.memory_space<vmem>>, vector<1x16xf32>,
        %get3A_43 = arith.index_cast %scan3A_28 : i32 to index
        %get3A_44 = arith.constant 16 : index
        %get3A_45 = tpu.vector_load %arg9[%get3A_43, %get3A_44] {strides = array<i32>} : memref<80x128xf32, #tpu.memory_space<vmem>>, vector<1x16xf32>,
        %get3A_46 = vector.shape_cast %get3A_45 : vector<1x16xf32> to vector<16xf32>
        %get3A_47 = arith.index_cast %scan3A_28 : i32 to index
        %get3A_48 = arith.constant 16 : index
        %get3A_49 = tpu.vector_load %arg10[%get3A_47, %get3A_48] {strides = array<i32>} : memref<80x128xf32, #tpu.memory_space<vmem>>, vector<1x16xf32>,
        %get3A_50 = vector.shape_cast %get3A_49 : vector<1x16xf32> to vector<16xf32>
        %add3A_51 = arith.addf %get3A_46, %get3A_50 : vector<16xf32>
        %max3A_52 = arith.constant 0.000000e+00 : f32
        %max3A_53 = vector.broadcast %max3A_52 : f32 to vector<16xf32>
        %max3A_54 = arith.maximumf %add3A_51, %max3A_53 : vector<16xf32>
        %swap3A_55 = arith.index_cast %scan3A_28 : i32 to index
        %swap3A_56 = arith.constant 16 : index
        %swap3A_57 = tpu.vector_load %arg9[%swap3A_55, %swap3A_56] {strides = array<i32>} : memref<80x128xf32, #tpu.memory_space<vmem>>, vector<1x16xf32>,
        %swap3A_58 = vector.shape_cast %swap3A_57 : vector<1x16xf32> to vector<16xf32>
        %swap3A_59 = vector.shape_cast %max3A_54 : vector<16xf32> to vector<1x16xf32>
        tpu.vector_store %arg9[%swap3A_55, %swap3A_56], %swap3A_59 {strides = array<i32>} : memref<80x128xf32, #tpu.memory_space<vmem>>, vector<1x16xf32>,
        %get3A_60 = arith.index_cast %scan3A_28 : i32 to index
        %get3A_61 = arith.constant 32 : index
        %get3A_62 = tpu.vector_load %arg9[%get3A_60, %get3A_61] {strides = array<i32>} : memref<80x128xf32, #tpu.memory_space<vmem>>, vector<1x16xf32>,
        %get3A_63 = vector.shape_cast %get3A_62 : vector<1x16xf32> to vector<16xf32>
        %get3A_64 = arith.index_cast %scan3A_28 : i32 to index
        %get3A_65 = arith.constant 32 : index
        %get3A_66 = tpu.vector_load %arg10[%get3A_64, %get3A_65] {strides = array<i32>} : memref<80x128xf32, #tpu.memory_space<vmem>>, vector<1x16xf32>,
        %get3A_67 = vector.shape_cast %get3A_66 : vector<1x16xf32> to vector<16xf32>
        %add3A_68 = arith.addf %get3A_63, %get3A_67 : vector<16xf32>
        %max3A_69 = arith.constant 0.000000e+00 : f32
        %max3A_70 = vector.broadcast %max3A_69 : f32 to vector<16xf32>
        %max3A_71 = arith.maximumf %add3A_68, %max3A_70 : vector<16xf32>
        %swap3A_72 = arith.index_cast %scan3A_28 : i32 to index
        %swap3A_73 = arith.constant 32 : index
        %swap3A_74 = tpu.vector_load %arg9[%swap3A_72, %swap3A_73] {strides = array<i32>} : memref<80x128xf32, #tpu.memory_space<vmem>>, vector<1x16xf32>,
        %swap3A_75 = vector.shape_cast %swap3A_74 : vector<1x16xf32> to vector<16xf32>
        %swap3A_76 = vector.shape_cast %max3A_71 : vector<16xf32> to vector<1x16xf32>
        tpu.vector_store %arg9[%swap3A_72, %swap3A_73], %swap3A_76 {strides = array<i32>} : memref<80x128xf32, #tpu.memory_space<vmem>>, vector<1x16xf32>,
        %get3A_77 = arith.index_cast %scan3A_28 : i32 to index
        %get3A_78 = arith.constant 48 : index
        %get3A_79 = tpu.vector_load %arg9[%get3A_77, %get3A_78] {strides = array<i32>} : memref<80x128xf32, #tpu.memory_space<vmem>>, vector<1x16xf32>,
        %get3A_80 = vector.shape_cast %get3A_79 : vector<1x16xf32> to vector<16xf32>
        %get3A_81 = arith.index_cast %scan3A_28 : i32 to index
        %get3A_82 = arith.constant 48 : index
        %get3A_83 = tpu.vector_load %arg10[%get3A_81, %get3A_82] {strides = array<i32>} : memref<80x128xf32, #tpu.memory_space<vmem>>, vector<1x16xf32>,
        %get3A_84 = vector.shape_cast %get3A_83 : vector<1x16xf32> to vector<16xf32>
        %add3A_85 = arith.addf %get3A_80, %get3A_84 : vector<16xf32>
        %max3A_86 = arith.constant 0.000000e+00 : f32
        %max3A_87 = vector.broadcast %max3A_86 : f32 to vector<16xf32>
        %max3A_88 = arith.maximumf %add3A_85, %max3A_87 : vector<16xf32>
        %swap3A_89 = arith.index_cast %scan3A_28 : i32 to index
        %swap3A_90 = arith.constant 48 : index
        %swap3A_91 = tpu.vector_load %arg9[%swap3A_89, %swap3A_90] {strides = array<i32>} : memref<80x128xf32, #tpu.memory_space<vmem>>, vector<1x16xf32>,
        %swap3A_92 = vector.shape_cast %swap3A_91 : vector<1x16xf32> to vector<16xf32>
        %swap3A_93 = vector.shape_cast %max3A_88 : vector<16xf32> to vector<1x16xf32>
        tpu.vector_store %arg9[%swap3A_89, %swap3A_90], %swap3A_93 {strides = array<i32>} : memref<80x128xf32, #tpu.memory_space<vmem>>, vector<1x16xf32>,
        %get3A_94 = arith.index_cast %scan3A_28 : i32 to index
        %get3A_95 = arith.constant 64 : index
        %get3A_96 = tpu.vector_load %arg9[%get3A_94, %get3A_95] {strides = array<i32>} : memref<80x128xf32, #tpu.memory_space<vmem>>, vector<1x16xf32>,
        %get3A_97 = vector.shape_cast %get3A_96 : vector<1x16xf32> to vector<16xf32>
        %get3A_98 = arith.index_cast %scan3A_28 : i32 to index
        %get3A_99 = arith.constant 64 : index
        %get3A_100 = tpu.vector_load %arg10[%get3A_98, %get3A_99] {strides = array<i32>} : memref<80x128xf32, #tpu.memory_space<vmem>>, vector<1x16xf32>,
        %get3A_101 = vector.shape_cast %get3A_100 : vector<1x16xf32> to vector<16xf32>
        %add3A_102 = arith.addf %get3A_97, %get3A_101 : vector<16xf32>
        %max3A_103 = arith.constant 0.000000e+00 : f32
        %max3A_104 = vector.broadcast %max3A_103 : f32 to vector<16xf32>
        %max3A_105 = arith.maximumf %add3A_102, %max3A_104 : vector<16xf32>
        %swap3A_106 = arith.index_cast %scan3A_28 : i32 to index
        %swap3A_107 = arith.constant 64 : index
        %swap3A_108 = tpu.vector_load %arg9[%swap3A_106, %swap3A_107] {strides = array<i32>} : memref<80x128xf32, #tpu.memory_space<vmem>>, vector<1x16xf32>,
        %swap3A_109 = vector.shape_cast %swap3A_108 : vector<1x16xf32> to vector<16xf32>
        %swap3A_110 = vector.shape_cast %max3A_105 : vector<16xf32> to vector<1x16xf32>
        tpu.vector_store %arg9[%swap3A_106, %swap3A_107], %swap3A_110 {strides = array<i32>} : memref<80x128xf32, #tpu.memory_space<vmem>>, vector<1x16xf32>,
        %get3A_111 = arith.index_cast %scan3A_28 : i32 to index
        %get3A_112 = arith.constant 80 : index
        %get3A_113 = tpu.vector_load %arg9[%get3A_111, %get3A_112] {strides = array<i32>} : memref<80x128xf32, #tpu.memory_space<vmem>>, vector<1x16xf32>,
        %get3A_114 = vector.shape_cast %get3A_113 : vector<1x16xf32> to vector<16xf32>
        %get3A_115 = arith.index_cast %scan3A_28 : i32 to index
        %get3A_116 = arith.constant 80 : index
        %get3A_117 = tpu.vector_load %arg10[%get3A_115, %get3A_116] {strides = array<i32>} : memref<80x128xf32, #tpu.memory_space<vmem>>, vector<1x16xf32>,
        %get3A_118 = vector.shape_cast %get3A_117 : vector<1x16xf32> to vector<16xf32>
        %add3A_119 = arith.addf %get3A_114, %get3A_118 : vector<16xf32>
        %max3A_120 = arith.constant 0.000000e+00 : f32
        %max3A_121 = vector.broadcast %max3A_120 : f32 to vector<16xf32>
        %max3A_122 = arith.maximumf %add3A_119, %max3A_121 : vector<16xf32>
        %swap3A_123 = arith.index_cast %scan3A_28 : i32 to index
        %swap3A_124 = arith.constant 80 : index
        %swap3A_125 = tpu.vector_load %arg9[%swap3A_123, %swap3A_124] {strides = array<i32>} : memref<80x128xf32, #tpu.memory_space<vmem>>, vector<1x16xf32>,
        %swap3A_126 = vector.shape_cast %swap3A_125 : vector<1x16xf32> to vector<16xf32>
        %swap3A_127 = vector.shape_cast %max3A_122 : vector<16xf32> to vector<1x16xf32>
        tpu.vector_store %arg9[%swap3A_123, %swap3A_124], %swap3A_127 {strides = array<i32>} : memref<80x128xf32, #tpu.memory_space<vmem>>, vector<1x16xf32>,
        %get3A_128 = arith.index_cast %scan3A_28 : i32 to index
        %get3A_129 = arith.constant 96 : index
        %get3A_130 = tpu.vector_load %arg9[%get3A_128, %get3A_129] {strides = array<i32>} : memref<80x128xf32, #tpu.memory_space<vmem>>, vector<1x16xf32>,
        %get3A_131 = vector.shape_cast %get3A_130 : vector<1x16xf32> to vector<16xf32>
        %get3A_132 = arith.index_cast %scan3A_28 : i32 to index
        %get3A_133 = arith.constant 96 : index
        %get3A_134 = tpu.vector_load %arg10[%get3A_132, %get3A_133] {strides = array<i32>} : memref<80x128xf32, #tpu.memory_space<vmem>>, vector<1x16xf32>,
        %get3A_135 = vector.shape_cast %get3A_134 : vector<1x16xf32> to vector<16xf32>
        %add3A_136 = arith.addf %get3A_131, %get3A_135 : vector<16xf32>
        %max3A_137 = arith.constant 0.000000e+00 : f32
        %max3A_138 = vector.broadcast %max3A_137 : f32 to vector<16xf32>
        %max3A_139 = arith.maximumf %add3A_136, %max3A_138 : vector<16xf32>
        %swap3A_140 = arith.index_cast %scan3A_28 : i32 to index
        %swap3A_141 = arith.constant 96 : index
        %swap3A_142 = tpu.vector_load %arg9[%swap3A_140, %swap3A_141] {strides = array<i32>} : memref<80x128xf32, #tpu.memory_space<vmem>>, vector<1x16xf32>,
        %swap3A_143 = vector.shape_cast %swap3A_142 : vector<1x16xf32> to vector<16xf32>
        %swap3A_144 = vector.shape_cast %max3A_139 : vector<16xf32> to vector<1x16xf32>
        tpu.vector_store %arg9[%swap3A_140, %swap3A_141], %swap3A_144 {strides = array<i32>} : memref<80x128xf32, #tpu.memory_space<vmem>>, vector<1x16xf32>,
        %get3A_145 = arith.index_cast %scan3A_28 : i32 to index
        %get3A_146 = arith.constant 112 : index
        %get3A_147 = tpu.vector_load %arg9[%get3A_145, %get3A_146] {strides = array<i32>} : memref<80x128xf32, #tpu.memory_space<vmem>>, vector<1x16xf32>,
        %get3A_148 = vector.shape_cast %get3A_147 : vector<1x16xf32> to vector<16xf32>
        %get3A_149 = arith.index_cast %scan3A_28 : i32 to index
        %get3A_150 = arith.constant 112 : index
        %get3A_151 = tpu.vector_load %arg10[%get3A_149, %get3A_150] {strides = array<i32>} : memref<80x128xf32, #tpu.memory_space<vmem>>, vector<1x16xf32>,
        %get3A_152 = vector.shape_cast %get3A_151 : vector<1x16xf32> to vector<16xf32>
        %add3A_153 = arith.addf %get3A_148, %get3A_152 : vector<16xf32>
        %max3A_154 = arith.constant 0.000000e+00 : f32
        %max3A_155 = vector.broadcast %max3A_154 : f32 to vector<16xf32>
        %max3A_156 = arith.maximumf %add3A_153, %max3A_155 : vector<16xf32>
        %swap3A_157 = arith.index_cast %scan3A_28 : i32 to index
        %swap3A_158 = arith.constant 112 : index
        %swap3A_159 = tpu.vector_load %arg9[%swap3A_157, %swap3A_158] {strides = array<i32>} : memref<80x128xf32, #tpu.memory_space<vmem>>, vector<1x16xf32>,
        %swap3A_160 = vector.shape_cast %swap3A_159 : vector<1x16xf32> to vector<16xf32>
        %swap3A_161 = vector.shape_cast %max3A_156 : vector<16xf32> to vector<1x16xf32>
        tpu.vector_store %arg9[%swap3A_157, %swap3A_158], %swap3A_161 {strides = array<i32>} : memref<80x128xf32, #tpu.memory_space<vmem>>, vector<1x16xf32>,
      }
      %scan3A_27 = arith.constant 80 : i32
      "tpu.region"() ({
        %run_scoped3A = tpu.sem_alloc : memref<!tpu.dma_semaphore, #tpu.memory_space<semaphore_mem>>
        %dma_start3A_28 = arith.constant 0 : i32
        %dma_start3A_29 = tpu.memref_slice %arg6[%add3A_11, %dma_start3A_28] : memref<320000x128xf32, #tpu.memory_space<hbm>> -> memref<80x128xf32, #tpu.memory_space<hbm>>
        %dma_start3A_30 = arith.constant 0 : i32
        %dma_start3A_31 = tpu.memref_slice %arg6[%add3A_11, %dma_start3A_30] : memref<320000x128xf32, #tpu.memory_space<hbm>> -> memref<80x128xf32, #tpu.memory_space<hbm>>
        tpu.enqueue_dma source(%arg9 : memref<80x128xf32, #tpu.memory_space<vmem>>) target(%dma_start3A_31 : memref<80x128xf32, #tpu.memory_space<hbm>>) target_semaphore(%run_scoped3A : memref<!tpu.dma_semaphore, #tpu.memory_space<semaphore_mem>>)
        %dma_wait3A_32 = arith.constant 0 : i32
        %dma_wait3A_33 = tpu.memref_slice %arg6[%add3A_11, %dma_wait3A_32] : memref<320000x128xf32, #tpu.memory_space<hbm>> -> memref<80x128xf32, #tpu.memory_space<hbm>>
        %dma_wait3A_34 = arith.constant 0 : i32
        %dma_wait3A_35 = tpu.memref_slice %arg6[%add3A_11, %dma_wait3A_34] : memref<320000x128xf32, #tpu.memory_space<hbm>> -> memref<80x128xf32, #tpu.memory_space<hbm>>
        tpu.wait_dma2 semaphore(%run_scoped3A : memref<!tpu.dma_semaphore, #tpu.memory_space<semaphore_mem>>) src(%arg9 : memref<80x128xf32, #tpu.memory_space<vmem>>) dst(%dma_wait3A_35 : memref<80x128xf32, #tpu.memory_space<hbm>>)
        tpu.yield
      }) : () -> ()
    }
    %scan3A_7 = arith.constant 125 : i32
    return
  }
}

#map = affine_map<(d0, d1) -> (0, 0)>
#map1 = affine_map<(d0, d1) -> (0)>
#map2 = affine_map<(d0, d1) -> (0, 0, 0)>
module attributes {stable_mosaic.version = 14 : i64} {
  func.func @_sc_scatter_body(%arg0: i32, %arg1: i32, %arg2: memref<320000x128xf32, #tpu.memory_space<hbm>>, %arg3: memref<320000xi32, #tpu.memory_space<hbm>>, %arg4: memref<2x10240x128xf32, #tpu.memory_space<hbm>>, %arg5: memref<80xi32, #tpu.memory_space<vmem>>, %arg6: memref<80x128xf32, #tpu.memory_space<vmem>>, %arg7: memref<128x128xf32, #tpu.memory_space<vmem>>, %arg8: memref<10240x128xf32, #tpu.memory_space<vmem_shared>>) attributes {dimension_semantics = [#tpu.dimension_semantics<core_parallel>, #tpu.dimension_semantics<subcore_parallel>], iteration_bounds = array<i64: 2, 16>, scalar_prefetch = 0 : i64, scratch_operands = 4 : i64, tpu.core_type = #tpu.core_type<sc_vector_subcore>, window_params = [{transform_indices = #map}, {transform_indices = #map1}, {transform_indices = #map2}]} {
    %mul3A = arith.constant 2 : i32
    %mul3A_0 = arith.muli %arg1, %mul3A : i32
    %add3A = arith.addi %mul3A_0, %arg0 : i32
    %scan3A = arith.constant 0 : i32
    %scan3A_1 = arith.constant 0 : i32
    %scan3A_2 = arith.constant 128 : i32
    %scan3A_3 = arith.addi %scan3A_1, %scan3A_2 : i32
    %scan3A_4 = arith.constant 1 : i32
    scf.for %scan3A_27 = %scan3A_1 to %scan3A_3 step %scan3A_4  : i32 {
      %broadcast_in_dim3A = arith.constant 0.000000e+00 : f32
      %broadcast_in_dim3A_28 = vector.broadcast %broadcast_in_dim3A : f32 to vector<16xf32>
      %swap3A = arith.index_cast %scan3A_27 : i32 to index
      %swap3A_29 = arith.constant 0 : index
      %swap3A_30 = tpu.vector_load %arg7[%swap3A, %swap3A_29] {strides = array<i32>} : memref<128x128xf32, #tpu.memory_space<vmem>>, vector<1x16xf32>,
      %swap3A_31 = vector.shape_cast %swap3A_30 : vector<1x16xf32> to vector<16xf32>
      %swap3A_32 = vector.shape_cast %broadcast_in_dim3A_28 : vector<16xf32> to vector<1x16xf32>
      tpu.vector_store %arg7[%swap3A, %swap3A_29], %swap3A_32 {strides = array<i32>} : memref<128x128xf32, #tpu.memory_space<vmem>>, vector<1x16xf32>,
      %broadcast_in_dim3A_33 = arith.constant 0.000000e+00 : f32
      %broadcast_in_dim3A_34 = vector.broadcast %broadcast_in_dim3A_33 : f32 to vector<16xf32>
      %swap3A_35 = arith.index_cast %scan3A_27 : i32 to index
      %swap3A_36 = arith.constant 16 : index
      %swap3A_37 = tpu.vector_load %arg7[%swap3A_35, %swap3A_36] {strides = array<i32>} : memref<128x128xf32, #tpu.memory_space<vmem>>, vector<1x16xf32>,
      %swap3A_38 = vector.shape_cast %swap3A_37 : vector<1x16xf32> to vector<16xf32>
      %swap3A_39 = vector.shape_cast %broadcast_in_dim3A_34 : vector<16xf32> to vector<1x16xf32>
      tpu.vector_store %arg7[%swap3A_35, %swap3A_36], %swap3A_39 {strides = array<i32>} : memref<128x128xf32, #tpu.memory_space<vmem>>, vector<1x16xf32>,
      %broadcast_in_dim3A_40 = arith.constant 0.000000e+00 : f32
      %broadcast_in_dim3A_41 = vector.broadcast %broadcast_in_dim3A_40 : f32 to vector<16xf32>
      %swap3A_42 = arith.index_cast %scan3A_27 : i32 to index
      %swap3A_43 = arith.constant 32 : index
      %swap3A_44 = tpu.vector_load %arg7[%swap3A_42, %swap3A_43] {strides = array<i32>} : memref<128x128xf32, #tpu.memory_space<vmem>>, vector<1x16xf32>,
      %swap3A_45 = vector.shape_cast %swap3A_44 : vector<1x16xf32> to vector<16xf32>
      %swap3A_46 = vector.shape_cast %broadcast_in_dim3A_41 : vector<16xf32> to vector<1x16xf32>
      tpu.vector_store %arg7[%swap3A_42, %swap3A_43], %swap3A_46 {strides = array<i32>} : memref<128x128xf32, #tpu.memory_space<vmem>>, vector<1x16xf32>,
      %broadcast_in_dim3A_47 = arith.constant 0.000000e+00 : f32
      %broadcast_in_dim3A_48 = vector.broadcast %broadcast_in_dim3A_47 : f32 to vector<16xf32>
      %swap3A_49 = arith.index_cast %scan3A_27 : i32 to index
      %swap3A_50 = arith.constant 48 : index
      %swap3A_51 = tpu.vector_load %arg7[%swap3A_49, %swap3A_50] {strides = array<i32>} : memref<128x128xf32, #tpu.memory_space<vmem>>, vector<1x16xf32>,
      %swap3A_52 = vector.shape_cast %swap3A_51 : vector<1x16xf32> to vector<16xf32>
      %swap3A_53 = vector.shape_cast %broadcast_in_dim3A_48 : vector<16xf32> to vector<1x16xf32>
      tpu.vector_store %arg7[%swap3A_49, %swap3A_50], %swap3A_53 {strides = array<i32>} : memref<128x128xf32, #tpu.memory_space<vmem>>, vector<1x16xf32>,
      %broadcast_in_dim3A_54 = arith.constant 0.000000e+00 : f32
      %broadcast_in_dim3A_55 = vector.broadcast %broadcast_in_dim3A_54 : f32 to vector<16xf32>
      %swap3A_56 = arith.index_cast %scan3A_27 : i32 to index
      %swap3A_57 = arith.constant 64 : index
      %swap3A_58 = tpu.vector_load %arg7[%swap3A_56, %swap3A_57] {strides = array<i32>} : memref<128x128xf32, #tpu.memory_space<vmem>>, vector<1x16xf32>,
      %swap3A_59 = vector.shape_cast %swap3A_58 : vector<1x16xf32> to vector<16xf32>
      %swap3A_60 = vector.shape_cast %broadcast_in_dim3A_55 : vector<16xf32> to vector<1x16xf32>
      tpu.vector_store %arg7[%swap3A_56, %swap3A_57], %swap3A_60 {strides = array<i32>} : memref<128x128xf32, #tpu.memory_space<vmem>>, vector<1x16xf32>,
      %broadcast_in_dim3A_61 = arith.constant 0.000000e+00 : f32
      %broadcast_in_dim3A_62 = vector.broadcast %broadcast_in_dim3A_61 : f32 to vector<16xf32>
      %swap3A_63 = arith.index_cast %scan3A_27 : i32 to index
      %swap3A_64 = arith.constant 80 : index
      %swap3A_65 = tpu.vector_load %arg7[%swap3A_63, %swap3A_64] {strides = array<i32>} : memref<128x128xf32, #tpu.memory_space<vmem>>, vector<1x16xf32>,
      %swap3A_66 = vector.shape_cast %swap3A_65 : vector<1x16xf32> to vector<16xf32>
      %swap3A_67 = vector.shape_cast %broadcast_in_dim3A_62 : vector<16xf32> to vector<1x16xf32>
      tpu.vector_store %arg7[%swap3A_63, %swap3A_64], %swap3A_67 {strides = array<i32>} : memref<128x128xf32, #tpu.memory_space<vmem>>, vector<1x16xf32>,
      %broadcast_in_dim3A_68 = arith.constant 0.000000e+00 : f32
      %broadcast_in_dim3A_69 = vector.broadcast %broadcast_in_dim3A_68 : f32 to vector<16xf32>
      %swap3A_70 = arith.index_cast %scan3A_27 : i32 to index
      %swap3A_71 = arith.constant 96 : index
      %swap3A_72 = tpu.vector_load %arg7[%swap3A_70, %swap3A_71] {strides = array<i32>} : memref<128x128xf32, #tpu.memory_space<vmem>>, vector<1x16xf32>,
      %swap3A_73 = vector.shape_cast %swap3A_72 : vector<1x16xf32> to vector<16xf32>
      %swap3A_74 = vector.shape_cast %broadcast_in_dim3A_69 : vector<16xf32> to vector<1x16xf32>
      tpu.vector_store %arg7[%swap3A_70, %swap3A_71], %swap3A_74 {strides = array<i32>} : memref<128x128xf32, #tpu.memory_space<vmem>>, vector<1x16xf32>,
      %broadcast_in_dim3A_75 = arith.constant 0.000000e+00 : f32
      %broadcast_in_dim3A_76 = vector.broadcast %broadcast_in_dim3A_75 : f32 to vector<16xf32>
      %swap3A_77 = arith.index_cast %scan3A_27 : i32 to index
      %swap3A_78 = arith.constant 112 : index
      %swap3A_79 = tpu.vector_load %arg7[%swap3A_77, %swap3A_78] {strides = array<i32>} : memref<128x128xf32, #tpu.memory_space<vmem>>, vector<1x16xf32>,
      %swap3A_80 = vector.shape_cast %swap3A_79 : vector<1x16xf32> to vector<16xf32>
      %swap3A_81 = vector.shape_cast %broadcast_in_dim3A_76 : vector<16xf32> to vector<1x16xf32>
      tpu.vector_store %arg7[%swap3A_77, %swap3A_78], %swap3A_81 {strides = array<i32>} : memref<128x128xf32, #tpu.memory_space<vmem>>, vector<1x16xf32>,
    }
    %scan3A_5 = arith.constant 128 : i32
    %scan3A_6 = arith.constant 0 : i32
    %scan3A_7 = arith.constant 0 : i32
    %scan3A_8 = arith.constant 5 : i32
    %scan3A_9 = arith.addi %scan3A_7, %scan3A_8 : i32
    %scan3A_10 = arith.constant 1 : i32
    scf.for %scan3A_27 = %scan3A_7 to %scan3A_9 step %scan3A_10  : i32 {
      %mul3A_28 = arith.constant 640 : i32
      %mul3A_29 = arith.muli %arg1, %mul3A_28 : i32
      %mul3A_30 = arith.constant 128 : i32
      %mul3A_31 = arith.muli %scan3A_27, %mul3A_30 : i32
      %add3A_32 = arith.addi %mul3A_29, %mul3A_31 : i32
      "tpu.region"() ({
        %run_scoped3A = tpu.sem_alloc : memref<!tpu.dma_semaphore, #tpu.memory_space<semaphore_mem>>
        %dma_start3A = arith.constant 0 : i32
        %dma_start3A_33 = tpu.memref_slice %arg8[%add3A_32, %dma_start3A] : memref<10240x128xf32, #tpu.memory_space<vmem_shared>> -> memref<128x128xf32, #tpu.memory_space<vmem_shared>>
        %dma_start3A_34 = arith.constant 0 : i32
        %dma_start3A_35 = tpu.memref_slice %arg8[%add3A_32, %dma_start3A_34] : memref<10240x128xf32, #tpu.memory_space<vmem_shared>> -> memref<128x128xf32, #tpu.memory_space<vmem_shared>>
        tpu.enqueue_dma source(%arg7 : memref<128x128xf32, #tpu.memory_space<vmem>>) target(%dma_start3A_35 : memref<128x128xf32, #tpu.memory_space<vmem_shared>>) target_semaphore(%run_scoped3A : memref<!tpu.dma_semaphore, #tpu.memory_space<semaphore_mem>>)
        %dma_wait3A = arith.constant 0 : i32
        %dma_wait3A_36 = tpu.memref_slice %arg8[%add3A_32, %dma_wait3A] : memref<10240x128xf32, #tpu.memory_space<vmem_shared>> -> memref<128x128xf32, #tpu.memory_space<vmem_shared>>
        %dma_wait3A_37 = arith.constant 0 : i32
        %dma_wait3A_38 = tpu.memref_slice %arg8[%add3A_32, %dma_wait3A_37] : memref<10240x128xf32, #tpu.memory_space<vmem_shared>> -> memref<128x128xf32, #tpu.memory_space<vmem_shared>>
        tpu.wait_dma2 semaphore(%run_scoped3A : memref<!tpu.dma_semaphore, #tpu.memory_space<semaphore_mem>>) src(%arg7 : memref<128x128xf32, #tpu.memory_space<vmem>>) dst(%dma_wait3A_38 : memref<128x128xf32, #tpu.memory_space<vmem_shared>>)
        tpu.yield
      }) : () -> ()
    }
    %scan3A_11 = arith.constant 5 : i32
    %barrier3A = arith.constant 0 : index
    tpu.barrier barrier_id(%barrier3A)
    %mul3A_12 = arith.constant 10000 : i32
    %mul3A_13 = arith.muli %add3A, %mul3A_12 : i32
    %scan3A_14 = arith.constant 0 : i32
    %scan3A_15 = arith.constant 0 : i32
    %scan3A_16 = arith.constant 125 : i32
    %scan3A_17 = arith.addi %scan3A_15, %scan3A_16 : i32
    %scan3A_18 = arith.constant 1 : i32
    scf.for %scan3A_27 = %scan3A_15 to %scan3A_17 step %scan3A_18  : i32 {
      %mul3A_28 = arith.constant 80 : i32
      %mul3A_29 = arith.muli %scan3A_27, %mul3A_28 : i32
      %add3A_30 = arith.addi %mul3A_13, %mul3A_29 : i32
      "tpu.region"() ({
        %run_scoped3A = tpu.sem_alloc : memref<!tpu.dma_semaphore, #tpu.memory_space<semaphore_mem>>
        %dma_start3A = tpu.memref_slice %arg3[%add3A_30] : memref<320000xi32, #tpu.memory_space<hbm>> -> memref<80xi32, #tpu.memory_space<hbm>>
        %dma_start3A_31 = tpu.memref_slice %arg3[%add3A_30] : memref<320000xi32, #tpu.memory_space<hbm>> -> memref<80xi32, #tpu.memory_space<hbm>>
        tpu.enqueue_dma source(%dma_start3A_31 : memref<80xi32, #tpu.memory_space<hbm>>) target(%arg5 : memref<80xi32, #tpu.memory_space<vmem>>) target_semaphore(%run_scoped3A : memref<!tpu.dma_semaphore, #tpu.memory_space<semaphore_mem>>)
        %dma_wait3A = tpu.memref_slice %arg3[%add3A_30] : memref<320000xi32, #tpu.memory_space<hbm>> -> memref<80xi32, #tpu.memory_space<hbm>>
        %dma_wait3A_32 = tpu.memref_slice %arg3[%add3A_30] : memref<320000xi32, #tpu.memory_space<hbm>> -> memref<80xi32, #tpu.memory_space<hbm>>
        tpu.wait_dma2 semaphore(%run_scoped3A : memref<!tpu.dma_semaphore, #tpu.memory_space<semaphore_mem>>) src(%dma_wait3A_32 : memref<80xi32, #tpu.memory_space<hbm>>) dst(%arg5 : memref<80xi32, #tpu.memory_space<vmem>>)
        tpu.yield
      }) : () -> ()
      "tpu.region"() ({
        %run_scoped3A = tpu.sem_alloc : memref<!tpu.dma_semaphore, #tpu.memory_space<semaphore_mem>>
        %dma_start3A = arith.constant 0 : i32
        %dma_start3A_31 = tpu.memref_slice %arg2[%add3A_30, %dma_start3A] : memref<320000x128xf32, #tpu.memory_space<hbm>> -> memref<80x128xf32, #tpu.memory_space<hbm>>
        %dma_start3A_32 = arith.constant 0 : i32
        %dma_start3A_33 = tpu.memref_slice %arg2[%add3A_30, %dma_start3A_32] : memref<320000x128xf32, #tpu.memory_space<hbm>> -> memref<80x128xf32, #tpu.memory_space<hbm>>
        tpu.enqueue_dma source(%dma_start3A_33 : memref<80x128xf32, #tpu.memory_space<hbm>>) target(%arg6 : memref<80x128xf32, #tpu.memory_space<vmem>>) target_semaphore(%run_scoped3A : memref<!tpu.dma_semaphore, #tpu.memory_space<semaphore_mem>>)
        %dma_wait3A = arith.constant 0 : i32
        %dma_wait3A_34 = tpu.memref_slice %arg2[%add3A_30, %dma_wait3A] : memref<320000x128xf32, #tpu.memory_space<hbm>> -> memref<80x128xf32, #tpu.memory_space<hbm>>
        %dma_wait3A_35 = arith.constant 0 : i32
        %dma_wait3A_36 = tpu.memref_slice %arg2[%add3A_30, %dma_wait3A_35] : memref<320000x128xf32, #tpu.memory_space<hbm>> -> memref<80x128xf32, #tpu.memory_space<hbm>>
        tpu.wait_dma2 semaphore(%run_scoped3A : memref<!tpu.dma_semaphore, #tpu.memory_space<semaphore_mem>>) src(%dma_wait3A_36 : memref<80x128xf32, #tpu.memory_space<hbm>>) dst(%arg6 : memref<80x128xf32, #tpu.memory_space<vmem>>)
        tpu.yield
      }) : () -> ()
      "tpu.region"() ({
        %run_scoped3A = tpu.sem_alloc : memref<!tpu.dma_semaphore, #tpu.memory_space<semaphore_mem>>
        %dma_start3A = arith.constant 0 : i32
        %dma_start3A_31 = arith.constant 0 : i32
        %dma_start3A_32 = tpu.memref_slice %arg8[%dma_start3A, %dma_start3A_31] : memref<10240x128xf32, #tpu.memory_space<vmem_shared>> -> memref<10240x128xf32, #tpu.memory_space<vmem_shared>>
        tpu.enqueue_indirect_dma source(%arg6 : memref<80x128xf32, #tpu.memory_space<vmem>>) target(%dma_start3A_32 : memref<10240x128xf32, #tpu.memory_space<vmem_shared>>) offsets(%arg5 : memref<80xi32, #tpu.memory_space<vmem>>) semaphore(%run_scoped3A : memref<!tpu.dma_semaphore, #tpu.memory_space<semaphore_mem>>) {add = true}
        %dma_wait3A = arith.constant 0 : i32
        %dma_wait3A_33 = arith.constant 0 : i32
        %dma_wait3A_34 = tpu.memref_slice %arg8[%dma_wait3A, %dma_wait3A_33] : memref<10240x128xf32, #tpu.memory_space<vmem_shared>> -> memref<10240x128xf32, #tpu.memory_space<vmem_shared>>
        tpu.wait_indirect_dma semaphore(%run_scoped3A : memref<!tpu.dma_semaphore, #tpu.memory_space<semaphore_mem>>) src(%arg6 : memref<80x128xf32, #tpu.memory_space<vmem>>) dst(%dma_wait3A_34 : memref<10240x128xf32, #tpu.memory_space<vmem_shared>>)
        tpu.yield
      }) : () -> ()
    }
    %scan3A_19 = arith.constant 125 : i32
    %barrier3A_20 = arith.constant 0 : index
    tpu.barrier barrier_id(%barrier3A_20)
    %scan3A_21 = arith.constant 0 : i32
    %scan3A_22 = arith.constant 0 : i32
    %scan3A_23 = arith.constant 5 : i32
    %scan3A_24 = arith.addi %scan3A_22, %scan3A_23 : i32
    %scan3A_25 = arith.constant 1 : i32
    scf.for %scan3A_27 = %scan3A_22 to %scan3A_24 step %scan3A_25  : i32 {
      %mul3A_28 = arith.constant 640 : i32
      %mul3A_29 = arith.muli %arg1, %mul3A_28 : i32
      %mul3A_30 = arith.constant 128 : i32
      %mul3A_31 = arith.muli %scan3A_27, %mul3A_30 : i32
      %add3A_32 = arith.addi %mul3A_29, %mul3A_31 : i32
      "tpu.region"() ({
        %run_scoped3A = tpu.sem_alloc : memref<!tpu.dma_semaphore, #tpu.memory_space<semaphore_mem>>
        %dma_start3A = arith.constant 0 : i32
        %dma_start3A_33 = tpu.memref_slice %arg4[%arg0, %add3A_32, %dma_start3A] : memref<2x10240x128xf32, #tpu.memory_space<hbm>> -> memref<1x128x128xf32, #tpu.memory_space<hbm>>
        %dma_start3A_34 = tpu.memref_squeeze %dma_start3A_33 : memref<1x128x128xf32, #tpu.memory_space<hbm>> -> memref<128x128xf32, #tpu.memory_space<hbm>>
        %dma_start3A_35 = arith.constant 0 : i32
        %dma_start3A_36 = tpu.memref_slice %arg8[%add3A_32, %dma_start3A_35] : memref<10240x128xf32, #tpu.memory_space<vmem_shared>> -> memref<128x128xf32, #tpu.memory_space<vmem_shared>>
        tpu.enqueue_dma source(%dma_start3A_36 : memref<128x128xf32, #tpu.memory_space<vmem_shared>>) target(%dma_start3A_34 : memref<128x128xf32, #tpu.memory_space<hbm>>) target_semaphore(%run_scoped3A : memref<!tpu.dma_semaphore, #tpu.memory_space<semaphore_mem>>)
        %dma_wait3A = arith.constant 0 : i32
        %dma_wait3A_37 = tpu.memref_slice %arg4[%arg0, %add3A_32, %dma_wait3A] : memref<2x10240x128xf32, #tpu.memory_space<hbm>> -> memref<1x128x128xf32, #tpu.memory_space<hbm>>
        %dma_wait3A_38 = tpu.memref_squeeze %dma_wait3A_37 : memref<1x128x128xf32, #tpu.memory_space<hbm>> -> memref<128x128xf32, #tpu.memory_space<hbm>>
        %dma_wait3A_39 = arith.constant 0 : i32
        %dma_wait3A_40 = tpu.memref_slice %arg8[%add3A_32, %dma_wait3A_39] : memref<10240x128xf32, #tpu.memory_space<vmem_shared>> -> memref<128x128xf32, #tpu.memory_space<vmem_shared>>
        tpu.wait_dma2 semaphore(%run_scoped3A : memref<!tpu.dma_semaphore, #tpu.memory_space<semaphore_mem>>) src(%dma_wait3A_40 : memref<128x128xf32, #tpu.memory_space<vmem_shared>>) dst(%dma_wait3A_38 : memref<128x128xf32, #tpu.memory_space<hbm>>)
        tpu.yield
      }) : () -> ()
    }
    %scan3A_26 = arith.constant 5 : i32
    return
  }
}

module attributes {stable_mosaic.version = 14 : i64} {
  func.func @_encode_body(%arg0: i32, %arg1: memref<2000x8xf32, #tpu.memory_space<vmem>>, %arg2: memref<2000x8xf32, #tpu.memory_space<vmem>>, %arg3: memref<8x128xf32, #tpu.memory_space<vmem>>, %arg4: memref<1x128xf32, #tpu.memory_space<vmem>>, %arg5: memref<128x128xf32, #tpu.memory_space<vmem>>, %arg6: memref<1x128xf32, #tpu.memory_space<vmem>>, %arg7: memref<128x128xf32, #tpu.memory_space<vmem>>, %arg8: memref<1x128xf32, #tpu.memory_space<vmem>>, %arg9: memref<1x128xf32, #tpu.memory_space<vmem>>, %arg10: memref<1x128xf32, #tpu.memory_space<vmem>>, %arg11: memref<128x128xf32, #tpu.memory_space<vmem>>, %arg12: memref<128x128xf32, #tpu.memory_space<vmem>>, %arg13: memref<1x128xf32, #tpu.memory_space<vmem>>, %arg14: memref<2000x128xf32, #tpu.memory_space<vmem>>, %arg15: memref<2000x128xf32, #tpu.memory_space<vmem>>, %arg16: memref<2000x128xf32, #tpu.memory_space<vmem>>) attributes {dimension_semantics = [#tpu.dimension_semantics<arbitrary>], iteration_bounds = array<i64: 5>, scalar_prefetch = 0 : i64, scratch_operands = 0 : i64, tpu.core_type = #tpu.core_type<tc>, window_params = [{transform_indices = @transform_0, window_bounds = array<i64: 2000, 8>}, {transform_indices = @transform_1, window_bounds = array<i64: 2000, 8>}, {pipeline_mode = #tpu.pipeline_mode<synchronous>, transform_indices = @transform_2, window_bounds = array<i64: 8, 128>}, {pipeline_mode = #tpu.pipeline_mode<synchronous>, transform_indices = @transform_3, window_bounds = array<i64: 1, 128>}, {pipeline_mode = #tpu.pipeline_mode<synchronous>, transform_indices = @transform_4, window_bounds = array<i64: 128, 128>}, {pipeline_mode = #tpu.pipeline_mode<synchronous>, transform_indices = @transform_5, window_bounds = array<i64: 1, 128>}, {pipeline_mode = #tpu.pipeline_mode<synchronous>, transform_indices = @transform_6, window_bounds = array<i64: 128, 128>}, {pipeline_mode = #tpu.pipeline_mode<synchronous>, transform_indices = @transform_7, window_bounds = array<i64: 1, 128>}, {pipeline_mode = #tpu.pipeline_mode<synchronous>, transform_indices = @transform_8, window_bounds = array<i64: 1, 128>}, {pipeline_mode = #tpu.pipeline_mode<synchronous>, transform_indices = @transform_9, window_bounds = array<i64: 1, 128>}, {pipeline_mode = #tpu.pipeline_mode<synchronous>, transform_indices = @transform_10, window_bounds = array<i64: 128, 128>}, {pipeline_mode = #tpu.pipeline_mode<synchronous>, transform_indices = @transform_11, window_bounds = array<i64: 128, 128>}, {pipeline_mode = #tpu.pipeline_mode<synchronous>, transform_indices = @transform_12, window_bounds = array<i64: 1, 128>}, {transform_indices = @transform_13, window_bounds = array<i64: 2000, 128>}, {transform_indices = @transform_14, window_bounds = array<i64: 2000, 128>}, {transform_indices = @transform_15, window_bounds = array<i64: 2000, 128>}]} {
    %get3A = arith.constant 0 : index
    %get3A_0 = arith.constant 0 : index
    %get3A_1 = vector.load %arg1[%get3A, %get3A_0] : memref<2000x8xf32, #tpu.memory_space<vmem>>, vector<2000x8xf32>
    %get3A_2 = arith.constant 0 : index
    %get3A_3 = arith.constant 0 : index
    %get3A_4 = vector.load %arg2[%get3A_2, %get3A_3] : memref<2000x8xf32, #tpu.memory_space<vmem>>, vector<2000x8xf32>
    %slice3A = vector.extract_strided_slice %get3A_1 {offsets = [0, 4], sizes = [2000, 1], strides = [1, 1]} : vector<2000x8xf32> to vector<2000x1xf32>
    %eq3A = arith.constant 0.000000e+00 : f32
    %eq3A_5 = vector.broadcast %eq3A : f32 to vector<2000x1xf32>
    %eq3A_6 = arith.cmpf oeq, %slice3A, %eq3A_5 : vector<2000x1xf32>
    %eq3A_7 = arith.constant 5.000000e+00 : f32
    %eq3A_8 = vector.broadcast %eq3A_7 : f32 to vector<2000x1xf32>
    %eq3A_9 = arith.cmpf oeq, %slice3A, %eq3A_8 : vector<2000x1xf32>
    %or3A = arith.ori %eq3A_6, %eq3A_9 : vector<2000x1xi1>
    %slice3A_10 = vector.extract_strided_slice %get3A_1 {offsets = [0, 0], sizes = [2000, 2], strides = [1, 1]} : vector<2000x8xf32> to vector<2000x2xf32>
    %slice3A_11 = vector.extract_strided_slice %get3A_4 {offsets = [0, 0], sizes = [2000, 2], strides = [1, 1]} : vector<2000x8xf32> to vector<2000x2xf32>
    %broadcast_in_dim3A = vector.shape_cast %or3A : vector<2000x1xi1> to vector<2000x1xi1>
    %broadcast_in_dim3A_12 = vector.broadcast %broadcast_in_dim3A : vector<2000x1xi1> to vector<2000x2xi1>
    %select_n3A = arith.select %broadcast_in_dim3A_12, %slice3A_10, %slice3A_11 : vector<2000x2xi1>, vector<2000x2xf32>
    %get3A_13 = arith.constant 0 : index
    %get3A_14 = arith.constant 0 : index
    %get3A_15 = vector.load %arg3[%get3A_13, %get3A_14] : memref<8x128xf32, #tpu.memory_space<vmem>>, vector<8x128xf32>
    %slice3A_16 = vector.extract_strided_slice %select_n3A {offsets = [0, 0], sizes = [2000, 1], strides = [1, 1]} : vector<2000x2xf32> to vector<2000x1xf32>
    %slice3A_17 = vector.extract_strided_slice %get3A_15 {offsets = [0, 0], sizes = [1, 128], strides = [1, 1]} : vector<8x128xf32> to vector<1x128xf32>
    %mul3A = vector.broadcast %slice3A_16 : vector<2000x1xf32> to vector<2000x128xf32>
    %mul3A_18 = vector.broadcast %slice3A_17 : vector<1x128xf32> to vector<2000x128xf32>
    %mul3A_19 = arith.mulf %mul3A, %mul3A_18 : vector<2000x128xf32>
    %slice3A_20 = vector.extract_strided_slice %select_n3A {offsets = [0, 1], sizes = [2000, 1], strides = [1, 1]} : vector<2000x2xf32> to vector<2000x1xf32>
    %slice3A_21 = vector.extract_strided_slice %get3A_15 {offsets = [1, 0], sizes = [1, 128], strides = [1, 1]} : vector<8x128xf32> to vector<1x128xf32>
    %mul3A_22 = vector.broadcast %slice3A_20 : vector<2000x1xf32> to vector<2000x128xf32>
    %mul3A_23 = vector.broadcast %slice3A_21 : vector<1x128xf32> to vector<2000x128xf32>
    %mul3A_24 = arith.mulf %mul3A_22, %mul3A_23 : vector<2000x128xf32>
    %add3A = arith.addf %mul3A_19, %mul3A_24 : vector<2000x128xf32>
    %slice3A_25 = vector.extract_strided_slice %get3A_15 {offsets = [2, 0], sizes = [1, 128], strides = [1, 1]} : vector<8x128xf32> to vector<1x128xf32>
    %mul3A_26 = vector.broadcast %slice3A : vector<2000x1xf32> to vector<2000x128xf32>
    %mul3A_27 = vector.broadcast %slice3A_25 : vector<1x128xf32> to vector<2000x128xf32>
    %mul3A_28 = arith.mulf %mul3A_26, %mul3A_27 : vector<2000x128xf32>
    %add3A_29 = arith.addf %add3A, %mul3A_28 : vector<2000x128xf32>
    %get3A_30 = arith.constant 0 : index
    %get3A_31 = arith.constant 0 : index
    %get3A_32 = vector.load %arg4[%get3A_30, %get3A_31] : memref<1x128xf32, #tpu.memory_space<vmem>>, vector<1x128xf32>
    %add3A_33 = vector.broadcast %get3A_32 : vector<1x128xf32> to vector<2000x128xf32>
    %add3A_34 = arith.addf %add3A_29, %add3A_33 : vector<2000x128xf32>
    %max3A = arith.constant 0.000000e+00 : f32
    %max3A_35 = vector.broadcast %max3A : f32 to vector<2000x128xf32>
    %max3A_36 = arith.maximumf %add3A_34, %max3A_35 : vector<2000x128xf32>
    %get3A_37 = arith.constant 0 : index
    %get3A_38 = arith.constant 0 : index
    %get3A_39 = vector.load %arg5[%get3A_37, %get3A_38] : memref<128x128xf32, #tpu.memory_space<vmem>>, vector<128x128xf32>
    %dot_general3A = arith.constant dense<0.000000e+00> : vector<2000x128xf32>
    %dot_general3A_40 = tpu.matmul %max3A_36, %get3A_39, %dot_general3A {dimension_numbers = #tpu.dot_dimension_numbers<[1], [0], [0], [1], [0, 0, 1, 1], [], []>, transpose_lhs_hint = false} : vector<2000x128xf32>, vector<128x128xf32>, vector<2000x128xf32> -> vector<2000x128xf32>
    %get3A_41 = arith.constant 0 : index
    %get3A_42 = arith.constant 0 : index
    %get3A_43 = vector.load %arg6[%get3A_41, %get3A_42] : memref<1x128xf32, #tpu.memory_space<vmem>>, vector<1x128xf32>
    %add3A_44 = vector.broadcast %get3A_43 : vector<1x128xf32> to vector<2000x128xf32>
    %add3A_45 = arith.addf %dot_general3A_40, %add3A_44 : vector<2000x128xf32>
    %max3A_46 = arith.constant 0.000000e+00 : f32
    %max3A_47 = vector.broadcast %max3A_46 : f32 to vector<2000x128xf32>
    %max3A_48 = arith.maximumf %add3A_45, %max3A_47 : vector<2000x128xf32>
    %get3A_49 = arith.constant 0 : index
    %get3A_50 = arith.constant 0 : index
    %get3A_51 = vector.load %arg7[%get3A_49, %get3A_50] : memref<128x128xf32, #tpu.memory_space<vmem>>, vector<128x128xf32>
    %dot_general3A_52 = arith.constant dense<0.000000e+00> : vector<2000x128xf32>
    %dot_general3A_53 = tpu.matmul %max3A_48, %get3A_51, %dot_general3A_52 {dimension_numbers = #tpu.dot_dimension_numbers<[1], [0], [0], [1], [0, 0, 1, 1], [], []>, transpose_lhs_hint = false} : vector<2000x128xf32>, vector<128x128xf32>, vector<2000x128xf32> -> vector<2000x128xf32>
    %get3A_54 = arith.constant 0 : index
    %get3A_55 = arith.constant 0 : index
    %get3A_56 = vector.load %arg8[%get3A_54, %get3A_55] : memref<1x128xf32, #tpu.memory_space<vmem>>, vector<1x128xf32>
    %add3A_57 = vector.broadcast %get3A_56 : vector<1x128xf32> to vector<2000x128xf32>
    %add3A_58 = arith.addf %dot_general3A_53, %add3A_57 : vector<2000x128xf32>
    %get3A_59 = arith.constant 0 : index
    %get3A_60 = arith.constant 0 : index
    %get3A_61 = vector.load %arg9[%get3A_59, %get3A_60] : memref<1x128xf32, #tpu.memory_space<vmem>>, vector<1x128xf32>
    %get3A_62 = arith.constant 0 : index
    %get3A_63 = arith.constant 0 : index
    %get3A_64 = vector.load %arg10[%get3A_62, %get3A_63] : memref<1x128xf32, #tpu.memory_space<vmem>>, vector<1x128xf32>
    %reduce_sum3A = arith.constant dense<0.000000e+00> : vector<2000xf32>
    %reduce_sum3A_65 = vector.multi_reduction <add>, %add3A_58, %reduce_sum3A [1] : vector<2000x128xf32> to vector<2000xf32>
    %broadcast_in_dim3A_66 = vector.shape_cast %reduce_sum3A_65 : vector<2000xf32> to vector<2000x1xf32>
    %div3A = arith.constant 1.280000e+02 : f32
    %div3A_67 = vector.broadcast %div3A : f32 to vector<2000x1xf32>
    %div3A_68 = arith.divf %broadcast_in_dim3A_66, %div3A_67 : vector<2000x1xf32>
    %sub3A = vector.broadcast %div3A_68 : vector<2000x1xf32> to vector<2000x128xf32>
    %sub3A_69 = arith.subf %add3A_58, %sub3A : vector<2000x128xf32>
    %integer_pow3A = arith.mulf %sub3A_69, %sub3A_69 : vector<2000x128xf32>
    %reduce_sum3A_70 = arith.constant dense<0.000000e+00> : vector<2000xf32>
    %reduce_sum3A_71 = vector.multi_reduction <add>, %integer_pow3A, %reduce_sum3A_70 [1] : vector<2000x128xf32> to vector<2000xf32>
    %broadcast_in_dim3A_72 = vector.shape_cast %reduce_sum3A_71 : vector<2000xf32> to vector<2000x1xf32>
    %div3A_73 = arith.constant 1.280000e+02 : f32
    %div3A_74 = vector.broadcast %div3A_73 : f32 to vector<2000x1xf32>
    %div3A_75 = arith.divf %broadcast_in_dim3A_72, %div3A_74 : vector<2000x1xf32>
    %sub3A_76 = vector.broadcast %div3A_68 : vector<2000x1xf32> to vector<2000x128xf32>
    %sub3A_77 = arith.subf %add3A_58, %sub3A_76 : vector<2000x128xf32>
    %add3A_78 = arith.constant 9.99999974E-6 : f32
    %add3A_79 = vector.broadcast %add3A_78 : f32 to vector<2000x1xf32>
    %add3A_80 = arith.addf %div3A_75, %add3A_79 : vector<2000x1xf32>
    %rsqrt3A = math.rsqrt %add3A_80 : vector<2000x1xf32>
    %mul3A_81 = vector.broadcast %rsqrt3A : vector<2000x1xf32> to vector<2000x128xf32>
    %mul3A_82 = arith.mulf %sub3A_77, %mul3A_81 : vector<2000x128xf32>
    %mul3A_83 = vector.broadcast %get3A_61 : vector<1x128xf32> to vector<2000x128xf32>
    %mul3A_84 = arith.mulf %mul3A_82, %mul3A_83 : vector<2000x128xf32>
    %add3A_85 = vector.broadcast %get3A_64 : vector<1x128xf32> to vector<2000x128xf32>
    %add3A_86 = arith.addf %mul3A_84, %add3A_85 : vector<2000x128xf32>
    %swap3A = arith.constant 0 : index
    %swap3A_87 = arith.constant 0 : index
    %swap3A_88 = vector.load %arg14[%swap3A, %swap3A_87] : memref<2000x128xf32, #tpu.memory_space<vmem>>, vector<2000x128xf32>
    tpu.vector_store %arg14[%swap3A, %swap3A_87], %add3A_86 {strides = array<i32>} : memref<2000x128xf32, #tpu.memory_space<vmem>>, vector<2000x128xf32>,
    %get3A_89 = arith.constant 0 : index
    %get3A_90 = arith.constant 0 : index
    %get3A_91 = vector.load %arg11[%get3A_89, %get3A_90] : memref<128x128xf32, #tpu.memory_space<vmem>>, vector<128x128xf32>
    %dot_general3A_92 = arith.constant dense<0.000000e+00> : vector<2000x128xf32>
    %dot_general3A_93 = tpu.matmul %add3A_86, %get3A_91, %dot_general3A_92 {dimension_numbers = #tpu.dot_dimension_numbers<[1], [0], [0], [1], [0, 0, 1, 1], [], []>, transpose_lhs_hint = false} : vector<2000x128xf32>, vector<128x128xf32>, vector<2000x128xf32> -> vector<2000x128xf32>
    %get3A_94 = arith.constant 0 : index
    %get3A_95 = arith.constant 0 : index
    %get3A_96 = vector.load %arg13[%get3A_94, %get3A_95] : memref<1x128xf32, #tpu.memory_space<vmem>>, vector<1x128xf32>
    %add3A_97 = vector.broadcast %get3A_96 : vector<1x128xf32> to vector<2000x128xf32>
    %add3A_98 = arith.addf %dot_general3A_93, %add3A_97 : vector<2000x128xf32>
    %swap3A_99 = arith.constant 0 : index
    %swap3A_100 = arith.constant 0 : index
    %swap3A_101 = vector.load %arg15[%swap3A_99, %swap3A_100] : memref<2000x128xf32, #tpu.memory_space<vmem>>, vector<2000x128xf32>
    tpu.vector_store %arg15[%swap3A_99, %swap3A_100], %add3A_98 {strides = array<i32>} : memref<2000x128xf32, #tpu.memory_space<vmem>>, vector<2000x128xf32>,
    %get3A_102 = arith.constant 0 : index
    %get3A_103 = arith.constant 0 : index
    %get3A_104 = vector.load %arg12[%get3A_102, %get3A_103] : memref<128x128xf32, #tpu.memory_space<vmem>>, vector<128x128xf32>
    %dot_general3A_105 = arith.constant dense<0.000000e+00> : vector<2000x128xf32>
    %dot_general3A_106 = tpu.matmul %add3A_86, %get3A_104, %dot_general3A_105 {dimension_numbers = #tpu.dot_dimension_numbers<[1], [0], [0], [1], [0, 0, 1, 1], [], []>, transpose_lhs_hint = false} : vector<2000x128xf32>, vector<128x128xf32>, vector<2000x128xf32> -> vector<2000x128xf32>
    %get3A_107 = arith.constant 0 : index
    %get3A_108 = arith.constant 0 : index
    %get3A_109 = vector.load %arg13[%get3A_107, %get3A_108] : memref<1x128xf32, #tpu.memory_space<vmem>>, vector<1x128xf32>
    %add3A_110 = vector.broadcast %get3A_109 : vector<1x128xf32> to vector<2000x128xf32>
    %add3A_111 = arith.addf %dot_general3A_106, %add3A_110 : vector<2000x128xf32>
    %swap3A_112 = arith.constant 0 : index
    %swap3A_113 = arith.constant 0 : index
    %swap3A_114 = vector.load %arg16[%swap3A_112, %swap3A_113] : memref<2000x128xf32, #tpu.memory_space<vmem>>, vector<2000x128xf32>
    tpu.vector_store %arg16[%swap3A_112, %swap3A_113], %add3A_111 {strides = array<i32>} : memref<2000x128xf32, #tpu.memory_space<vmem>>, vector<2000x128xf32>,
    return
  }
  func.func @transform_0(%arg0: i32) -> (i32, i32) {
    %c0_i32 = arith.constant 0 : i32
    %c0_i32_0 = arith.constant 0 : i32
    return %arg0, %c0_i32 : i32, i32
  }
  func.func @transform_1(%arg0: i32) -> (i32, i32) {
    %c0_i32 = arith.constant 0 : i32
    %c0_i32_0 = arith.constant 0 : i32
    return %arg0, %c0_i32 : i32, i32
  }
  func.func @transform_2(%arg0: i32) -> (i32, i32) {
    %c0_i32 = arith.constant 0 : i32
    %c0_i32_0 = arith.constant 0 : i32
    %c0_i32_1 = arith.constant 0 : i32
    return %c0_i32, %c0_i32_0 : i32, i32
  }
  func.func @transform_3(%arg0: i32) -> (i32, i32) {
    %c0_i32 = arith.constant 0 : i32
    %c0_i32_0 = arith.constant 0 : i32
    %c0_i32_1 = arith.constant 0 : i32
    return %c0_i32, %c0_i32_0 : i32, i32
  }
  func.func @transform_4(%arg0: i32) -> (i32, i32) {
    %c0_i32 = arith.constant 0 : i32
    %c0_i32_0 = arith.constant 0 : i32
    %c0_i32_1 = arith.constant 0 : i32
    return %c0_i32, %c0_i32_0 : i32, i32
  }
  func.func @transform_5(%arg0: i32) -> (i32, i32) {
    %c0_i32 = arith.constant 0 : i32
    %c0_i32_0 = arith.constant 0 : i32
    %c0_i32_1 = arith.constant 0 : i32
    return %c0_i32, %c0_i32_0 : i32, i32
  }
  func.func @transform_6(%arg0: i32) -> (i32, i32) {
    %c0_i32 = arith.constant 0 : i32
    %c0_i32_0 = arith.constant 0 : i32
    %c0_i32_1 = arith.constant 0 : i32
    return %c0_i32, %c0_i32_0 : i32, i32
  }
  func.func @transform_7(%arg0: i32) -> (i32, i32) {
    %c0_i32 = arith.constant 0 : i32
    %c0_i32_0 = arith.constant 0 : i32
    %c0_i32_1 = arith.constant 0 : i32
    return %c0_i32, %c0_i32_0 : i32, i32
  }
  func.func @transform_8(%arg0: i32) -> (i32, i32) {
    %c0_i32 = arith.constant 0 : i32
    %c0_i32_0 = arith.constant 0 : i32
    %c0_i32_1 = arith.constant 0 : i32
    return %c0_i32, %c0_i32_0 : i32, i32
  }
  func.func @transform_9(%arg0: i32) -> (i32, i32) {
    %c0_i32 = arith.constant 0 : i32
    %c0_i32_0 = arith.constant 0 : i32
    %c0_i32_1 = arith.constant 0 : i32
    return %c0_i32, %c0_i32_0 : i32, i32
  }
  func.func @transform_10(%arg0: i32) -> (i32, i32) {
    %c0_i32 = arith.constant 0 : i32
    %c0_i32_0 = arith.constant 0 : i32
    %c0_i32_1 = arith.constant 0 : i32
    return %c0_i32, %c0_i32_0 : i32, i32
  }
  func.func @transform_11(%arg0: i32) -> (i32, i32) {
    %c0_i32 = arith.constant 0 : i32
    %c0_i32_0 = arith.constant 0 : i32
    %c0_i32_1 = arith.constant 0 : i32
    return %c0_i32, %c0_i32_0 : i32, i32
  }
  func.func @transform_12(%arg0: i32) -> (i32, i32) {
    %c0_i32 = arith.constant 0 : i32
    %c0_i32_0 = arith.constant 0 : i32
    %c0_i32_1 = arith.constant 0 : i32
    return %c0_i32, %c0_i32_0 : i32, i32
  }
  func.func @transform_13(%arg0: i32) -> (i32, i32) {
    %c0_i32 = arith.constant 0 : i32
    %c0_i32_0 = arith.constant 0 : i32
    return %arg0, %c0_i32 : i32, i32
  }
  func.func @transform_14(%arg0: i32) -> (i32, i32) {
    %c0_i32 = arith.constant 0 : i32
    %c0_i32_0 = arith.constant 0 : i32
    return %arg0, %c0_i32 : i32, i32
  }
  func.func @transform_15(%arg0: i32) -> (i32, i32) {
    %c0_i32 = arith.constant 0 : i32
    %c0_i32_0 = arith.constant 0 : i32
    return %arg0, %c0_i32 : i32, i32
  }
}

module attributes {stable_mosaic.version = 14 : i64} {
  func.func @_edge_body(%arg0: i32, %arg1: memref<3200x128xf32, #tpu.memory_space<vmem>>, %arg2: memref<128x128xf32, #tpu.memory_space<vmem>>, %arg3: memref<1x128xf32, #tpu.memory_space<vmem>>, %arg4: memref<128x128xf32, #tpu.memory_space<vmem>>, %arg5: memref<1x128xf32, #tpu.memory_space<vmem>>, %arg6: memref<1x128xf32, #tpu.memory_space<vmem>>, %arg7: memref<1x128xf32, #tpu.memory_space<vmem>>, %arg8: memref<3200x128xf32, #tpu.memory_space<vmem>>) attributes {dimension_semantics = [#tpu.dimension_semantics<arbitrary>], iteration_bounds = array<i64: 100>, scalar_prefetch = 0 : i64, scratch_operands = 0 : i64, tpu.core_type = #tpu.core_type<tc>, window_params = [{transform_indices = @transform_0, window_bounds = array<i64: 3200, 128>}, {pipeline_mode = #tpu.pipeline_mode<synchronous>, transform_indices = @transform_1, window_bounds = array<i64: 128, 128>}, {pipeline_mode = #tpu.pipeline_mode<synchronous>, transform_indices = @transform_2, window_bounds = array<i64: 1, 128>}, {pipeline_mode = #tpu.pipeline_mode<synchronous>, transform_indices = @transform_3, window_bounds = array<i64: 128, 128>}, {pipeline_mode = #tpu.pipeline_mode<synchronous>, transform_indices = @transform_4, window_bounds = array<i64: 1, 128>}, {pipeline_mode = #tpu.pipeline_mode<synchronous>, transform_indices = @transform_5, window_bounds = array<i64: 1, 128>}, {pipeline_mode = #tpu.pipeline_mode<synchronous>, transform_indices = @transform_6, window_bounds = array<i64: 1, 128>}, {transform_indices = @transform_7, window_bounds = array<i64: 3200, 128>}]} {
    %get3A = arith.constant 0 : index
    %get3A_0 = arith.constant 0 : index
    %get3A_1 = vector.load %arg1[%get3A, %get3A_0] : memref<3200x128xf32, #tpu.memory_space<vmem>>, vector<3200x128xf32>
    %get3A_2 = arith.constant 0 : index
    %get3A_3 = arith.constant 0 : index
    %get3A_4 = vector.load %arg2[%get3A_2, %get3A_3] : memref<128x128xf32, #tpu.memory_space<vmem>>, vector<128x128xf32>
    %dot_general3A = arith.constant dense<0.000000e+00> : vector<3200x128xf32>
    %dot_general3A_5 = tpu.matmul %get3A_1, %get3A_4, %dot_general3A {dimension_numbers = #tpu.dot_dimension_numbers<[1], [0], [0], [1], [0, 0, 1, 1], [], []>, transpose_lhs_hint = false} : vector<3200x128xf32>, vector<128x128xf32>, vector<3200x128xf32> -> vector<3200x128xf32>
    %get3A_6 = arith.constant 0 : index
    %get3A_7 = arith.constant 0 : index
    %get3A_8 = vector.load %arg3[%get3A_6, %get3A_7] : memref<1x128xf32, #tpu.memory_space<vmem>>, vector<1x128xf32>
    %add3A = vector.broadcast %get3A_8 : vector<1x128xf32> to vector<3200x128xf32>
    %add3A_9 = arith.addf %dot_general3A_5, %add3A : vector<3200x128xf32>
    %max3A = arith.constant 0.000000e+00 : f32
    %max3A_10 = vector.broadcast %max3A : f32 to vector<3200x128xf32>
    %max3A_11 = arith.maximumf %add3A_9, %max3A_10 : vector<3200x128xf32>
    %get3A_12 = arith.constant 0 : index
    %get3A_13 = arith.constant 0 : index
    %get3A_14 = vector.load %arg4[%get3A_12, %get3A_13] : memref<128x128xf32, #tpu.memory_space<vmem>>, vector<128x128xf32>
    %dot_general3A_15 = arith.constant dense<0.000000e+00> : vector<3200x128xf32>
    %dot_general3A_16 = tpu.matmul %max3A_11, %get3A_14, %dot_general3A_15 {dimension_numbers = #tpu.dot_dimension_numbers<[1], [0], [0], [1], [0, 0, 1, 1], [], []>, transpose_lhs_hint = false} : vector<3200x128xf32>, vector<128x128xf32>, vector<3200x128xf32> -> vector<3200x128xf32>
    %get3A_17 = arith.constant 0 : index
    %get3A_18 = arith.constant 0 : index
    %get3A_19 = vector.load %arg5[%get3A_17, %get3A_18] : memref<1x128xf32, #tpu.memory_space<vmem>>, vector<1x128xf32>
    %add3A_20 = vector.broadcast %get3A_19 : vector<1x128xf32> to vector<3200x128xf32>
    %add3A_21 = arith.addf %dot_general3A_16, %add3A_20 : vector<3200x128xf32>
    %get3A_22 = arith.constant 0 : index
    %get3A_23 = arith.constant 0 : index
    %get3A_24 = vector.load %arg6[%get3A_22, %get3A_23] : memref<1x128xf32, #tpu.memory_space<vmem>>, vector<1x128xf32>
    %get3A_25 = arith.constant 0 : index
    %get3A_26 = arith.constant 0 : index
    %get3A_27 = vector.load %arg7[%get3A_25, %get3A_26] : memref<1x128xf32, #tpu.memory_space<vmem>>, vector<1x128xf32>
    %reduce_sum3A = arith.constant dense<0.000000e+00> : vector<3200xf32>
    %reduce_sum3A_28 = vector.multi_reduction <add>, %add3A_21, %reduce_sum3A [1] : vector<3200x128xf32> to vector<3200xf32>
    %broadcast_in_dim3A = vector.shape_cast %reduce_sum3A_28 : vector<3200xf32> to vector<3200x1xf32>
    %div3A = arith.constant 1.280000e+02 : f32
    %div3A_29 = vector.broadcast %div3A : f32 to vector<3200x1xf32>
    %div3A_30 = arith.divf %broadcast_in_dim3A, %div3A_29 : vector<3200x1xf32>
    %sub3A = vector.broadcast %div3A_30 : vector<3200x1xf32> to vector<3200x128xf32>
    %sub3A_31 = arith.subf %add3A_21, %sub3A : vector<3200x128xf32>
    %integer_pow3A = arith.mulf %sub3A_31, %sub3A_31 : vector<3200x128xf32>
    %reduce_sum3A_32 = arith.constant dense<0.000000e+00> : vector<3200xf32>
    %reduce_sum3A_33 = vector.multi_reduction <add>, %integer_pow3A, %reduce_sum3A_32 [1] : vector<3200x128xf32> to vector<3200xf32>
    %broadcast_in_dim3A_34 = vector.shape_cast %reduce_sum3A_33 : vector<3200xf32> to vector<3200x1xf32>
    %div3A_35 = arith.constant 1.280000e+02 : f32
    %div3A_36 = vector.broadcast %div3A_35 : f32 to vector<3200x1xf32>
    %div3A_37 = arith.divf %broadcast_in_dim3A_34, %div3A_36 : vector<3200x1xf32>
    %sub3A_38 = vector.broadcast %div3A_30 : vector<3200x1xf32> to vector<3200x128xf32>
    %sub3A_39 = arith.subf %add3A_21, %sub3A_38 : vector<3200x128xf32>
    %add3A_40 = arith.constant 9.99999974E-6 : f32
    %add3A_41 = vector.broadcast %add3A_40 : f32 to vector<3200x1xf32>
    %add3A_42 = arith.addf %div3A_37, %add3A_41 : vector<3200x1xf32>
    %rsqrt3A = math.rsqrt %add3A_42 : vector<3200x1xf32>
    %mul3A = vector.broadcast %rsqrt3A : vector<3200x1xf32> to vector<3200x128xf32>
    %mul3A_43 = arith.mulf %sub3A_39, %mul3A : vector<3200x128xf32>
    %mul3A_44 = vector.broadcast %get3A_24 : vector<1x128xf32> to vector<3200x128xf32>
    %mul3A_45 = arith.mulf %mul3A_43, %mul3A_44 : vector<3200x128xf32>
    %add3A_46 = vector.broadcast %get3A_27 : vector<1x128xf32> to vector<3200x128xf32>
    %add3A_47 = arith.addf %mul3A_45, %add3A_46 : vector<3200x128xf32>
    %swap3A = arith.constant 0 : index
    %swap3A_48 = arith.constant 0 : index
    %swap3A_49 = vector.load %arg8[%swap3A, %swap3A_48] : memref<3200x128xf32, #tpu.memory_space<vmem>>, vector<3200x128xf32>
    tpu.vector_store %arg8[%swap3A, %swap3A_48], %add3A_47 {strides = array<i32>} : memref<3200x128xf32, #tpu.memory_space<vmem>>, vector<3200x128xf32>,
    return
  }
  func.func @transform_0(%arg0: i32) -> (i32, i32) {
    %c0_i32 = arith.constant 0 : i32
    %c0_i32_0 = arith.constant 0 : i32
    return %arg0, %c0_i32 : i32, i32
  }
  func.func @transform_1(%arg0: i32) -> (i32, i32) {
    %c0_i32 = arith.constant 0 : i32
    %c0_i32_0 = arith.constant 0 : i32
    %c0_i32_1 = arith.constant 0 : i32
    return %c0_i32, %c0_i32_0 : i32, i32
  }
  func.func @transform_2(%arg0: i32) -> (i32, i32) {
    %c0_i32 = arith.constant 0 : i32
    %c0_i32_0 = arith.constant 0 : i32
    %c0_i32_1 = arith.constant 0 : i32
    return %c0_i32, %c0_i32_0 : i32, i32
  }
  func.func @transform_3(%arg0: i32) -> (i32, i32) {
    %c0_i32 = arith.constant 0 : i32
    %c0_i32_0 = arith.constant 0 : i32
    %c0_i32_1 = arith.constant 0 : i32
    return %c0_i32, %c0_i32_0 : i32, i32
  }
  func.func @transform_4(%arg0: i32) -> (i32, i32) {
    %c0_i32 = arith.constant 0 : i32
    %c0_i32_0 = arith.constant 0 : i32
    %c0_i32_1 = arith.constant 0 : i32
    return %c0_i32, %c0_i32_0 : i32, i32
  }
  func.func @transform_5(%arg0: i32) -> (i32, i32) {
    %c0_i32 = arith.constant 0 : i32
    %c0_i32_0 = arith.constant 0 : i32
    %c0_i32_1 = arith.constant 0 : i32
    return %c0_i32, %c0_i32_0 : i32, i32
  }
  func.func @transform_6(%arg0: i32) -> (i32, i32) {
    %c0_i32 = arith.constant 0 : i32
    %c0_i32_0 = arith.constant 0 : i32
    %c0_i32_1 = arith.constant 0 : i32
    return %c0_i32, %c0_i32_0 : i32, i32
  }
  func.func @transform_7(%arg0: i32) -> (i32, i32) {
    %c0_i32 = arith.constant 0 : i32
    %c0_i32_0 = arith.constant 0 : i32
    return %arg0, %c0_i32 : i32, i32
  }
}

module attributes {stable_mosaic.version = 14 : i64} {
  func.func @_node_body(%arg0: i32, %arg1: memref<2000x128xf32, #tpu.memory_space<vmem>>, %arg2: memref<2000x128xf32, #tpu.memory_space<vmem>>, %arg3: memref<2000x128xf32, #tpu.memory_space<vmem>>, %arg4: memref<128x128xf32, #tpu.memory_space<vmem>>, %arg5: memref<128x128xf32, #tpu.memory_space<vmem>>, %arg6: memref<1x128xf32, #tpu.memory_space<vmem>>, %arg7: memref<128x128xf32, #tpu.memory_space<vmem>>, %arg8: memref<1x128xf32, #tpu.memory_space<vmem>>, %arg9: memref<128x128xf32, #tpu.memory_space<vmem>>, %arg10: memref<1x128xf32, #tpu.memory_space<vmem>>, %arg11: memref<1x128xf32, #tpu.memory_space<vmem>>, %arg12: memref<1x128xf32, #tpu.memory_space<vmem>>, %arg13: memref<128x128xf32, #tpu.memory_space<vmem>>, %arg14: memref<128x128xf32, #tpu.memory_space<vmem>>, %arg15: memref<1x128xf32, #tpu.memory_space<vmem>>, %arg16: memref<2000x128xf32, #tpu.memory_space<vmem>>, %arg17: memref<2000x128xf32, #tpu.memory_space<vmem>>, %arg18: memref<2000x128xf32, #tpu.memory_space<vmem>>) attributes {dimension_semantics = [#tpu.dimension_semantics<arbitrary>], iteration_bounds = array<i64: 5>, scalar_prefetch = 0 : i64, scratch_operands = 0 : i64, tpu.core_type = #tpu.core_type<tc>, window_params = [{transform_indices = @transform_0, window_bounds = array<i64: 2000, 128>}, {transform_indices = @transform_1, window_bounds = array<i64: 2000, 128>}, {transform_indices = @transform_2, window_bounds = array<i64: 2000, 128>}, {pipeline_mode = #tpu.pipeline_mode<synchronous>, transform_indices = @transform_3, window_bounds = array<i64: 128, 128>}, {pipeline_mode = #tpu.pipeline_mode<synchronous>, transform_indices = @transform_4, window_bounds = array<i64: 128, 128>}, {pipeline_mode = #tpu.pipeline_mode<synchronous>, transform_indices = @transform_5, window_bounds = array<i64: 1, 128>}, {pipeline_mode = #tpu.pipeline_mode<synchronous>, transform_indices = @transform_6, window_bounds = array<i64: 128, 128>}, {pipeline_mode = #tpu.pipeline_mode<synchronous>, transform_indices = @transform_7, window_bounds = array<i64: 1, 128>}, {pipeline_mode = #tpu.pipeline_mode<synchronous>, transform_indices = @transform_8, window_bounds = array<i64: 128, 128>}, {pipeline_mode = #tpu.pipeline_mode<synchronous>, transform_indices = @transform_9, window_bounds = array<i64: 1, 128>}, {pipeline_mode = #tpu.pipeline_mode<synchronous>, transform_indices = @transform_10, window_bounds = array<i64: 1, 128>}, {pipeline_mode = #tpu.pipeline_mode<synchronous>, transform_indices = @transform_11, window_bounds = array<i64: 1, 128>}, {pipeline_mode = #tpu.pipeline_mode<synchronous>, transform_indices = @transform_12, window_bounds = array<i64: 128, 128>}, {pipeline_mode = #tpu.pipeline_mode<synchronous>, transform_indices = @transform_13, window_bounds = array<i64: 128, 128>}, {pipeline_mode = #tpu.pipeline_mode<synchronous>, transform_indices = @transform_14, window_bounds = array<i64: 1, 128>}, {transform_indices = @transform_15, window_bounds = array<i64: 2000, 128>}, {transform_indices = @transform_16, window_bounds = array<i64: 2000, 128>}, {transform_indices = @transform_17, window_bounds = array<i64: 2000, 128>}]} {
    %get3A = arith.constant 0 : index
    %get3A_0 = arith.constant 0 : index
    %get3A_1 = vector.load %arg1[%get3A, %get3A_0] : memref<2000x128xf32, #tpu.memory_space<vmem>>, vector<2000x128xf32>
    %get3A_2 = arith.constant 0 : index
    %get3A_3 = arith.constant 0 : index
    %get3A_4 = vector.load %arg2[%get3A_2, %get3A_3] : memref<2000x128xf32, #tpu.memory_space<vmem>>, vector<2000x128xf32>
    %get3A_5 = arith.constant 0 : index
    %get3A_6 = arith.constant 0 : index
    %get3A_7 = vector.load %arg3[%get3A_5, %get3A_6] : memref<2000x128xf32, #tpu.memory_space<vmem>>, vector<2000x128xf32>
    %add3A = arith.addf %get3A_4, %get3A_7 : vector<2000x128xf32>
    %get3A_8 = arith.constant 0 : index
    %get3A_9 = arith.constant 0 : index
    %get3A_10 = vector.load %arg4[%get3A_8, %get3A_9] : memref<128x128xf32, #tpu.memory_space<vmem>>, vector<128x128xf32>
    %dot_general3A = arith.constant dense<0.000000e+00> : vector<2000x128xf32>
    %dot_general3A_11 = tpu.matmul %get3A_1, %get3A_10, %dot_general3A {dimension_numbers = #tpu.dot_dimension_numbers<[1], [0], [0], [1], [0, 0, 1, 1], [], []>, transpose_lhs_hint = false} : vector<2000x128xf32>, vector<128x128xf32>, vector<2000x128xf32> -> vector<2000x128xf32>
    %get3A_12 = arith.constant 0 : index
    %get3A_13 = arith.constant 0 : index
    %get3A_14 = vector.load %arg5[%get3A_12, %get3A_13] : memref<128x128xf32, #tpu.memory_space<vmem>>, vector<128x128xf32>
    %dot_general3A_15 = arith.constant dense<0.000000e+00> : vector<2000x128xf32>
    %dot_general3A_16 = tpu.matmul %add3A, %get3A_14, %dot_general3A_15 {dimension_numbers = #tpu.dot_dimension_numbers<[1], [0], [0], [1], [0, 0, 1, 1], [], []>, transpose_lhs_hint = false} : vector<2000x128xf32>, vector<128x128xf32>, vector<2000x128xf32> -> vector<2000x128xf32>
    %add3A_17 = arith.addf %dot_general3A_11, %dot_general3A_16 : vector<2000x128xf32>
    %get3A_18 = arith.constant 0 : index
    %get3A_19 = arith.constant 0 : index
    %get3A_20 = vector.load %arg6[%get3A_18, %get3A_19] : memref<1x128xf32, #tpu.memory_space<vmem>>, vector<1x128xf32>
    %add3A_21 = vector.broadcast %get3A_20 : vector<1x128xf32> to vector<2000x128xf32>
    %add3A_22 = arith.addf %add3A_17, %add3A_21 : vector<2000x128xf32>
    %max3A = arith.constant 0.000000e+00 : f32
    %max3A_23 = vector.broadcast %max3A : f32 to vector<2000x128xf32>
    %max3A_24 = arith.maximumf %add3A_22, %max3A_23 : vector<2000x128xf32>
    %get3A_25 = arith.constant 0 : index
    %get3A_26 = arith.constant 0 : index
    %get3A_27 = vector.load %arg7[%get3A_25, %get3A_26] : memref<128x128xf32, #tpu.memory_space<vmem>>, vector<128x128xf32>
    %dot_general3A_28 = arith.constant dense<0.000000e+00> : vector<2000x128xf32>
    %dot_general3A_29 = tpu.matmul %max3A_24, %get3A_27, %dot_general3A_28 {dimension_numbers = #tpu.dot_dimension_numbers<[1], [0], [0], [1], [0, 0, 1, 1], [], []>, transpose_lhs_hint = false} : vector<2000x128xf32>, vector<128x128xf32>, vector<2000x128xf32> -> vector<2000x128xf32>
    %get3A_30 = arith.constant 0 : index
    %get3A_31 = arith.constant 0 : index
    %get3A_32 = vector.load %arg8[%get3A_30, %get3A_31] : memref<1x128xf32, #tpu.memory_space<vmem>>, vector<1x128xf32>
    %add3A_33 = vector.broadcast %get3A_32 : vector<1x128xf32> to vector<2000x128xf32>
    %add3A_34 = arith.addf %dot_general3A_29, %add3A_33 : vector<2000x128xf32>
    %max3A_35 = arith.constant 0.000000e+00 : f32
    %max3A_36 = vector.broadcast %max3A_35 : f32 to vector<2000x128xf32>
    %max3A_37 = arith.maximumf %add3A_34, %max3A_36 : vector<2000x128xf32>
    %get3A_38 = arith.constant 0 : index
    %get3A_39 = arith.constant 0 : index
    %get3A_40 = vector.load %arg9[%get3A_38, %get3A_39] : memref<128x128xf32, #tpu.memory_space<vmem>>, vector<128x128xf32>
    %dot_general3A_41 = arith.constant dense<0.000000e+00> : vector<2000x128xf32>
    %dot_general3A_42 = tpu.matmul %max3A_37, %get3A_40, %dot_general3A_41 {dimension_numbers = #tpu.dot_dimension_numbers<[1], [0], [0], [1], [0, 0, 1, 1], [], []>, transpose_lhs_hint = false} : vector<2000x128xf32>, vector<128x128xf32>, vector<2000x128xf32> -> vector<2000x128xf32>
    %get3A_43 = arith.constant 0 : index
    %get3A_44 = arith.constant 0 : index
    %get3A_45 = vector.load %arg10[%get3A_43, %get3A_44] : memref<1x128xf32, #tpu.memory_space<vmem>>, vector<1x128xf32>
    %add3A_46 = vector.broadcast %get3A_45 : vector<1x128xf32> to vector<2000x128xf32>
    %add3A_47 = arith.addf %dot_general3A_42, %add3A_46 : vector<2000x128xf32>
    %get3A_48 = arith.constant 0 : index
    %get3A_49 = arith.constant 0 : index
    %get3A_50 = vector.load %arg11[%get3A_48, %get3A_49] : memref<1x128xf32, #tpu.memory_space<vmem>>, vector<1x128xf32>
    %get3A_51 = arith.constant 0 : index
    %get3A_52 = arith.constant 0 : index
    %get3A_53 = vector.load %arg12[%get3A_51, %get3A_52] : memref<1x128xf32, #tpu.memory_space<vmem>>, vector<1x128xf32>
    %reduce_sum3A = arith.constant dense<0.000000e+00> : vector<2000xf32>
    %reduce_sum3A_54 = vector.multi_reduction <add>, %add3A_47, %reduce_sum3A [1] : vector<2000x128xf32> to vector<2000xf32>
    %broadcast_in_dim3A = vector.shape_cast %reduce_sum3A_54 : vector<2000xf32> to vector<2000x1xf32>
    %div3A = arith.constant 1.280000e+02 : f32
    %div3A_55 = vector.broadcast %div3A : f32 to vector<2000x1xf32>
    %div3A_56 = arith.divf %broadcast_in_dim3A, %div3A_55 : vector<2000x1xf32>
    %sub3A = vector.broadcast %div3A_56 : vector<2000x1xf32> to vector<2000x128xf32>
    %sub3A_57 = arith.subf %add3A_47, %sub3A : vector<2000x128xf32>
    %integer_pow3A = arith.mulf %sub3A_57, %sub3A_57 : vector<2000x128xf32>
    %reduce_sum3A_58 = arith.constant dense<0.000000e+00> : vector<2000xf32>
    %reduce_sum3A_59 = vector.multi_reduction <add>, %integer_pow3A, %reduce_sum3A_58 [1] : vector<2000x128xf32> to vector<2000xf32>
    %broadcast_in_dim3A_60 = vector.shape_cast %reduce_sum3A_59 : vector<2000xf32> to vector<2000x1xf32>
    %div3A_61 = arith.constant 1.280000e+02 : f32
    %div3A_62 = vector.broadcast %div3A_61 : f32 to vector<2000x1xf32>
    %div3A_63 = arith.divf %broadcast_in_dim3A_60, %div3A_62 : vector<2000x1xf32>
    %sub3A_64 = vector.broadcast %div3A_56 : vector<2000x1xf32> to vector<2000x128xf32>
    %sub3A_65 = arith.subf %add3A_47, %sub3A_64 : vector<2000x128xf32>
    %add3A_66 = arith.constant 9.99999974E-6 : f32
    %add3A_67 = vector.broadcast %add3A_66 : f32 to vector<2000x1xf32>
    %add3A_68 = arith.addf %div3A_63, %add3A_67 : vector<2000x1xf32>
    %rsqrt3A = math.rsqrt %add3A_68 : vector<2000x1xf32>
    %mul3A = vector.broadcast %rsqrt3A : vector<2000x1xf32> to vector<2000x128xf32>
    %mul3A_69 = arith.mulf %sub3A_65, %mul3A : vector<2000x128xf32>
    %mul3A_70 = vector.broadcast %get3A_50 : vector<1x128xf32> to vector<2000x128xf32>
    %mul3A_71 = arith.mulf %mul3A_69, %mul3A_70 : vector<2000x128xf32>
    %add3A_72 = vector.broadcast %get3A_53 : vector<1x128xf32> to vector<2000x128xf32>
    %add3A_73 = arith.addf %mul3A_71, %add3A_72 : vector<2000x128xf32>
    %add3A_74 = arith.addf %get3A_1, %add3A_73 : vector<2000x128xf32>
    %swap3A = arith.constant 0 : index
    %swap3A_75 = arith.constant 0 : index
    %swap3A_76 = vector.load %arg16[%swap3A, %swap3A_75] : memref<2000x128xf32, #tpu.memory_space<vmem>>, vector<2000x128xf32>
    tpu.vector_store %arg16[%swap3A, %swap3A_75], %add3A_74 {strides = array<i32>} : memref<2000x128xf32, #tpu.memory_space<vmem>>, vector<2000x128xf32>,
    %get3A_77 = arith.constant 0 : index
    %get3A_78 = arith.constant 0 : index
    %get3A_79 = vector.load %arg13[%get3A_77, %get3A_78] : memref<128x128xf32, #tpu.memory_space<vmem>>, vector<128x128xf32>
    %dot_general3A_80 = arith.constant dense<0.000000e+00> : vector<2000x128xf32>
    %dot_general3A_81 = tpu.matmul %add3A_74, %get3A_79, %dot_general3A_80 {dimension_numbers = #tpu.dot_dimension_numbers<[1], [0], [0], [1], [0, 0, 1, 1], [], []>, transpose_lhs_hint = false} : vector<2000x128xf32>, vector<128x128xf32>, vector<2000x128xf32> -> vector<2000x128xf32>
    %get3A_82 = arith.constant 0 : index
    %get3A_83 = arith.constant 0 : index
    %get3A_84 = vector.load %arg15[%get3A_82, %get3A_83] : memref<1x128xf32, #tpu.memory_space<vmem>>, vector<1x128xf32>
    %add3A_85 = vector.broadcast %get3A_84 : vector<1x128xf32> to vector<2000x128xf32>
    %add3A_86 = arith.addf %dot_general3A_81, %add3A_85 : vector<2000x128xf32>
    %swap3A_87 = arith.constant 0 : index
    %swap3A_88 = arith.constant 0 : index
    %swap3A_89 = vector.load %arg17[%swap3A_87, %swap3A_88] : memref<2000x128xf32, #tpu.memory_space<vmem>>, vector<2000x128xf32>
    tpu.vector_store %arg17[%swap3A_87, %swap3A_88], %add3A_86 {strides = array<i32>} : memref<2000x128xf32, #tpu.memory_space<vmem>>, vector<2000x128xf32>,
    %get3A_90 = arith.constant 0 : index
    %get3A_91 = arith.constant 0 : index
    %get3A_92 = vector.load %arg14[%get3A_90, %get3A_91] : memref<128x128xf32, #tpu.memory_space<vmem>>, vector<128x128xf32>
    %dot_general3A_93 = arith.constant dense<0.000000e+00> : vector<2000x128xf32>
    %dot_general3A_94 = tpu.matmul %add3A_74, %get3A_92, %dot_general3A_93 {dimension_numbers = #tpu.dot_dimension_numbers<[1], [0], [0], [1], [0, 0, 1, 1], [], []>, transpose_lhs_hint = false} : vector<2000x128xf32>, vector<128x128xf32>, vector<2000x128xf32> -> vector<2000x128xf32>
    %get3A_95 = arith.constant 0 : index
    %get3A_96 = arith.constant 0 : index
    %get3A_97 = vector.load %arg15[%get3A_95, %get3A_96] : memref<1x128xf32, #tpu.memory_space<vmem>>, vector<1x128xf32>
    %add3A_98 = vector.broadcast %get3A_97 : vector<1x128xf32> to vector<2000x128xf32>
    %add3A_99 = arith.addf %dot_general3A_94, %add3A_98 : vector<2000x128xf32>
    %swap3A_100 = arith.constant 0 : index
    %swap3A_101 = arith.constant 0 : index
    %swap3A_102 = vector.load %arg18[%swap3A_100, %swap3A_101] : memref<2000x128xf32, #tpu.memory_space<vmem>>, vector<2000x128xf32>
    tpu.vector_store %arg18[%swap3A_100, %swap3A_101], %add3A_99 {strides = array<i32>} : memref<2000x128xf32, #tpu.memory_space<vmem>>, vector<2000x128xf32>,
    return
  }
  func.func @transform_0(%arg0: i32) -> (i32, i32) {
    %c0_i32 = arith.constant 0 : i32
    %c0_i32_0 = arith.constant 0 : i32
    return %arg0, %c0_i32 : i32, i32
  }
  func.func @transform_1(%arg0: i32) -> (i32, i32) {
    %c0_i32 = arith.constant 0 : i32
    %c0_i32_0 = arith.constant 0 : i32
    return %arg0, %c0_i32 : i32, i32
  }
  func.func @transform_2(%arg0: i32) -> (i32, i32) {
    %c0_i32 = arith.constant 0 : i32
    %c0_i32_0 = arith.constant 0 : i32
    return %arg0, %c0_i32 : i32, i32
  }
  func.func @transform_3(%arg0: i32) -> (i32, i32) {
    %c0_i32 = arith.constant 0 : i32
    %c0_i32_0 = arith.constant 0 : i32
    %c0_i32_1 = arith.constant 0 : i32
    return %c0_i32, %c0_i32_0 : i32, i32
  }
  func.func @transform_4(%arg0: i32) -> (i32, i32) {
    %c0_i32 = arith.constant 0 : i32
    %c0_i32_0 = arith.constant 0 : i32
    %c0_i32_1 = arith.constant 0 : i32
    return %c0_i32, %c0_i32_0 : i32, i32
  }
  func.func @transform_5(%arg0: i32) -> (i32, i32) {
    %c0_i32 = arith.constant 0 : i32
    %c0_i32_0 = arith.constant 0 : i32
    %c0_i32_1 = arith.constant 0 : i32
    return %c0_i32, %c0_i32_0 : i32, i32
  }
  func.func @transform_6(%arg0: i32) -> (i32, i32) {
    %c0_i32 = arith.constant 0 : i32
    %c0_i32_0 = arith.constant 0 : i32
    %c0_i32_1 = arith.constant 0 : i32
    return %c0_i32, %c0_i32_0 : i32, i32
  }
  func.func @transform_7(%arg0: i32) -> (i32, i32) {
    %c0_i32 = arith.constant 0 : i32
    %c0_i32_0 = arith.constant 0 : i32
    %c0_i32_1 = arith.constant 0 : i32
    return %c0_i32, %c0_i32_0 : i32, i32
  }
  func.func @transform_8(%arg0: i32) -> (i32, i32) {
    %c0_i32 = arith.constant 0 : i32
    %c0_i32_0 = arith.constant 0 : i32
    %c0_i32_1 = arith.constant 0 : i32
    return %c0_i32, %c0_i32_0 : i32, i32
  }
  func.func @transform_9(%arg0: i32) -> (i32, i32) {
    %c0_i32 = arith.constant 0 : i32
    %c0_i32_0 = arith.constant 0 : i32
    %c0_i32_1 = arith.constant 0 : i32
    return %c0_i32, %c0_i32_0 : i32, i32
  }
  func.func @transform_10(%arg0: i32) -> (i32, i32) {
    %c0_i32 = arith.constant 0 : i32
    %c0_i32_0 = arith.constant 0 : i32
    %c0_i32_1 = arith.constant 0 : i32
    return %c0_i32, %c0_i32_0 : i32, i32
  }
  func.func @transform_11(%arg0: i32) -> (i32, i32) {
    %c0_i32 = arith.constant 0 : i32
    %c0_i32_0 = arith.constant 0 : i32
    %c0_i32_1 = arith.constant 0 : i32
    return %c0_i32, %c0_i32_0 : i32, i32
  }
  func.func @transform_12(%arg0: i32) -> (i32, i32) {
    %c0_i32 = arith.constant 0 : i32
    %c0_i32_0 = arith.constant 0 : i32
    %c0_i32_1 = arith.constant 0 : i32
    return %c0_i32, %c0_i32_0 : i32, i32
  }
  func.func @transform_13(%arg0: i32) -> (i32, i32) {
    %c0_i32 = arith.constant 0 : i32
    %c0_i32_0 = arith.constant 0 : i32
    %c0_i32_1 = arith.constant 0 : i32
    return %c0_i32, %c0_i32_0 : i32, i32
  }
  func.func @transform_14(%arg0: i32) -> (i32, i32) {
    %c0_i32 = arith.constant 0 : i32
    %c0_i32_0 = arith.constant 0 : i32
    %c0_i32_1 = arith.constant 0 : i32
    return %c0_i32, %c0_i32_0 : i32, i32
  }
  func.func @transform_15(%arg0: i32) -> (i32, i32) {
    %c0_i32 = arith.constant 0 : i32
    %c0_i32_0 = arith.constant 0 : i32
    return %arg0, %c0_i32 : i32, i32
  }
  func.func @transform_16(%arg0: i32) -> (i32, i32) {
    %c0_i32 = arith.constant 0 : i32
    %c0_i32_0 = arith.constant 0 : i32
    return %arg0, %c0_i32 : i32, i32
  }
  func.func @transform_17(%arg0: i32) -> (i32, i32) {
    %c0_i32 = arith.constant 0 : i32
    %c0_i32_0 = arith.constant 0 : i32
    return %arg0, %c0_i32 : i32, i32
  }
}

module attributes {stable_mosaic.version = 14 : i64} {
  func.func @_node_body(%arg0: i32, %arg1: memref<2000x128xf32, #tpu.memory_space<vmem>>, %arg2: memref<2000x128xf32, #tpu.memory_space<vmem>>, %arg3: memref<2000x128xf32, #tpu.memory_space<vmem>>, %arg4: memref<128x128xf32, #tpu.memory_space<vmem>>, %arg5: memref<128x128xf32, #tpu.memory_space<vmem>>, %arg6: memref<1x128xf32, #tpu.memory_space<vmem>>, %arg7: memref<128x128xf32, #tpu.memory_space<vmem>>, %arg8: memref<1x128xf32, #tpu.memory_space<vmem>>, %arg9: memref<128x128xf32, #tpu.memory_space<vmem>>, %arg10: memref<1x128xf32, #tpu.memory_space<vmem>>, %arg11: memref<1x128xf32, #tpu.memory_space<vmem>>, %arg12: memref<1x128xf32, #tpu.memory_space<vmem>>, %arg13: memref<128x128xf32, #tpu.memory_space<vmem>>, %arg14: memref<128x128xf32, #tpu.memory_space<vmem>>, %arg15: memref<1x128xf32, #tpu.memory_space<vmem>>, %arg16: memref<2000x128xf32, #tpu.memory_space<vmem>>, %arg17: memref<2000x128xf32, #tpu.memory_space<vmem>>, %arg18: memref<2000x128xf32, #tpu.memory_space<vmem>>) attributes {dimension_semantics = [#tpu.dimension_semantics<arbitrary>], iteration_bounds = array<i64: 5>, scalar_prefetch = 0 : i64, scratch_operands = 0 : i64, tpu.core_type = #tpu.core_type<tc>, window_params = [{transform_indices = @transform_0, window_bounds = array<i64: 2000, 128>}, {transform_indices = @transform_1, window_bounds = array<i64: 2000, 128>}, {transform_indices = @transform_2, window_bounds = array<i64: 2000, 128>}, {pipeline_mode = #tpu.pipeline_mode<synchronous>, transform_indices = @transform_3, window_bounds = array<i64: 128, 128>}, {pipeline_mode = #tpu.pipeline_mode<synchronous>, transform_indices = @transform_4, window_bounds = array<i64: 128, 128>}, {pipeline_mode = #tpu.pipeline_mode<synchronous>, transform_indices = @transform_5, window_bounds = array<i64: 1, 128>}, {pipeline_mode = #tpu.pipeline_mode<synchronous>, transform_indices = @transform_6, window_bounds = array<i64: 128, 128>}, {pipeline_mode = #tpu.pipeline_mode<synchronous>, transform_indices = @transform_7, window_bounds = array<i64: 1, 128>}, {pipeline_mode = #tpu.pipeline_mode<synchronous>, transform_indices = @transform_8, window_bounds = array<i64: 128, 128>}, {pipeline_mode = #tpu.pipeline_mode<synchronous>, transform_indices = @transform_9, window_bounds = array<i64: 1, 128>}, {pipeline_mode = #tpu.pipeline_mode<synchronous>, transform_indices = @transform_10, window_bounds = array<i64: 1, 128>}, {pipeline_mode = #tpu.pipeline_mode<synchronous>, transform_indices = @transform_11, window_bounds = array<i64: 1, 128>}, {pipeline_mode = #tpu.pipeline_mode<synchronous>, transform_indices = @transform_12, window_bounds = array<i64: 128, 128>}, {pipeline_mode = #tpu.pipeline_mode<synchronous>, transform_indices = @transform_13, window_bounds = array<i64: 128, 128>}, {pipeline_mode = #tpu.pipeline_mode<synchronous>, transform_indices = @transform_14, window_bounds = array<i64: 1, 128>}, {transform_indices = @transform_15, window_bounds = array<i64: 2000, 128>}, {transform_indices = @transform_16, window_bounds = array<i64: 2000, 128>}, {transform_indices = @transform_17, window_bounds = array<i64: 2000, 128>}]} {
    %get3A = arith.constant 0 : index
    %get3A_0 = arith.constant 0 : index
    %get3A_1 = vector.load %arg1[%get3A, %get3A_0] : memref<2000x128xf32, #tpu.memory_space<vmem>>, vector<2000x128xf32>
    %get3A_2 = arith.constant 0 : index
    %get3A_3 = arith.constant 0 : index
    %get3A_4 = vector.load %arg2[%get3A_2, %get3A_3] : memref<2000x128xf32, #tpu.memory_space<vmem>>, vector<2000x128xf32>
    %get3A_5 = arith.constant 0 : index
    %get3A_6 = arith.constant 0 : index
    %get3A_7 = vector.load %arg3[%get3A_5, %get3A_6] : memref<2000x128xf32, #tpu.memory_space<vmem>>, vector<2000x128xf32>
    %add3A = arith.addf %get3A_4, %get3A_7 : vector<2000x128xf32>
    %get3A_8 = arith.constant 0 : index
    %get3A_9 = arith.constant 0 : index
    %get3A_10 = vector.load %arg4[%get3A_8, %get3A_9] : memref<128x128xf32, #tpu.memory_space<vmem>>, vector<128x128xf32>
    %dot_general3A = arith.constant dense<0.000000e+00> : vector<2000x128xf32>
    %dot_general3A_11 = tpu.matmul %get3A_1, %get3A_10, %dot_general3A {dimension_numbers = #tpu.dot_dimension_numbers<[1], [0], [0], [1], [0, 0, 1, 1], [], []>, transpose_lhs_hint = false} : vector<2000x128xf32>, vector<128x128xf32>, vector<2000x128xf32> -> vector<2000x128xf32>
    %get3A_12 = arith.constant 0 : index
    %get3A_13 = arith.constant 0 : index
    %get3A_14 = vector.load %arg5[%get3A_12, %get3A_13] : memref<128x128xf32, #tpu.memory_space<vmem>>, vector<128x128xf32>
    %dot_general3A_15 = arith.constant dense<0.000000e+00> : vector<2000x128xf32>
    %dot_general3A_16 = tpu.matmul %add3A, %get3A_14, %dot_general3A_15 {dimension_numbers = #tpu.dot_dimension_numbers<[1], [0], [0], [1], [0, 0, 1, 1], [], []>, transpose_lhs_hint = false} : vector<2000x128xf32>, vector<128x128xf32>, vector<2000x128xf32> -> vector<2000x128xf32>
    %add3A_17 = arith.addf %dot_general3A_11, %dot_general3A_16 : vector<2000x128xf32>
    %get3A_18 = arith.constant 0 : index
    %get3A_19 = arith.constant 0 : index
    %get3A_20 = vector.load %arg6[%get3A_18, %get3A_19] : memref<1x128xf32, #tpu.memory_space<vmem>>, vector<1x128xf32>
    %add3A_21 = vector.broadcast %get3A_20 : vector<1x128xf32> to vector<2000x128xf32>
    %add3A_22 = arith.addf %add3A_17, %add3A_21 : vector<2000x128xf32>
    %max3A = arith.constant 0.000000e+00 : f32
    %max3A_23 = vector.broadcast %max3A : f32 to vector<2000x128xf32>
    %max3A_24 = arith.maximumf %add3A_22, %max3A_23 : vector<2000x128xf32>
    %get3A_25 = arith.constant 0 : index
    %get3A_26 = arith.constant 0 : index
    %get3A_27 = vector.load %arg7[%get3A_25, %get3A_26] : memref<128x128xf32, #tpu.memory_space<vmem>>, vector<128x128xf32>
    %dot_general3A_28 = arith.constant dense<0.000000e+00> : vector<2000x128xf32>
    %dot_general3A_29 = tpu.matmul %max3A_24, %get3A_27, %dot_general3A_28 {dimension_numbers = #tpu.dot_dimension_numbers<[1], [0], [0], [1], [0, 0, 1, 1], [], []>, transpose_lhs_hint = false} : vector<2000x128xf32>, vector<128x128xf32>, vector<2000x128xf32> -> vector<2000x128xf32>
    %get3A_30 = arith.constant 0 : index
    %get3A_31 = arith.constant 0 : index
    %get3A_32 = vector.load %arg8[%get3A_30, %get3A_31] : memref<1x128xf32, #tpu.memory_space<vmem>>, vector<1x128xf32>
    %add3A_33 = vector.broadcast %get3A_32 : vector<1x128xf32> to vector<2000x128xf32>
    %add3A_34 = arith.addf %dot_general3A_29, %add3A_33 : vector<2000x128xf32>
    %max3A_35 = arith.constant 0.000000e+00 : f32
    %max3A_36 = vector.broadcast %max3A_35 : f32 to vector<2000x128xf32>
    %max3A_37 = arith.maximumf %add3A_34, %max3A_36 : vector<2000x128xf32>
    %get3A_38 = arith.constant 0 : index
    %get3A_39 = arith.constant 0 : index
    %get3A_40 = vector.load %arg9[%get3A_38, %get3A_39] : memref<128x128xf32, #tpu.memory_space<vmem>>, vector<128x128xf32>
    %dot_general3A_41 = arith.constant dense<0.000000e+00> : vector<2000x128xf32>
    %dot_general3A_42 = tpu.matmul %max3A_37, %get3A_40, %dot_general3A_41 {dimension_numbers = #tpu.dot_dimension_numbers<[1], [0], [0], [1], [0, 0, 1, 1], [], []>, transpose_lhs_hint = false} : vector<2000x128xf32>, vector<128x128xf32>, vector<2000x128xf32> -> vector<2000x128xf32>
    %get3A_43 = arith.constant 0 : index
    %get3A_44 = arith.constant 0 : index
    %get3A_45 = vector.load %arg10[%get3A_43, %get3A_44] : memref<1x128xf32, #tpu.memory_space<vmem>>, vector<1x128xf32>
    %add3A_46 = vector.broadcast %get3A_45 : vector<1x128xf32> to vector<2000x128xf32>
    %add3A_47 = arith.addf %dot_general3A_42, %add3A_46 : vector<2000x128xf32>
    %get3A_48 = arith.constant 0 : index
    %get3A_49 = arith.constant 0 : index
    %get3A_50 = vector.load %arg11[%get3A_48, %get3A_49] : memref<1x128xf32, #tpu.memory_space<vmem>>, vector<1x128xf32>
    %get3A_51 = arith.constant 0 : index
    %get3A_52 = arith.constant 0 : index
    %get3A_53 = vector.load %arg12[%get3A_51, %get3A_52] : memref<1x128xf32, #tpu.memory_space<vmem>>, vector<1x128xf32>
    %reduce_sum3A = arith.constant dense<0.000000e+00> : vector<2000xf32>
    %reduce_sum3A_54 = vector.multi_reduction <add>, %add3A_47, %reduce_sum3A [1] : vector<2000x128xf32> to vector<2000xf32>
    %broadcast_in_dim3A = vector.shape_cast %reduce_sum3A_54 : vector<2000xf32> to vector<2000x1xf32>
    %div3A = arith.constant 1.280000e+02 : f32
    %div3A_55 = vector.broadcast %div3A : f32 to vector<2000x1xf32>
    %div3A_56 = arith.divf %broadcast_in_dim3A, %div3A_55 : vector<2000x1xf32>
    %sub3A = vector.broadcast %div3A_56 : vector<2000x1xf32> to vector<2000x128xf32>
    %sub3A_57 = arith.subf %add3A_47, %sub3A : vector<2000x128xf32>
    %integer_pow3A = arith.mulf %sub3A_57, %sub3A_57 : vector<2000x128xf32>
    %reduce_sum3A_58 = arith.constant dense<0.000000e+00> : vector<2000xf32>
    %reduce_sum3A_59 = vector.multi_reduction <add>, %integer_pow3A, %reduce_sum3A_58 [1] : vector<2000x128xf32> to vector<2000xf32>
    %broadcast_in_dim3A_60 = vector.shape_cast %reduce_sum3A_59 : vector<2000xf32> to vector<2000x1xf32>
    %div3A_61 = arith.constant 1.280000e+02 : f32
    %div3A_62 = vector.broadcast %div3A_61 : f32 to vector<2000x1xf32>
    %div3A_63 = arith.divf %broadcast_in_dim3A_60, %div3A_62 : vector<2000x1xf32>
    %sub3A_64 = vector.broadcast %div3A_56 : vector<2000x1xf32> to vector<2000x128xf32>
    %sub3A_65 = arith.subf %add3A_47, %sub3A_64 : vector<2000x128xf32>
    %add3A_66 = arith.constant 9.99999974E-6 : f32
    %add3A_67 = vector.broadcast %add3A_66 : f32 to vector<2000x1xf32>
    %add3A_68 = arith.addf %div3A_63, %add3A_67 : vector<2000x1xf32>
    %rsqrt3A = math.rsqrt %add3A_68 : vector<2000x1xf32>
    %mul3A = vector.broadcast %rsqrt3A : vector<2000x1xf32> to vector<2000x128xf32>
    %mul3A_69 = arith.mulf %sub3A_65, %mul3A : vector<2000x128xf32>
    %mul3A_70 = vector.broadcast %get3A_50 : vector<1x128xf32> to vector<2000x128xf32>
    %mul3A_71 = arith.mulf %mul3A_69, %mul3A_70 : vector<2000x128xf32>
    %add3A_72 = vector.broadcast %get3A_53 : vector<1x128xf32> to vector<2000x128xf32>
    %add3A_73 = arith.addf %mul3A_71, %add3A_72 : vector<2000x128xf32>
    %add3A_74 = arith.addf %get3A_1, %add3A_73 : vector<2000x128xf32>
    %swap3A = arith.constant 0 : index
    %swap3A_75 = arith.constant 0 : index
    %swap3A_76 = vector.load %arg16[%swap3A, %swap3A_75] : memref<2000x128xf32, #tpu.memory_space<vmem>>, vector<2000x128xf32>
    tpu.vector_store %arg16[%swap3A, %swap3A_75], %add3A_74 {strides = array<i32>} : memref<2000x128xf32, #tpu.memory_space<vmem>>, vector<2000x128xf32>,
    %get3A_77 = arith.constant 0 : index
    %get3A_78 = arith.constant 0 : index
    %get3A_79 = vector.load %arg13[%get3A_77, %get3A_78] : memref<128x128xf32, #tpu.memory_space<vmem>>, vector<128x128xf32>
    %dot_general3A_80 = arith.constant dense<0.000000e+00> : vector<2000x128xf32>
    %dot_general3A_81 = tpu.matmul %add3A_74, %get3A_79, %dot_general3A_80 {dimension_numbers = #tpu.dot_dimension_numbers<[1], [0], [0], [1], [0, 0, 1, 1], [], []>, transpose_lhs_hint = false} : vector<2000x128xf32>, vector<128x128xf32>, vector<2000x128xf32> -> vector<2000x128xf32>
    %get3A_82 = arith.constant 0 : index
    %get3A_83 = arith.constant 0 : index
    %get3A_84 = vector.load %arg15[%get3A_82, %get3A_83] : memref<1x128xf32, #tpu.memory_space<vmem>>, vector<1x128xf32>
    %add3A_85 = vector.broadcast %get3A_84 : vector<1x128xf32> to vector<2000x128xf32>
    %add3A_86 = arith.addf %dot_general3A_81, %add3A_85 : vector<2000x128xf32>
    %swap3A_87 = arith.constant 0 : index
    %swap3A_88 = arith.constant 0 : index
    %swap3A_89 = vector.load %arg17[%swap3A_87, %swap3A_88] : memref<2000x128xf32, #tpu.memory_space<vmem>>, vector<2000x128xf32>
    tpu.vector_store %arg17[%swap3A_87, %swap3A_88], %add3A_86 {strides = array<i32>} : memref<2000x128xf32, #tpu.memory_space<vmem>>, vector<2000x128xf32>,
    %get3A_90 = arith.constant 0 : index
    %get3A_91 = arith.constant 0 : index
    %get3A_92 = vector.load %arg14[%get3A_90, %get3A_91] : memref<128x128xf32, #tpu.memory_space<vmem>>, vector<128x128xf32>
    %dot_general3A_93 = arith.constant dense<0.000000e+00> : vector<2000x128xf32>
    %dot_general3A_94 = tpu.matmul %add3A_74, %get3A_92, %dot_general3A_93 {dimension_numbers = #tpu.dot_dimension_numbers<[1], [0], [0], [1], [0, 0, 1, 1], [], []>, transpose_lhs_hint = false} : vector<2000x128xf32>, vector<128x128xf32>, vector<2000x128xf32> -> vector<2000x128xf32>
    %get3A_95 = arith.constant 0 : index
    %get3A_96 = arith.constant 0 : index
    %get3A_97 = vector.load %arg15[%get3A_95, %get3A_96] : memref<1x128xf32, #tpu.memory_space<vmem>>, vector<1x128xf32>
    %add3A_98 = vector.broadcast %get3A_97 : vector<1x128xf32> to vector<2000x128xf32>
    %add3A_99 = arith.addf %dot_general3A_94, %add3A_98 : vector<2000x128xf32>
    %swap3A_100 = arith.constant 0 : index
    %swap3A_101 = arith.constant 0 : index
    %swap3A_102 = vector.load %arg18[%swap3A_100, %swap3A_101] : memref<2000x128xf32, #tpu.memory_space<vmem>>, vector<2000x128xf32>
    tpu.vector_store %arg18[%swap3A_100, %swap3A_101], %add3A_99 {strides = array<i32>} : memref<2000x128xf32, #tpu.memory_space<vmem>>, vector<2000x128xf32>,
    return
  }
  func.func @transform_0(%arg0: i32) -> (i32, i32) {
    %c0_i32 = arith.constant 0 : i32
    %c0_i32_0 = arith.constant 0 : i32
    return %arg0, %c0_i32 : i32, i32
  }
  func.func @transform_1(%arg0: i32) -> (i32, i32) {
    %c0_i32 = arith.constant 0 : i32
    %c0_i32_0 = arith.constant 0 : i32
    return %arg0, %c0_i32 : i32, i32
  }
  func.func @transform_2(%arg0: i32) -> (i32, i32) {
    %c0_i32 = arith.constant 0 : i32
    %c0_i32_0 = arith.constant 0 : i32
    return %arg0, %c0_i32 : i32, i32
  }
  func.func @transform_3(%arg0: i32) -> (i32, i32) {
    %c0_i32 = arith.constant 0 : i32
    %c0_i32_0 = arith.constant 0 : i32
    %c0_i32_1 = arith.constant 0 : i32
    return %c0_i32, %c0_i32_0 : i32, i32
  }
  func.func @transform_4(%arg0: i32) -> (i32, i32) {
    %c0_i32 = arith.constant 0 : i32
    %c0_i32_0 = arith.constant 0 : i32
    %c0_i32_1 = arith.constant 0 : i32
    return %c0_i32, %c0_i32_0 : i32, i32
  }
  func.func @transform_5(%arg0: i32) -> (i32, i32) {
    %c0_i32 = arith.constant 0 : i32
    %c0_i32_0 = arith.constant 0 : i32
    %c0_i32_1 = arith.constant 0 : i32
    return %c0_i32, %c0_i32_0 : i32, i32
  }
  func.func @transform_6(%arg0: i32) -> (i32, i32) {
    %c0_i32 = arith.constant 0 : i32
    %c0_i32_0 = arith.constant 0 : i32
    %c0_i32_1 = arith.constant 0 : i32
    return %c0_i32, %c0_i32_0 : i32, i32
  }
  func.func @transform_7(%arg0: i32) -> (i32, i32) {
    %c0_i32 = arith.constant 0 : i32
    %c0_i32_0 = arith.constant 0 : i32
    %c0_i32_1 = arith.constant 0 : i32
    return %c0_i32, %c0_i32_0 : i32, i32
  }
  func.func @transform_8(%arg0: i32) -> (i32, i32) {
    %c0_i32 = arith.constant 0 : i32
    %c0_i32_0 = arith.constant 0 : i32
    %c0_i32_1 = arith.constant 0 : i32
    return %c0_i32, %c0_i32_0 : i32, i32
  }
  func.func @transform_9(%arg0: i32) -> (i32, i32) {
    %c0_i32 = arith.constant 0 : i32
    %c0_i32_0 = arith.constant 0 : i32
    %c0_i32_1 = arith.constant 0 : i32
    return %c0_i32, %c0_i32_0 : i32, i32
  }
  func.func @transform_10(%arg0: i32) -> (i32, i32) {
    %c0_i32 = arith.constant 0 : i32
    %c0_i32_0 = arith.constant 0 : i32
    %c0_i32_1 = arith.constant 0 : i32
    return %c0_i32, %c0_i32_0 : i32, i32
  }
  func.func @transform_11(%arg0: i32) -> (i32, i32) {
    %c0_i32 = arith.constant 0 : i32
    %c0_i32_0 = arith.constant 0 : i32
    %c0_i32_1 = arith.constant 0 : i32
    return %c0_i32, %c0_i32_0 : i32, i32
  }
  func.func @transform_12(%arg0: i32) -> (i32, i32) {
    %c0_i32 = arith.constant 0 : i32
    %c0_i32_0 = arith.constant 0 : i32
    %c0_i32_1 = arith.constant 0 : i32
    return %c0_i32, %c0_i32_0 : i32, i32
  }
  func.func @transform_13(%arg0: i32) -> (i32, i32) {
    %c0_i32 = arith.constant 0 : i32
    %c0_i32_0 = arith.constant 0 : i32
    %c0_i32_1 = arith.constant 0 : i32
    return %c0_i32, %c0_i32_0 : i32, i32
  }
  func.func @transform_14(%arg0: i32) -> (i32, i32) {
    %c0_i32 = arith.constant 0 : i32
    %c0_i32_0 = arith.constant 0 : i32
    %c0_i32_1 = arith.constant 0 : i32
    return %c0_i32, %c0_i32_0 : i32, i32
  }
  func.func @transform_15(%arg0: i32) -> (i32, i32) {
    %c0_i32 = arith.constant 0 : i32
    %c0_i32_0 = arith.constant 0 : i32
    return %arg0, %c0_i32 : i32, i32
  }
  func.func @transform_16(%arg0: i32) -> (i32, i32) {
    %c0_i32 = arith.constant 0 : i32
    %c0_i32_0 = arith.constant 0 : i32
    return %arg0, %c0_i32 : i32, i32
  }
  func.func @transform_17(%arg0: i32) -> (i32, i32) {
    %c0_i32 = arith.constant 0 : i32
    %c0_i32_0 = arith.constant 0 : i32
    return %arg0, %c0_i32 : i32, i32
  }
}

module attributes {stable_mosaic.version = 14 : i64} {
  func.func @_decode_body(%arg0: i32, %arg1: memref<2000x128xf32, #tpu.memory_space<vmem>>, %arg2: memref<2000x8xf32, #tpu.memory_space<vmem>>, %arg3: memref<2000x8xf32, #tpu.memory_space<vmem>>, %arg4: memref<128x128xf32, #tpu.memory_space<vmem>>, %arg5: memref<1x128xf32, #tpu.memory_space<vmem>>, %arg6: memref<128x128xf32, #tpu.memory_space<vmem>>, %arg7: memref<1x128xf32, #tpu.memory_space<vmem>>, %arg8: memref<8x128xf32, #tpu.memory_space<vmem>>, %arg9: memref<1x8xf32, #tpu.memory_space<vmem>>, %arg10: memref<2000x2xf32, #tpu.memory_space<vmem>>, %arg11: memref<1x1xf32, #tpu.memory_space<smem>>, %arg12: memref<1x1xf32, #tpu.memory_space<smem>>) attributes {dimension_semantics = [#tpu.dimension_semantics<arbitrary>], iteration_bounds = array<i64: 5>, scalar_prefetch = 0 : i64, scratch_operands = 0 : i64, tpu.core_type = #tpu.core_type<tc>, window_params = [{transform_indices = @transform_0, window_bounds = array<i64: 2000, 128>}, {transform_indices = @transform_1, window_bounds = array<i64: 2000, 8>}, {transform_indices = @transform_2, window_bounds = array<i64: 2000, 8>}, {pipeline_mode = #tpu.pipeline_mode<synchronous>, transform_indices = @transform_3, window_bounds = array<i64: 128, 128>}, {pipeline_mode = #tpu.pipeline_mode<synchronous>, transform_indices = @transform_4, window_bounds = array<i64: 1, 128>}, {pipeline_mode = #tpu.pipeline_mode<synchronous>, transform_indices = @transform_5, window_bounds = array<i64: 128, 128>}, {pipeline_mode = #tpu.pipeline_mode<synchronous>, transform_indices = @transform_6, window_bounds = array<i64: 1, 128>}, {pipeline_mode = #tpu.pipeline_mode<synchronous>, transform_indices = @transform_7, window_bounds = array<i64: 8, 128>}, {pipeline_mode = #tpu.pipeline_mode<synchronous>, transform_indices = @transform_8, window_bounds = array<i64: 1, 8>}, {transform_indices = @transform_9, window_bounds = array<i64: 2000, 2>}, {transform_indices = @transform_10, window_bounds = array<i64: 1, 1>}, {transform_indices = @transform_11, window_bounds = array<i64: 1, 1>}]} {
    %get3A = arith.constant 0 : index
    %get3A_0 = arith.constant 0 : index
    %get3A_1 = vector.load %arg2[%get3A, %get3A_0] : memref<2000x8xf32, #tpu.memory_space<vmem>>, vector<2000x8xf32>
    %get3A_2 = arith.constant 0 : index
    %get3A_3 = arith.constant 0 : index
    %get3A_4 = vector.load %arg3[%get3A_2, %get3A_3] : memref<2000x8xf32, #tpu.memory_space<vmem>>, vector<2000x8xf32>
    %slice3A = vector.extract_strided_slice %get3A_1 {offsets = [0, 4], sizes = [2000, 1], strides = [1, 1]} : vector<2000x8xf32> to vector<2000x1xf32>
    %eq3A = arith.constant 0.000000e+00 : f32
    %eq3A_5 = vector.broadcast %eq3A : f32 to vector<2000x1xf32>
    %eq3A_6 = arith.cmpf oeq, %slice3A, %eq3A_5 : vector<2000x1xf32>
    %eq3A_7 = arith.constant 5.000000e+00 : f32
    %eq3A_8 = vector.broadcast %eq3A_7 : f32 to vector<2000x1xf32>
    %eq3A_9 = arith.cmpf oeq, %slice3A, %eq3A_8 : vector<2000x1xf32>
    %or3A = arith.ori %eq3A_6, %eq3A_9 : vector<2000x1xi1>
    %slice3A_10 = vector.extract_strided_slice %get3A_1 {offsets = [0, 0], sizes = [2000, 2], strides = [1, 1]} : vector<2000x8xf32> to vector<2000x2xf32>
    %slice3A_11 = vector.extract_strided_slice %get3A_4 {offsets = [0, 0], sizes = [2000, 2], strides = [1, 1]} : vector<2000x8xf32> to vector<2000x2xf32>
    %broadcast_in_dim3A = vector.shape_cast %or3A : vector<2000x1xi1> to vector<2000x1xi1>
    %broadcast_in_dim3A_12 = vector.broadcast %broadcast_in_dim3A : vector<2000x1xi1> to vector<2000x2xi1>
    %select_n3A = arith.select %broadcast_in_dim3A_12, %slice3A_10, %slice3A_11 : vector<2000x2xi1>, vector<2000x2xf32>
    %get3A_13 = arith.constant 0 : index
    %get3A_14 = arith.constant 0 : index
    %get3A_15 = vector.load %arg1[%get3A_13, %get3A_14] : memref<2000x128xf32, #tpu.memory_space<vmem>>, vector<2000x128xf32>
    %get3A_16 = arith.constant 0 : index
    %get3A_17 = arith.constant 0 : index
    %get3A_18 = vector.load %arg4[%get3A_16, %get3A_17] : memref<128x128xf32, #tpu.memory_space<vmem>>, vector<128x128xf32>
    %dot_general3A = arith.constant dense<0.000000e+00> : vector<2000x128xf32>
    %dot_general3A_19 = tpu.matmul %get3A_15, %get3A_18, %dot_general3A {dimension_numbers = #tpu.dot_dimension_numbers<[1], [0], [0], [1], [0, 0, 1, 1], [], []>, transpose_lhs_hint = false} : vector<2000x128xf32>, vector<128x128xf32>, vector<2000x128xf32> -> vector<2000x128xf32>
    %get3A_20 = arith.constant 0 : index
    %get3A_21 = arith.constant 0 : index
    %get3A_22 = vector.load %arg5[%get3A_20, %get3A_21] : memref<1x128xf32, #tpu.memory_space<vmem>>, vector<1x128xf32>
    %add3A = vector.broadcast %get3A_22 : vector<1x128xf32> to vector<2000x128xf32>
    %add3A_23 = arith.addf %dot_general3A_19, %add3A : vector<2000x128xf32>
    %max3A = arith.constant 0.000000e+00 : f32
    %max3A_24 = vector.broadcast %max3A : f32 to vector<2000x128xf32>
    %max3A_25 = arith.maximumf %add3A_23, %max3A_24 : vector<2000x128xf32>
    %get3A_26 = arith.constant 0 : index
    %get3A_27 = arith.constant 0 : index
    %get3A_28 = vector.load %arg6[%get3A_26, %get3A_27] : memref<128x128xf32, #tpu.memory_space<vmem>>, vector<128x128xf32>
    %dot_general3A_29 = arith.constant dense<0.000000e+00> : vector<2000x128xf32>
    %dot_general3A_30 = tpu.matmul %max3A_25, %get3A_28, %dot_general3A_29 {dimension_numbers = #tpu.dot_dimension_numbers<[1], [0], [0], [1], [0, 0, 1, 1], [], []>, transpose_lhs_hint = false} : vector<2000x128xf32>, vector<128x128xf32>, vector<2000x128xf32> -> vector<2000x128xf32>
    %get3A_31 = arith.constant 0 : index
    %get3A_32 = arith.constant 0 : index
    %get3A_33 = vector.load %arg7[%get3A_31, %get3A_32] : memref<1x128xf32, #tpu.memory_space<vmem>>, vector<1x128xf32>
    %add3A_34 = vector.broadcast %get3A_33 : vector<1x128xf32> to vector<2000x128xf32>
    %add3A_35 = arith.addf %dot_general3A_30, %add3A_34 : vector<2000x128xf32>
    %max3A_36 = arith.constant 0.000000e+00 : f32
    %max3A_37 = vector.broadcast %max3A_36 : f32 to vector<2000x128xf32>
    %max3A_38 = arith.maximumf %add3A_35, %max3A_37 : vector<2000x128xf32>
    %get3A_39 = arith.constant 0 : index
    %get3A_40 = arith.constant 0 : index
    %get3A_41 = vector.load %arg8[%get3A_39, %get3A_40] : memref<8x128xf32, #tpu.memory_space<vmem>>, vector<8x128xf32>
    %slice3A_42 = vector.extract_strided_slice %get3A_41 {offsets = [0, 0], sizes = [1, 128], strides = [1, 1]} : vector<8x128xf32> to vector<1x128xf32>
    %mul3A = vector.broadcast %slice3A_42 : vector<1x128xf32> to vector<2000x128xf32>
    %mul3A_43 = arith.mulf %max3A_38, %mul3A : vector<2000x128xf32>
    %reduce_sum3A = arith.constant dense<0.000000e+00> : vector<2000xf32>
    %reduce_sum3A_44 = vector.multi_reduction <add>, %mul3A_43, %reduce_sum3A [1] : vector<2000x128xf32> to vector<2000xf32>
    %broadcast_in_dim3A_45 = vector.shape_cast %reduce_sum3A_44 : vector<2000xf32> to vector<2000x1xf32>
    %get3A_46 = arith.constant 0 : index
    %get3A_47 = arith.constant 0 : index
    %get3A_48 = vector.load %arg9[%get3A_46, %get3A_47] : memref<1x8xf32, #tpu.memory_space<vmem>>, vector<1x1xf32>
    %get3A_49 = vector.extract %get3A_48[0, 0] : f32 from vector<1x1xf32>
    %add3A_50 = vector.broadcast %get3A_49 : f32 to vector<2000x1xf32>
    %add3A_51 = arith.addf %broadcast_in_dim3A_45, %add3A_50 : vector<2000x1xf32>
    %slice3A_52 = vector.extract_strided_slice %get3A_41 {offsets = [1, 0], sizes = [1, 128], strides = [1, 1]} : vector<8x128xf32> to vector<1x128xf32>
    %mul3A_53 = vector.broadcast %slice3A_52 : vector<1x128xf32> to vector<2000x128xf32>
    %mul3A_54 = arith.mulf %max3A_38, %mul3A_53 : vector<2000x128xf32>
    %reduce_sum3A_55 = arith.constant dense<0.000000e+00> : vector<2000xf32>
    %reduce_sum3A_56 = vector.multi_reduction <add>, %mul3A_54, %reduce_sum3A_55 [1] : vector<2000x128xf32> to vector<2000xf32>
    %broadcast_in_dim3A_57 = vector.shape_cast %reduce_sum3A_56 : vector<2000xf32> to vector<2000x1xf32>
    %get3A_58 = arith.constant 0 : index
    %get3A_59 = arith.constant 1 : index
    %get3A_60 = vector.load %arg9[%get3A_58, %get3A_59] : memref<1x8xf32, #tpu.memory_space<vmem>>, vector<1x1xf32>
    %get3A_61 = vector.extract %get3A_60[0, 0] : f32 from vector<1x1xf32>
    %add3A_62 = vector.broadcast %get3A_61 : f32 to vector<2000x1xf32>
    %add3A_63 = arith.addf %broadcast_in_dim3A_57, %add3A_62 : vector<2000x1xf32>
    %concatenate3A = tpu.concatenate %add3A_51, %add3A_63 in 1 : vector<2000x1xf32>, vector<2000x1xf32> -> vector<2000x2xf32>
    %add3A_64 = arith.addf %concatenate3A, %select_n3A : vector<2000x2xf32>
    %slice3A_65 = vector.extract_strided_slice %get3A_4 {offsets = [0, 0], sizes = [2000, 2], strides = [1, 1]} : vector<2000x8xf32> to vector<2000x2xf32>
    %broadcast_in_dim3A_66 = vector.shape_cast %or3A : vector<2000x1xi1> to vector<2000x1xi1>
    %broadcast_in_dim3A_67 = vector.broadcast %broadcast_in_dim3A_66 : vector<2000x1xi1> to vector<2000x2xi1>
    %select_n3A_68 = arith.select %broadcast_in_dim3A_67, %add3A_64, %slice3A_65 : vector<2000x2xi1>, vector<2000x2xf32>
    %swap3A = arith.constant 0 : index
    %swap3A_69 = arith.constant 0 : index
    %swap3A_70 = vector.load %arg10[%swap3A, %swap3A_69] : memref<2000x2xf32, #tpu.memory_space<vmem>>, vector<2000x2xf32>
    tpu.vector_store %arg10[%swap3A, %swap3A_69], %select_n3A_68 {strides = array<i32>} : memref<2000x2xf32, #tpu.memory_space<vmem>>, vector<2000x2xf32>,
    %sub3A = arith.subf %add3A_64, %slice3A_65 : vector<2000x2xf32>
    %integer_pow3A = arith.mulf %sub3A, %sub3A : vector<2000x2xf32>
    %jit3A = arith.constant 0.000000e+00 : f32
    %broadcast_in_dim3A_71 = vector.shape_cast %or3A : vector<2000x1xi1> to vector<2000x1xi1>
    %broadcast_in_dim3A_72 = vector.broadcast %broadcast_in_dim3A_71 : vector<2000x1xi1> to vector<2000x2xi1>
    %broadcast_in_dim3A_73 = vector.broadcast %jit3A : f32 to vector<2000x2xf32>
    %select_n3A_74 = arith.select %broadcast_in_dim3A_72, %integer_pow3A, %broadcast_in_dim3A_73 : vector<2000x2xi1>, vector<2000x2xf32>
    %reduce_sum3A_75 = vector.shape_cast %select_n3A_74 : vector<2000x2xf32> to vector<1x2000x2xf32>
    %reduce_sum3A_76 = arith.constant dense<0.000000e+00> : vector<1xf32>
    %reduce_sum3A_77 = vector.multi_reduction <add>, %reduce_sum3A_75, %reduce_sum3A_76 [1, 2] : vector<1x2000x2xf32> to vector<1xf32>
    %reduce_sum3A_78 = vector.shape_cast %reduce_sum3A_77 : vector<1xf32> to vector<1x1x1xf32>
    %reduce_sum3A_79 = vector.extract %reduce_sum3A_78[0, 0, 0] : f32 from vector<1x1x1xf32>
    %convert_element_type3A = arith.extui %or3A : vector<2000x1xi1> to vector<2000x1xi32>
    %convert_element_type3A_80 = arith.sitofp %convert_element_type3A : vector<2000x1xi32> to vector<2000x1xf32>
    %reduce_sum3A_81 = vector.shape_cast %convert_element_type3A_80 : vector<2000x1xf32> to vector<1x2000x1xf32>
    %reduce_sum3A_82 = arith.constant dense<0.000000e+00> : vector<1xf32>
    %reduce_sum3A_83 = vector.multi_reduction <add>, %reduce_sum3A_81, %reduce_sum3A_82 [1, 2] : vector<1x2000x1xf32> to vector<1xf32>
    %reduce_sum3A_84 = vector.shape_cast %reduce_sum3A_83 : vector<1xf32> to vector<1x1x1xf32>
    %reduce_sum3A_85 = vector.extract %reduce_sum3A_84[0, 0, 0] : f32 from vector<1x1x1xf32>
    %mul3A_86 = arith.constant 2.000000e+00 : f32
    %mul3A_87 = arith.mulf %mul3A_86, %reduce_sum3A_85 : f32
    %eq3A_88 = arith.constant 0 : i32
    %eq3A_89 = arith.cmpi eq, %arg0, %eq3A_88 : i32
    %convert_element_type3A_90 = arith.extui %eq3A_89 : i1 to i32
    %cond3A = arith.constant 0 : i32
    %cond3A_91 = arith.cmpi ne, %convert_element_type3A_90, %cond3A : i32
    scf.if %cond3A_91 {
      %swap3A_106 = arith.constant 0.000000e+00 : f32
      %swap3A_107 = arith.constant 0 : index
      %swap3A_108 = arith.constant 0 : index
      %swap3A_109 = memref.load %arg11[%swap3A_107, %swap3A_108] : memref<1x1xf32, #tpu.memory_space<smem>>
      memref.store %swap3A_106, %arg11[%swap3A_107, %swap3A_108] : memref<1x1xf32, #tpu.memory_space<smem>>
      %swap3A_110 = arith.constant 0.000000e+00 : f32
      %swap3A_111 = arith.constant 0 : index
      %swap3A_112 = arith.constant 0 : index
      %swap3A_113 = memref.load %arg12[%swap3A_111, %swap3A_112] : memref<1x1xf32, #tpu.memory_space<smem>>
      memref.store %swap3A_110, %arg12[%swap3A_111, %swap3A_112] : memref<1x1xf32, #tpu.memory_space<smem>>
    } else {
    }
    %get3A_92 = arith.constant 0 : index
    %get3A_93 = arith.constant 0 : index
    %get3A_94 = memref.load %arg11[%get3A_92, %get3A_93] : memref<1x1xf32, #tpu.memory_space<smem>>
    %add3A_95 = arith.addf %get3A_94, %reduce_sum3A_79 : f32
    %swap3A_96 = arith.constant 0 : index
    %swap3A_97 = arith.constant 0 : index
    %swap3A_98 = memref.load %arg11[%swap3A_96, %swap3A_97] : memref<1x1xf32, #tpu.memory_space<smem>>
    memref.store %add3A_95, %arg11[%swap3A_96, %swap3A_97] : memref<1x1xf32, #tpu.memory_space<smem>>
    %get3A_99 = arith.constant 0 : index
    %get3A_100 = arith.constant 0 : index
    %get3A_101 = memref.load %arg12[%get3A_99, %get3A_100] : memref<1x1xf32, #tpu.memory_space<smem>>
    %add3A_102 = arith.addf %get3A_101, %mul3A_87 : f32
    %swap3A_103 = arith.constant 0 : index
    %swap3A_104 = arith.constant 0 : index
    %swap3A_105 = memref.load %arg12[%swap3A_103, %swap3A_104] : memref<1x1xf32, #tpu.memory_space<smem>>
    memref.store %add3A_102, %arg12[%swap3A_103, %swap3A_104] : memref<1x1xf32, #tpu.memory_space<smem>>
    return
  }
  func.func @transform_0(%arg0: i32) -> (i32, i32) {
    %c0_i32 = arith.constant 0 : i32
    %c0_i32_0 = arith.constant 0 : i32
    return %arg0, %c0_i32 : i32, i32
  }
  func.func @transform_1(%arg0: i32) -> (i32, i32) {
    %c0_i32 = arith.constant 0 : i32
    %c0_i32_0 = arith.constant 0 : i32
    return %arg0, %c0_i32 : i32, i32
  }
  func.func @transform_2(%arg0: i32) -> (i32, i32) {
    %c0_i32 = arith.constant 0 : i32
    %c0_i32_0 = arith.constant 0 : i32
    return %arg0, %c0_i32 : i32, i32
  }
  func.func @transform_3(%arg0: i32) -> (i32, i32) {
    %c0_i32 = arith.constant 0 : i32
    %c0_i32_0 = arith.constant 0 : i32
    %c0_i32_1 = arith.constant 0 : i32
    return %c0_i32, %c0_i32_0 : i32, i32
  }
  func.func @transform_4(%arg0: i32) -> (i32, i32) {
    %c0_i32 = arith.constant 0 : i32
    %c0_i32_0 = arith.constant 0 : i32
    %c0_i32_1 = arith.constant 0 : i32
    return %c0_i32, %c0_i32_0 : i32, i32
  }
  func.func @transform_5(%arg0: i32) -> (i32, i32) {
    %c0_i32 = arith.constant 0 : i32
    %c0_i32_0 = arith.constant 0 : i32
    %c0_i32_1 = arith.constant 0 : i32
    return %c0_i32, %c0_i32_0 : i32, i32
  }
  func.func @transform_6(%arg0: i32) -> (i32, i32) {
    %c0_i32 = arith.constant 0 : i32
    %c0_i32_0 = arith.constant 0 : i32
    %c0_i32_1 = arith.constant 0 : i32
    return %c0_i32, %c0_i32_0 : i32, i32
  }
  func.func @transform_7(%arg0: i32) -> (i32, i32) {
    %c0_i32 = arith.constant 0 : i32
    %c0_i32_0 = arith.constant 0 : i32
    %c0_i32_1 = arith.constant 0 : i32
    return %c0_i32, %c0_i32_0 : i32, i32
  }
  func.func @transform_8(%arg0: i32) -> (i32, i32) {
    %c0_i32 = arith.constant 0 : i32
    %c0_i32_0 = arith.constant 0 : i32
    %c0_i32_1 = arith.constant 0 : i32
    return %c0_i32, %c0_i32_0 : i32, i32
  }
  func.func @transform_9(%arg0: i32) -> (i32, i32) {
    %c0_i32 = arith.constant 0 : i32
    %c0_i32_0 = arith.constant 0 : i32
    return %arg0, %c0_i32 : i32, i32
  }
  func.func @transform_10(%arg0: i32) -> (i32, i32) {
    %c0_i32 = arith.constant 0 : i32
    %c0_i32_0 = arith.constant 0 : i32
    %c0_i32_1 = arith.constant 0 : i32
    return %c0_i32, %c0_i32_0 : i32, i32
  }
  func.func @transform_11(%arg0: i32) -> (i32, i32) {
    %c0_i32 = arith.constant 0 : i32
    %c0_i32_0 = arith.constant 0 : i32
    %c0_i32_1 = arith.constant 0 : i32
    return %c0_i32, %c0_i32_0 : i32, i32
  }
}

</mosaic_0001>

<sc_bundles>
// kernel: kernel.20.cloned.1.call-start
scs
__scs_entry_jumppad:
0x0: {  	(pc) =	sbr.rel $0x88, $3  }
0x1: {  	(tag) =	ssettag $0x0;
	lr =	simm.s32 $0x1  }
0x2: {  	[smem:$0x3F70] =	sst lr;
	_ =	strace $0xD0000000  }
0x3: {  	_ = 	snop  }
0x4: {  	_ = 	snop  }
0x5: {  	_ = 	snop  }
0x6: {  	_ = 	snop  }
0x7: {  	_ = 	snop  }
__scs_overlays_trampoline_lowered:
0x8: {  	[smem:$0x3F7F] =	sst s0  }
0x9: {  	[smem:$0x3F80] =	sst s1  }
0xa: {  	[smem:$0x3F81] =	sst s2  }
0xb: {  	[smem:$0x3F82] =	sst s3  }
0xc: {  	[smem:$0x3F83] =	sst s4  }
0xd: {  	[smem:$0x3F84] =	sst s5  }
0xe: {  	[smem:$0x3F85] =	sst s6  }
0xf: {  	[smem:$0x3F86] =	sst s7  }
0x10: {  	[smem:$0x3F87] =	sst s8  }
0x11: {  	[smem:$0x3F88] =	sst s9;
	s0 =	simm.s32 @!p0 $0x0  }
0x12: {  	s1 =	sld [smem:$0x3F6E];
	s0 =	simm.s32 @p0 $0x1  }
0x13: {  	[smem:$0x3F89] =	sst s0;
	s0 =	simm.s32 @!p1 $0x0  }
0x14: {  	s2 =	sld [smem:$0x3F6D];
	s0 =	simm.s32 @p1 $0x1  }
0x15: {  	[smem:$0x3F8A] =	sst s0;
	s0 =	simm.s32 @!p2 $0x0  }
0x16: {  	s3 =	sld [smem:$0x3FDB];
	s0 =	simm.s32 @p2 $0x1  }
0x17: {  	s4 =	simm.s32 $0x1BF5;
	[smem:$0x3F8C] =	sst s0  }
0x18: {  	s0 =	sld [smem:$0x3F6F];
	_ =	swait.ge [sflag:s4], $0x0  }
0x19: {  	s7 =	sld [smem:$0x3F70]  }
0x1a: {  	s8 =	sadd.s32 $0xFFFFE003, lr  }
0x1b: {  	s9 =	sadd.s32 $0xFFFFFEF7, lr;
	s5 =	simm.s32 $0xFFFFFFFF;
	p2 =	slt.u32 s8, $0xFFFFF086  }
0x1c: {  	p1 =	slt.u32 s9, $0xF7A;
	s5 =	simm.s32 @!p2 $0x0  }
0x1d: {  	s5 =	simm.s32 @p1 $0x1;
	p0 =	seq.s32 s7, s2  }
0x1e: {  	s7 =	smul.u32 @!p0 $0xF7A, s2;
	p2 =	seq.s32 @!p0 s5, $0x0  }
0x1f: {  	s9 =	smul.u32 $0xF7A, s1;
	s8 =	simm.s32 @!p0 $0x1BF5;
	p2 =	por !p2, p0  }
0x20: {  	[sflag:s8] =	ssyncset.s32 @!p0 $0xFFFFF086;
	s6 =	sadd.s32 @!p0 s3, s7;
	s7 =	simm.s32 @!p0 $0x108  }
0x21: {  	s3 =	sadd.s32 s3, s9;
	s6 =	sadd.s32 @!p0 $0x88, s6;
	s7 =	simm.s32 @p2 $0x1082  }
0x22: {  	[simem:s7], [sflag:s8] =	dma.local @!p0 [hbm:s6], $0xF7A  }
0x23: {  	s9 =	sor.u32 $0xD0000000, s2;
	s6 =	simm.s32 $0x108;
	_ =	swait.ge @!p0 [sflag:s8], $0x0  }
0x24: {  	s3 =	sadd.s32 $0x88, s3;
	s6 =	simm.s32 @!p1 $0x1082;
	[sflag:s4] =	ssyncset.s32 $0xFFFFF086  }
0x25: {  	[simem:s6], [sflag:s4] =	dma.local [hbm:s3], $0xF7A  }
0x26: {  	[smem:$0x3F70] =	sst s1;
	(tag) =	ssettag s2;
	_ =	strace s9  }
0x27: {  	s1 =	sld [smem:$0x3F80]  }
0x28: {  	s2 =	sld [smem:$0x3F81]  }
0x29: {  	s4 =	sld [smem:$0x3F83]  }
0x2a: {  	p0 =	seq.s32 s5, $0x0;
	s5 =	sld [smem:$0x3F84]  }
0x2b: {  	s6 =	sld [smem:$0x3F85]  }
0x2c: {  	s7 =	sld [smem:$0x3F86]  }
0x2d: {  	s3 =	simm.s32 $0x108;
	s8 =	sld [smem:$0x3F87]  }
0x2e: {  	s3 =	simm.s32 @!p0 $0x1082;
	s9 =	sld [smem:$0x3F88]  }
0x2f: {  	lr =	sadd.s32 s0, s3;
	s0 =	sld [smem:$0x3F7F]  }
0x30: {  	s3 =	sld [smem:$0x3F82]  }
0x31: {  	[smem:$0x3F8B] =	sst s10  }
0x32: {  	s10 =	sld [smem:$0x3F89];
	_ =	sdelay $0x3  }
0x33: {  	p0 =	seq.s32 s10, $0x1;
	s10 =	sld [smem:$0x3F8B];
	_ =	sdelay $0x3  }
0x34: {  	[smem:$0x3F8B] =	sst s10  }
0x35: {  	s10 =	sld [smem:$0x3F8A];
	_ =	sdelay $0x3  }
0x36: {  	p1 =	seq.s32 s10, $0x1;
	s10 =	sld [smem:$0x3F8B];
	_ =	sdelay $0x3  }
0x37: {  	[smem:$0x3F8B] =	sst s10  }
0x38: {  	s10 =	sld [smem:$0x3F8C]  }
0x39: {  	_ = 	snop;
	(pc) =	sbr.ind lr, $3  }
0x3a: {  	_ = 	snop  }
0x3b: {  	_ = 	snop  }
0x3c: {  	p2 =	seq.s32 s10, $0x1;
	s10 =	sld [smem:$0x3F8B]  }
0x3d: {  	_ =	shalt  }
0x3e: {  	_ =	shalt  }
0x3f: {  	_ =	shalt  }
0x40: {  	_ =	shalt  }
0x41: {  	_ =	shalt  }
0x42: {  	_ =	shalt  }
0x43: {  	_ =	shalt  }
0x44: {  	_ =	shalt  }
0x45: {  	_ =	shalt  }
0x46: {  	_ =	shalt  }
0x47: {  	_ =	shalt  }
0x48: {  	_ =	shalt  }
0x49: {  	_ =	shalt  }
0x4a: {  	_ =	shalt  }
0x4b: {  	_ =	shalt  }
0x4c: {  	_ =	shalt  }
0x4d: {  	_ =	shalt  }
0x4e: {  	_ =	shalt  }
0x4f: {  	_ =	shalt  }
0x50: {  	_ =	shalt  }
0x51: {  	_ =	shalt  }
0x52: {  	_ =	shalt  }
0x53: {  	_ =	shalt  }
0x54: {  	_ =	shalt  }
0x55: {  	_ =	shalt  }
0x56: {  	_ =	shalt  }
0x57: {  	_ =	shalt  }
0x58: {  	_ =	shalt  }
0x59: {  	_ =	shalt  }
0x5a: {  	_ =	shalt  }
0x5b: {  	_ =	shalt  }
0x5c: {  	_ =	shalt  }
0x5d: {  	_ =	shalt  }
0x5e: {  	_ =	shalt  }
0x5f: {  	_ =	shalt  }
0x60: {  	_ =	shalt  }
0x61: {  	_ =	shalt  }
0x62: {  	_ =	shalt  }
0x63: {  	_ =	shalt  }
0x64: {  	_ =	shalt  }
0x65: {  	_ =	shalt  }
0x66: {  	_ =	shalt  }
0x67: {  	_ =	shalt  }
0x68: {  	_ =	shalt  }
0x69: {  	_ =	shalt  }
0x6a: {  	_ =	shalt  }
0x6b: {  	_ =	shalt  }
0x6c: {  	_ =	shalt  }
0x6d: {  	_ =	shalt  }
0x6e: {  	_ =	shalt  }
0x6f: {  	_ =	shalt  }
0x70: {  	_ =	shalt  }
0x71: {  	_ =	shalt  }
0x72: {  	_ =	shalt  }
0x73: {  	_ =	shalt  }
0x74: {  	_ =	shalt  }
0x75: {  	_ =	shalt  }
0x76: {  	_ =	shalt  }
0x77: {  	_ =	shalt  }
0x78: {  	_ =	shalt  }
0x79: {  	_ =	shalt  }
0x7a: {  	_ =	shalt  }
0x7b: {  	_ =	shalt  }
0x7c: {  	_ =	shalt  }
0x7d: {  	_ =	shalt  }
0x7e: {  	_ =	shalt  }
0x7f: {  	_ =	shalt  }
0x80: {  	_ =	shalt  }
0x81: {  	_ =	shalt  }
0x82: {  	_ =	shalt  }
0x83: {  	_ =	shalt  }
0x84: {  	_ =	shalt  }
0x85: {  	_ =	shalt  }
0x86: {  	_ =	shalt  }
0x87: {  	_ =	shalt  }
.Lfunc_end0:
.L_simem_size_0:
called_computation_lowered:
.L_overlay_start_0:
0x88: {  	s2 =	sld [smem:$0x3FD9]  }
0x89: {  	s3 =	sld [smem:$0x3FFE];
	_ =	sdelay $0x1  }
0x8a: {  	s1 =	srdreg.scid  }
0x8b: {  	s0 =	sand.u32 $0x1, s1  }
0x8c: {  	s16 =	sshll.u32 s0, $0xA;
	s2 =	sadd.s32 s3, s2  }
0x8d: {  	s2 =	sadd.s32 s2, s16  }
0x8e: {  	[smem:$0x3F97] =	sst s2  }
0x8f: {  	_ = 	snop  }
0x90: {  	(tm) =	ssettm $0x1  }
0x91: {  	s17 =	sld [smem:$0x3FFB];
	_ =	sdelay $0x3  }
0x92: {  	_ =	strace s17  }
0x93: {  	s2 =	sld [smem:$0x3FFC];
	_ =	sdelay $0x3  }
0x94: {  	_ =	strace s2  }
0x95: {  	s2 =	sld [smem:$0x3FFD];
	_ =	sdelay $0x3  }
0x96: {  	_ =	strace s2  }
0x97: {  	_ =	strace $0x8FFFFFFF  }
0x98: {  	s18 =	sld [smem:$0x3FDB];
	_ =	sdelay $0x1  }
0x99: {  	s19 =	simm.s32 $_scs_section_size  }
0x9a: {  	s4 =	simm.s32 $_size__tile_overlayer_lowered;
	s5 =	simm.s32 $_tile_overlayer_lowered  }
0x9b: {  	s22 =	simm.s32 $0x1BFF;
	s21 =	sshll.u32 s5, $0x1;
	s2 =	sadd.s32 s19, s18  }
0x9c: {  	s6 =	simm.s32 $0x0;
	s20 =	sshll.u32 s4, $0x1;
	s4 =	sadd.s32 s21, s2  }
0x9d: {  	[timem:s6], [sflag:s22] =	dma.local [hbm:s4], s20  }
0x9e: {  	_ =	swait.ge [sflag:s22], s20  }
0x9f: {  	s3 =	ssub.s32 $0x0, s20;
	[sflag:s22] =	ssyncset.done $0x0  }
0xa0: {  	[sflag:s22] =	ssyncadd.s32 s3;
	_ =	sdelay $0x1  }
0xa1: {  	s23 =	simm.s32 $0x1B8B  }
0xa2: {  	_ =	swait.ge [sflag:s23], $0x1  }
0xa3: {  	[sflag:s23] =	ssyncset.done $0x0  }
0xa4: {  	s25 =	simm.s32 $0x1B8E;
	s24 =	sld [smem:$0x3FFE];
	[sflag:s23] =	ssyncadd.s32 $0xFFFFFFFF  }
0xa5: {  	s26 =	simm.s32 $execute0_lowered;
	[smem:$0x3FD2] =	sst s25  }
0xa6: {  	s4 =	sshll.u32 s26, $0x1;
	_ =	strace $0x80000046;
	[dreg:$0x1] =	wrdreg $0xFFFFFFFF  }
0xa7: {  	s28 =	simm.s32 $_size_execute0_lowered;
	s2 =	sadd.s32 s2, s4;
	[dreg:$0x0] =	wrdreg $0x0  }
0xa8: {  	s4 =	sshll.u32 s28, $0x1;
	[dreg:$0x2] =	wrdreg s2  }
0xa9: {  	[dreg:$0x3] =	wrdreg s4  }
0xaa: {  	[dreg:$0x4] =	wrdreg $0xC0  }
0xab: {  	_ =	task [dreg:s6], $0x5FFFF  }
0xac: {  	[dreg:$0x1] =	wrdreg $0xFFFFFFFF  }
0xad: {  	[dreg:$0x0] =	wrdreg $0x60  }
0xae: {  	[dreg:$0x2] =	wrdreg s24  }
0xaf: {  	[dreg:$0x3] =	wrdreg $0x9  }
0xb0: {  	_ =	task.clear_ibuf [dreg:s6], $0x4FFFF;
	_ =	strace $0x90000046  }
0xb1: {  	s29 =	simm.s32 $0x9;
	_ =	strace $0x80000048  }
0xb2: {  	_ =	swait.ge [sflag:s29], $0x1  }
0xb3: {  	[sflag:s29] =	ssyncadd.s32 $0xFFFFFFFF  }
0xb4: {  	_ =	strace $0x90000048  }
0xb5: {  	_ =	sfence  }
0xb6: {  	s30 =	sld [smem:$0x0];
	_ =	sdelay $0x2  }
0xb7: {  	s31 =	sshll.u32 s1, $0xD;
	s1 =	sshrl.u32 s1, $0x2  }
0xb8: {  	s3 =	sand.u32 $0x4000, s31;
	s1 =	sadd.s32 s1, s30  }
0xb9: {  	s0 =	sor.u32 s3, s0;
	s1 =	sshll.u32 s1, $0x11  }
0xba: {  	s0 =	sor.u32 s1, s0  }
0xbb: {  	s0 =	sadd.s32 $0x8F2B, s0  }
0xbc: {  	[sflag:s0] =	ssyncadd.remote.s32 $0x1  }
0xbd: {  	_ =	sfence.sel $0xFFFF  }
0xbe: {  	[dreg:$0x0] =	wrdreg $0xFFFFFFFF;
	(pc) =	sbr.abs _section_cstart, $3  }
0xbf: {  	[dreg:$0x1] =	wrdreg $0xFFFFFFFF  }
0xc0: {  	_ =	task.clear_ibuf [dreg:s6], $0x2FFFF;
	_ =	strace $0x9FFFFFFF  }
0xc1: {  	(tm) =	ssettm $0x7FFFFFFF  }
tec
execute0_lowered:
.L_overlay_start_1:
0x0: {  	(tag) =	ssettag $0x1  }
0x1: {  	s7 =	rddreg [dreg:$0x0]  }
0x2: {  	s0 =	rddreg [dreg:$0x1];
	s1 =	simm.s32 $0x0;
	s5 =	srdreg.scid  }
0x3: {  	s2 =	stileid.u32;
	s12 =	simm.s32 $0x50;
	s13 =	simm.s32 $0x100  }
0x4: {  	s14 =	simm.s32 $0x2900;
	s15 =	simm.s32 $0x1;
	s16 =	simm.s32 $0x2  }
0x5: {  	s17 =	simm.s32 $0x0;
	[smem:$0x7FF] =	sst s1;
	s3 =	sadd.s32 $0x76800, s7  }
0x6: {  	s4 =	sadd.s32 $0x9DA00, s7;
	s8 =	sand.u32 $0x1, s5;
	s5 =	sadd.s32 $0x61400, s7  }
0x7: {  	s10 =	sshll.u32 s2, $0x1;
	s6 =	sadd.s32 $0x6B200, s7;
	s9 =	ssub.s32 $0x2, s8  }
0x8: {  	s7 =	sadd.s32 $0xEBE00, s7;
	_ =	strace $0x80000047;
	s11 =	sshrl.u32 s9, $0x1  }
0x9: {  	s8 =	sor.u32 s8, s10;
	s10 =	simm.s32 $0x3;
	s9 =	ssub.s32 s9, s11  }
0xa: {  	s8 =	smul.u32 $0x2710, s8;
	s11 =	simm.s32 $0x80;
	s9 =	smax.u32 s9, $0x1  }
.LBB2_1:
0xb: {  	s18 =	simm.s32 $0x0  }
.LBB2_2:
0xc: {  	s19 =	smul.u32 $0x50, s18;
	_ =	sdelay $0x1  }
0xd: {  	s19 =	sadd.s32 s8, s19  }
0xe: {  	s20 =	sshrl.u32 s19, $0x3  }
0xf: {  	s22 =	simm.s32 $0x0;
	s21 =	sadd.s32 s5, s20  }
0x10: {  	[tilespmem:s22], [sflag:$0x3] =	stream.linear.gather [hbm4b:s21+s22], $0x50, $0x38;
	[tilespmem:$0x5100] =	vst v63  }
0x11: {  	_ =	swait.ge [sflag:s10], $0x50  }
0x12: {  	[sflag:s10] =	ssyncset.done $0x0  }
0x13: {  	s20 =	sadd.s32 s6, s20;
	[sflag:s10] =	ssyncadd.s32 $0xFFFFFFB0  }
0x14: {  	[tilespmem:s11], [sflag:$0x3] =	stream.linear.gather [hbm4b:s20+s22], $0x50, $0x38;
	[tilespmem:$0x5100] =	vst v63  }
0x15: {  	_ =	swait.ge [sflag:s10], $0x50  }
0x16: {  	[sflag:s10] =	ssyncset.done $0x0  }
0x17: {  	[sflag:s10] =	ssyncadd.s32 $0xFFFFFFB0  }
0x18: {  	[tilespmem:s13], [sflag:$0x1] =	stream.indirect.gather [hbm4b:s3+s12], $0x80, s22, s12, $0xb8;
	[tilespmem:$0x5100] =	vst v63  }
0x19: {  	_ = 	snop  }
0x1a: {  	[tilespmem:s14], [sflag:$0x2] =	stream.indirect.gather [hbm4b:s4+s12], $0x80, s11, s12, $0xb8;
	[tilespmem:$0x5100] =	vst v63  }
0x1b: {  	_ =	swait.ge [sflag:s15], $0x2800  }
0x1c: {  	[sflag:s15] =	ssyncset.done $0x0  }
0x1d: {  	[sflag:s15] =	ssyncadd.s32 $0xFFFFD800  }
0x1e: {  	_ =	swait.ge [sflag:s16], $0x2800  }
0x1f: {  	[sflag:s16] =	ssyncset.done $0x0  }
0x20: {  	s20 =	simm.s32 $0x0;
	[sflag:s16] =	ssyncadd.s32 $0xFFFFD800  }
0x21: {  	v6 =	vld [tilespmem:s20+$0x2900]  }
0x22: {  	v11 =	vld [tilespmem:s20+$0x2910]  }
0x23: {  	v5 =	vld [tilespmem:s20+$0x2920]  }
0x24: {  	v4 =	vld [tilespmem:s20+$0x2930]  }
0x25: {  	v3 =	vld [tilespmem:s20+$0x2940]  }
0x26: {  	v2 =	vld [tilespmem:s20+$0x2950]  }
0x27: {  	v1 =	vld [tilespmem:s20+$0x2960]  }
0x28: {  	v0 =	vld [tilespmem:s20+$0x2970]  }
0x29: {  	v12 =	vld [tilespmem:s20+$0x100]  }
0x2a: {  	v13 =	vld [tilespmem:s20+$0x110]  }
0x2b: {  	v10 =	vld [tilespmem:s20+$0x120]  }
0x2c: {  	v9 =	vld [tilespmem:s20+$0x130]  }
0x2d: {  	v8 =	vld [tilespmem:s20+$0x140]  }
0x2e: {  	v7 =	vld [tilespmem:s20+$0x150];
	v12 =	vadd.f32 v6, v12  }
0x2f: {  	s21 =	simm.s32 $0x200;
	v11 =	vadd.f32 v11, v13;
	v6 =	vld [tilespmem:s20+$0x160]  }
.LBB2_3:
0x30: {  	s22 =	sshra.s32 s21, $0x2;
	p0 =	sne.s32 s21, $0x9E00;
	v12 =	vmax.f32 v12, $0.0e+00;
	v5 =	vadd.f32 v5, v10;
	v10 =	vld [tilespmem:s20+$0x170]  }
0x31: {  	v13 =	vld [tilespmem:s22+$0x2900];
	[tilespmem:s20+$0x100] =	vst v12;
	v11 =	vmax.f32 v11, $0.0e+00;
	v4 =	vadd.f32 v4, v9  }
0x32: {  	v14 =	vld [tilespmem:s22+$0x2910];
	[tilespmem:s20+$0x110] =	vst v11;
	v9 =	vmax.f32 v5, $0.0e+00;
	v3 =	vadd.f32 v3, v8  }
0x33: {  	v5 =	vld [tilespmem:s22+$0x2920];
	[tilespmem:s20+$0x120] =	vst v9;
	v8 =	vmax.f32 v4, $0.0e+00;
	v2 =	vadd.f32 v2, v7  }
0x34: {  	v4 =	vld [tilespmem:s22+$0x2930];
	[tilespmem:s20+$0x130] =	vst v8;
	v7 =	vmax.f32 v3, $0.0e+00;
	v1 =	vadd.f32 v1, v6  }
0x35: {  	v3 =	vld [tilespmem:s22+$0x2940];
	[tilespmem:s20+$0x140] =	vst v7;
	v6 =	vmax.f32 v2, $0.0e+00;
	v0 =	vadd.f32 v0, v10  }
0x36: {  	v2 =	vld [tilespmem:s22+$0x2950];
	[tilespmem:s20+$0x150] =	vst v6;
	v6 =	vmax.f32 v1, $0.0e+00  }
0x37: {  	v1 =	vld [tilespmem:s22+$0x2960];
	[tilespmem:s20+$0x160] =	vst v6;
	v6 =	vmax.f32 v0, $0.0e+00  }
0x38: {  	v0 =	vld [tilespmem:s22+$0x2970];
	[tilespmem:s20+$0x170] =	vst v6;
	s20 =	smov.u32 s22  }
0x39: {  	v6 =	vld [tilespmem:s20+$0x100]  }
0x3a: {  	v11 =	vld [tilespmem:s20+$0x110]  }
.Ltmp0:
0x3b: {  	v10 =	vld [tilespmem:s20+$0x120];
	(pc) =	sbr.rel @p0 .LBB2_3-.Ltmp0, $4  }
0x3c: {  	v9 =	vld [tilespmem:s20+$0x130]  }
0x3d: {  	v8 =	vld [tilespmem:s20+$0x140]  }
0x3e: {  	v12 =	vadd.f32 v13, v6;
	v7 =	vld [tilespmem:s20+$0x150]  }
0x3f: {  	s21 =	sadd.s32 $0x200, s21;
	v11 =	vadd.f32 v14, v11;
	v6 =	vld [tilespmem:s20+$0x160]  }
0x40: {  	v12 =	vmax.f32 v12, $0.0e+00;
	v5 =	vadd.f32 v5, v10;
	v63 =	vld [tilespmem:s20+$0x170]  }
0x41: {  	[tilespmem:s20+$0x100] =	vst v12;
	v11 =	vmax.f32 v11, $0.0e+00;
	v4 =	vadd.f32 v4, v9  }
0x42: {  	[tilespmem:s20+$0x110] =	vst v11;
	v5 =	vmax.f32 v5, $0.0e+00;
	v3 =	vadd.f32 v3, v8  }
0x43: {  	[tilespmem:s20+$0x120] =	vst v5;
	v4 =	vmax.f32 v4, $0.0e+00;
	v2 =	vadd.f32 v2, v7  }
0x44: {  	[tilespmem:s20+$0x130] =	vst v4;
	v3 =	vmax.f32 v3, $0.0e+00;
	v1 =	vadd.f32 v1, v6  }
0x45: {  	[tilespmem:s20+$0x140] =	vst v3;
	v2 =	vmax.f32 v2, $0.0e+00;
	v0 =	vadd.f32 v0, v63  }
0x46: {  	s18 =	sadd.s32 $0x1, s18;
	[tilespmem:s20+$0x150] =	vst v2;
	v1 =	vmax.f32 v1, $0.0e+00  }
0x47: {  	s19 =	sshll.u32 s19, $0x4;
	p0 =	sne.s32 s18, $0x7D;
	[tilespmem:s20+$0x160] =	vst v1;
	v0 =	vmax.f32 v0, $0.0e+00  }
.Ltmp1:
0x48: {  	s19 =	sadd.s32 s7, s19;
	[tilespmem:s20+$0x170] =	vst v0;
	(pc) =	sbr.rel @p0 .LBB2_2-.Ltmp1, $4  }
0x49: {  	[hbm4b:s19+s1] =	stream.linear.scatter [tilespmem:s13], [sflag:$0x3], $0x2800, $0x38;
	[tilespmem:$0x5100] =	vst v63  }
0x4a: {  	_ =	swait.ge [sflag:s10], $0x2800  }
0x4b: {  	[sflag:s10] =	ssyncset.done $0x0  }
0x4c: {  	[sflag:s10] =	ssyncadd.s32 $0xFFFFD800  }
0x4d: {  	s17 =	sadd.s32 $0x1, s17  }
0x4e: {  	p0 =	sne.s32 s17, s9  }
.Ltmp2:
0x4f: {  	_ = 	snop;
	(pc) =	sbr.rel @p0 .LBB2_1-.Ltmp2, $1  }
0x50: {  	_ =	sdelay $0x3  }
0x51: {  	_ =	sfence.sel $0x180000  }
0x52: {  	[bflag:$0x0] =	sbarrier.arrive $0xFFFF  }
0x53: {  	p0 =	sne.s32 s2, $0x0;
	_ =	strace $0x90000047  }
0x54: {  	s0 =	sadd.s32 @!p0 $0x100000, s0;
	[bflag:$0x2] =	sbarrier.arrive $0xFFFF  }
0x55: {  	[sflag:s0] =	ssyncadd.tile.s32 @!p0 $0x1;
	_ =	shalt  }
.Lfunc_end2:
_tile_overlayer_lowered:
.L_overlay_start_2:
0x56: {  	(tag) =	ssettag $0x2  }
0x57: {  	s0 =	rddreg [dreg:$0x0];
	s2 =	stileid.u32  }
0x58: {  	s1 =	rddreg [dreg:$0x1];
	p0 =	sne.s32 s2, $0x0  }
0x59: {  	s3 =	rddreg [dreg:$0x2];
	[bflag:$0x3] =	sbarrier.arrive $0xFFFF;
	s2 =	simm.s32 @!p0 $0x1C03  }
0x5a: {  	[timem:s3], [sflag:s2] =	dma.local @!p0 [hbm:s0], s1  }
0x5b: {  	s0 =	simm.s32 @!p0 $0x3  }
0x5c: {  	_ =	swait.ge @!p0 [sflag:s0], s1  }
0x5d: {  	s1 =	ssub.s32 @!p0 $0x0, s1;
	[sflag:s0] =	ssyncset.done @!p0 $0x0  }
0x5e: {  	[sflag:s0] =	ssyncadd.s32 @!p0 s1  }
0x5f: {  	[bflag:$0x3] =	sbarrier.arrive $0xFFFF  }
0x60: {  	_ =	shalt  }

// kernel: kernel.23.cloned.1.call-start
scs
__scs_entry_jumppad:
0x0: {  	(pc) =	sbr.rel $0x88, $3  }
0x1: {  	(tag) =	ssettag $0x0;
	lr =	simm.s32 $0x1  }
0x2: {  	[smem:$0x3F70] =	sst lr;
	_ =	strace $0xD0000000  }
0x3: {  	_ = 	snop  }
0x4: {  	_ = 	snop  }
0x5: {  	_ = 	snop  }
0x6: {  	_ = 	snop  }
0x7: {  	_ = 	snop  }
__scs_overlays_trampoline_lowered:
0x8: {  	[smem:$0x3F7F] =	sst s0  }
0x9: {  	[smem:$0x3F80] =	sst s1  }
0xa: {  	[smem:$0x3F81] =	sst s2  }
0xb: {  	[smem:$0x3F82] =	sst s3  }
0xc: {  	[smem:$0x3F83] =	sst s4  }
0xd: {  	[smem:$0x3F84] =	sst s5  }
0xe: {  	[smem:$0x3F85] =	sst s6  }
0xf: {  	[smem:$0x3F86] =	sst s7  }
0x10: {  	[smem:$0x3F87] =	sst s8  }
0x11: {  	[smem:$0x3F88] =	sst s9;
	s0 =	simm.s32 @!p0 $0x0  }
0x12: {  	s1 =	sld [smem:$0x3F6E];
	s0 =	simm.s32 @p0 $0x1  }
0x13: {  	[smem:$0x3F89] =	sst s0;
	s0 =	simm.s32 @!p1 $0x0  }
0x14: {  	s2 =	sld [smem:$0x3F6D];
	s0 =	simm.s32 @p1 $0x1  }
0x15: {  	[smem:$0x3F8A] =	sst s0;
	s0 =	simm.s32 @!p2 $0x0  }
0x16: {  	s3 =	sld [smem:$0x3FDB];
	s0 =	simm.s32 @p2 $0x1  }
0x17: {  	s4 =	simm.s32 $0x1BF5;
	[smem:$0x3F8C] =	sst s0  }
0x18: {  	s0 =	sld [smem:$0x3F6F];
	_ =	swait.ge [sflag:s4], $0x0  }
0x19: {  	s7 =	sld [smem:$0x3F70]  }
0x1a: {  	s8 =	sadd.s32 $0xFFFFE003, lr  }
0x1b: {  	s9 =	sadd.s32 $0xFFFFFEF7, lr;
	s5 =	simm.s32 $0xFFFFFFFF;
	p2 =	slt.u32 s8, $0xFFFFF086  }
0x1c: {  	p1 =	slt.u32 s9, $0xF7A;
	s5 =	simm.s32 @!p2 $0x0  }
0x1d: {  	s5 =	simm.s32 @p1 $0x1;
	p0 =	seq.s32 s7, s2  }
0x1e: {  	s7 =	smul.u32 @!p0 $0xF7A, s2;
	p2 =	seq.s32 @!p0 s5, $0x0  }
0x1f: {  	s9 =	smul.u32 $0xF7A, s1;
	s8 =	simm.s32 @!p0 $0x1BF5;
	p2 =	por !p2, p0  }
0x20: {  	[sflag:s8] =	ssyncset.s32 @!p0 $0xFFFFF086;
	s6 =	sadd.s32 @!p0 s3, s7;
	s7 =	simm.s32 @!p0 $0x108  }
0x21: {  	s3 =	sadd.s32 s3, s9;
	s6 =	sadd.s32 @!p0 $0x88, s6;
	s7 =	simm.s32 @p2 $0x1082  }
0x22: {  	[simem:s7], [sflag:s8] =	dma.local @!p0 [hbm:s6], $0xF7A  }
0x23: {  	s9 =	sor.u32 $0xD0000000, s2;
	s6 =	simm.s32 $0x108;
	_ =	swait.ge @!p0 [sflag:s8], $0x0  }
0x24: {  	s3 =	sadd.s32 $0x88, s3;
	s6 =	simm.s32 @!p1 $0x1082;
	[sflag:s4] =	ssyncset.s32 $0xFFFFF086  }
0x25: {  	[simem:s6], [sflag:s4] =	dma.local [hbm:s3], $0xF7A  }
0x26: {  	[smem:$0x3F70] =	sst s1;
	(tag) =	ssettag s2;
	_ =	strace s9  }
0x27: {  	s1 =	sld [smem:$0x3F80]  }
0x28: {  	s2 =	sld [smem:$0x3F81]  }
0x29: {  	s4 =	sld [smem:$0x3F83]  }
0x2a: {  	p0 =	seq.s32 s5, $0x0;
	s5 =	sld [smem:$0x3F84]  }
0x2b: {  	s6 =	sld [smem:$0x3F85]  }
0x2c: {  	s7 =	sld [smem:$0x3F86]  }
0x2d: {  	s3 =	simm.s32 $0x108;
	s8 =	sld [smem:$0x3F87]  }
0x2e: {  	s3 =	simm.s32 @!p0 $0x1082;
	s9 =	sld [smem:$0x3F88]  }
0x2f: {  	lr =	sadd.s32 s0, s3;
	s0 =	sld [smem:$0x3F7F]  }
0x30: {  	s3 =	sld [smem:$0x3F82]  }
0x31: {  	[smem:$0x3F8B] =	sst s10  }
0x32: {  	s10 =	sld [smem:$0x3F89];
	_ =	sdelay $0x3  }
0x33: {  	p0 =	seq.s32 s10, $0x1;
	s10 =	sld [smem:$0x3F8B];
	_ =	sdelay $0x3  }
0x34: {  	[smem:$0x3F8B] =	sst s10  }
0x35: {  	s10 =	sld [smem:$0x3F8A];
	_ =	sdelay $0x3  }
0x36: {  	p1 =	seq.s32 s10, $0x1;
	s10 =	sld [smem:$0x3F8B];
	_ =	sdelay $0x3  }
0x37: {  	[smem:$0x3F8B] =	sst s10  }
0x38: {  	s10 =	sld [smem:$0x3F8C]  }
0x39: {  	_ = 	snop;
	(pc) =	sbr.ind lr, $3  }
0x3a: {  	_ = 	snop  }
0x3b: {  	_ = 	snop  }
0x3c: {  	p2 =	seq.s32 s10, $0x1;
	s10 =	sld [smem:$0x3F8B]  }
0x3d: {  	_ =	shalt  }
0x3e: {  	_ =	shalt  }
0x3f: {  	_ =	shalt  }
0x40: {  	_ =	shalt  }
0x41: {  	_ =	shalt  }
0x42: {  	_ =	shalt  }
0x43: {  	_ =	shalt  }
0x44: {  	_ =	shalt  }
0x45: {  	_ =	shalt  }
0x46: {  	_ =	shalt  }
0x47: {  	_ =	shalt  }
0x48: {  	_ =	shalt  }
0x49: {  	_ =	shalt  }
0x4a: {  	_ =	shalt  }
0x4b: {  	_ =	shalt  }
0x4c: {  	_ =	shalt  }
0x4d: {  	_ =	shalt  }
0x4e: {  	_ =	shalt  }
0x4f: {  	_ =	shalt  }
0x50: {  	_ =	shalt  }
0x51: {  	_ =	shalt  }
0x52: {  	_ =	shalt  }
0x53: {  	_ =	shalt  }
0x54: {  	_ =	shalt  }
0x55: {  	_ =	shalt  }
0x56: {  	_ =	shalt  }
0x57: {  	_ =	shalt  }
0x58: {  	_ =	shalt  }
0x59: {  	_ =	shalt  }
0x5a: {  	_ =	shalt  }
0x5b: {  	_ =	shalt  }
0x5c: {  	_ =	shalt  }
0x5d: {  	_ =	shalt  }
0x5e: {  	_ =	shalt  }
0x5f: {  	_ =	shalt  }
0x60: {  	_ =	shalt  }
0x61: {  	_ =	shalt  }
0x62: {  	_ =	shalt  }
0x63: {  	_ =	shalt  }
0x64: {  	_ =	shalt  }
0x65: {  	_ =	shalt  }
0x66: {  	_ =	shalt  }
0x67: {  	_ =	shalt  }
0x68: {  	_ =	shalt  }
0x69: {  	_ =	shalt  }
0x6a: {  	_ =	shalt  }
0x6b: {  	_ =	shalt  }
0x6c: {  	_ =	shalt  }
0x6d: {  	_ =	shalt  }
0x6e: {  	_ =	shalt  }
0x6f: {  	_ =	shalt  }
0x70: {  	_ =	shalt  }
0x71: {  	_ =	shalt  }
0x72: {  	_ =	shalt  }
0x73: {  	_ =	shalt  }
0x74: {  	_ =	shalt  }
0x75: {  	_ =	shalt  }
0x76: {  	_ =	shalt  }
0x77: {  	_ =	shalt  }
0x78: {  	_ =	shalt  }
0x79: {  	_ =	shalt  }
0x7a: {  	_ =	shalt  }
0x7b: {  	_ =	shalt  }
0x7c: {  	_ =	shalt  }
0x7d: {  	_ =	shalt  }
0x7e: {  	_ =	shalt  }
0x7f: {  	_ =	shalt  }
0x80: {  	_ =	shalt  }
0x81: {  	_ =	shalt  }
0x82: {  	_ =	shalt  }
0x83: {  	_ =	shalt  }
0x84: {  	_ =	shalt  }
0x85: {  	_ =	shalt  }
0x86: {  	_ =	shalt  }
0x87: {  	_ =	shalt  }
.Lfunc_end0:
.L_simem_size_0:
called_computation.1_lowered:
.L_overlay_start_0:
0x88: {  	s2 =	sld [smem:$0x3FD9]  }
0x89: {  	s3 =	sld [smem:$0x3FFE];
	_ =	sdelay $0x1  }
0x8a: {  	s1 =	srdreg.scid  }
0x8b: {  	s0 =	sand.u32 $0x1, s1  }
0x8c: {  	s16 =	sshll.u32 s0, $0xA;
	s2 =	sadd.s32 s3, s2  }
0x8d: {  	s2 =	sadd.s32 s2, s16  }
0x8e: {  	[smem:$0x3F97] =	sst s2  }
0x8f: {  	_ = 	snop  }
0x90: {  	(tm) =	ssettm $0x1  }
0x91: {  	s17 =	sld [smem:$0x3FFB];
	_ =	sdelay $0x3  }
0x92: {  	_ =	strace s17  }
0x93: {  	s2 =	sld [smem:$0x3FFC];
	_ =	sdelay $0x3  }
0x94: {  	_ =	strace s2  }
0x95: {  	s2 =	sld [smem:$0x3FFD];
	_ =	sdelay $0x3  }
0x96: {  	_ =	strace s2  }
0x97: {  	_ =	strace $0x8FFFFFFF  }
0x98: {  	s18 =	sld [smem:$0x3FDB];
	_ =	sdelay $0x1  }
0x99: {  	s19 =	simm.s32 $_scs_section_size  }
0x9a: {  	s4 =	simm.s32 $_size__tile_overlayer_lowered;
	s5 =	simm.s32 $_tile_overlayer_lowered  }
0x9b: {  	s22 =	simm.s32 $0x1BFF;
	s21 =	sshll.u32 s5, $0x1;
	s2 =	sadd.s32 s19, s18  }
0x9c: {  	s6 =	simm.s32 $0x0;
	s20 =	sshll.u32 s4, $0x1;
	s4 =	sadd.s32 s21, s2  }
0x9d: {  	[timem:s6], [sflag:s22] =	dma.local [hbm:s4], s20  }
0x9e: {  	_ =	swait.ge [sflag:s22], s20  }
0x9f: {  	s3 =	ssub.s32 $0x0, s20;
	[sflag:s22] =	ssyncset.done $0x0  }
0xa0: {  	[sflag:s22] =	ssyncadd.s32 s3;
	_ =	sdelay $0x1  }
0xa1: {  	s23 =	simm.s32 $0x1B8B  }
0xa2: {  	_ =	swait.ge [sflag:s23], $0x1  }
0xa3: {  	[sflag:s23] =	ssyncset.done $0x0  }
0xa4: {  	s25 =	simm.s32 $0x1B8E;
	s24 =	sld [smem:$0x3FFE];
	[sflag:s23] =	ssyncadd.s32 $0xFFFFFFFF  }
0xa5: {  	s26 =	simm.s32 $execute0_lowered;
	[smem:$0x3FD2] =	sst s25  }
0xa6: {  	s4 =	sshll.u32 s26, $0x1;
	_ =	strace $0x80000049;
	[dreg:$0x1] =	wrdreg $0xFFFFFFFF  }
0xa7: {  	s28 =	simm.s32 $_size_execute0_lowered;
	s2 =	sadd.s32 s2, s4;
	[dreg:$0x0] =	wrdreg $0x0  }
0xa8: {  	s4 =	sshll.u32 s28, $0x1;
	[dreg:$0x2] =	wrdreg s2  }
0xa9: {  	[dreg:$0x3] =	wrdreg s4  }
0xaa: {  	[dreg:$0x4] =	wrdreg $0xC0  }
0xab: {  	_ =	task [dreg:s6], $0x5FFFF  }
0xac: {  	[dreg:$0x1] =	wrdreg $0xFFFFFFFF  }
0xad: {  	[dreg:$0x0] =	wrdreg $0x60  }
0xae: {  	[dreg:$0x2] =	wrdreg s24  }
0xaf: {  	[dreg:$0x3] =	wrdreg $0x68800  }
0xb0: {  	[dreg:$0x4] =	wrdreg $0x9  }
0xb1: {  	_ =	task.clear_ibuf [dreg:s6], $0x5FFFF;
	_ =	strace $0x90000049  }
0xb2: {  	s29 =	simm.s32 $0x9;
	_ =	strace $0x8000004B  }
0xb3: {  	_ =	swait.ge [sflag:s29], $0x1  }
0xb4: {  	[sflag:s29] =	ssyncadd.s32 $0xFFFFFFFF  }
0xb5: {  	_ =	strace $0x9000004B  }
0xb6: {  	_ =	sfence  }
0xb7: {  	s30 =	sld [smem:$0x0];
	_ =	sdelay $0x2  }
0xb8: {  	s31 =	sshll.u32 s1, $0xD;
	s1 =	sshrl.u32 s1, $0x2  }
0xb9: {  	s3 =	sand.u32 $0x4000, s31;
	s1 =	sadd.s32 s1, s30  }
0xba: {  	s0 =	sor.u32 s3, s0;
	s1 =	sshll.u32 s1, $0x11  }
0xbb: {  	s0 =	sor.u32 s1, s0  }
0xbc: {  	s0 =	sadd.s32 $0x8F2B, s0  }
0xbd: {  	[sflag:s0] =	ssyncadd.remote.s32 $0x1  }
0xbe: {  	_ =	sfence.sel $0xFFFF  }
0xbf: {  	[dreg:$0x0] =	wrdreg $0xFFFFFFFF;
	(pc) =	sbr.abs _section_cstart, $3  }
0xc0: {  	[dreg:$0x1] =	wrdreg $0xFFFFFFFF  }
0xc1: {  	_ =	task.clear_ibuf [dreg:s6], $0x2FFFF;
	_ =	strace $0x9FFFFFFF  }
0xc2: {  	(tm) =	ssettm $0x7FFFFFFF  }
0xc3: {  	_ =	shalt  }
tec
execute0_lowered:
.L_overlay_start_1:
0x0: {  	(tag) =	ssettag $0x1  }
0x1: {  	s4 =	rddreg [dreg:$0x0];
	s0 =	stileid.u32  }
0x2: {  	s1 =	srdreg.scid;
	s5 =	smul.u32 $0x4E200, s0  }
0x3: {  	s2 =	rddreg [dreg:$0x1];
	s3 =	simm.s32 $0x0;
	s6 =	smul.u32 $0x4E20, s0  }
0x4: {  	s13 =	sand.u32 $0x1, s1;
	s1 =	rddreg [dreg:$0x2];
	s8 =	smul.u32 $0x50000, s0  }
0x5: {  	[smem:$0x7FF] =	sst s3;
	s16 =	smul.u32 $0x14000, s0  }
0x6: {  	s18 =	sadd.s32 $0xEBE00, s4;
	s7 =	smul.u32 $0x2710, s13;
	_ =	strace $0x8000004A  }
0x7: {  	s14 =	smul.u32 $0x140000, s13;
	s23 =	ssub.s32 $0x2, s13;
	s15 =	sadd.s32 s5, s4  }
0x8: {  	s24 =	sshrl.u32 s23, $0x1;
	s25 =	sshrl.u32 s8, $0x2;
	s12 =	sadd.s32 $0x4000, s16  }
0x9: {  	s19 =	sadd.s32 $0x8000, s16;
	s31 =	sadd.s32 $0xC000, s16;
	s6 =	sadd.s32 s7, s6  }
0xa: {  	s26 =	sadd.s32 s14, s16;
	s28 =	ssub.s32 s23, s24;
	s10 =	sadd.s32 s14, s12  }
0xb: {  	s20 =	sadd.s32 s14, s19;
	s21 =	sadd.s32 s12, s2;
	s16 =	sadd.s32 $0x10000, s16  }
0xc: {  	s23 =	smul.u32 $0x27100, s13;
	s24 =	sadd.s32 s19, s2;
	s19 =	simm.s32 $0x80  }
0xd: {  	s22 =	sshrl.u32 s6, $0x3;
	s29 =	sshrl.u32 s26, $0x3;
	s6 =	smax.u32 s28, $0x1  }
0xe: {  	s11 =	sshrl.u32 s10, $0x3;
	s30 =	sshrl.u32 s20, $0x3;
	s26 =	sadd.s32 s16, s2  }
0xf: {  	s20 =	simm.s32 $0x50;
	s21 =	sshrl.u32 s21, $0x3;
	s17 =	sadd.s32 s22, s4  }
0x10: {  	s4 =	sadd.s32 s25, s2;
	s5 =	sadd.s32 s18, s29;
	s11 =	sadd.s32 s18, s11  }
0x11: {  	s12 =	sadd.s32 s18, s30;
	s22 =	sadd.s32 s14, s31;
	s14 =	sadd.s32 s14, s16  }
0x12: {  	s25 =	sadd.s32 s31, s2;
	s15 =	sadd.s32 s23, s15;
	s7 =	sadd.s32 $0x4000, s4  }
0x13: {  	s8 =	sadd.s32 $0x8000, s4;
	s9 =	sadd.s32 $0xC000, s4;
	s10 =	sadd.s32 $0x10000, s4  }
0x14: {  	s22 =	sshrl.u32 s22, $0x3;
	s14 =	sshrl.u32 s14, $0x3;
	s15 =	sadd.s32 $0x5CDE00, s15  }
0x15: {  	s16 =	sadd.s32 $0x6B200, s17;
	s17 =	simm.s32 $0x2880;
	s23 =	sshrl.u32 s25, $0x3  }
0x16: {  	s25 =	simm.s32 $0x0;
	s13 =	sadd.s32 s18, s22;
	s14 =	sadd.s32 s18, s14  }
0x17: {  	v0 =	vimm.f32 $0.0e+00;
	s18 =	simm.s32 $0x1;
	s22 =	sshrl.u32 s24, $0x3;
	s24 =	sshrl.u32 s26, $0x3  }
.LBB2_1:
0x18: {  	s26 =	simm.s32 $0x0;
	s28 =	simm.s32 $0x200  }
.LBB2_2:
0x19: {  	p0 =	sne.s32 s28, $0xFE00;
	[tilespmem:s26+$0x28F0] =	vst v0  }
0x1a: {  	[tilespmem:s26+$0x2880] =	vst v0  }
0x1b: {  	[tilespmem:s26+$0x2890] =	vst v0  }
.Ltmp0:
0x1c: {  	[tilespmem:s26+$0x28A0] =	vst v0;
	(pc) =	sbr.rel @p0 .LBB2_2-.Ltmp0, $4  }
0x1d: {  	[tilespmem:s26+$0x28B0] =	vst v0  }
0x1e: {  	[tilespmem:s26+$0x28C0] =	vst v0  }
0x1f: {  	[tilespmem:s26+$0x28D0] =	vst v0  }
0x20: {  	[tilespmem:s26+$0x28E0] =	vst v0;
	s26 =	sshra.s32 s28, $0x2;
	s28 =	sadd.s32 $0x200, s28  }
0x21: {  	[tilespmem:s26+$0x28F0] =	vst v0  }
0x22: {  	[tilespmem:s26+$0x2880] =	vst v0  }
0x23: {  	[tilespmem:s26+$0x2890] =	vst v0  }
0x24: {  	[tilespmem:s26+$0x28A0] =	vst v0  }
0x25: {  	[tilespmem:s26+$0x28B0] =	vst v0  }
0x26: {  	[tilespmem:s26+$0x28C0] =	vst v0  }
0x27: {  	[tilespmem:s26+$0x28D0] =	vst v0  }
0x28: {  	[tilespmem:s26+$0x28E0] =	vst v0  }
0x29: {  	[spmem:s4] =	stream.linear.scatter [tilespmem:s17], [sflag:$0x1], $0x4000, $0x38;
	[tilespmem:$0x1A880] =	vst v63  }
0x2a: {  	_ =	swait.ge [sflag:s18], $0x4000  }
0x2b: {  	[sflag:s18] =	ssyncset.done $0x0  }
0x2c: {  	[sflag:s18] =	ssyncadd.s32 $0xFFFFC000  }
0x2d: {  	[spmem:s7] =	stream.linear.scatter [tilespmem:s17], [sflag:$0x1], $0x4000, $0x38;
	[tilespmem:$0x1A880] =	vst v63  }
0x2e: {  	_ =	swait.ge [sflag:s18], $0x4000  }
0x2f: {  	[sflag:s18] =	ssyncset.done $0x0  }
0x30: {  	[sflag:s18] =	ssyncadd.s32 $0xFFFFC000  }
0x31: {  	[spmem:s8] =	stream.linear.scatter [tilespmem:s17], [sflag:$0x1], $0x4000, $0x38;
	[tilespmem:$0x1A880] =	vst v63  }
0x32: {  	_ =	swait.ge [sflag:s18], $0x4000  }
0x33: {  	[sflag:s18] =	ssyncset.done $0x0  }
0x34: {  	[sflag:s18] =	ssyncadd.s32 $0xFFFFC000  }
0x35: {  	[spmem:s9] =	stream.linear.scatter [tilespmem:s17], [sflag:$0x1], $0x4000, $0x38;
	[tilespmem:$0x1A880] =	vst v63  }
0x36: {  	_ =	swait.ge [sflag:s18], $0x4000  }
0x37: {  	[sflag:s18] =	ssyncset.done $0x0  }
0x38: {  	[sflag:s18] =	ssyncadd.s32 $0xFFFFC000  }
0x39: {  	[spmem:s10] =	stream.linear.scatter [tilespmem:s17], [sflag:$0x1], $0x4000, $0x38;
	[tilespmem:$0x1A880] =	vst v63  }
0x3a: {  	_ =	swait.ge [sflag:s18], $0x4000  }
0x3b: {  	[sflag:s18] =	ssyncset.done $0x0  }
0x3c: {  	[sflag:s18] =	ssyncadd.s32 $0xFFFFC000  }
0x3d: {  	s31 =	sadd.s32 $0x0, s16;
	[bflag:$0x0] =	sbarrier.arrive $0xFFFF  }
0x3e: {  	[tilespmem:s3], [sflag:$0x1] =	stream.linear.gather [hbm4b:s31+s3], $0x50, $0x38;
	[tilespmem:$0x1A880] =	vst v63  }
0x3f: {  	_ =	swait.ge [sflag:s18], $0x50  }
0x40: {  	[sflag:s18] =	ssyncset.done $0x0  }
0x41: {  	[sflag:s18] =	ssyncadd.s32 $0xFFFFFFB0  }
0x42: {  	[tilespmem:s19], [sflag:$0x1] =	stream.linear.gather [hbm4b:s15+s3], $0x2800, $0x38;
	[tilespmem:$0x1A880] =	vst v63  }
0x43: {  	_ =	swait.ge [sflag:s18], $0x2800  }
0x44: {  	[sflag:s18] =	ssyncset.done $0x0  }
0x45: {  	[sflag:s18] =	ssyncadd.s32 $0xFFFFD800  }
0x46: {  	[spmem:s2] =	stream.indirect.scatter.add.f32 [tilespmem:s19], [sflag:$0x1], $0x80, s3, s20, $0xb8;
	[tilespmem:$0x1A880] =	vst v63  }
0x47: {  	s28 =	simm.s32 $0xA;
	_ =	swait.ge [sflag:s18], $0x2800  }
0x48: {  	s29 =	simm.s32 $0x14;
	s26 =	sadd.s32 $0x500, s15;
	[sflag:s18] =	ssyncset.done $0x0  }
.LBB2_4:
0x49: {  	s30 =	sadd.s32 s28, s16  }
0x4a: {  	[sflag:s18] =	ssyncadd.s32 $0xFFFFD800;
	s28 =	smov.u32 s29;
	s31 =	sadd.s32 $0xA, s29  }
0x4b: {  	[tilespmem:s3], [sflag:$0x1] =	stream.linear.gather [hbm4b:s30+s3], $0x50, $0x38;
	[tilespmem:$0x1A880] =	vst v63  }
0x4c: {  	p0 =	sne.s32 s29, $0x4D8;
	_ =	swait.ge [sflag:s18], $0x50  }
0x4d: {  	[sflag:s18] =	ssyncset.done $0x0  }
0x4e: {  	[sflag:s18] =	ssyncadd.s32 $0xFFFFFFB0  }
0x4f: {  	[tilespmem:s19], [sflag:$0x1] =	stream.linear.gather [hbm4b:s26+s3], $0x2800, $0x38;
	[tilespmem:$0x1A880] =	vst v63  }
0x50: {  	_ =	swait.ge [sflag:s18], $0x2800  }
.Ltmp1:
0x51: {  	[sflag:s18] =	ssyncset.done $0x0;
	(pc) =	sbr.rel @p0 .LBB2_4-.Ltmp1, $4  }
0x52: {  	[sflag:s18] =	ssyncadd.s32 $0xFFFFD800  }
0x53: {  	[spmem:s2] =	stream.indirect.scatter.add.f32 [tilespmem:s19], [sflag:$0x1], $0x80, s3, s20, $0xb8;
	[tilespmem:$0x1A880] =	vst v63  }
0x54: {  	_ =	swait.ge [sflag:s18], $0x2800  }
0x55: {  	s29 =	smov.u32 s31;
	s26 =	sadd.s32 $0x500, s26;
	[sflag:s18] =	ssyncset.done $0x0  }
0x56: {  	s28 =	sadd.s32 s28, s16;
	[sflag:s18] =	ssyncadd.s32 $0xFFFFD800  }
0x57: {  	[tilespmem:s3], [sflag:$0x1] =	stream.linear.gather [hbm4b:s28+s3], $0x50, $0x38;
	[tilespmem:$0x1A880] =	vst v63  }
0x58: {  	_ =	swait.ge [sflag:s18], $0x50  }
0x59: {  	[sflag:s18] =	ssyncset.done $0x0  }
0x5a: {  	[sflag:s18] =	ssyncadd.s32 $0xFFFFFFB0  }
0x5b: {  	[tilespmem:s19], [sflag:$0x1] =	stream.linear.gather [hbm4b:s26+s3], $0x2800, $0x38;
	[tilespmem:$0x1A880] =	vst v63  }
0x5c: {  	_ =	swait.ge [sflag:s18], $0x2800  }
0x5d: {  	[sflag:s18] =	ssyncset.done $0x0  }
0x5e: {  	[sflag:s18] =	ssyncadd.s32 $0xFFFFD800  }
0x5f: {  	[spmem:s2] =	stream.indirect.scatter.add.f32 [tilespmem:s19], [sflag:$0x1], $0x80, s3, s20, $0xb8;
	[tilespmem:$0x1A880] =	vst v63  }
0x60: {  	_ =	swait.ge [sflag:s18], $0x2800  }
0x61: {  	[sflag:s18] =	ssyncset.done $0x0  }
0x62: {  	s30 =	sshll.u32 s0, $0x6;
	[sflag:s18] =	ssyncadd.s32 $0xFFFFD800  }
0x63: {  	s31 =	sshrl.u32 s4, $0x3;
	s26 =	sor.u32 $0x1C01, s30;
	[bflag:$0x0] =	sbarrier.arrive $0xFFFF  }
0x64: {  	[hbm:s5], [sflag:s26] =	dma.local [spmem:s31], $0x800  }
0x65: {  	_ =	swait.ge [sflag:s18], $0x800  }
0x66: {  	[sflag:s18] =	ssyncset.done $0x0  }
0x67: {  	[sflag:s18] =	ssyncadd.s32 $0xFFFFF800  }
0x68: {  	[hbm:s11], [sflag:s26] =	dma.local [spmem:s21], $0x800  }
0x69: {  	_ =	swait.ge [sflag:s18], $0x800  }
0x6a: {  	[sflag:s18] =	ssyncset.done $0x0  }
0x6b: {  	[sflag:s18] =	ssyncadd.s32 $0xFFFFF800  }
0x6c: {  	[hbm:s12], [sflag:s26] =	dma.local [spmem:s22], $0x800  }
0x6d: {  	_ =	swait.ge [sflag:s18], $0x800  }
0x6e: {  	[sflag:s18] =	ssyncset.done $0x0  }
0x6f: {  	[sflag:s18] =	ssyncadd.s32 $0xFFFFF800  }
0x70: {  	[hbm:s13], [sflag:s26] =	dma.local [spmem:s23], $0x800  }
0x71: {  	s25 =	sadd.s32 $0x1, s25;
	_ =	swait.ge [sflag:s18], $0x800  }
0x72: {  	p0 =	sne.s32 s25, s6;
	[sflag:s18] =	ssyncset.done $0x0  }
.Ltmp2:
0x73: {  	[sflag:s18] =	ssyncadd.s32 $0xFFFFF800;
	(pc) =	sbr.rel @p0 .LBB2_1-.Ltmp2, $4  }
0x74: {  	[hbm:s14], [sflag:s26] =	dma.local [spmem:s24], $0x800  }
0x75: {  	_ =	swait.ge [sflag:s18], $0x800  }
0x76: {  	[sflag:s18] =	ssyncset.done $0x0  }
0x77: {  	[sflag:s18] =	ssyncadd.s32 $0xFFFFF800  }
0x78: {  	_ =	sfence.sel $0x180000  }
0x79: {  	[bflag:$0x0] =	sbarrier.arrive $0xFFFF  }
0x7a: {  	p0 =	sne.s32 s0, $0x0;
	_ =	strace $0x9000004A  }
0x7b: {  	s0 =	sadd.s32 @!p0 $0x100000, s1;
	[bflag:$0x2] =	sbarrier.arrive $0xFFFF  }
0x7c: {  	[sflag:s0] =	ssyncadd.tile.s32 @!p0 $0x1;
	_ =	shalt  }
.Lfunc_end2:
_tile_overlayer_lowered:
.L_overlay_start_2:
0x7d: {  	(tag) =	ssettag $0x2  }
0x7e: {  	s0 =	rddreg [dreg:$0x0];
	s2 =	stileid.u32  }
0x7f: {  	s1 =	rddreg [dreg:$0x1];
	p0 =	sne.s32 s2, $0x0  }
0x80: {  	s3 =	rddreg [dreg:$0x2];
	[bflag:$0x3] =	sbarrier.arrive $0xFFFF;
	s2 =	simm.s32 @!p0 $0x1C01  }
0x81: {  	[timem:s3], [sflag:s2] =	dma.local @!p0 [hbm:s0], s1  }
0x82: {  	s0 =	simm.s32 @!p0 $0x1  }
0x83: {  	_ =	swait.ge @!p0 [sflag:s0], s1  }
0x84: {  	s1 =	ssub.s32 @!p0 $0x0, s1;
	[sflag:s0] =	ssyncset.done @!p0 $0x0  }
0x85: {  	[sflag:s0] =	ssyncadd.s32 @!p0 s1  }
0x86: {  	[bflag:$0x3] =	sbarrier.arrive $0xFFFF  }
0x87: {  	_ =	shalt  }

// kernel: kernel.26.cloned.1.call-start
scs
__scs_entry_jumppad:
0x0: {  	(pc) =	sbr.rel $0x88, $3  }
0x1: {  	(tag) =	ssettag $0x0;
	lr =	simm.s32 $0x1  }
0x2: {  	[smem:$0x3F70] =	sst lr;
	_ =	strace $0xD0000000  }
0x3: {  	_ = 	snop  }
0x4: {  	_ = 	snop  }
0x5: {  	_ = 	snop  }
0x6: {  	_ = 	snop  }
0x7: {  	_ = 	snop  }
__scs_overlays_trampoline_lowered:
0x8: {  	[smem:$0x3F7F] =	sst s0  }
0x9: {  	[smem:$0x3F80] =	sst s1  }
0xa: {  	[smem:$0x3F81] =	sst s2  }
0xb: {  	[smem:$0x3F82] =	sst s3  }
0xc: {  	[smem:$0x3F83] =	sst s4  }
0xd: {  	[smem:$0x3F84] =	sst s5  }
0xe: {  	[smem:$0x3F85] =	sst s6  }
0xf: {  	[smem:$0x3F86] =	sst s7  }
0x10: {  	[smem:$0x3F87] =	sst s8  }
0x11: {  	[smem:$0x3F88] =	sst s9;
	s0 =	simm.s32 @!p0 $0x0  }
0x12: {  	s1 =	sld [smem:$0x3F6E];
	s0 =	simm.s32 @p0 $0x1  }
0x13: {  	[smem:$0x3F89] =	sst s0;
	s0 =	simm.s32 @!p1 $0x0  }
0x14: {  	s2 =	sld [smem:$0x3F6D];
	s0 =	simm.s32 @p1 $0x1  }
0x15: {  	[smem:$0x3F8A] =	sst s0;
	s0 =	simm.s32 @!p2 $0x0  }
0x16: {  	s3 =	sld [smem:$0x3FDB];
	s0 =	simm.s32 @p2 $0x1  }
0x17: {  	s4 =	simm.s32 $0x1BF5;
	[smem:$0x3F8C] =	sst s0  }
0x18: {  	s0 =	sld [smem:$0x3F6F];
	_ =	swait.ge [sflag:s4], $0x0  }
0x19: {  	s7 =	sld [smem:$0x3F70]  }
0x1a: {  	s8 =	sadd.s32 $0xFFFFE003, lr  }
0x1b: {  	s9 =	sadd.s32 $0xFFFFFEF7, lr;
	s5 =	simm.s32 $0xFFFFFFFF;
	p2 =	slt.u32 s8, $0xFFFFF086  }
0x1c: {  	p1 =	slt.u32 s9, $0xF7A;
	s5 =	simm.s32 @!p2 $0x0  }
0x1d: {  	s5 =	simm.s32 @p1 $0x1;
	p0 =	seq.s32 s7, s2  }
0x1e: {  	s7 =	smul.u32 @!p0 $0xF7A, s2;
	p2 =	seq.s32 @!p0 s5, $0x0  }
0x1f: {  	s9 =	smul.u32 $0xF7A, s1;
	s8 =	simm.s32 @!p0 $0x1BF5;
	p2 =	por !p2, p0  }
0x20: {  	[sflag:s8] =	ssyncset.s32 @!p0 $0xFFFFF086;
	s6 =	sadd.s32 @!p0 s3, s7;
	s7 =	simm.s32 @!p0 $0x108  }
0x21: {  	s3 =	sadd.s32 s3, s9;
	s6 =	sadd.s32 @!p0 $0x88, s6;
	s7 =	simm.s32 @p2 $0x1082  }
0x22: {  	[simem:s7], [sflag:s8] =	dma.local @!p0 [hbm:s6], $0xF7A  }
0x23: {  	s9 =	sor.u32 $0xD0000000, s2;
	s6 =	simm.s32 $0x108;
	_ =	swait.ge @!p0 [sflag:s8], $0x0  }
0x24: {  	s3 =	sadd.s32 $0x88, s3;
	s6 =	simm.s32 @!p1 $0x1082;
	[sflag:s4] =	ssyncset.s32 $0xFFFFF086  }
0x25: {  	[simem:s6], [sflag:s4] =	dma.local [hbm:s3], $0xF7A  }
0x26: {  	[smem:$0x3F70] =	sst s1;
	(tag) =	ssettag s2;
	_ =	strace s9  }
0x27: {  	s1 =	sld [smem:$0x3F80]  }
0x28: {  	s2 =	sld [smem:$0x3F81]  }
0x29: {  	s4 =	sld [smem:$0x3F83]  }
0x2a: {  	p0 =	seq.s32 s5, $0x0;
	s5 =	sld [smem:$0x3F84]  }
0x2b: {  	s6 =	sld [smem:$0x3F85]  }
0x2c: {  	s7 =	sld [smem:$0x3F86]  }
0x2d: {  	s3 =	simm.s32 $0x108;
	s8 =	sld [smem:$0x3F87]  }
0x2e: {  	s3 =	simm.s32 @!p0 $0x1082;
	s9 =	sld [smem:$0x3F88]  }
0x2f: {  	lr =	sadd.s32 s0, s3;
	s0 =	sld [smem:$0x3F7F]  }
0x30: {  	s3 =	sld [smem:$0x3F82]  }
0x31: {  	[smem:$0x3F8B] =	sst s10  }
0x32: {  	s10 =	sld [smem:$0x3F89];
	_ =	sdelay $0x3  }
0x33: {  	p0 =	seq.s32 s10, $0x1;
	s10 =	sld [smem:$0x3F8B];
	_ =	sdelay $0x3  }
0x34: {  	[smem:$0x3F8B] =	sst s10  }
0x35: {  	s10 =	sld [smem:$0x3F8A];
	_ =	sdelay $0x3  }
0x36: {  	p1 =	seq.s32 s10, $0x1;
	s10 =	sld [smem:$0x3F8B];
	_ =	sdelay $0x3  }
0x37: {  	[smem:$0x3F8B] =	sst s10  }
0x38: {  	s10 =	sld [smem:$0x3F8C]  }
0x39: {  	_ = 	snop;
	(pc) =	sbr.ind lr, $3  }
0x3a: {  	_ = 	snop  }
0x3b: {  	_ = 	snop  }
0x3c: {  	p2 =	seq.s32 s10, $0x1;
	s10 =	sld [smem:$0x3F8B]  }
0x3d: {  	_ =	shalt  }
0x3e: {  	_ =	shalt  }
0x3f: {  	_ =	shalt  }
0x40: {  	_ =	shalt  }
0x41: {  	_ =	shalt  }
0x42: {  	_ =	shalt  }
0x43: {  	_ =	shalt  }
0x44: {  	_ =	shalt  }
0x45: {  	_ =	shalt  }
0x46: {  	_ =	shalt  }
0x47: {  	_ =	shalt  }
0x48: {  	_ =	shalt  }
0x49: {  	_ =	shalt  }
0x4a: {  	_ =	shalt  }
0x4b: {  	_ =	shalt  }
0x4c: {  	_ =	shalt  }
0x4d: {  	_ =	shalt  }
0x4e: {  	_ =	shalt  }
0x4f: {  	_ =	shalt  }
0x50: {  	_ =	shalt  }
0x51: {  	_ =	shalt  }
0x52: {  	_ =	shalt  }
0x53: {  	_ =	shalt  }
0x54: {  	_ =	shalt  }
0x55: {  	_ =	shalt  }
0x56: {  	_ =	shalt  }
0x57: {  	_ =	shalt  }
0x58: {  	_ =	shalt  }
0x59: {  	_ =	shalt  }
0x5a: {  	_ =	shalt  }
0x5b: {  	_ =	shalt  }
0x5c: {  	_ =	shalt  }
0x5d: {  	_ =	shalt  }
0x5e: {  	_ =	shalt  }
0x5f: {  	_ =	shalt  }
0x60: {  	_ =	shalt  }
0x61: {  	_ =	shalt  }
0x62: {  	_ =	shalt  }
0x63: {  	_ =	shalt  }
0x64: {  	_ =	shalt  }
0x65: {  	_ =	shalt  }
0x66: {  	_ =	shalt  }
0x67: {  	_ =	shalt  }
0x68: {  	_ =	shalt  }
0x69: {  	_ =	shalt  }
0x6a: {  	_ =	shalt  }
0x6b: {  	_ =	shalt  }
0x6c: {  	_ =	shalt  }
0x6d: {  	_ =	shalt  }
0x6e: {  	_ =	shalt  }
0x6f: {  	_ =	shalt  }
0x70: {  	_ =	shalt  }
0x71: {  	_ =	shalt  }
0x72: {  	_ =	shalt  }
0x73: {  	_ =	shalt  }
0x74: {  	_ =	shalt  }
0x75: {  	_ =	shalt  }
0x76: {  	_ =	shalt  }
0x77: {  	_ =	shalt  }
0x78: {  	_ =	shalt  }
0x79: {  	_ =	shalt  }
0x7a: {  	_ =	shalt  }
0x7b: {  	_ =	shalt  }
0x7c: {  	_ =	shalt  }
0x7d: {  	_ =	shalt  }
0x7e: {  	_ =	shalt  }
0x7f: {  	_ =	shalt  }
0x80: {  	_ =	shalt  }
0x81: {  	_ =	shalt  }
0x82: {  	_ =	shalt  }
0x83: {  	_ =	shalt  }
0x84: {  	_ =	shalt  }
0x85: {  	_ =	shalt  }
0x86: {  	_ =	shalt  }
0x87: {  	_ =	shalt  }
.Lfunc_end0:
.L_simem_size_0:
called_computation.2_lowered:
.L_overlay_start_0:
0x88: {  	s2 =	sld [smem:$0x3FD9]  }
0x89: {  	s3 =	sld [smem:$0x3FFE];
	_ =	sdelay $0x1  }
0x8a: {  	s1 =	srdreg.scid  }
0x8b: {  	s0 =	sand.u32 $0x1, s1  }
0x8c: {  	s16 =	sshll.u32 s0, $0xA;
	s2 =	sadd.s32 s3, s2  }
0x8d: {  	s2 =	sadd.s32 s2, s16  }
0x8e: {  	[smem:$0x3F97] =	sst s2  }
0x8f: {  	_ = 	snop  }
0x90: {  	(tm) =	ssettm $0x1  }
0x91: {  	s17 =	sld [smem:$0x3FFB];
	_ =	sdelay $0x3  }
0x92: {  	_ =	strace s17  }
0x93: {  	s2 =	sld [smem:$0x3FFC];
	_ =	sdelay $0x3  }
0x94: {  	_ =	strace s2  }
0x95: {  	s2 =	sld [smem:$0x3FFD];
	_ =	sdelay $0x3  }
0x96: {  	_ =	strace s2  }
0x97: {  	_ =	strace $0x8FFFFFFF  }
0x98: {  	s18 =	sld [smem:$0x3FDB];
	_ =	sdelay $0x1  }
0x99: {  	s19 =	simm.s32 $_scs_section_size  }
0x9a: {  	s4 =	simm.s32 $_size__tile_overlayer_lowered;
	s5 =	simm.s32 $_tile_overlayer_lowered  }
0x9b: {  	s22 =	simm.s32 $0x1BFF;
	s21 =	sshll.u32 s5, $0x1;
	s2 =	sadd.s32 s19, s18  }
0x9c: {  	s6 =	simm.s32 $0x0;
	s20 =	sshll.u32 s4, $0x1;
	s4 =	sadd.s32 s21, s2  }
0x9d: {  	[timem:s6], [sflag:s22] =	dma.local [hbm:s4], s20  }
0x9e: {  	_ =	swait.ge [sflag:s22], s20  }
0x9f: {  	s3 =	ssub.s32 $0x0, s20;
	[sflag:s22] =	ssyncset.done $0x0  }
0xa0: {  	[sflag:s22] =	ssyncadd.s32 s3;
	_ =	sdelay $0x1  }
0xa1: {  	s23 =	simm.s32 $0x1B8B  }
0xa2: {  	_ =	swait.ge [sflag:s23], $0x1  }
0xa3: {  	[sflag:s23] =	ssyncset.done $0x0  }
0xa4: {  	s25 =	simm.s32 $0x1B8E;
	s24 =	sld [smem:$0x3FFE];
	[sflag:s23] =	ssyncadd.s32 $0xFFFFFFFF  }
0xa5: {  	s26 =	simm.s32 $execute0_lowered;
	[smem:$0x3FD2] =	sst s25  }
0xa6: {  	s4 =	sshll.u32 s26, $0x1;
	_ =	strace $0x8000004C;
	[dreg:$0x1] =	wrdreg $0xFFFFFFFF  }
0xa7: {  	s28 =	simm.s32 $_size_execute0_lowered;
	s2 =	sadd.s32 s2, s4;
	[dreg:$0x0] =	wrdreg $0x0  }
0xa8: {  	s4 =	sshll.u32 s28, $0x1;
	[dreg:$0x2] =	wrdreg s2  }
0xa9: {  	[dreg:$0x3] =	wrdreg s4  }
0xaa: {  	[dreg:$0x4] =	wrdreg $0xC0  }
0xab: {  	_ =	task [dreg:s6], $0x5FFFF  }
0xac: {  	[dreg:$0x1] =	wrdreg $0xFFFFFFFF  }
0xad: {  	[dreg:$0x0] =	wrdreg $0x60  }
0xae: {  	[dreg:$0x2] =	wrdreg s24  }
0xaf: {  	[dreg:$0x3] =	wrdreg $0x9  }
0xb0: {  	_ =	task.clear_ibuf [dreg:s6], $0x4FFFF;
	_ =	strace $0x9000004C  }
0xb1: {  	s29 =	simm.s32 $0x9;
	_ =	strace $0x8000004E  }
0xb2: {  	_ =	swait.ge [sflag:s29], $0x1  }
0xb3: {  	[sflag:s29] =	ssyncadd.s32 $0xFFFFFFFF  }
0xb4: {  	_ =	strace $0x9000004E  }
0xb5: {  	_ =	sfence  }
0xb6: {  	s30 =	sld [smem:$0x0];
	_ =	sdelay $0x2  }
0xb7: {  	s31 =	sshll.u32 s1, $0xD;
	s1 =	sshrl.u32 s1, $0x2  }
0xb8: {  	s3 =	sand.u32 $0x4000, s31;
	s1 =	sadd.s32 s1, s30  }
0xb9: {  	s0 =	sor.u32 s3, s0;
	s1 =	sshll.u32 s1, $0x11  }
0xba: {  	s0 =	sor.u32 s1, s0  }
0xbb: {  	s0 =	sadd.s32 $0x8F2B, s0  }
0xbc: {  	[sflag:s0] =	ssyncadd.remote.s32 $0x1  }
0xbd: {  	_ =	sfence.sel $0xFFFF  }
0xbe: {  	[dreg:$0x0] =	wrdreg $0xFFFFFFFF;
	(pc) =	sbr.abs _section_cstart, $3  }
0xbf: {  	[dreg:$0x1] =	wrdreg $0xFFFFFFFF  }
0xc0: {  	_ =	task.clear_ibuf [dreg:s6], $0x2FFFF;
	_ =	strace $0x9FFFFFFF  }
0xc1: {  	(tm) =	ssettm $0x7FFFFFFF  }
tec
execute0_lowered:
.L_overlay_start_1:
0x0: {  	(tag) =	ssettag $0x1  }
0x1: {  	s7 =	rddreg [dreg:$0x0]  }
0x2: {  	s0 =	rddreg [dreg:$0x1];
	s1 =	simm.s32 $0x0;
	s5 =	srdreg.scid  }
0x3: {  	s2 =	stileid.u32;
	s12 =	simm.s32 $0x50;
	s13 =	simm.s32 $0x100  }
0x4: {  	s14 =	simm.s32 $0x2900;
	s15 =	simm.s32 $0x1;
	s16 =	simm.s32 $0x2  }
0x5: {  	s17 =	simm.s32 $0x0;
	[smem:$0x7FF] =	sst s1;
	s3 =	sadd.s32 $0x78800, s7  }
0x6: {  	s4 =	sadd.s32 $0x9FA00, s7;
	s8 =	sand.u32 $0x1, s5;
	s5 =	sadd.s32 $0x61400, s7  }
0x7: {  	s10 =	sshll.u32 s2, $0x1;
	s6 =	sadd.s32 $0x6B200, s7;
	s9 =	ssub.s32 $0x2, s8  }
0x8: {  	s7 =	sadd.s32 $0xEDE00, s7;
	_ =	strace $0x8000004D;
	s11 =	sshrl.u32 s9, $0x1  }
0x9: {  	s8 =	sor.u32 s8, s10;
	s10 =	simm.s32 $0x3;
	s9 =	ssub.s32 s9, s11  }
0xa: {  	s8 =	smul.u32 $0x2710, s8;
	s11 =	simm.s32 $0x80;
	s9 =	smax.u32 s9, $0x1  }
.LBB2_1:
0xb: {  	s18 =	simm.s32 $0x0  }
.LBB2_2:
0xc: {  	s19 =	smul.u32 $0x50, s18;
	_ =	sdelay $0x1  }
0xd: {  	s19 =	sadd.s32 s8, s19  }
0xe: {  	s20 =	sshrl.u32 s19, $0x3  }
0xf: {  	s22 =	simm.s32 $0x0;
	s21 =	sadd.s32 s5, s20  }
0x10: {  	[tilespmem:s22], [sflag:$0x3] =	stream.linear.gather [hbm4b:s21+s22], $0x50, $0x38;
	[tilespmem:$0x5100] =	vst v63  }
0x11: {  	_ =	swait.ge [sflag:s10], $0x50  }
0x12: {  	[sflag:s10] =	ssyncset.done $0x0  }
0x13: {  	s20 =	sadd.s32 s6, s20;
	[sflag:s10] =	ssyncadd.s32 $0xFFFFFFB0  }
0x14: {  	[tilespmem:s11], [sflag:$0x3] =	stream.linear.gather [hbm4b:s20+s22], $0x50, $0x38;
	[tilespmem:$0x5100] =	vst v63  }
0x15: {  	_ =	swait.ge [sflag:s10], $0x50  }
0x16: {  	[sflag:s10] =	ssyncset.done $0x0  }
0x17: {  	[sflag:s10] =	ssyncadd.s32 $0xFFFFFFB0  }
0x18: {  	[tilespmem:s13], [sflag:$0x1] =	stream.indirect.gather [hbm4b:s3+s12], $0x80, s22, s12, $0xb8;
	[tilespmem:$0x5100] =	vst v63  }
0x19: {  	_ = 	snop  }
0x1a: {  	[tilespmem:s14], [sflag:$0x2] =	stream.indirect.gather [hbm4b:s4+s12], $0x80, s11, s12, $0xb8;
	[tilespmem:$0x5100] =	vst v63  }
0x1b: {  	_ =	swait.ge [sflag:s15], $0x2800  }
0x1c: {  	[sflag:s15] =	ssyncset.done $0x0  }
0x1d: {  	[sflag:s15] =	ssyncadd.s32 $0xFFFFD800  }
0x1e: {  	_ =	swait.ge [sflag:s16], $0x2800  }
0x1f: {  	[sflag:s16] =	ssyncset.done $0x0  }
0x20: {  	s20 =	simm.s32 $0x0;
	[sflag:s16] =	ssyncadd.s32 $0xFFFFD800  }
0x21: {  	v6 =	vld [tilespmem:s20+$0x2900]  }
0x22: {  	v11 =	vld [tilespmem:s20+$0x2910]  }
0x23: {  	v5 =	vld [tilespmem:s20+$0x2920]  }
0x24: {  	v4 =	vld [tilespmem:s20+$0x2930]  }
0x25: {  	v3 =	vld [tilespmem:s20+$0x2940]  }
0x26: {  	v2 =	vld [tilespmem:s20+$0x2950]  }
0x27: {  	v1 =	vld [tilespmem:s20+$0x2960]  }
0x28: {  	v0 =	vld [tilespmem:s20+$0x2970]  }
0x29: {  	v12 =	vld [tilespmem:s20+$0x100]  }
0x2a: {  	v13 =	vld [tilespmem:s20+$0x110]  }
0x2b: {  	v10 =	vld [tilespmem:s20+$0x120]  }
0x2c: {  	v9 =	vld [tilespmem:s20+$0x130]  }
0x2d: {  	v8 =	vld [tilespmem:s20+$0x140]  }
0x2e: {  	v7 =	vld [tilespmem:s20+$0x150];
	v12 =	vadd.f32 v6, v12  }
0x2f: {  	s21 =	simm.s32 $0x200;
	v11 =	vadd.f32 v11, v13;
	v6 =	vld [tilespmem:s20+$0x160]  }
.LBB2_3:
0x30: {  	s22 =	sshra.s32 s21, $0x2;
	p0 =	sne.s32 s21, $0x9E00;
	v12 =	vmax.f32 v12, $0.0e+00;
	v5 =	vadd.f32 v5, v10;
	v10 =	vld [tilespmem:s20+$0x170]  }
0x31: {  	v13 =	vld [tilespmem:s22+$0x2900];
	[tilespmem:s20+$0x100] =	vst v12;
	v11 =	vmax.f32 v11, $0.0e+00;
	v4 =	vadd.f32 v4, v9  }
0x32: {  	v14 =	vld [tilespmem:s22+$0x2910];
	[tilespmem:s20+$0x110] =	vst v11;
	v9 =	vmax.f32 v5, $0.0e+00;
	v3 =	vadd.f32 v3, v8  }
0x33: {  	v5 =	vld [tilespmem:s22+$0x2920];
	[tilespmem:s20+$0x120] =	vst v9;
	v8 =	vmax.f32 v4, $0.0e+00;
	v2 =	vadd.f32 v2, v7  }
0x34: {  	v4 =	vld [tilespmem:s22+$0x2930];
	[tilespmem:s20+$0x130] =	vst v8;
	v7 =	vmax.f32 v3, $0.0e+00;
	v1 =	vadd.f32 v1, v6  }
0x35: {  	v3 =	vld [tilespmem:s22+$0x2940];
	[tilespmem:s20+$0x140] =	vst v7;
	v6 =	vmax.f32 v2, $0.0e+00;
	v0 =	vadd.f32 v0, v10  }
0x36: {  	v2 =	vld [tilespmem:s22+$0x2950];
	[tilespmem:s20+$0x150] =	vst v6;
	v6 =	vmax.f32 v1, $0.0e+00  }
0x37: {  	v1 =	vld [tilespmem:s22+$0x2960];
	[tilespmem:s20+$0x160] =	vst v6;
	v6 =	vmax.f32 v0, $0.0e+00  }
0x38: {  	v0 =	vld [tilespmem:s22+$0x2970];
	[tilespmem:s20+$0x170] =	vst v6;
	s20 =	smov.u32 s22  }
0x39: {  	v6 =	vld [tilespmem:s20+$0x100]  }
0x3a: {  	v11 =	vld [tilespmem:s20+$0x110]  }
.Ltmp0:
0x3b: {  	v10 =	vld [tilespmem:s20+$0x120];
	(pc) =	sbr.rel @p0 .LBB2_3-.Ltmp0, $4  }
0x3c: {  	v9 =	vld [tilespmem:s20+$0x130]  }
0x3d: {  	v8 =	vld [tilespmem:s20+$0x140]  }
0x3e: {  	v12 =	vadd.f32 v13, v6;
	v7 =	vld [tilespmem:s20+$0x150]  }
0x3f: {  	s21 =	sadd.s32 $0x200, s21;
	v11 =	vadd.f32 v14, v11;
	v6 =	vld [tilespmem:s20+$0x160]  }
0x40: {  	v12 =	vmax.f32 v12, $0.0e+00;
	v5 =	vadd.f32 v5, v10;
	v63 =	vld [tilespmem:s20+$0x170]  }
0x41: {  	[tilespmem:s20+$0x100] =	vst v12;
	v11 =	vmax.f32 v11, $0.0e+00;
	v4 =	vadd.f32 v4, v9  }
0x42: {  	[tilespmem:s20+$0x110] =	vst v11;
	v5 =	vmax.f32 v5, $0.0e+00;
	v3 =	vadd.f32 v3, v8  }
0x43: {  	[tilespmem:s20+$0x120] =	vst v5;
	v4 =	vmax.f32 v4, $0.0e+00;
	v2 =	vadd.f32 v2, v7  }
0x44: {  	[tilespmem:s20+$0x130] =	vst v4;
	v3 =	vmax.f32 v3, $0.0e+00;
	v1 =	vadd.f32 v1, v6  }
0x45: {  	[tilespmem:s20+$0x140] =	vst v3;
	v2 =	vmax.f32 v2, $0.0e+00;
	v0 =	vadd.f32 v0, v63  }
0x46: {  	s18 =	sadd.s32 $0x1, s18;
	[tilespmem:s20+$0x150] =	vst v2;
	v1 =	vmax.f32 v1, $0.0e+00  }
0x47: {  	s19 =	sshll.u32 s19, $0x4;
	p0 =	sne.s32 s18, $0x7D;
	[tilespmem:s20+$0x160] =	vst v1;
	v0 =	vmax.f32 v0, $0.0e+00  }
.Ltmp1:
0x48: {  	s19 =	sadd.s32 s7, s19;
	[tilespmem:s20+$0x170] =	vst v0;
	(pc) =	sbr.rel @p0 .LBB2_2-.Ltmp1, $4  }
0x49: {  	[hbm4b:s19+s1] =	stream.linear.scatter [tilespmem:s13], [sflag:$0x3], $0x2800, $0x38;
	[tilespmem:$0x5100] =	vst v63  }
0x4a: {  	_ =	swait.ge [sflag:s10], $0x2800  }
0x4b: {  	[sflag:s10] =	ssyncset.done $0x0  }
0x4c: {  	[sflag:s10] =	ssyncadd.s32 $0xFFFFD800  }
0x4d: {  	s17 =	sadd.s32 $0x1, s17  }
0x4e: {  	p0 =	sne.s32 s17, s9  }
.Ltmp2:
0x4f: {  	_ = 	snop;
	(pc) =	sbr.rel @p0 .LBB2_1-.Ltmp2, $1  }
0x50: {  	_ =	sdelay $0x3  }
0x51: {  	_ =	sfence.sel $0x180000  }
0x52: {  	[bflag:$0x0] =	sbarrier.arrive $0xFFFF  }
0x53: {  	p0 =	sne.s32 s2, $0x0;
	_ =	strace $0x9000004D  }
0x54: {  	s0 =	sadd.s32 @!p0 $0x100000, s0;
	[bflag:$0x2] =	sbarrier.arrive $0xFFFF  }
0x55: {  	[sflag:s0] =	ssyncadd.tile.s32 @!p0 $0x1;
	_ =	shalt  }
.Lfunc_end2:
_tile_overlayer_lowered:
.L_overlay_start_2:
0x56: {  	(tag) =	ssettag $0x2  }
0x57: {  	s0 =	rddreg [dreg:$0x0];
	s2 =	stileid.u32  }
0x58: {  	s1 =	rddreg [dreg:$0x1];
	p0 =	sne.s32 s2, $0x0  }
0x59: {  	s3 =	rddreg [dreg:$0x2];
	[bflag:$0x3] =	sbarrier.arrive $0xFFFF;
	s2 =	simm.s32 @!p0 $0x1C03  }
0x5a: {  	[timem:s3], [sflag:s2] =	dma.local @!p0 [hbm:s0], s1  }
0x5b: {  	s0 =	simm.s32 @!p0 $0x3  }
0x5c: {  	_ =	swait.ge @!p0 [sflag:s0], s1  }
0x5d: {  	s1 =	ssub.s32 @!p0 $0x0, s1;
	[sflag:s0] =	ssyncset.done @!p0 $0x0  }
0x5e: {  	[sflag:s0] =	ssyncadd.s32 @!p0 s1  }
0x5f: {  	[bflag:$0x3] =	sbarrier.arrive $0xFFFF  }
0x60: {  	_ =	shalt  }

// kernel: kernel.29.cloned.1.call-start
scs
__scs_entry_jumppad:
0x0: {  	(pc) =	sbr.rel $0x88, $3  }
0x1: {  	(tag) =	ssettag $0x0;
	lr =	simm.s32 $0x1  }
0x2: {  	[smem:$0x3F70] =	sst lr;
	_ =	strace $0xD0000000  }
0x3: {  	_ = 	snop  }
0x4: {  	_ = 	snop  }
0x5: {  	_ = 	snop  }
0x6: {  	_ = 	snop  }
0x7: {  	_ = 	snop  }
__scs_overlays_trampoline_lowered:
0x8: {  	[smem:$0x3F7F] =	sst s0  }
0x9: {  	[smem:$0x3F80] =	sst s1  }
0xa: {  	[smem:$0x3F81] =	sst s2  }
0xb: {  	[smem:$0x3F82] =	sst s3  }
0xc: {  	[smem:$0x3F83] =	sst s4  }
0xd: {  	[smem:$0x3F84] =	sst s5  }
0xe: {  	[smem:$0x3F85] =	sst s6  }
0xf: {  	[smem:$0x3F86] =	sst s7  }
0x10: {  	[smem:$0x3F87] =	sst s8  }
0x11: {  	[smem:$0x3F88] =	sst s9;
	s0 =	simm.s32 @!p0 $0x0  }
0x12: {  	s1 =	sld [smem:$0x3F6E];
	s0 =	simm.s32 @p0 $0x1  }
0x13: {  	[smem:$0x3F89] =	sst s0;
	s0 =	simm.s32 @!p1 $0x0  }
0x14: {  	s2 =	sld [smem:$0x3F6D];
	s0 =	simm.s32 @p1 $0x1  }
0x15: {  	[smem:$0x3F8A] =	sst s0;
	s0 =	simm.s32 @!p2 $0x0  }
0x16: {  	s3 =	sld [smem:$0x3FDB];
	s0 =	simm.s32 @p2 $0x1  }
0x17: {  	s4 =	simm.s32 $0x1BF5;
	[smem:$0x3F8C] =	sst s0  }
0x18: {  	s0 =	sld [smem:$0x3F6F];
	_ =	swait.ge [sflag:s4], $0x0  }
0x19: {  	s7 =	sld [smem:$0x3F70]  }
0x1a: {  	s8 =	sadd.s32 $0xFFFFE003, lr  }
0x1b: {  	s9 =	sadd.s32 $0xFFFFFEF7, lr;
	s5 =	simm.s32 $0xFFFFFFFF;
	p2 =	slt.u32 s8, $0xFFFFF086  }
0x1c: {  	p1 =	slt.u32 s9, $0xF7A;
	s5 =	simm.s32 @!p2 $0x0  }
0x1d: {  	s5 =	simm.s32 @p1 $0x1;
	p0 =	seq.s32 s7, s2  }
0x1e: {  	s7 =	smul.u32 @!p0 $0xF7A, s2;
	p2 =	seq.s32 @!p0 s5, $0x0  }
0x1f: {  	s9 =	smul.u32 $0xF7A, s1;
	s8 =	simm.s32 @!p0 $0x1BF5;
	p2 =	por !p2, p0  }
0x20: {  	[sflag:s8] =	ssyncset.s32 @!p0 $0xFFFFF086;
	s6 =	sadd.s32 @!p0 s3, s7;
	s7 =	simm.s32 @!p0 $0x108  }
0x21: {  	s3 =	sadd.s32 s3, s9;
	s6 =	sadd.s32 @!p0 $0x88, s6;
	s7 =	simm.s32 @p2 $0x1082  }
0x22: {  	[simem:s7], [sflag:s8] =	dma.local @!p0 [hbm:s6], $0xF7A  }
0x23: {  	s9 =	sor.u32 $0xD0000000, s2;
	s6 =	simm.s32 $0x108;
	_ =	swait.ge @!p0 [sflag:s8], $0x0  }
0x24: {  	s3 =	sadd.s32 $0x88, s3;
	s6 =	simm.s32 @!p1 $0x1082;
	[sflag:s4] =	ssyncset.s32 $0xFFFFF086  }
0x25: {  	[simem:s6], [sflag:s4] =	dma.local [hbm:s3], $0xF7A  }
0x26: {  	[smem:$0x3F70] =	sst s1;
	(tag) =	ssettag s2;
	_ =	strace s9  }
0x27: {  	s1 =	sld [smem:$0x3F80]  }
0x28: {  	s2 =	sld [smem:$0x3F81]  }
0x29: {  	s4 =	sld [smem:$0x3F83]  }
0x2a: {  	p0 =	seq.s32 s5, $0x0;
	s5 =	sld [smem:$0x3F84]  }
0x2b: {  	s6 =	sld [smem:$0x3F85]  }
0x2c: {  	s7 =	sld [smem:$0x3F86]  }
0x2d: {  	s3 =	simm.s32 $0x108;
	s8 =	sld [smem:$0x3F87]  }
0x2e: {  	s3 =	simm.s32 @!p0 $0x1082;
	s9 =	sld [smem:$0x3F88]  }
0x2f: {  	lr =	sadd.s32 s0, s3;
	s0 =	sld [smem:$0x3F7F]  }
0x30: {  	s3 =	sld [smem:$0x3F82]  }
0x31: {  	[smem:$0x3F8B] =	sst s10  }
0x32: {  	s10 =	sld [smem:$0x3F89];
	_ =	sdelay $0x3  }
0x33: {  	p0 =	seq.s32 s10, $0x1;
	s10 =	sld [smem:$0x3F8B];
	_ =	sdelay $0x3  }
0x34: {  	[smem:$0x3F8B] =	sst s10  }
0x35: {  	s10 =	sld [smem:$0x3F8A];
	_ =	sdelay $0x3  }
0x36: {  	p1 =	seq.s32 s10, $0x1;
	s10 =	sld [smem:$0x3F8B];
	_ =	sdelay $0x3  }
0x37: {  	[smem:$0x3F8B] =	sst s10  }
0x38: {  	s10 =	sld [smem:$0x3F8C]  }
0x39: {  	_ = 	snop;
	(pc) =	sbr.ind lr, $3  }
0x3a: {  	_ = 	snop  }
0x3b: {  	_ = 	snop  }
0x3c: {  	p2 =	seq.s32 s10, $0x1;
	s10 =	sld [smem:$0x3F8B]  }
0x3d: {  	_ =	shalt  }
0x3e: {  	_ =	shalt  }
0x3f: {  	_ =	shalt  }
0x40: {  	_ =	shalt  }
0x41: {  	_ =	shalt  }
0x42: {  	_ =	shalt  }
0x43: {  	_ =	shalt  }
0x44: {  	_ =	shalt  }
0x45: {  	_ =	shalt  }
0x46: {  	_ =	shalt  }
0x47: {  	_ =	shalt  }
0x48: {  	_ =	shalt  }
0x49: {  	_ =	shalt  }
0x4a: {  	_ =	shalt  }
0x4b: {  	_ =	shalt  }
0x4c: {  	_ =	shalt  }
0x4d: {  	_ =	shalt  }
0x4e: {  	_ =	shalt  }
0x4f: {  	_ =	shalt  }
0x50: {  	_ =	shalt  }
0x51: {  	_ =	shalt  }
0x52: {  	_ =	shalt  }
0x53: {  	_ =	shalt  }
0x54: {  	_ =	shalt  }
0x55: {  	_ =	shalt  }
0x56: {  	_ =	shalt  }
0x57: {  	_ =	shalt  }
0x58: {  	_ =	shalt  }
0x59: {  	_ =	shalt  }
0x5a: {  	_ =	shalt  }
0x5b: {  	_ =	shalt  }
0x5c: {  	_ =	shalt  }
0x5d: {  	_ =	shalt  }
0x5e: {  	_ =	shalt  }
0x5f: {  	_ =	shalt  }
0x60: {  	_ =	shalt  }
0x61: {  	_ =	shalt  }
0x62: {  	_ =	shalt  }
0x63: {  	_ =	shalt  }
0x64: {  	_ =	shalt  }
0x65: {  	_ =	shalt  }
0x66: {  	_ =	shalt  }
0x67: {  	_ =	shalt  }
0x68: {  	_ =	shalt  }
0x69: {  	_ =	shalt  }
0x6a: {  	_ =	shalt  }
0x6b: {  	_ =	shalt  }
0x6c: {  	_ =	shalt  }
0x6d: {  	_ =	shalt  }
0x6e: {  	_ =	shalt  }
0x6f: {  	_ =	shalt  }
0x70: {  	_ =	shalt  }
0x71: {  	_ =	shalt  }
0x72: {  	_ =	shalt  }
0x73: {  	_ =	shalt  }
0x74: {  	_ =	shalt  }
0x75: {  	_ =	shalt  }
0x76: {  	_ =	shalt  }
0x77: {  	_ =	shalt  }
0x78: {  	_ =	shalt  }
0x79: {  	_ =	shalt  }
0x7a: {  	_ =	shalt  }
0x7b: {  	_ =	shalt  }
0x7c: {  	_ =	shalt  }
0x7d: {  	_ =	shalt  }
0x7e: {  	_ =	shalt  }
0x7f: {  	_ =	shalt  }
0x80: {  	_ =	shalt  }
0x81: {  	_ =	shalt  }
0x82: {  	_ =	shalt  }
0x83: {  	_ =	shalt  }
0x84: {  	_ =	shalt  }
0x85: {  	_ =	shalt  }
0x86: {  	_ =	shalt  }
0x87: {  	_ =	shalt  }
.Lfunc_end0:
.L_simem_size_0:
called_computation.3_lowered:
.L_overlay_start_0:
0x88: {  	s2 =	sld [smem:$0x3FD9]  }
0x89: {  	s3 =	sld [smem:$0x3FFE];
	_ =	sdelay $0x1  }
0x8a: {  	s1 =	srdreg.scid  }
0x8b: {  	s0 =	sand.u32 $0x1, s1  }
0x8c: {  	s16 =	sshll.u32 s0, $0xA;
	s2 =	sadd.s32 s3, s2  }
0x8d: {  	s2 =	sadd.s32 s2, s16  }
0x8e: {  	[smem:$0x3F97] =	sst s2  }
0x8f: {  	_ = 	snop  }
0x90: {  	(tm) =	ssettm $0x1  }
0x91: {  	s17 =	sld [smem:$0x3FFB];
	_ =	sdelay $0x3  }
0x92: {  	_ =	strace s17  }
0x93: {  	s2 =	sld [smem:$0x3FFC];
	_ =	sdelay $0x3  }
0x94: {  	_ =	strace s2  }
0x95: {  	s2 =	sld [smem:$0x3FFD];
	_ =	sdelay $0x3  }
0x96: {  	_ =	strace s2  }
0x97: {  	_ =	strace $0x8FFFFFFF  }
0x98: {  	s18 =	sld [smem:$0x3FDB];
	_ =	sdelay $0x1  }
0x99: {  	s19 =	simm.s32 $_scs_section_size  }
0x9a: {  	s4 =	simm.s32 $_size__tile_overlayer_lowered;
	s5 =	simm.s32 $_tile_overlayer_lowered  }
0x9b: {  	s22 =	simm.s32 $0x1BFF;
	s21 =	sshll.u32 s5, $0x1;
	s2 =	sadd.s32 s19, s18  }
0x9c: {  	s6 =	simm.s32 $0x0;
	s20 =	sshll.u32 s4, $0x1;
	s4 =	sadd.s32 s21, s2  }
0x9d: {  	[timem:s6], [sflag:s22] =	dma.local [hbm:s4], s20  }
0x9e: {  	_ =	swait.ge [sflag:s22], s20  }
0x9f: {  	s3 =	ssub.s32 $0x0, s20;
	[sflag:s22] =	ssyncset.done $0x0  }
0xa0: {  	[sflag:s22] =	ssyncadd.s32 s3;
	_ =	sdelay $0x1  }
0xa1: {  	s23 =	simm.s32 $0x1B8B  }
0xa2: {  	_ =	swait.ge [sflag:s23], $0x1  }
0xa3: {  	[sflag:s23] =	ssyncset.done $0x0  }
0xa4: {  	s25 =	simm.s32 $0x1B8E;
	s24 =	sld [smem:$0x3FFE];
	[sflag:s23] =	ssyncadd.s32 $0xFFFFFFFF  }
0xa5: {  	s26 =	simm.s32 $execute0_lowered;
	[smem:$0x3FD2] =	sst s25  }
0xa6: {  	s4 =	sshll.u32 s26, $0x1;
	_ =	strace $0x8000004F;
	[dreg:$0x1] =	wrdreg $0xFFFFFFFF  }
0xa7: {  	s28 =	simm.s32 $_size_execute0_lowered;
	s2 =	sadd.s32 s2, s4;
	[dreg:$0x0] =	wrdreg $0x0  }
0xa8: {  	s4 =	sshll.u32 s28, $0x1;
	[dreg:$0x2] =	wrdreg s2  }
0xa9: {  	[dreg:$0x3] =	wrdreg s4  }
0xaa: {  	[dreg:$0x4] =	wrdreg $0xC0  }
0xab: {  	_ =	task [dreg:s6], $0x5FFFF  }
0xac: {  	[dreg:$0x1] =	wrdreg $0xFFFFFFFF  }
0xad: {  	[dreg:$0x0] =	wrdreg $0x60  }
0xae: {  	[dreg:$0x2] =	wrdreg s24  }
0xaf: {  	[dreg:$0x3] =	wrdreg $0x68800  }
0xb0: {  	[dreg:$0x4] =	wrdreg $0x9  }
0xb1: {  	_ =	task.clear_ibuf [dreg:s6], $0x5FFFF;
	_ =	strace $0x9000004F  }
0xb2: {  	s29 =	simm.s32 $0x9;
	_ =	strace $0x80000051  }
0xb3: {  	_ =	swait.ge [sflag:s29], $0x1  }
0xb4: {  	[sflag:s29] =	ssyncadd.s32 $0xFFFFFFFF  }
0xb5: {  	_ =	strace $0x90000051  }
0xb6: {  	_ =	sfence  }
0xb7: {  	s30 =	sld [smem:$0x0];
	_ =	sdelay $0x2  }
0xb8: {  	s31 =	sshll.u32 s1, $0xD;
	s1 =	sshrl.u32 s1, $0x2  }
0xb9: {  	s3 =	sand.u32 $0x4000, s31;
	s1 =	sadd.s32 s1, s30  }
0xba: {  	s0 =	sor.u32 s3, s0;
	s1 =	sshll.u32 s1, $0x11  }
0xbb: {  	s0 =	sor.u32 s1, s0  }
0xbc: {  	s0 =	sadd.s32 $0x8F2B, s0  }
0xbd: {  	[sflag:s0] =	ssyncadd.remote.s32 $0x1  }
0xbe: {  	_ =	sfence.sel $0xFFFF  }
0xbf: {  	[dreg:$0x0] =	wrdreg $0xFFFFFFFF;
	(pc) =	sbr.abs _section_cstart, $3  }
0xc0: {  	[dreg:$0x1] =	wrdreg $0xFFFFFFFF  }
0xc1: {  	_ =	task.clear_ibuf [dreg:s6], $0x2FFFF;
	_ =	strace $0x9FFFFFFF  }
0xc2: {  	(tm) =	ssettm $0x7FFFFFFF  }
0xc3: {  	_ =	shalt  }
tec
execute0_lowered:
.L_overlay_start_1:
0x0: {  	(tag) =	ssettag $0x1  }
0x1: {  	s4 =	rddreg [dreg:$0x0];
	s0 =	stileid.u32  }
0x2: {  	s1 =	srdreg.scid;
	s5 =	smul.u32 $0x4E200, s0  }
0x3: {  	s2 =	rddreg [dreg:$0x1];
	s3 =	simm.s32 $0x0;
	s6 =	smul.u32 $0x4E20, s0  }
0x4: {  	s13 =	sand.u32 $0x1, s1;
	s1 =	rddreg [dreg:$0x2];
	s8 =	smul.u32 $0x50000, s0  }
0x5: {  	[smem:$0x7FF] =	sst s3;
	s16 =	smul.u32 $0x14000, s0  }
0x6: {  	s18 =	sadd.s32 $0xEDE00, s4;
	s7 =	smul.u32 $0x2710, s13;
	_ =	strace $0x80000050  }
0x7: {  	s14 =	smul.u32 $0x140000, s13;
	s23 =	ssub.s32 $0x2, s13;
	s15 =	sadd.s32 s5, s4  }
0x8: {  	s24 =	sshrl.u32 s23, $0x1;
	s25 =	sshrl.u32 s8, $0x2;
	s12 =	sadd.s32 $0x4000, s16  }
0x9: {  	s19 =	sadd.s32 $0x8000, s16;
	s31 =	sadd.s32 $0xC000, s16;
	s6 =	sadd.s32 s7, s6  }
0xa: {  	s26 =	sadd.s32 s14, s16;
	s28 =	ssub.s32 s23, s24;
	s10 =	sadd.s32 s14, s12  }
0xb: {  	s20 =	sadd.s32 s14, s19;
	s21 =	sadd.s32 s12, s2;
	s16 =	sadd.s32 $0x10000, s16  }
0xc: {  	s23 =	smul.u32 $0x27100, s13;
	s24 =	sadd.s32 s19, s2;
	s19 =	simm.s32 $0x80  }
0xd: {  	s22 =	sshrl.u32 s6, $0x3;
	s29 =	sshrl.u32 s26, $0x3;
	s6 =	smax.u32 s28, $0x1  }
0xe: {  	s11 =	sshrl.u32 s10, $0x3;
	s30 =	sshrl.u32 s20, $0x3;
	s26 =	sadd.s32 s16, s2  }
0xf: {  	s20 =	simm.s32 $0x50;
	s21 =	sshrl.u32 s21, $0x3;
	s17 =	sadd.s32 s22, s4  }
0x10: {  	s4 =	sadd.s32 s25, s2;
	s5 =	sadd.s32 s18, s29;
	s11 =	sadd.s32 s18, s11  }
0x11: {  	s12 =	sadd.s32 s18, s30;
	s22 =	sadd.s32 s14, s31;
	s14 =	sadd.s32 s14, s16  }
0x12: {  	s25 =	sadd.s32 s31, s2;
	s15 =	sadd.s32 s23, s15;
	s7 =	sadd.s32 $0x4000, s4  }
0x13: {  	s8 =	sadd.s32 $0x8000, s4;
	s9 =	sadd.s32 $0xC000, s4;
	s10 =	sadd.s32 $0x10000, s4  }
0x14: {  	s22 =	sshrl.u32 s22, $0x3;
	s14 =	sshrl.u32 s14, $0x3;
	s15 =	sadd.s32 $0x5CFE00, s15  }
0x15: {  	s16 =	sadd.s32 $0x6B200, s17;
	s17 =	simm.s32 $0x2880;
	s23 =	sshrl.u32 s25, $0x3  }
0x16: {  	s25 =	simm.s32 $0x0;
	s13 =	sadd.s32 s18, s22;
	s14 =	sadd.s32 s18, s14  }
0x17: {  	v0 =	vimm.f32 $0.0e+00;
	s18 =	simm.s32 $0x1;
	s22 =	sshrl.u32 s24, $0x3;
	s24 =	sshrl.u32 s26, $0x3  }
.LBB2_1:
0x18: {  	s26 =	simm.s32 $0x0;
	s28 =	simm.s32 $0x200  }
.LBB2_2:
0x19: {  	p0 =	sne.s32 s28, $0xFE00;
	[tilespmem:s26+$0x28F0] =	vst v0  }
0x1a: {  	[tilespmem:s26+$0x2880] =	vst v0  }
0x1b: {  	[tilespmem:s26+$0x2890] =	vst v0  }
.Ltmp0:
0x1c: {  	[tilespmem:s26+$0x28A0] =	vst v0;
	(pc) =	sbr.rel @p0 .LBB2_2-.Ltmp0, $4  }
0x1d: {  	[tilespmem:s26+$0x28B0] =	vst v0  }
0x1e: {  	[tilespmem:s26+$0x28C0] =	vst v0  }
0x1f: {  	[tilespmem:s26+$0x28D0] =	vst v0  }
0x20: {  	[tilespmem:s26+$0x28E0] =	vst v0;
	s26 =	sshra.s32 s28, $0x2;
	s28 =	sadd.s32 $0x200, s28  }
0x21: {  	[tilespmem:s26+$0x28F0] =	vst v0  }
0x22: {  	[tilespmem:s26+$0x2880] =	vst v0  }
0x23: {  	[tilespmem:s26+$0x2890] =	vst v0  }
0x24: {  	[tilespmem:s26+$0x28A0] =	vst v0  }
0x25: {  	[tilespmem:s26+$0x28B0] =	vst v0  }
0x26: {  	[tilespmem:s26+$0x28C0] =	vst v0  }
0x27: {  	[tilespmem:s26+$0x28D0] =	vst v0  }
0x28: {  	[tilespmem:s26+$0x28E0] =	vst v0  }
0x29: {  	[spmem:s4] =	stream.linear.scatter [tilespmem:s17], [sflag:$0x1], $0x4000, $0x38;
	[tilespmem:$0x1A880] =	vst v63  }
0x2a: {  	_ =	swait.ge [sflag:s18], $0x4000  }
0x2b: {  	[sflag:s18] =	ssyncset.done $0x0  }
0x2c: {  	[sflag:s18] =	ssyncadd.s32 $0xFFFFC000  }
0x2d: {  	[spmem:s7] =	stream.linear.scatter [tilespmem:s17], [sflag:$0x1], $0x4000, $0x38;
	[tilespmem:$0x1A880] =	vst v63  }
0x2e: {  	_ =	swait.ge [sflag:s18], $0x4000  }
0x2f: {  	[sflag:s18] =	ssyncset.done $0x0  }
0x30: {  	[sflag:s18] =	ssyncadd.s32 $0xFFFFC000  }
0x31: {  	[spmem:s8] =	stream.linear.scatter [tilespmem:s17], [sflag:$0x1], $0x4000, $0x38;
	[tilespmem:$0x1A880] =	vst v63  }
0x32: {  	_ =	swait.ge [sflag:s18], $0x4000  }
0x33: {  	[sflag:s18] =	ssyncset.done $0x0  }
0x34: {  	[sflag:s18] =	ssyncadd.s32 $0xFFFFC000  }
0x35: {  	[spmem:s9] =	stream.linear.scatter [tilespmem:s17], [sflag:$0x1], $0x4000, $0x38;
	[tilespmem:$0x1A880] =	vst v63  }
0x36: {  	_ =	swait.ge [sflag:s18], $0x4000  }
0x37: {  	[sflag:s18] =	ssyncset.done $0x0  }
0x38: {  	[sflag:s18] =	ssyncadd.s32 $0xFFFFC000  }
0x39: {  	[spmem:s10] =	stream.linear.scatter [tilespmem:s17], [sflag:$0x1], $0x4000, $0x38;
	[tilespmem:$0x1A880] =	vst v63  }
0x3a: {  	_ =	swait.ge [sflag:s18], $0x4000  }
0x3b: {  	[sflag:s18] =	ssyncset.done $0x0  }
0x3c: {  	[sflag:s18] =	ssyncadd.s32 $0xFFFFC000  }
0x3d: {  	s31 =	sadd.s32 $0x0, s16;
	[bflag:$0x0] =	sbarrier.arrive $0xFFFF  }
0x3e: {  	[tilespmem:s3], [sflag:$0x1] =	stream.linear.gather [hbm4b:s31+s3], $0x50, $0x38;
	[tilespmem:$0x1A880] =	vst v63  }
0x3f: {  	_ =	swait.ge [sflag:s18], $0x50  }
0x40: {  	[sflag:s18] =	ssyncset.done $0x0  }
0x41: {  	[sflag:s18] =	ssyncadd.s32 $0xFFFFFFB0  }
0x42: {  	[tilespmem:s19], [sflag:$0x1] =	stream.linear.gather [hbm4b:s15+s3], $0x2800, $0x38;
	[tilespmem:$0x1A880] =	vst v63  }
0x43: {  	_ =	swait.ge [sflag:s18], $0x2800  }
0x44: {  	[sflag:s18] =	ssyncset.done $0x0  }
0x45: {  	[sflag:s18] =	ssyncadd.s32 $0xFFFFD800  }
0x46: {  	[spmem:s2] =	stream.indirect.scatter.add.f32 [tilespmem:s19], [sflag:$0x1], $0x80, s3, s20, $0xb8;
	[tilespmem:$0x1A880] =	vst v63  }
0x47: {  	s28 =	simm.s32 $0xA;
	_ =	swait.ge [sflag:s18], $0x2800  }
0x48: {  	s29 =	simm.s32 $0x14;
	s26 =	sadd.s32 $0x500, s15;
	[sflag:s18] =	ssyncset.done $0x0  }
.LBB2_4:
0x49: {  	s30 =	sadd.s32 s28, s16  }
0x4a: {  	[sflag:s18] =	ssyncadd.s32 $0xFFFFD800;
	s28 =	smov.u32 s29;
	s31 =	sadd.s32 $0xA, s29  }
0x4b: {  	[tilespmem:s3], [sflag:$0x1] =	stream.linear.gather [hbm4b:s30+s3], $0x50, $0x38;
	[tilespmem:$0x1A880] =	vst v63  }
0x4c: {  	p0 =	sne.s32 s29, $0x4D8;
	_ =	swait.ge [sflag:s18], $0x50  }
0x4d: {  	[sflag:s18] =	ssyncset.done $0x0  }
0x4e: {  	[sflag:s18] =	ssyncadd.s32 $0xFFFFFFB0  }
0x4f: {  	[tilespmem:s19], [sflag:$0x1] =	stream.linear.gather [hbm4b:s26+s3], $0x2800, $0x38;
	[tilespmem:$0x1A880] =	vst v63  }
0x50: {  	_ =	swait.ge [sflag:s18], $0x2800  }
.Ltmp1:
0x51: {  	[sflag:s18] =	ssyncset.done $0x0;
	(pc) =	sbr.rel @p0 .LBB2_4-.Ltmp1, $4  }
0x52: {  	[sflag:s18] =	ssyncadd.s32 $0xFFFFD800  }
0x53: {  	[spmem:s2] =	stream.indirect.scatter.add.f32 [tilespmem:s19], [sflag:$0x1], $0x80, s3, s20, $0xb8;
	[tilespmem:$0x1A880] =	vst v63  }
0x54: {  	_ =	swait.ge [sflag:s18], $0x2800  }
0x55: {  	s29 =	smov.u32 s31;
	s26 =	sadd.s32 $0x500, s26;
	[sflag:s18] =	ssyncset.done $0x0  }
0x56: {  	s28 =	sadd.s32 s28, s16;
	[sflag:s18] =	ssyncadd.s32 $0xFFFFD800  }
0x57: {  	[tilespmem:s3], [sflag:$0x1] =	stream.linear.gather [hbm4b:s28+s3], $0x50, $0x38;
	[tilespmem:$0x1A880] =	vst v63  }
0x58: {  	_ =	swait.ge [sflag:s18], $0x50  }
0x59: {  	[sflag:s18] =	ssyncset.done $0x0  }
0x5a: {  	[sflag:s18] =	ssyncadd.s32 $0xFFFFFFB0  }
0x5b: {  	[tilespmem:s19], [sflag:$0x1] =	stream.linear.gather [hbm4b:s26+s3], $0x2800, $0x38;
	[tilespmem:$0x1A880] =	vst v63  }
0x5c: {  	_ =	swait.ge [sflag:s18], $0x2800  }
0x5d: {  	[sflag:s18] =	ssyncset.done $0x0  }
0x5e: {  	[sflag:s18] =	ssyncadd.s32 $0xFFFFD800  }
0x5f: {  	[spmem:s2] =	stream.indirect.scatter.add.f32 [tilespmem:s19], [sflag:$0x1], $0x80, s3, s20, $0xb8;
	[tilespmem:$0x1A880] =	vst v63  }
0x60: {  	_ =	swait.ge [sflag:s18], $0x2800  }
0x61: {  	[sflag:s18] =	ssyncset.done $0x0  }
0x62: {  	s30 =	sshll.u32 s0, $0x6;
	[sflag:s18] =	ssyncadd.s32 $0xFFFFD800  }
0x63: {  	s31 =	sshrl.u32 s4, $0x3;
	s26 =	sor.u32 $0x1C01, s30;
	[bflag:$0x0] =	sbarrier.arrive $0xFFFF  }
0x64: {  	[hbm:s5], [sflag:s26] =	dma.local [spmem:s31], $0x800  }
0x65: {  	_ =	swait.ge [sflag:s18], $0x800  }
0x66: {  	[sflag:s18] =	ssyncset.done $0x0  }
0x67: {  	[sflag:s18] =	ssyncadd.s32 $0xFFFFF800  }
0x68: {  	[hbm:s11], [sflag:s26] =	dma.local [spmem:s21], $0x800  }
0x69: {  	_ =	swait.ge [sflag:s18], $0x800  }
0x6a: {  	[sflag:s18] =	ssyncset.done $0x0  }
0x6b: {  	[sflag:s18] =	ssyncadd.s32 $0xFFFFF800  }
0x6c: {  	[hbm:s12], [sflag:s26] =	dma.local [spmem:s22], $0x800  }
0x6d: {  	_ =	swait.ge [sflag:s18], $0x800  }
0x6e: {  	[sflag:s18] =	ssyncset.done $0x0  }
0x6f: {  	[sflag:s18] =	ssyncadd.s32 $0xFFFFF800  }
0x70: {  	[hbm:s13], [sflag:s26] =	dma.local [spmem:s23], $0x800  }
0x71: {  	s25 =	sadd.s32 $0x1, s25;
	_ =	swait.ge [sflag:s18], $0x800  }
0x72: {  	p0 =	sne.s32 s25, s6;
	[sflag:s18] =	ssyncset.done $0x0  }
.Ltmp2:
0x73: {  	[sflag:s18] =	ssyncadd.s32 $0xFFFFF800;
	(pc) =	sbr.rel @p0 .LBB2_1-.Ltmp2, $4  }
0x74: {  	[hbm:s14], [sflag:s26] =	dma.local [spmem:s24], $0x800  }
0x75: {  	_ =	swait.ge [sflag:s18], $0x800  }
0x76: {  	[sflag:s18] =	ssyncset.done $0x0  }
0x77: {  	[sflag:s18] =	ssyncadd.s32 $0xFFFFF800  }
0x78: {  	_ =	sfence.sel $0x180000  }
0x79: {  	[bflag:$0x0] =	sbarrier.arrive $0xFFFF  }
0x7a: {  	p0 =	sne.s32 s0, $0x0;
	_ =	strace $0x90000050  }
0x7b: {  	s0 =	sadd.s32 @!p0 $0x100000, s1;
	[bflag:$0x2] =	sbarrier.arrive $0xFFFF  }
0x7c: {  	[sflag:s0] =	ssyncadd.tile.s32 @!p0 $0x1;
	_ =	shalt  }
.Lfunc_end2:
_tile_overlayer_lowered:
.L_overlay_start_2:
0x7d: {  	(tag) =	ssettag $0x2  }
0x7e: {  	s0 =	rddreg [dreg:$0x0];
	s2 =	stileid.u32  }
0x7f: {  	s1 =	rddreg [dreg:$0x1];
	p0 =	sne.s32 s2, $0x0  }
0x80: {  	s3 =	rddreg [dreg:$0x2];
	[bflag:$0x3] =	sbarrier.arrive $0xFFFF;
	s2 =	simm.s32 @!p0 $0x1C01  }
0x81: {  	[timem:s3], [sflag:s2] =	dma.local @!p0 [hbm:s0], s1  }
0x82: {  	s0 =	simm.s32 @!p0 $0x1  }
0x83: {  	_ =	swait.ge @!p0 [sflag:s0], s1  }
0x84: {  	s1 =	ssub.s32 @!p0 $0x0, s1;
	[sflag:s0] =	ssyncset.done @!p0 $0x0  }
0x85: {  	[sflag:s0] =	ssyncadd.s32 @!p0 s1  }
0x86: {  	[bflag:$0x3] =	sbarrier.arrive $0xFFFF  }
0x87: {  	_ =	shalt  }

// kernel: kernel.32.cloned.1.call-start
scs
__scs_entry_jumppad:
0x0: {  	(pc) =	sbr.rel $0x88, $3  }
0x1: {  	(tag) =	ssettag $0x0;
	lr =	simm.s32 $0x1  }
0x2: {  	[smem:$0x3F70] =	sst lr;
	_ =	strace $0xD0000000  }
0x3: {  	_ = 	snop  }
0x4: {  	_ = 	snop  }
0x5: {  	_ = 	snop  }
0x6: {  	_ = 	snop  }
0x7: {  	_ = 	snop  }
__scs_overlays_trampoline_lowered:
0x8: {  	[smem:$0x3F7F] =	sst s0  }
0x9: {  	[smem:$0x3F80] =	sst s1  }
0xa: {  	[smem:$0x3F81] =	sst s2  }
0xb: {  	[smem:$0x3F82] =	sst s3  }
0xc: {  	[smem:$0x3F83] =	sst s4  }
0xd: {  	[smem:$0x3F84] =	sst s5  }
0xe: {  	[smem:$0x3F85] =	sst s6  }
0xf: {  	[smem:$0x3F86] =	sst s7  }
0x10: {  	[smem:$0x3F87] =	sst s8  }
0x11: {  	[smem:$0x3F88] =	sst s9;
	s0 =	simm.s32 @!p0 $0x0  }
0x12: {  	s1 =	sld [smem:$0x3F6E];
	s0 =	simm.s32 @p0 $0x1  }
0x13: {  	[smem:$0x3F89] =	sst s0;
	s0 =	simm.s32 @!p1 $0x0  }
0x14: {  	s2 =	sld [smem:$0x3F6D];
	s0 =	simm.s32 @p1 $0x1  }
0x15: {  	[smem:$0x3F8A] =	sst s0;
	s0 =	simm.s32 @!p2 $0x0  }
0x16: {  	s3 =	sld [smem:$0x3FDB];
	s0 =	simm.s32 @p2 $0x1  }
0x17: {  	s4 =	simm.s32 $0x1BF5;
	[smem:$0x3F8C] =	sst s0  }
0x18: {  	s0 =	sld [smem:$0x3F6F];
	_ =	swait.ge [sflag:s4], $0x0  }
0x19: {  	s7 =	sld [smem:$0x3F70]  }
0x1a: {  	s8 =	sadd.s32 $0xFFFFE003, lr  }
0x1b: {  	s9 =	sadd.s32 $0xFFFFFEF7, lr;
	s5 =	simm.s32 $0xFFFFFFFF;
	p2 =	slt.u32 s8, $0xFFFFF086  }
0x1c: {  	p1 =	slt.u32 s9, $0xF7A;
	s5 =	simm.s32 @!p2 $0x0  }
0x1d: {  	s5 =	simm.s32 @p1 $0x1;
	p0 =	seq.s32 s7, s2  }
0x1e: {  	s7 =	smul.u32 @!p0 $0xF7A, s2;
	p2 =	seq.s32 @!p0 s5, $0x0  }
0x1f: {  	s9 =	smul.u32 $0xF7A, s1;
	s8 =	simm.s32 @!p0 $0x1BF5;
	p2 =	por !p2, p0  }
0x20: {  	[sflag:s8] =	ssyncset.s32 @!p0 $0xFFFFF086;
	s6 =	sadd.s32 @!p0 s3, s7;
	s7 =	simm.s32 @!p0 $0x108  }
0x21: {  	s3 =	sadd.s32 s3, s9;
	s6 =	sadd.s32 @!p0 $0x88, s6;
	s7 =	simm.s32 @p2 $0x1082  }
0x22: {  	[simem:s7], [sflag:s8] =	dma.local @!p0 [hbm:s6], $0xF7A  }
0x23: {  	s9 =	sor.u32 $0xD0000000, s2;
	s6 =	simm.s32 $0x108;
	_ =	swait.ge @!p0 [sflag:s8], $0x0  }
0x24: {  	s3 =	sadd.s32 $0x88, s3;
	s6 =	simm.s32 @!p1 $0x1082;
	[sflag:s4] =	ssyncset.s32 $0xFFFFF086  }
0x25: {  	[simem:s6], [sflag:s4] =	dma.local [hbm:s3], $0xF7A  }
0x26: {  	[smem:$0x3F70] =	sst s1;
	(tag) =	ssettag s2;
	_ =	strace s9  }
0x27: {  	s1 =	sld [smem:$0x3F80]  }
0x28: {  	s2 =	sld [smem:$0x3F81]  }
0x29: {  	s4 =	sld [smem:$0x3F83]  }
0x2a: {  	p0 =	seq.s32 s5, $0x0;
	s5 =	sld [smem:$0x3F84]  }
0x2b: {  	s6 =	sld [smem:$0x3F85]  }
0x2c: {  	s7 =	sld [smem:$0x3F86]  }
0x2d: {  	s3 =	simm.s32 $0x108;
	s8 =	sld [smem:$0x3F87]  }
0x2e: {  	s3 =	simm.s32 @!p0 $0x1082;
	s9 =	sld [smem:$0x3F88]  }
0x2f: {  	lr =	sadd.s32 s0, s3;
	s0 =	sld [smem:$0x3F7F]  }
0x30: {  	s3 =	sld [smem:$0x3F82]  }
0x31: {  	[smem:$0x3F8B] =	sst s10  }
0x32: {  	s10 =	sld [smem:$0x3F89];
	_ =	sdelay $0x3  }
0x33: {  	p0 =	seq.s32 s10, $0x1;
	s10 =	sld [smem:$0x3F8B];
	_ =	sdelay $0x3  }
0x34: {  	[smem:$0x3F8B] =	sst s10  }
0x35: {  	s10 =	sld [smem:$0x3F8A];
	_ =	sdelay $0x3  }
0x36: {  	p1 =	seq.s32 s10, $0x1;
	s10 =	sld [smem:$0x3F8B];
	_ =	sdelay $0x3  }
0x37: {  	[smem:$0x3F8B] =	sst s10  }
0x38: {  	s10 =	sld [smem:$0x3F8C]  }
0x39: {  	_ = 	snop;
	(pc) =	sbr.ind lr, $3  }
0x3a: {  	_ = 	snop  }
0x3b: {  	_ = 	snop  }
0x3c: {  	p2 =	seq.s32 s10, $0x1;
	s10 =	sld [smem:$0x3F8B]  }
0x3d: {  	_ =	shalt  }
0x3e: {  	_ =	shalt  }
0x3f: {  	_ =	shalt  }
0x40: {  	_ =	shalt  }
0x41: {  	_ =	shalt  }
0x42: {  	_ =	shalt  }
0x43: {  	_ =	shalt  }
0x44: {  	_ =	shalt  }
0x45: {  	_ =	shalt  }
0x46: {  	_ =	shalt  }
0x47: {  	_ =	shalt  }
0x48: {  	_ =	shalt  }
0x49: {  	_ =	shalt  }
0x4a: {  	_ =	shalt  }
0x4b: {  	_ =	shalt  }
0x4c: {  	_ =	shalt  }
0x4d: {  	_ =	shalt  }
0x4e: {  	_ =	shalt  }
0x4f: {  	_ =	shalt  }
0x50: {  	_ =	shalt  }
0x51: {  	_ =	shalt  }
0x52: {  	_ =	shalt  }
0x53: {  	_ =	shalt  }
0x54: {  	_ =	shalt  }
0x55: {  	_ =	shalt  }
0x56: {  	_ =	shalt  }
0x57: {  	_ =	shalt  }
0x58: {  	_ =	shalt  }
0x59: {  	_ =	shalt  }
0x5a: {  	_ =	shalt  }
0x5b: {  	_ =	shalt  }
0x5c: {  	_ =	shalt  }
0x5d: {  	_ =	shalt  }
0x5e: {  	_ =	shalt  }
0x5f: {  	_ =	shalt  }
0x60: {  	_ =	shalt  }
0x61: {  	_ =	shalt  }
0x62: {  	_ =	shalt  }
0x63: {  	_ =	shalt  }
0x64: {  	_ =	shalt  }
0x65: {  	_ =	shalt  }
0x66: {  	_ =	shalt  }
0x67: {  	_ =	shalt  }
0x68: {  	_ =	shalt  }
0x69: {  	_ =	shalt  }
0x6a: {  	_ =	shalt  }
0x6b: {  	_ =	shalt  }
0x6c: {  	_ =	shalt  }
0x6d: {  	_ =	shalt  }
0x6e: {  	_ =	shalt  }
0x6f: {  	_ =	shalt  }
0x70: {  	_ =	shalt  }
0x71: {  	_ =	shalt  }
0x72: {  	_ =	shalt  }
0x73: {  	_ =	shalt  }
0x74: {  	_ =	shalt  }
0x75: {  	_ =	shalt  }
0x76: {  	_ =	shalt  }
0x77: {  	_ =	shalt  }
0x78: {  	_ =	shalt  }
0x79: {  	_ =	shalt  }
0x7a: {  	_ =	shalt  }
0x7b: {  	_ =	shalt  }
0x7c: {  	_ =	shalt  }
0x7d: {  	_ =	shalt  }
0x7e: {  	_ =	shalt  }
0x7f: {  	_ =	shalt  }
0x80: {  	_ =	shalt  }
0x81: {  	_ =	shalt  }
0x82: {  	_ =	shalt  }
0x83: {  	_ =	shalt  }
0x84: {  	_ =	shalt  }
0x85: {  	_ =	shalt  }
0x86: {  	_ =	shalt  }
0x87: {  	_ =	shalt  }
.Lfunc_end0:
.L_simem_size_0:
called_computation.4_lowered:
.L_overlay_start_0:
0x88: {  	s2 =	sld [smem:$0x3FD9]  }
0x89: {  	s3 =	sld [smem:$0x3FFE];
	_ =	sdelay $0x1  }
0x8a: {  	s1 =	srdreg.scid  }
0x8b: {  	s0 =	sand.u32 $0x1, s1  }
0x8c: {  	s16 =	sshll.u32 s0, $0xA;
	s2 =	sadd.s32 s3, s2  }
0x8d: {  	s2 =	sadd.s32 s2, s16  }
0x8e: {  	[smem:$0x3F97] =	sst s2  }
0x8f: {  	_ = 	snop  }
0x90: {  	(tm) =	ssettm $0x1  }
0x91: {  	s17 =	sld [smem:$0x3FFB];
	_ =	sdelay $0x3  }
0x92: {  	_ =	strace s17  }
0x93: {  	s2 =	sld [smem:$0x3FFC];
	_ =	sdelay $0x3  }
0x94: {  	_ =	strace s2  }
0x95: {  	s2 =	sld [smem:$0x3FFD];
	_ =	sdelay $0x3  }
0x96: {  	_ =	strace s2  }
0x97: {  	_ =	strace $0x8FFFFFFF  }
0x98: {  	s18 =	sld [smem:$0x3FDB];
	_ =	sdelay $0x1  }
0x99: {  	s19 =	simm.s32 $_scs_section_size  }
0x9a: {  	s4 =	simm.s32 $_size__tile_overlayer_lowered;
	s5 =	simm.s32 $_tile_overlayer_lowered  }
0x9b: {  	s22 =	simm.s32 $0x1BFF;
	s21 =	sshll.u32 s5, $0x1;
	s2 =	sadd.s32 s19, s18  }
0x9c: {  	s6 =	simm.s32 $0x0;
	s20 =	sshll.u32 s4, $0x1;
	s4 =	sadd.s32 s21, s2  }
0x9d: {  	[timem:s6], [sflag:s22] =	dma.local [hbm:s4], s20  }
0x9e: {  	_ =	swait.ge [sflag:s22], s20  }
0x9f: {  	s3 =	ssub.s32 $0x0, s20;
	[sflag:s22] =	ssyncset.done $0x0  }
0xa0: {  	[sflag:s22] =	ssyncadd.s32 s3;
	_ =	sdelay $0x1  }
0xa1: {  	s23 =	simm.s32 $0x1B8B  }
0xa2: {  	_ =	swait.ge [sflag:s23], $0x1  }
0xa3: {  	[sflag:s23] =	ssyncset.done $0x0  }
0xa4: {  	s25 =	simm.s32 $0x1B8E;
	s24 =	sld [smem:$0x3FFE];
	[sflag:s23] =	ssyncadd.s32 $0xFFFFFFFF  }
0xa5: {  	s26 =	simm.s32 $execute0_lowered;
	[smem:$0x3FD2] =	sst s25  }
0xa6: {  	s4 =	sshll.u32 s26, $0x1;
	_ =	strace $0x80000052;
	[dreg:$0x1] =	wrdreg $0xFFFFFFFF  }
0xa7: {  	s28 =	simm.s32 $_size_execute0_lowered;
	s2 =	sadd.s32 s2, s4;
	[dreg:$0x0] =	wrdreg $0x0  }
0xa8: {  	s4 =	sshll.u32 s28, $0x1;
	[dreg:$0x2] =	wrdreg s2  }
0xa9: {  	[dreg:$0x3] =	wrdreg s4  }
0xaa: {  	[dreg:$0x4] =	wrdreg $0xC0  }
0xab: {  	_ =	task [dreg:s6], $0x5FFFF  }
0xac: {  	[dreg:$0x1] =	wrdreg $0xFFFFFFFF  }
0xad: {  	[dreg:$0x0] =	wrdreg $0x60  }
0xae: {  	[dreg:$0x2] =	wrdreg s24  }
0xaf: {  	[dreg:$0x3] =	wrdreg $0x9  }
0xb0: {  	_ =	task.clear_ibuf [dreg:s6], $0x4FFFF;
	_ =	strace $0x90000052  }
0xb1: {  	s29 =	simm.s32 $0x9;
	_ =	strace $0x80000054  }
0xb2: {  	_ =	swait.ge [sflag:s29], $0x1  }
0xb3: {  	[sflag:s29] =	ssyncadd.s32 $0xFFFFFFFF  }
0xb4: {  	_ =	strace $0x90000054  }
0xb5: {  	_ =	sfence  }
0xb6: {  	s30 =	sld [smem:$0x0];
	_ =	sdelay $0x2  }
0xb7: {  	s31 =	sshll.u32 s1, $0xD;
	s1 =	sshrl.u32 s1, $0x2  }
0xb8: {  	s3 =	sand.u32 $0x4000, s31;
	s1 =	sadd.s32 s1, s30  }
0xb9: {  	s0 =	sor.u32 s3, s0;
	s1 =	sshll.u32 s1, $0x11  }
0xba: {  	s0 =	sor.u32 s1, s0  }
0xbb: {  	s0 =	sadd.s32 $0x8F2B, s0  }
0xbc: {  	[sflag:s0] =	ssyncadd.remote.s32 $0x1  }
0xbd: {  	_ =	sfence.sel $0xFFFF  }
0xbe: {  	[dreg:$0x0] =	wrdreg $0xFFFFFFFF;
	(pc) =	sbr.abs _section_cstart, $3  }
0xbf: {  	[dreg:$0x1] =	wrdreg $0xFFFFFFFF  }
0xc0: {  	_ =	task.clear_ibuf [dreg:s6], $0x2FFFF;
	_ =	strace $0x9FFFFFFF  }
0xc1: {  	(tm) =	ssettm $0x7FFFFFFF  }
tec
execute0_lowered:
.L_overlay_start_1:
0x0: {  	(tag) =	ssettag $0x1  }
0x1: {  	s7 =	rddreg [dreg:$0x0]  }
0x2: {  	s0 =	rddreg [dreg:$0x1];
	s1 =	simm.s32 $0x0;
	s5 =	srdreg.scid  }
0x3: {  	s2 =	stileid.u32;
	s12 =	simm.s32 $0x50;
	s13 =	simm.s32 $0x100  }
0x4: {  	s14 =	simm.s32 $0x2900;
	s15 =	simm.s32 $0x1;
	s16 =	simm.s32 $0x2  }
0x5: {  	s17 =	simm.s32 $0x0;
	[smem:$0x7FF] =	sst s1;
	s3 =	sadd.s32 $0x78800, s7  }
0x6: {  	s4 =	sadd.s32 $0x9FA00, s7;
	s8 =	sand.u32 $0x1, s5;
	s5 =	sadd.s32 $0x61400, s7  }
0x7: {  	s10 =	sshll.u32 s2, $0x1;
	s6 =	sadd.s32 $0x6B200, s7;
	s9 =	ssub.s32 $0x2, s8  }
0x8: {  	s7 =	sadd.s32 $0xEDE00, s7;
	_ =	strace $0x80000053;
	s11 =	sshrl.u32 s9, $0x1  }
0x9: {  	s8 =	sor.u32 s8, s10;
	s10 =	simm.s32 $0x3;
	s9 =	ssub.s32 s9, s11  }
0xa: {  	s8 =	smul.u32 $0x2710, s8;
	s11 =	simm.s32 $0x80;
	s9 =	smax.u32 s9, $0x1  }
.LBB2_1:
0xb: {  	s18 =	simm.s32 $0x0  }
.LBB2_2:
0xc: {  	s19 =	smul.u32 $0x50, s18;
	_ =	sdelay $0x1  }
0xd: {  	s19 =	sadd.s32 s8, s19  }
0xe: {  	s20 =	sshrl.u32 s19, $0x3  }
0xf: {  	s22 =	simm.s32 $0x0;
	s21 =	sadd.s32 s5, s20  }
0x10: {  	[tilespmem:s22], [sflag:$0x3] =	stream.linear.gather [hbm4b:s21+s22], $0x50, $0x38;
	[tilespmem:$0x5100] =	vst v63  }
0x11: {  	_ =	swait.ge [sflag:s10], $0x50  }
0x12: {  	[sflag:s10] =	ssyncset.done $0x0  }
0x13: {  	s20 =	sadd.s32 s6, s20;
	[sflag:s10] =	ssyncadd.s32 $0xFFFFFFB0  }
0x14: {  	[tilespmem:s11], [sflag:$0x3] =	stream.linear.gather [hbm4b:s20+s22], $0x50, $0x38;
	[tilespmem:$0x5100] =	vst v63  }
0x15: {  	_ =	swait.ge [sflag:s10], $0x50  }
0x16: {  	[sflag:s10] =	ssyncset.done $0x0  }
0x17: {  	[sflag:s10] =	ssyncadd.s32 $0xFFFFFFB0  }
0x18: {  	[tilespmem:s13], [sflag:$0x1] =	stream.indirect.gather [hbm4b:s3+s12], $0x80, s22, s12, $0xb8;
	[tilespmem:$0x5100] =	vst v63  }
0x19: {  	_ = 	snop  }
0x1a: {  	[tilespmem:s14], [sflag:$0x2] =	stream.indirect.gather [hbm4b:s4+s12], $0x80, s11, s12, $0xb8;
	[tilespmem:$0x5100] =	vst v63  }
0x1b: {  	_ =	swait.ge [sflag:s15], $0x2800  }
0x1c: {  	[sflag:s15] =	ssyncset.done $0x0  }
0x1d: {  	[sflag:s15] =	ssyncadd.s32 $0xFFFFD800  }
0x1e: {  	_ =	swait.ge [sflag:s16], $0x2800  }
0x1f: {  	[sflag:s16] =	ssyncset.done $0x0  }
0x20: {  	s20 =	simm.s32 $0x0;
	[sflag:s16] =	ssyncadd.s32 $0xFFFFD800  }
0x21: {  	v6 =	vld [tilespmem:s20+$0x2900]  }
0x22: {  	v11 =	vld [tilespmem:s20+$0x2910]  }
0x23: {  	v5 =	vld [tilespmem:s20+$0x2920]  }
0x24: {  	v4 =	vld [tilespmem:s20+$0x2930]  }
0x25: {  	v3 =	vld [tilespmem:s20+$0x2940]  }
0x26: {  	v2 =	vld [tilespmem:s20+$0x2950]  }
0x27: {  	v1 =	vld [tilespmem:s20+$0x2960]  }
0x28: {  	v0 =	vld [tilespmem:s20+$0x2970]  }
0x29: {  	v12 =	vld [tilespmem:s20+$0x100]  }
0x2a: {  	v13 =	vld [tilespmem:s20+$0x110]  }
0x2b: {  	v10 =	vld [tilespmem:s20+$0x120]  }
0x2c: {  	v9 =	vld [tilespmem:s20+$0x130]  }
0x2d: {  	v8 =	vld [tilespmem:s20+$0x140]  }
0x2e: {  	v7 =	vld [tilespmem:s20+$0x150];
	v12 =	vadd.f32 v6, v12  }
0x2f: {  	s21 =	simm.s32 $0x200;
	v11 =	vadd.f32 v11, v13;
	v6 =	vld [tilespmem:s20+$0x160]  }
.LBB2_3:
0x30: {  	s22 =	sshra.s32 s21, $0x2;
	p0 =	sne.s32 s21, $0x9E00;
	v12 =	vmax.f32 v12, $0.0e+00;
	v5 =	vadd.f32 v5, v10;
	v10 =	vld [tilespmem:s20+$0x170]  }
0x31: {  	v13 =	vld [tilespmem:s22+$0x2900];
	[tilespmem:s20+$0x100] =	vst v12;
	v11 =	vmax.f32 v11, $0.0e+00;
	v4 =	vadd.f32 v4, v9  }
0x32: {  	v14 =	vld [tilespmem:s22+$0x2910];
	[tilespmem:s20+$0x110] =	vst v11;
	v9 =	vmax.f32 v5, $0.0e+00;
	v3 =	vadd.f32 v3, v8  }
0x33: {  	v5 =	vld [tilespmem:s22+$0x2920];
	[tilespmem:s20+$0x120] =	vst v9;
	v8 =	vmax.f32 v4, $0.0e+00;
	v2 =	vadd.f32 v2, v7  }
0x34: {  	v4 =	vld [tilespmem:s22+$0x2930];
	[tilespmem:s20+$0x130] =	vst v8;
	v7 =	vmax.f32 v3, $0.0e+00;
	v1 =	vadd.f32 v1, v6  }
0x35: {  	v3 =	vld [tilespmem:s22+$0x2940];
	[tilespmem:s20+$0x140] =	vst v7;
	v6 =	vmax.f32 v2, $0.0e+00;
	v0 =	vadd.f32 v0, v10  }
0x36: {  	v2 =	vld [tilespmem:s22+$0x2950];
	[tilespmem:s20+$0x150] =	vst v6;
	v6 =	vmax.f32 v1, $0.0e+00  }
0x37: {  	v1 =	vld [tilespmem:s22+$0x2960];
	[tilespmem:s20+$0x160] =	vst v6;
	v6 =	vmax.f32 v0, $0.0e+00  }
0x38: {  	v0 =	vld [tilespmem:s22+$0x2970];
	[tilespmem:s20+$0x170] =	vst v6;
	s20 =	smov.u32 s22  }
0x39: {  	v6 =	vld [tilespmem:s20+$0x100]  }
0x3a: {  	v11 =	vld [tilespmem:s20+$0x110]  }
.Ltmp0:
0x3b: {  	v10 =	vld [tilespmem:s20+$0x120];
	(pc) =	sbr.rel @p0 .LBB2_3-.Ltmp0, $4  }
0x3c: {  	v9 =	vld [tilespmem:s20+$0x130]  }
0x3d: {  	v8 =	vld [tilespmem:s20+$0x140]  }
0x3e: {  	v12 =	vadd.f32 v13, v6;
	v7 =	vld [tilespmem:s20+$0x150]  }
0x3f: {  	s21 =	sadd.s32 $0x200, s21;
	v11 =	vadd.f32 v14, v11;
	v6 =	vld [tilespmem:s20+$0x160]  }
0x40: {  	v12 =	vmax.f32 v12, $0.0e+00;
	v5 =	vadd.f32 v5, v10;
	v63 =	vld [tilespmem:s20+$0x170]  }
0x41: {  	[tilespmem:s20+$0x100] =	vst v12;
	v11 =	vmax.f32 v11, $0.0e+00;
	v4 =	vadd.f32 v4, v9  }
0x42: {  	[tilespmem:s20+$0x110] =	vst v11;
	v5 =	vmax.f32 v5, $0.0e+00;
	v3 =	vadd.f32 v3, v8  }
0x43: {  	[tilespmem:s20+$0x120] =	vst v5;
	v4 =	vmax.f32 v4, $0.0e+00;
	v2 =	vadd.f32 v2, v7  }
0x44: {  	[tilespmem:s20+$0x130] =	vst v4;
	v3 =	vmax.f32 v3, $0.0e+00;
	v1 =	vadd.f32 v1, v6  }
0x45: {  	[tilespmem:s20+$0x140] =	vst v3;
	v2 =	vmax.f32 v2, $0.0e+00;
	v0 =	vadd.f32 v0, v63  }
0x46: {  	s18 =	sadd.s32 $0x1, s18;
	[tilespmem:s20+$0x150] =	vst v2;
	v1 =	vmax.f32 v1, $0.0e+00  }
0x47: {  	s19 =	sshll.u32 s19, $0x4;
	p0 =	sne.s32 s18, $0x7D;
	[tilespmem:s20+$0x160] =	vst v1;
	v0 =	vmax.f32 v0, $0.0e+00  }
.Ltmp1:
0x48: {  	s19 =	sadd.s32 s7, s19;
	[tilespmem:s20+$0x170] =	vst v0;
	(pc) =	sbr.rel @p0 .LBB2_2-.Ltmp1, $4  }
0x49: {  	[hbm4b:s19+s1] =	stream.linear.scatter [tilespmem:s13], [sflag:$0x3], $0x2800, $0x38;
	[tilespmem:$0x5100] =	vst v63  }
0x4a: {  	_ =	swait.ge [sflag:s10], $0x2800  }
0x4b: {  	[sflag:s10] =	ssyncset.done $0x0  }
0x4c: {  	[sflag:s10] =	ssyncadd.s32 $0xFFFFD800  }
0x4d: {  	s17 =	sadd.s32 $0x1, s17  }
0x4e: {  	p0 =	sne.s32 s17, s9  }
.Ltmp2:
0x4f: {  	_ = 	snop;
	(pc) =	sbr.rel @p0 .LBB2_1-.Ltmp2, $1  }
0x50: {  	_ =	sdelay $0x3  }
0x51: {  	_ =	sfence.sel $0x180000  }
0x52: {  	[bflag:$0x0] =	sbarrier.arrive $0xFFFF  }
0x53: {  	p0 =	sne.s32 s2, $0x0;
	_ =	strace $0x90000053  }
0x54: {  	s0 =	sadd.s32 @!p0 $0x100000, s0;
	[bflag:$0x2] =	sbarrier.arrive $0xFFFF  }
0x55: {  	[sflag:s0] =	ssyncadd.tile.s32 @!p0 $0x1;
	_ =	shalt  }
.Lfunc_end2:
_tile_overlayer_lowered:
.L_overlay_start_2:
0x56: {  	(tag) =	ssettag $0x2  }
0x57: {  	s0 =	rddreg [dreg:$0x0];
	s2 =	stileid.u32  }
0x58: {  	s1 =	rddreg [dreg:$0x1];
	p0 =	sne.s32 s2, $0x0  }
0x59: {  	s3 =	rddreg [dreg:$0x2];
	[bflag:$0x3] =	sbarrier.arrive $0xFFFF;
	s2 =	simm.s32 @!p0 $0x1C03  }
0x5a: {  	[timem:s3], [sflag:s2] =	dma.local @!p0 [hbm:s0], s1  }
0x5b: {  	s0 =	simm.s32 @!p0 $0x3  }
0x5c: {  	_ =	swait.ge @!p0 [sflag:s0], s1  }
0x5d: {  	s1 =	ssub.s32 @!p0 $0x0, s1;
	[sflag:s0] =	ssyncset.done @!p0 $0x0  }
0x5e: {  	[sflag:s0] =	ssyncadd.s32 @!p0 s1  }
0x5f: {  	[bflag:$0x3] =	sbarrier.arrive $0xFFFF  }
0x60: {  	_ =	shalt  }

// kernel: kernel.35.cloned.1.call-start
scs
__scs_entry_jumppad:
0x0: {  	(pc) =	sbr.rel $0x88, $3  }
0x1: {  	(tag) =	ssettag $0x0;
	lr =	simm.s32 $0x1  }
0x2: {  	[smem:$0x3F70] =	sst lr;
	_ =	strace $0xD0000000  }
0x3: {  	_ = 	snop  }
0x4: {  	_ = 	snop  }
0x5: {  	_ = 	snop  }
0x6: {  	_ = 	snop  }
0x7: {  	_ = 	snop  }
__scs_overlays_trampoline_lowered:
0x8: {  	[smem:$0x3F7F] =	sst s0  }
0x9: {  	[smem:$0x3F80] =	sst s1  }
0xa: {  	[smem:$0x3F81] =	sst s2  }
0xb: {  	[smem:$0x3F82] =	sst s3  }
0xc: {  	[smem:$0x3F83] =	sst s4  }
0xd: {  	[smem:$0x3F84] =	sst s5  }
0xe: {  	[smem:$0x3F85] =	sst s6  }
0xf: {  	[smem:$0x3F86] =	sst s7  }
0x10: {  	[smem:$0x3F87] =	sst s8  }
0x11: {  	[smem:$0x3F88] =	sst s9;
	s0 =	simm.s32 @!p0 $0x0  }
0x12: {  	s1 =	sld [smem:$0x3F6E];
	s0 =	simm.s32 @p0 $0x1  }
0x13: {  	[smem:$0x3F89] =	sst s0;
	s0 =	simm.s32 @!p1 $0x0  }
0x14: {  	s2 =	sld [smem:$0x3F6D];
	s0 =	simm.s32 @p1 $0x1  }
0x15: {  	[smem:$0x3F8A] =	sst s0;
	s0 =	simm.s32 @!p2 $0x0  }
0x16: {  	s3 =	sld [smem:$0x3FDB];
	s0 =	simm.s32 @p2 $0x1  }
0x17: {  	s4 =	simm.s32 $0x1BF5;
	[smem:$0x3F8C] =	sst s0  }
0x18: {  	s0 =	sld [smem:$0x3F6F];
	_ =	swait.ge [sflag:s4], $0x0  }
0x19: {  	s7 =	sld [smem:$0x3F70]  }
0x1a: {  	s8 =	sadd.s32 $0xFFFFE003, lr  }
0x1b: {  	s9 =	sadd.s32 $0xFFFFFEF7, lr;
	s5 =	simm.s32 $0xFFFFFFFF;
	p2 =	slt.u32 s8, $0xFFFFF086  }
0x1c: {  	p1 =	slt.u32 s9, $0xF7A;
	s5 =	simm.s32 @!p2 $0x0  }
0x1d: {  	s5 =	simm.s32 @p1 $0x1;
	p0 =	seq.s32 s7, s2  }
0x1e: {  	s7 =	smul.u32 @!p0 $0xF7A, s2;
	p2 =	seq.s32 @!p0 s5, $0x0  }
0x1f: {  	s9 =	smul.u32 $0xF7A, s1;
	s8 =	simm.s32 @!p0 $0x1BF5;
	p2 =	por !p2, p0  }
0x20: {  	[sflag:s8] =	ssyncset.s32 @!p0 $0xFFFFF086;
	s6 =	sadd.s32 @!p0 s3, s7;
	s7 =	simm.s32 @!p0 $0x108  }
0x21: {  	s3 =	sadd.s32 s3, s9;
	s6 =	sadd.s32 @!p0 $0x88, s6;
	s7 =	simm.s32 @p2 $0x1082  }
0x22: {  	[simem:s7], [sflag:s8] =	dma.local @!p0 [hbm:s6], $0xF7A  }
0x23: {  	s9 =	sor.u32 $0xD0000000, s2;
	s6 =	simm.s32 $0x108;
	_ =	swait.ge @!p0 [sflag:s8], $0x0  }
0x24: {  	s3 =	sadd.s32 $0x88, s3;
	s6 =	simm.s32 @!p1 $0x1082;
	[sflag:s4] =	ssyncset.s32 $0xFFFFF086  }
0x25: {  	[simem:s6], [sflag:s4] =	dma.local [hbm:s3], $0xF7A  }
0x26: {  	[smem:$0x3F70] =	sst s1;
	(tag) =	ssettag s2;
	_ =	strace s9  }
0x27: {  	s1 =	sld [smem:$0x3F80]  }
0x28: {  	s2 =	sld [smem:$0x3F81]  }
0x29: {  	s4 =	sld [smem:$0x3F83]  }
0x2a: {  	p0 =	seq.s32 s5, $0x0;
	s5 =	sld [smem:$0x3F84]  }
0x2b: {  	s6 =	sld [smem:$0x3F85]  }
0x2c: {  	s7 =	sld [smem:$0x3F86]  }
0x2d: {  	s3 =	simm.s32 $0x108;
	s8 =	sld [smem:$0x3F87]  }
0x2e: {  	s3 =	simm.s32 @!p0 $0x1082;
	s9 =	sld [smem:$0x3F88]  }
0x2f: {  	lr =	sadd.s32 s0, s3;
	s0 =	sld [smem:$0x3F7F]  }
0x30: {  	s3 =	sld [smem:$0x3F82]  }
0x31: {  	[smem:$0x3F8B] =	sst s10  }
0x32: {  	s10 =	sld [smem:$0x3F89];
	_ =	sdelay $0x3  }
0x33: {  	p0 =	seq.s32 s10, $0x1;
	s10 =	sld [smem:$0x3F8B];
	_ =	sdelay $0x3  }
0x34: {  	[smem:$0x3F8B] =	sst s10  }
0x35: {  	s10 =	sld [smem:$0x3F8A];
	_ =	sdelay $0x3  }
0x36: {  	p1 =	seq.s32 s10, $0x1;
	s10 =	sld [smem:$0x3F8B];
	_ =	sdelay $0x3  }
0x37: {  	[smem:$0x3F8B] =	sst s10  }
0x38: {  	s10 =	sld [smem:$0x3F8C]  }
0x39: {  	_ = 	snop;
	(pc) =	sbr.ind lr, $3  }
0x3a: {  	_ = 	snop  }
0x3b: {  	_ = 	snop  }
0x3c: {  	p2 =	seq.s32 s10, $0x1;
	s10 =	sld [smem:$0x3F8B]  }
0x3d: {  	_ =	shalt  }
0x3e: {  	_ =	shalt  }
0x3f: {  	_ =	shalt  }
0x40: {  	_ =	shalt  }
0x41: {  	_ =	shalt  }
0x42: {  	_ =	shalt  }
0x43: {  	_ =	shalt  }
0x44: {  	_ =	shalt  }
0x45: {  	_ =	shalt  }
0x46: {  	_ =	shalt  }
0x47: {  	_ =	shalt  }
0x48: {  	_ =	shalt  }
0x49: {  	_ =	shalt  }
0x4a: {  	_ =	shalt  }
0x4b: {  	_ =	shalt  }
0x4c: {  	_ =	shalt  }
0x4d: {  	_ =	shalt  }
0x4e: {  	_ =	shalt  }
0x4f: {  	_ =	shalt  }
0x50: {  	_ =	shalt  }
0x51: {  	_ =	shalt  }
0x52: {  	_ =	shalt  }
0x53: {  	_ =	shalt  }
0x54: {  	_ =	shalt  }
0x55: {  	_ =	shalt  }
0x56: {  	_ =	shalt  }
0x57: {  	_ =	shalt  }
0x58: {  	_ =	shalt  }
0x59: {  	_ =	shalt  }
0x5a: {  	_ =	shalt  }
0x5b: {  	_ =	shalt  }
0x5c: {  	_ =	shalt  }
0x5d: {  	_ =	shalt  }
0x5e: {  	_ =	shalt  }
0x5f: {  	_ =	shalt  }
0x60: {  	_ =	shalt  }
0x61: {  	_ =	shalt  }
0x62: {  	_ =	shalt  }
0x63: {  	_ =	shalt  }
0x64: {  	_ =	shalt  }
0x65: {  	_ =	shalt  }
0x66: {  	_ =	shalt  }
0x67: {  	_ =	shalt  }
0x68: {  	_ =	shalt  }
0x69: {  	_ =	shalt  }
0x6a: {  	_ =	shalt  }
0x6b: {  	_ =	shalt  }
0x6c: {  	_ =	shalt  }
0x6d: {  	_ =	shalt  }
0x6e: {  	_ =	shalt  }
0x6f: {  	_ =	shalt  }
0x70: {  	_ =	shalt  }
0x71: {  	_ =	shalt  }
0x72: {  	_ =	shalt  }
0x73: {  	_ =	shalt  }
0x74: {  	_ =	shalt  }
0x75: {  	_ =	shalt  }
0x76: {  	_ =	shalt  }
0x77: {  	_ =	shalt  }
0x78: {  	_ =	shalt  }
0x79: {  	_ =	shalt  }
0x7a: {  	_ =	shalt  }
0x7b: {  	_ =	shalt  }
0x7c: {  	_ =	shalt  }
0x7d: {  	_ =	shalt  }
0x7e: {  	_ =	shalt  }
0x7f: {  	_ =	shalt  }
0x80: {  	_ =	shalt  }
0x81: {  	_ =	shalt  }
0x82: {  	_ =	shalt  }
0x83: {  	_ =	shalt  }
0x84: {  	_ =	shalt  }
0x85: {  	_ =	shalt  }
0x86: {  	_ =	shalt  }
0x87: {  	_ =	shalt  }
.Lfunc_end0:
.L_simem_size_0:
called_computation.5_lowered:
.L_overlay_start_0:
0x88: {  	s2 =	sld [smem:$0x3FD9]  }
0x89: {  	s3 =	sld [smem:$0x3FFE];
	_ =	sdelay $0x1  }
0x8a: {  	s1 =	srdreg.scid  }
0x8b: {  	s0 =	sand.u32 $0x1, s1  }
0x8c: {  	s16 =	sshll.u32 s0, $0xA;
	s2 =	sadd.s32 s3, s2  }
0x8d: {  	s2 =	sadd.s32 s2, s16  }
0x8e: {  	[smem:$0x3F97] =	sst s2  }
0x8f: {  	_ = 	snop  }
0x90: {  	(tm) =	ssettm $0x1  }
0x91: {  	s17 =	sld [smem:$0x3FFB];
	_ =	sdelay $0x3  }
0x92: {  	_ =	strace s17  }
0x93: {  	s2 =	sld [smem:$0x3FFC];
	_ =	sdelay $0x3  }
0x94: {  	_ =	strace s2  }
0x95: {  	s2 =	sld [smem:$0x3FFD];
	_ =	sdelay $0x3  }
0x96: {  	_ =	strace s2  }
0x97: {  	_ =	strace $0x8FFFFFFF  }
0x98: {  	s18 =	sld [smem:$0x3FDB];
	_ =	sdelay $0x1  }
0x99: {  	s19 =	simm.s32 $_scs_section_size  }
0x9a: {  	s4 =	simm.s32 $_size__tile_overlayer_lowered;
	s5 =	simm.s32 $_tile_overlayer_lowered  }
0x9b: {  	s22 =	simm.s32 $0x1BFF;
	s21 =	sshll.u32 s5, $0x1;
	s2 =	sadd.s32 s19, s18  }
0x9c: {  	s6 =	simm.s32 $0x0;
	s20 =	sshll.u32 s4, $0x1;
	s4 =	sadd.s32 s21, s2  }
0x9d: {  	[timem:s6], [sflag:s22] =	dma.local [hbm:s4], s20  }
0x9e: {  	_ =	swait.ge [sflag:s22], s20  }
0x9f: {  	s3 =	ssub.s32 $0x0, s20;
	[sflag:s22] =	ssyncset.done $0x0  }
0xa0: {  	[sflag:s22] =	ssyncadd.s32 s3;
	_ =	sdelay $0x1  }
0xa1: {  	s23 =	simm.s32 $0x1B8B  }
0xa2: {  	_ =	swait.ge [sflag:s23], $0x1  }
0xa3: {  	[sflag:s23] =	ssyncset.done $0x0  }
0xa4: {  	s25 =	simm.s32 $0x1B8E;
	s24 =	sld [smem:$0x3FFE];
	[sflag:s23] =	ssyncadd.s32 $0xFFFFFFFF  }
0xa5: {  	s26 =	simm.s32 $execute0_lowered;
	[smem:$0x3FD2] =	sst s25  }
0xa6: {  	s4 =	sshll.u32 s26, $0x1;
	_ =	strace $0x80000055;
	[dreg:$0x1] =	wrdreg $0xFFFFFFFF  }
0xa7: {  	s28 =	simm.s32 $_size_execute0_lowered;
	s2 =	sadd.s32 s2, s4;
	[dreg:$0x0] =	wrdreg $0x0  }
0xa8: {  	s4 =	sshll.u32 s28, $0x1;
	[dreg:$0x2] =	wrdreg s2  }
0xa9: {  	[dreg:$0x3] =	wrdreg s4  }
0xaa: {  	[dreg:$0x4] =	wrdreg $0xC0  }
0xab: {  	_ =	task [dreg:s6], $0x5FFFF  }
0xac: {  	[dreg:$0x1] =	wrdreg $0xFFFFFFFF  }
0xad: {  	[dreg:$0x0] =	wrdreg $0x60  }
0xae: {  	[dreg:$0x2] =	wrdreg s24  }
0xaf: {  	[dreg:$0x3] =	wrdreg $0x68800  }
0xb0: {  	[dreg:$0x4] =	wrdreg $0x9  }
0xb1: {  	_ =	task.clear_ibuf [dreg:s6], $0x5FFFF;
	_ =	strace $0x90000055  }
0xb2: {  	s29 =	simm.s32 $0x9;
	_ =	strace $0x80000057  }
0xb3: {  	_ =	swait.ge [sflag:s29], $0x1  }
0xb4: {  	[sflag:s29] =	ssyncadd.s32 $0xFFFFFFFF  }
0xb5: {  	_ =	strace $0x90000057  }
0xb6: {  	_ =	sfence  }
0xb7: {  	s30 =	sld [smem:$0x0];
	_ =	sdelay $0x2  }
0xb8: {  	s31 =	sshll.u32 s1, $0xD;
	s1 =	sshrl.u32 s1, $0x2  }
0xb9: {  	s3 =	sand.u32 $0x4000, s31;
	s1 =	sadd.s32 s1, s30  }
0xba: {  	s0 =	sor.u32 s3, s0;
	s1 =	sshll.u32 s1, $0x11  }
0xbb: {  	s0 =	sor.u32 s1, s0  }
0xbc: {  	s0 =	sadd.s32 $0x8F2B, s0  }
0xbd: {  	[sflag:s0] =	ssyncadd.remote.s32 $0x1  }
0xbe: {  	_ =	sfence.sel $0xFFFF  }
0xbf: {  	[dreg:$0x0] =	wrdreg $0xFFFFFFFF;
	(pc) =	sbr.abs _section_cstart, $3  }
0xc0: {  	[dreg:$0x1] =	wrdreg $0xFFFFFFFF  }
0xc1: {  	_ =	task.clear_ibuf [dreg:s6], $0x2FFFF;
	_ =	strace $0x9FFFFFFF  }
0xc2: {  	(tm) =	ssettm $0x7FFFFFFF  }
0xc3: {  	_ =	shalt  }
tec
execute0_lowered:
.L_overlay_start_1:
0x0: {  	(tag) =	ssettag $0x1  }
0x1: {  	s4 =	rddreg [dreg:$0x0];
	s0 =	stileid.u32  }
0x2: {  	s1 =	srdreg.scid;
	s5 =	smul.u32 $0x4E200, s0  }
0x3: {  	s2 =	rddreg [dreg:$0x1];
	s3 =	simm.s32 $0x0;
	s6 =	smul.u32 $0x4E20, s0  }
0x4: {  	s13 =	sand.u32 $0x1, s1;
	s1 =	rddreg [dreg:$0x2];
	s8 =	smul.u32 $0x50000, s0  }
0x5: {  	[smem:$0x7FF] =	sst s3;
	s16 =	smul.u32 $0x14000, s0  }
0x6: {  	s18 =	sadd.s32 $0xEDE00, s4;
	s7 =	smul.u32 $0x2710, s13;
	_ =	strace $0x80000056  }
0x7: {  	s14 =	smul.u32 $0x140000, s13;
	s23 =	ssub.s32 $0x2, s13;
	s15 =	sadd.s32 s5, s4  }
0x8: {  	s24 =	sshrl.u32 s23, $0x1;
	s25 =	sshrl.u32 s8, $0x2;
	s12 =	sadd.s32 $0x4000, s16  }
0x9: {  	s19 =	sadd.s32 $0x8000, s16;
	s31 =	sadd.s32 $0xC000, s16;
	s6 =	sadd.s32 s7, s6  }
0xa: {  	s26 =	sadd.s32 s14, s16;
	s28 =	ssub.s32 s23, s24;
	s10 =	sadd.s32 s14, s12  }
0xb: {  	s20 =	sadd.s32 s14, s19;
	s21 =	sadd.s32 s12, s2;
	s16 =	sadd.s32 $0x10000, s16  }
0xc: {  	s23 =	smul.u32 $0x27100, s13;
	s24 =	sadd.s32 s19, s2;
	s19 =	simm.s32 $0x80  }
0xd: {  	s22 =	sshrl.u32 s6, $0x3;
	s29 =	sshrl.u32 s26, $0x3;
	s6 =	smax.u32 s28, $0x1  }
0xe: {  	s11 =	sshrl.u32 s10, $0x3;
	s30 =	sshrl.u32 s20, $0x3;
	s26 =	sadd.s32 s16, s2  }
0xf: {  	s20 =	simm.s32 $0x50;
	s21 =	sshrl.u32 s21, $0x3;
	s17 =	sadd.s32 s22, s4  }
0x10: {  	s4 =	sadd.s32 s25, s2;
	s5 =	sadd.s32 s18, s29;
	s11 =	sadd.s32 s18, s11  }
0x11: {  	s12 =	sadd.s32 s18, s30;
	s22 =	sadd.s32 s14, s31;
	s14 =	sadd.s32 s14, s16  }
0x12: {  	s25 =	sadd.s32 s31, s2;
	s15 =	sadd.s32 s23, s15;
	s7 =	sadd.s32 $0x4000, s4  }
0x13: {  	s8 =	sadd.s32 $0x8000, s4;
	s9 =	sadd.s32 $0xC000, s4;
	s10 =	sadd.s32 $0x10000, s4  }
0x14: {  	s22 =	sshrl.u32 s22, $0x3;
	s14 =	sshrl.u32 s14, $0x3;
	s15 =	sadd.s32 $0x5CFE00, s15  }
0x15: {  	s16 =	sadd.s32 $0x6B200, s17;
	s17 =	simm.s32 $0x2880;
	s23 =	sshrl.u32 s25, $0x3  }
0x16: {  	s25 =	simm.s32 $0x0;
	s13 =	sadd.s32 s18, s22;
	s14 =	sadd.s32 s18, s14  }
0x17: {  	v0 =	vimm.f32 $0.0e+00;
	s18 =	simm.s32 $0x1;
	s22 =	sshrl.u32 s24, $0x3;
	s24 =	sshrl.u32 s26, $0x3  }
.LBB2_1:
0x18: {  	s26 =	simm.s32 $0x0;
	s28 =	simm.s32 $0x200  }
.LBB2_2:
0x19: {  	p0 =	sne.s32 s28, $0xFE00;
	[tilespmem:s26+$0x28F0] =	vst v0  }
0x1a: {  	[tilespmem:s26+$0x2880] =	vst v0  }
0x1b: {  	[tilespmem:s26+$0x2890] =	vst v0  }
.Ltmp0:
0x1c: {  	[tilespmem:s26+$0x28A0] =	vst v0;
	(pc) =	sbr.rel @p0 .LBB2_2-.Ltmp0, $4  }
0x1d: {  	[tilespmem:s26+$0x28B0] =	vst v0  }
0x1e: {  	[tilespmem:s26+$0x28C0] =	vst v0  }
0x1f: {  	[tilespmem:s26+$0x28D0] =	vst v0  }
0x20: {  	[tilespmem:s26+$0x28E0] =	vst v0;
	s26 =	sshra.s32 s28, $0x2;
	s28 =	sadd.s32 $0x200, s28  }
0x21: {  	[tilespmem:s26+$0x28F0] =	vst v0  }
0x22: {  	[tilespmem:s26+$0x2880] =	vst v0  }
0x23: {  	[tilespmem:s26+$0x2890] =	vst v0  }
0x24: {  	[tilespmem:s26+$0x28A0] =	vst v0  }
0x25: {  	[tilespmem:s26+$0x28B0] =	vst v0  }
0x26: {  	[tilespmem:s26+$0x28C0] =	vst v0  }
0x27: {  	[tilespmem:s26+$0x28D0] =	vst v0  }
0x28: {  	[tilespmem:s26+$0x28E0] =	vst v0  }
0x29: {  	[spmem:s4] =	stream.linear.scatter [tilespmem:s17], [sflag:$0x1], $0x4000, $0x38;
	[tilespmem:$0x1A880] =	vst v63  }
0x2a: {  	_ =	swait.ge [sflag:s18], $0x4000  }
0x2b: {  	[sflag:s18] =	ssyncset.done $0x0  }
0x2c: {  	[sflag:s18] =	ssyncadd.s32 $0xFFFFC000  }
0x2d: {  	[spmem:s7] =	stream.linear.scatter [tilespmem:s17], [sflag:$0x1], $0x4000, $0x38;
	[tilespmem:$0x1A880] =	vst v63  }
0x2e: {  	_ =	swait.ge [sflag:s18], $0x4000  }
0x2f: {  	[sflag:s18] =	ssyncset.done $0x0  }
0x30: {  	[sflag:s18] =	ssyncadd.s32 $0xFFFFC000  }
0x31: {  	[spmem:s8] =	stream.linear.scatter [tilespmem:s17], [sflag:$0x1], $0x4000, $0x38;
	[tilespmem:$0x1A880] =	vst v63  }
0x32: {  	_ =	swait.ge [sflag:s18], $0x4000  }
0x33: {  	[sflag:s18] =	ssyncset.done $0x0  }
0x34: {  	[sflag:s18] =	ssyncadd.s32 $0xFFFFC000  }
0x35: {  	[spmem:s9] =	stream.linear.scatter [tilespmem:s17], [sflag:$0x1], $0x4000, $0x38;
	[tilespmem:$0x1A880] =	vst v63  }
0x36: {  	_ =	swait.ge [sflag:s18], $0x4000  }
0x37: {  	[sflag:s18] =	ssyncset.done $0x0  }
0x38: {  	[sflag:s18] =	ssyncadd.s32 $0xFFFFC000  }
0x39: {  	[spmem:s10] =	stream.linear.scatter [tilespmem:s17], [sflag:$0x1], $0x4000, $0x38;
	[tilespmem:$0x1A880] =	vst v63  }
0x3a: {  	_ =	swait.ge [sflag:s18], $0x4000  }
0x3b: {  	[sflag:s18] =	ssyncset.done $0x0  }
0x3c: {  	[sflag:s18] =	ssyncadd.s32 $0xFFFFC000  }
0x3d: {  	s31 =	sadd.s32 $0x0, s16;
	[bflag:$0x0] =	sbarrier.arrive $0xFFFF  }
0x3e: {  	[tilespmem:s3], [sflag:$0x1] =	stream.linear.gather [hbm4b:s31+s3], $0x50, $0x38;
	[tilespmem:$0x1A880] =	vst v63  }
0x3f: {  	_ =	swait.ge [sflag:s18], $0x50  }
0x40: {  	[sflag:s18] =	ssyncset.done $0x0  }
0x41: {  	[sflag:s18] =	ssyncadd.s32 $0xFFFFFFB0  }
0x42: {  	[tilespmem:s19], [sflag:$0x1] =	stream.linear.gather [hbm4b:s15+s3], $0x2800, $0x38;
	[tilespmem:$0x1A880] =	vst v63  }
0x43: {  	_ =	swait.ge [sflag:s18], $0x2800  }
0x44: {  	[sflag:s18] =	ssyncset.done $0x0  }
0x45: {  	[sflag:s18] =	ssyncadd.s32 $0xFFFFD800  }
0x46: {  	[spmem:s2] =	stream.indirect.scatter.add.f32 [tilespmem:s19], [sflag:$0x1], $0x80, s3, s20, $0xb8;
	[tilespmem:$0x1A880] =	vst v63  }
0x47: {  	s28 =	simm.s32 $0xA;
	_ =	swait.ge [sflag:s18], $0x2800  }
0x48: {  	s29 =	simm.s32 $0x14;
	s26 =	sadd.s32 $0x500, s15;
	[sflag:s18] =	ssyncset.done $0x0  }
.LBB2_4:
0x49: {  	s30 =	sadd.s32 s28, s16  }
0x4a: {  	[sflag:s18] =	ssyncadd.s32 $0xFFFFD800;
	s28 =	smov.u32 s29;
	s31 =	sadd.s32 $0xA, s29  }
0x4b: {  	[tilespmem:s3], [sflag:$0x1] =	stream.linear.gather [hbm4b:s30+s3], $0x50, $0x38;
	[tilespmem:$0x1A880] =	vst v63  }
0x4c: {  	p0 =	sne.s32 s29, $0x4D8;
	_ =	swait.ge [sflag:s18], $0x50  }
0x4d: {  	[sflag:s18] =	ssyncset.done $0x0  }
0x4e: {  	[sflag:s18] =	ssyncadd.s32 $0xFFFFFFB0  }
0x4f: {  	[tilespmem:s19], [sflag:$0x1] =	stream.linear.gather [hbm4b:s26+s3], $0x2800, $0x38;
	[tilespmem:$0x1A880] =	vst v63  }
0x50: {  	_ =	swait.ge [sflag:s18], $0x2800  }
.Ltmp1:
0x51: {  	[sflag:s18] =	ssyncset.done $0x0;
	(pc) =	sbr.rel @p0 .LBB2_4-.Ltmp1, $4  }
0x52: {  	[sflag:s18] =	ssyncadd.s32 $0xFFFFD800  }
0x53: {  	[spmem:s2] =	stream.indirect.scatter.add.f32 [tilespmem:s19], [sflag:$0x1], $0x80, s3, s20, $0xb8;
	[tilespmem:$0x1A880] =	vst v63  }
0x54: {  	_ =	swait.ge [sflag:s18], $0x2800  }
0x55: {  	s29 =	smov.u32 s31;
	s26 =	sadd.s32 $0x500, s26;
	[sflag:s18] =	ssyncset.done $0x0  }
0x56: {  	s28 =	sadd.s32 s28, s16;
	[sflag:s18] =	ssyncadd.s32 $0xFFFFD800  }
0x57: {  	[tilespmem:s3], [sflag:$0x1] =	stream.linear.gather [hbm4b:s28+s3], $0x50, $0x38;
	[tilespmem:$0x1A880] =	vst v63  }
0x58: {  	_ =	swait.ge [sflag:s18], $0x50  }
0x59: {  	[sflag:s18] =	ssyncset.done $0x0  }
0x5a: {  	[sflag:s18] =	ssyncadd.s32 $0xFFFFFFB0  }
0x5b: {  	[tilespmem:s19], [sflag:$0x1] =	stream.linear.gather [hbm4b:s26+s3], $0x2800, $0x38;
	[tilespmem:$0x1A880] =	vst v63  }
0x5c: {  	_ =	swait.ge [sflag:s18], $0x2800  }
0x5d: {  	[sflag:s18] =	ssyncset.done $0x0  }
0x5e: {  	[sflag:s18] =	ssyncadd.s32 $0xFFFFD800  }
0x5f: {  	[spmem:s2] =	stream.indirect.scatter.add.f32 [tilespmem:s19], [sflag:$0x1], $0x80, s3, s20, $0xb8;
	[tilespmem:$0x1A880] =	vst v63  }
0x60: {  	_ =	swait.ge [sflag:s18], $0x2800  }
0x61: {  	[sflag:s18] =	ssyncset.done $0x0  }
0x62: {  	s30 =	sshll.u32 s0, $0x6;
	[sflag:s18] =	ssyncadd.s32 $0xFFFFD800  }
0x63: {  	s31 =	sshrl.u32 s4, $0x3;
	s26 =	sor.u32 $0x1C01, s30;
	[bflag:$0x0] =	sbarrier.arrive $0xFFFF  }
0x64: {  	[hbm:s5], [sflag:s26] =	dma.local [spmem:s31], $0x800  }
0x65: {  	_ =	swait.ge [sflag:s18], $0x800  }
0x66: {  	[sflag:s18] =	ssyncset.done $0x0  }
0x67: {  	[sflag:s18] =	ssyncadd.s32 $0xFFFFF800  }
0x68: {  	[hbm:s11], [sflag:s26] =	dma.local [spmem:s21], $0x800  }
0x69: {  	_ =	swait.ge [sflag:s18], $0x800  }
0x6a: {  	[sflag:s18] =	ssyncset.done $0x0  }
0x6b: {  	[sflag:s18] =	ssyncadd.s32 $0xFFFFF800  }
0x6c: {  	[hbm:s12], [sflag:s26] =	dma.local [spmem:s22], $0x800  }
0x6d: {  	_ =	swait.ge [sflag:s18], $0x800  }
0x6e: {  	[sflag:s18] =	ssyncset.done $0x0  }
0x6f: {  	[sflag:s18] =	ssyncadd.s32 $0xFFFFF800  }
0x70: {  	[hbm:s13], [sflag:s26] =	dma.local [spmem:s23], $0x800  }
0x71: {  	s25 =	sadd.s32 $0x1, s25;
	_ =	swait.ge [sflag:s18], $0x800  }
0x72: {  	p0 =	sne.s32 s25, s6;
	[sflag:s18] =	ssyncset.done $0x0  }
.Ltmp2:
0x73: {  	[sflag:s18] =	ssyncadd.s32 $0xFFFFF800;
	(pc) =	sbr.rel @p0 .LBB2_1-.Ltmp2, $4  }
0x74: {  	[hbm:s14], [sflag:s26] =	dma.local [spmem:s24], $0x800  }
0x75: {  	_ =	swait.ge [sflag:s18], $0x800  }
0x76: {  	[sflag:s18] =	ssyncset.done $0x0  }
0x77: {  	[sflag:s18] =	ssyncadd.s32 $0xFFFFF800  }
0x78: {  	_ =	sfence.sel $0x180000  }
0x79: {  	[bflag:$0x0] =	sbarrier.arrive $0xFFFF  }
0x7a: {  	p0 =	sne.s32 s0, $0x0;
	_ =	strace $0x90000056  }
0x7b: {  	s0 =	sadd.s32 @!p0 $0x100000, s1;
	[bflag:$0x2] =	sbarrier.arrive $0xFFFF  }
0x7c: {  	[sflag:s0] =	ssyncadd.tile.s32 @!p0 $0x1;
	_ =	shalt  }
.Lfunc_end2:
_tile_overlayer_lowered:
.L_overlay_start_2:
0x7d: {  	(tag) =	ssettag $0x2  }
0x7e: {  	s0 =	rddreg [dreg:$0x0];
	s2 =	stileid.u32  }
0x7f: {  	s1 =	rddreg [dreg:$0x1];
	p0 =	sne.s32 s2, $0x0  }
0x80: {  	s3 =	rddreg [dreg:$0x2];
	[bflag:$0x3] =	sbarrier.arrive $0xFFFF;
	s2 =	simm.s32 @!p0 $0x1C01  }
0x81: {  	[timem:s3], [sflag:s2] =	dma.local @!p0 [hbm:s0], s1  }
0x82: {  	s0 =	simm.s32 @!p0 $0x1  }
0x83: {  	_ =	swait.ge @!p0 [sflag:s0], s1  }
0x84: {  	s1 =	ssub.s32 @!p0 $0x0, s1;
	[sflag:s0] =	ssyncset.done @!p0 $0x0  }
0x85: {  	[sflag:s0] =	ssyncadd.s32 @!p0 s1  }
0x86: {  	[bflag:$0x3] =	sbarrier.arrive $0xFFFF  }
0x87: {  	_ =	shalt  }

// kernel: kernel.38.cloned.1.call-start
scs
__scs_entry_jumppad:
0x0: {  	(pc) =	sbr.rel $0x88, $3  }
0x1: {  	(tag) =	ssettag $0x0;
	lr =	simm.s32 $0x1  }
0x2: {  	[smem:$0x3F70] =	sst lr;
	_ =	strace $0xD0000000  }
0x3: {  	_ = 	snop  }
0x4: {  	_ = 	snop  }
0x5: {  	_ = 	snop  }
0x6: {  	_ = 	snop  }
0x7: {  	_ = 	snop  }
__scs_overlays_trampoline_lowered:
0x8: {  	[smem:$0x3F7F] =	sst s0  }
0x9: {  	[smem:$0x3F80] =	sst s1  }
0xa: {  	[smem:$0x3F81] =	sst s2  }
0xb: {  	[smem:$0x3F82] =	sst s3  }
0xc: {  	[smem:$0x3F83] =	sst s4  }
0xd: {  	[smem:$0x3F84] =	sst s5  }
0xe: {  	[smem:$0x3F85] =	sst s6  }
0xf: {  	[smem:$0x3F86] =	sst s7  }
0x10: {  	[smem:$0x3F87] =	sst s8  }
0x11: {  	[smem:$0x3F88] =	sst s9;
	s0 =	simm.s32 @!p0 $0x0  }
0x12: {  	s1 =	sld [smem:$0x3F6E];
	s0 =	simm.s32 @p0 $0x1  }
0x13: {  	[smem:$0x3F89] =	sst s0;
	s0 =	simm.s32 @!p1 $0x0  }
0x14: {  	s2 =	sld [smem:$0x3F6D];
	s0 =	simm.s32 @p1 $0x1  }
0x15: {  	[smem:$0x3F8A] =	sst s0;
	s0 =	simm.s32 @!p2 $0x0  }
0x16: {  	s3 =	sld [smem:$0x3FDB];
	s0 =	simm.s32 @p2 $0x1  }
0x17: {  	s4 =	simm.s32 $0x1BF5;
	[smem:$0x3F8C] =	sst s0  }
0x18: {  	s0 =	sld [smem:$0x3F6F];
	_ =	swait.ge [sflag:s4], $0x0  }
0x19: {  	s7 =	sld [smem:$0x3F70]  }
0x1a: {  	s8 =	sadd.s32 $0xFFFFE003, lr  }
0x1b: {  	s9 =	sadd.s32 $0xFFFFFEF7, lr;
	s5 =	simm.s32 $0xFFFFFFFF;
	p2 =	slt.u32 s8, $0xFFFFF086  }
0x1c: {  	p1 =	slt.u32 s9, $0xF7A;
	s5 =	simm.s32 @!p2 $0x0  }
0x1d: {  	s5 =	simm.s32 @p1 $0x1;
	p0 =	seq.s32 s7, s2  }
0x1e: {  	s7 =	smul.u32 @!p0 $0xF7A, s2;
	p2 =	seq.s32 @!p0 s5, $0x0  }
0x1f: {  	s9 =	smul.u32 $0xF7A, s1;
	s8 =	simm.s32 @!p0 $0x1BF5;
	p2 =	por !p2, p0  }
0x20: {  	[sflag:s8] =	ssyncset.s32 @!p0 $0xFFFFF086;
	s6 =	sadd.s32 @!p0 s3, s7;
	s7 =	simm.s32 @!p0 $0x108  }
0x21: {  	s3 =	sadd.s32 s3, s9;
	s6 =	sadd.s32 @!p0 $0x88, s6;
	s7 =	simm.s32 @p2 $0x1082  }
0x22: {  	[simem:s7], [sflag:s8] =	dma.local @!p0 [hbm:s6], $0xF7A  }
0x23: {  	s9 =	sor.u32 $0xD0000000, s2;
	s6 =	simm.s32 $0x108;
	_ =	swait.ge @!p0 [sflag:s8], $0x0  }
0x24: {  	s3 =	sadd.s32 $0x88, s3;
	s6 =	simm.s32 @!p1 $0x1082;
	[sflag:s4] =	ssyncset.s32 $0xFFFFF086  }
0x25: {  	[simem:s6], [sflag:s4] =	dma.local [hbm:s3], $0xF7A  }
0x26: {  	[smem:$0x3F70] =	sst s1;
	(tag) =	ssettag s2;
	_ =	strace s9  }
0x27: {  	s1 =	sld [smem:$0x3F80]  }
0x28: {  	s2 =	sld [smem:$0x3F81]  }
0x29: {  	s4 =	sld [smem:$0x3F83]  }
0x2a: {  	p0 =	seq.s32 s5, $0x0;
	s5 =	sld [smem:$0x3F84]  }
0x2b: {  	s6 =	sld [smem:$0x3F85]  }
0x2c: {  	s7 =	sld [smem:$0x3F86]  }
0x2d: {  	s3 =	simm.s32 $0x108;
	s8 =	sld [smem:$0x3F87]  }
0x2e: {  	s3 =	simm.s32 @!p0 $0x1082;
	s9 =	sld [smem:$0x3F88]  }
0x2f: {  	lr =	sadd.s32 s0, s3;
	s0 =	sld [smem:$0x3F7F]  }
0x30: {  	s3 =	sld [smem:$0x3F82]  }
0x31: {  	[smem:$0x3F8B] =	sst s10  }
0x32: {  	s10 =	sld [smem:$0x3F89];
	_ =	sdelay $0x3  }
0x33: {  	p0 =	seq.s32 s10, $0x1;
	s10 =	sld [smem:$0x3F8B];
	_ =	sdelay $0x3  }
0x34: {  	[smem:$0x3F8B] =	sst s10  }
0x35: {  	s10 =	sld [smem:$0x3F8A];
	_ =	sdelay $0x3  }
0x36: {  	p1 =	seq.s32 s10, $0x1;
	s10 =	sld [smem:$0x3F8B];
	_ =	sdelay $0x3  }
0x37: {  	[smem:$0x3F8B] =	sst s10  }
0x38: {  	s10 =	sld [smem:$0x3F8C]  }
0x39: {  	_ = 	snop;
	(pc) =	sbr.ind lr, $3  }
0x3a: {  	_ = 	snop  }
0x3b: {  	_ = 	snop  }
0x3c: {  	p2 =	seq.s32 s10, $0x1;
	s10 =	sld [smem:$0x3F8B]  }
0x3d: {  	_ =	shalt  }
0x3e: {  	_ =	shalt  }
0x3f: {  	_ =	shalt  }
0x40: {  	_ =	shalt  }
0x41: {  	_ =	shalt  }
0x42: {  	_ =	shalt  }
0x43: {  	_ =	shalt  }
0x44: {  	_ =	shalt  }
0x45: {  	_ =	shalt  }
0x46: {  	_ =	shalt  }
0x47: {  	_ =	shalt  }
0x48: {  	_ =	shalt  }
0x49: {  	_ =	shalt  }
0x4a: {  	_ =	shalt  }
0x4b: {  	_ =	shalt  }
0x4c: {  	_ =	shalt  }
0x4d: {  	_ =	shalt  }
0x4e: {  	_ =	shalt  }
0x4f: {  	_ =	shalt  }
0x50: {  	_ =	shalt  }
0x51: {  	_ =	shalt  }
0x52: {  	_ =	shalt  }
0x53: {  	_ =	shalt  }
0x54: {  	_ =	shalt  }
0x55: {  	_ =	shalt  }
0x56: {  	_ =	shalt  }
0x57: {  	_ =	shalt  }
0x58: {  	_ =	shalt  }
0x59: {  	_ =	shalt  }
0x5a: {  	_ =	shalt  }
0x5b: {  	_ =	shalt  }
0x5c: {  	_ =	shalt  }
0x5d: {  	_ =	shalt  }
0x5e: {  	_ =	shalt  }
0x5f: {  	_ =	shalt  }
0x60: {  	_ =	shalt  }
0x61: {  	_ =	shalt  }
0x62: {  	_ =	shalt  }
0x63: {  	_ =	shalt  }
0x64: {  	_ =	shalt  }
0x65: {  	_ =	shalt  }
0x66: {  	_ =	shalt  }
0x67: {  	_ =	shalt  }
0x68: {  	_ =	shalt  }
0x69: {  	_ =	shalt  }
0x6a: {  	_ =	shalt  }
0x6b: {  	_ =	shalt  }
0x6c: {  	_ =	shalt  }
0x6d: {  	_ =	shalt  }
0x6e: {  	_ =	shalt  }
0x6f: {  	_ =	shalt  }
0x70: {  	_ =	shalt  }
0x71: {  	_ =	shalt  }
0x72: {  	_ =	shalt  }
0x73: {  	_ =	shalt  }
0x74: {  	_ =	shalt  }
0x75: {  	_ =	shalt  }
0x76: {  	_ =	shalt  }
0x77: {  	_ =	shalt  }
0x78: {  	_ =	shalt  }
0x79: {  	_ =	shalt  }
0x7a: {  	_ =	shalt  }
0x7b: {  	_ =	shalt  }
0x7c: {  	_ =	shalt  }
0x7d: {  	_ =	shalt  }
0x7e: {  	_ =	shalt  }
0x7f: {  	_ =	shalt  }
0x80: {  	_ =	shalt  }
0x81: {  	_ =	shalt  }
0x82: {  	_ =	shalt  }
0x83: {  	_ =	shalt  }
0x84: {  	_ =	shalt  }
0x85: {  	_ =	shalt  }
0x86: {  	_ =	shalt  }
0x87: {  	_ =	shalt  }
.Lfunc_end0:
.L_simem_size_0:
called_computation.6_lowered:
.L_overlay_start_0:
0x88: {  	s2 =	sld [smem:$0x3FD9]  }
0x89: {  	s3 =	sld [smem:$0x3FFE];
	_ =	sdelay $0x1  }
0x8a: {  	s1 =	srdreg.scid  }
0x8b: {  	s0 =	sand.u32 $0x1, s1  }
0x8c: {  	s16 =	sshll.u32 s0, $0xA;
	s2 =	sadd.s32 s3, s2  }
0x8d: {  	s2 =	sadd.s32 s2, s16  }
0x8e: {  	[smem:$0x3F97] =	sst s2  }
0x8f: {  	_ = 	snop  }
0x90: {  	(tm) =	ssettm $0x1  }
0x91: {  	s17 =	sld [smem:$0x3FFB];
	_ =	sdelay $0x3  }
0x92: {  	_ =	strace s17  }
0x93: {  	s2 =	sld [smem:$0x3FFC];
	_ =	sdelay $0x3  }
0x94: {  	_ =	strace s2  }
0x95: {  	s2 =	sld [smem:$0x3FFD];
	_ =	sdelay $0x3  }
0x96: {  	_ =	strace s2  }
0x97: {  	_ =	strace $0x8FFFFFFF  }
0x98: {  	s18 =	sld [smem:$0x3FDB];
	_ =	sdelay $0x1  }
0x99: {  	s19 =	simm.s32 $_scs_section_size  }
0x9a: {  	s4 =	simm.s32 $_size__tile_overlayer_lowered;
	s5 =	simm.s32 $_tile_overlayer_lowered  }
0x9b: {  	s22 =	simm.s32 $0x1BFF;
	s21 =	sshll.u32 s5, $0x1;
	s2 =	sadd.s32 s19, s18  }
0x9c: {  	s6 =	simm.s32 $0x0;
	s20 =	sshll.u32 s4, $0x1;
	s4 =	sadd.s32 s21, s2  }
0x9d: {  	[timem:s6], [sflag:s22] =	dma.local [hbm:s4], s20  }
0x9e: {  	_ =	swait.ge [sflag:s22], s20  }
0x9f: {  	s3 =	ssub.s32 $0x0, s20;
	[sflag:s22] =	ssyncset.done $0x0  }
0xa0: {  	[sflag:s22] =	ssyncadd.s32 s3;
	_ =	sdelay $0x1  }
0xa1: {  	s23 =	simm.s32 $0x1B8B  }
0xa2: {  	_ =	swait.ge [sflag:s23], $0x1  }
0xa3: {  	[sflag:s23] =	ssyncset.done $0x0  }
0xa4: {  	s25 =	simm.s32 $0x1B8E;
	s24 =	sld [smem:$0x3FFE];
	[sflag:s23] =	ssyncadd.s32 $0xFFFFFFFF  }
0xa5: {  	s26 =	simm.s32 $execute0_lowered;
	[smem:$0x3FD2] =	sst s25  }
0xa6: {  	s4 =	sshll.u32 s26, $0x1;
	_ =	strace $0x80000058;
	[dreg:$0x1] =	wrdreg $0xFFFFFFFF  }
0xa7: {  	s28 =	simm.s32 $_size_execute0_lowered;
	s2 =	sadd.s32 s2, s4;
	[dreg:$0x0] =	wrdreg $0x0  }
0xa8: {  	s4 =	sshll.u32 s28, $0x1;
	[dreg:$0x2] =	wrdreg s2  }
0xa9: {  	[dreg:$0x3] =	wrdreg s4  }
0xaa: {  	[dreg:$0x4] =	wrdreg $0xC0  }
0xab: {  	_ =	task [dreg:s6], $0x5FFFF  }
0xac: {  	[dreg:$0x1] =	wrdreg $0xFFFFFFFF  }
0xad: {  	[dreg:$0x0] =	wrdreg $0x60  }
0xae: {  	[dreg:$0x2] =	wrdreg s24  }
0xaf: {  	[dreg:$0x3] =	wrdreg $0x9  }
0xb0: {  	_ =	task.clear_ibuf [dreg:s6], $0x4FFFF;
	_ =	strace $0x90000058  }
0xb1: {  	s29 =	simm.s32 $0x9;
	_ =	strace $0x8000005A  }
0xb2: {  	_ =	swait.ge [sflag:s29], $0x1  }
0xb3: {  	[sflag:s29] =	ssyncadd.s32 $0xFFFFFFFF  }
0xb4: {  	_ =	strace $0x9000005A  }
0xb5: {  	_ =	sfence  }
0xb6: {  	s30 =	sld [smem:$0x0];
	_ =	sdelay $0x2  }
0xb7: {  	s31 =	sshll.u32 s1, $0xD;
	s1 =	sshrl.u32 s1, $0x2  }
0xb8: {  	s3 =	sand.u32 $0x4000, s31;
	s1 =	sadd.s32 s1, s30  }
0xb9: {  	s0 =	sor.u32 s3, s0;
	s1 =	sshll.u32 s1, $0x11  }
0xba: {  	s0 =	sor.u32 s1, s0  }
0xbb: {  	s0 =	sadd.s32 $0x8F2B, s0  }
0xbc: {  	[sflag:s0] =	ssyncadd.remote.s32 $0x1  }
0xbd: {  	_ =	sfence.sel $0xFFFF  }
0xbe: {  	[dreg:$0x0] =	wrdreg $0xFFFFFFFF;
	(pc) =	sbr.abs _section_cstart, $3  }
0xbf: {  	[dreg:$0x1] =	wrdreg $0xFFFFFFFF  }
0xc0: {  	_ =	task.clear_ibuf [dreg:s6], $0x2FFFF;
	_ =	strace $0x9FFFFFFF  }
0xc1: {  	(tm) =	ssettm $0x7FFFFFFF  }
tec
execute0_lowered:
.L_overlay_start_1:
0x0: {  	(tag) =	ssettag $0x1  }
0x1: {  	s7 =	rddreg [dreg:$0x0]  }
0x2: {  	s0 =	rddreg [dreg:$0x1];
	s1 =	simm.s32 $0x0;
	s5 =	srdreg.scid  }
0x3: {  	s2 =	stileid.u32;
	s12 =	simm.s32 $0x50;
	s13 =	simm.s32 $0x100  }
0x4: {  	s14 =	simm.s32 $0x2900;
	s15 =	simm.s32 $0x1;
	s16 =	simm.s32 $0x2  }
0x5: {  	s17 =	simm.s32 $0x0;
	[smem:$0x7FF] =	sst s1;
	s3 =	sadd.s32 $0x76800, s7  }
0x6: {  	s4 =	sadd.s32 $0x9DA00, s7;
	s8 =	sand.u32 $0x1, s5;
	s5 =	sadd.s32 $0x61400, s7  }
0x7: {  	s10 =	sshll.u32 s2, $0x1;
	s6 =	sadd.s32 $0x6B200, s7;
	s9 =	ssub.s32 $0x2, s8  }
0x8: {  	s7 =	sadd.s32 $0xEBE00, s7;
	_ =	strace $0x80000059;
	s11 =	sshrl.u32 s9, $0x1  }
0x9: {  	s8 =	sor.u32 s8, s10;
	s10 =	simm.s32 $0x3;
	s9 =	ssub.s32 s9, s11  }
0xa: {  	s8 =	smul.u32 $0x2710, s8;
	s11 =	simm.s32 $0x80;
	s9 =	smax.u32 s9, $0x1  }
.LBB2_1:
0xb: {  	s18 =	simm.s32 $0x0  }
.LBB2_2:
0xc: {  	s19 =	smul.u32 $0x50, s18;
	_ =	sdelay $0x1  }
0xd: {  	s19 =	sadd.s32 s8, s19  }
0xe: {  	s20 =	sshrl.u32 s19, $0x3  }
0xf: {  	s22 =	simm.s32 $0x0;
	s21 =	sadd.s32 s5, s20  }
0x10: {  	[tilespmem:s22], [sflag:$0x3] =	stream.linear.gather [hbm4b:s21+s22], $0x50, $0x38;
	[tilespmem:$0x5100] =	vst v63  }
0x11: {  	_ =	swait.ge [sflag:s10], $0x50  }
0x12: {  	[sflag:s10] =	ssyncset.done $0x0  }
0x13: {  	s20 =	sadd.s32 s6, s20;
	[sflag:s10] =	ssyncadd.s32 $0xFFFFFFB0  }
0x14: {  	[tilespmem:s11], [sflag:$0x3] =	stream.linear.gather [hbm4b:s20+s22], $0x50, $0x38;
	[tilespmem:$0x5100] =	vst v63  }
0x15: {  	_ =	swait.ge [sflag:s10], $0x50  }
0x16: {  	[sflag:s10] =	ssyncset.done $0x0  }
0x17: {  	[sflag:s10] =	ssyncadd.s32 $0xFFFFFFB0  }
0x18: {  	[tilespmem:s13], [sflag:$0x1] =	stream.indirect.gather [hbm4b:s3+s12], $0x80, s22, s12, $0xb8;
	[tilespmem:$0x5100] =	vst v63  }
0x19: {  	_ = 	snop  }
0x1a: {  	[tilespmem:s14], [sflag:$0x2] =	stream.indirect.gather [hbm4b:s4+s12], $0x80, s11, s12, $0xb8;
	[tilespmem:$0x5100] =	vst v63  }
0x1b: {  	_ =	swait.ge [sflag:s15], $0x2800  }
0x1c: {  	[sflag:s15] =	ssyncset.done $0x0  }
0x1d: {  	[sflag:s15] =	ssyncadd.s32 $0xFFFFD800  }
0x1e: {  	_ =	swait.ge [sflag:s16], $0x2800  }
0x1f: {  	[sflag:s16] =	ssyncset.done $0x0  }
0x20: {  	s20 =	simm.s32 $0x0;
	[sflag:s16] =	ssyncadd.s32 $0xFFFFD800  }
0x21: {  	v6 =	vld [tilespmem:s20+$0x2900]  }
0x22: {  	v11 =	vld [tilespmem:s20+$0x2910]  }
0x23: {  	v5 =	vld [tilespmem:s20+$0x2920]  }
0x24: {  	v4 =	vld [tilespmem:s20+$0x2930]  }
0x25: {  	v3 =	vld [tilespmem:s20+$0x2940]  }
0x26: {  	v2 =	vld [tilespmem:s20+$0x2950]  }
0x27: {  	v1 =	vld [tilespmem:s20+$0x2960]  }
0x28: {  	v0 =	vld [tilespmem:s20+$0x2970]  }
0x29: {  	v12 =	vld [tilespmem:s20+$0x100]  }
0x2a: {  	v13 =	vld [tilespmem:s20+$0x110]  }
0x2b: {  	v10 =	vld [tilespmem:s20+$0x120]  }
0x2c: {  	v9 =	vld [tilespmem:s20+$0x130]  }
0x2d: {  	v8 =	vld [tilespmem:s20+$0x140]  }
0x2e: {  	v7 =	vld [tilespmem:s20+$0x150];
	v12 =	vadd.f32 v6, v12  }
0x2f: {  	s21 =	simm.s32 $0x200;
	v11 =	vadd.f32 v11, v13;
	v6 =	vld [tilespmem:s20+$0x160]  }
.LBB2_3:
0x30: {  	s22 =	sshra.s32 s21, $0x2;
	p0 =	sne.s32 s21, $0x9E00;
	v12 =	vmax.f32 v12, $0.0e+00;
	v5 =	vadd.f32 v5, v10;
	v10 =	vld [tilespmem:s20+$0x170]  }
0x31: {  	v13 =	vld [tilespmem:s22+$0x2900];
	[tilespmem:s20+$0x100] =	vst v12;
	v11 =	vmax.f32 v11, $0.0e+00;
	v4 =	vadd.f32 v4, v9  }
0x32: {  	v14 =	vld [tilespmem:s22+$0x2910];
	[tilespmem:s20+$0x110] =	vst v11;
	v9 =	vmax.f32 v5, $0.0e+00;
	v3 =	vadd.f32 v3, v8  }
0x33: {  	v5 =	vld [tilespmem:s22+$0x2920];
	[tilespmem:s20+$0x120] =	vst v9;
	v8 =	vmax.f32 v4, $0.0e+00;
	v2 =	vadd.f32 v2, v7  }
0x34: {  	v4 =	vld [tilespmem:s22+$0x2930];
	[tilespmem:s20+$0x130] =	vst v8;
	v7 =	vmax.f32 v3, $0.0e+00;
	v1 =	vadd.f32 v1, v6  }
0x35: {  	v3 =	vld [tilespmem:s22+$0x2940];
	[tilespmem:s20+$0x140] =	vst v7;
	v6 =	vmax.f32 v2, $0.0e+00;
	v0 =	vadd.f32 v0, v10  }
0x36: {  	v2 =	vld [tilespmem:s22+$0x2950];
	[tilespmem:s20+$0x150] =	vst v6;
	v6 =	vmax.f32 v1, $0.0e+00  }
0x37: {  	v1 =	vld [tilespmem:s22+$0x2960];
	[tilespmem:s20+$0x160] =	vst v6;
	v6 =	vmax.f32 v0, $0.0e+00  }
0x38: {  	v0 =	vld [tilespmem:s22+$0x2970];
	[tilespmem:s20+$0x170] =	vst v6;
	s20 =	smov.u32 s22  }
0x39: {  	v6 =	vld [tilespmem:s20+$0x100]  }
0x3a: {  	v11 =	vld [tilespmem:s20+$0x110]  }
.Ltmp0:
0x3b: {  	v10 =	vld [tilespmem:s20+$0x120];
	(pc) =	sbr.rel @p0 .LBB2_3-.Ltmp0, $4  }
0x3c: {  	v9 =	vld [tilespmem:s20+$0x130]  }
0x3d: {  	v8 =	vld [tilespmem:s20+$0x140]  }
0x3e: {  	v12 =	vadd.f32 v13, v6;
	v7 =	vld [tilespmem:s20+$0x150]  }
0x3f: {  	s21 =	sadd.s32 $0x200, s21;
	v11 =	vadd.f32 v14, v11;
	v6 =	vld [tilespmem:s20+$0x160]  }
0x40: {  	v12 =	vmax.f32 v12, $0.0e+00;
	v5 =	vadd.f32 v5, v10;
	v63 =	vld [tilespmem:s20+$0x170]  }
0x41: {  	[tilespmem:s20+$0x100] =	vst v12;
	v11 =	vmax.f32 v11, $0.0e+00;
	v4 =	vadd.f32 v4, v9  }
0x42: {  	[tilespmem:s20+$0x110] =	vst v11;
	v5 =	vmax.f32 v5, $0.0e+00;
	v3 =	vadd.f32 v3, v8  }
0x43: {  	[tilespmem:s20+$0x120] =	vst v5;
	v4 =	vmax.f32 v4, $0.0e+00;
	v2 =	vadd.f32 v2, v7  }
0x44: {  	[tilespmem:s20+$0x130] =	vst v4;
	v3 =	vmax.f32 v3, $0.0e+00;
	v1 =	vadd.f32 v1, v6  }
0x45: {  	[tilespmem:s20+$0x140] =	vst v3;
	v2 =	vmax.f32 v2, $0.0e+00;
	v0 =	vadd.f32 v0, v63  }
0x46: {  	s18 =	sadd.s32 $0x1, s18;
	[tilespmem:s20+$0x150] =	vst v2;
	v1 =	vmax.f32 v1, $0.0e+00  }
0x47: {  	s19 =	sshll.u32 s19, $0x4;
	p0 =	sne.s32 s18, $0x7D;
	[tilespmem:s20+$0x160] =	vst v1;
	v0 =	vmax.f32 v0, $0.0e+00  }
.Ltmp1:
0x48: {  	s19 =	sadd.s32 s7, s19;
	[tilespmem:s20+$0x170] =	vst v0;
	(pc) =	sbr.rel @p0 .LBB2_2-.Ltmp1, $4  }
0x49: {  	[hbm4b:s19+s1] =	stream.linear.scatter [tilespmem:s13], [sflag:$0x3], $0x2800, $0x38;
	[tilespmem:$0x5100] =	vst v63  }
0x4a: {  	_ =	swait.ge [sflag:s10], $0x2800  }
0x4b: {  	[sflag:s10] =	ssyncset.done $0x0  }
0x4c: {  	[sflag:s10] =	ssyncadd.s32 $0xFFFFD800  }
0x4d: {  	s17 =	sadd.s32 $0x1, s17  }
0x4e: {  	p0 =	sne.s32 s17, s9  }
.Ltmp2:
0x4f: {  	_ = 	snop;
	(pc) =	sbr.rel @p0 .LBB2_1-.Ltmp2, $1  }
0x50: {  	_ =	sdelay $0x3  }
0x51: {  	_ =	sfence.sel $0x180000  }
0x52: {  	[bflag:$0x0] =	sbarrier.arrive $0xFFFF  }
0x53: {  	p0 =	sne.s32 s2, $0x0;
	_ =	strace $0x90000059  }
0x54: {  	s0 =	sadd.s32 @!p0 $0x100000, s0;
	[bflag:$0x2] =	sbarrier.arrive $0xFFFF  }
0x55: {  	[sflag:s0] =	ssyncadd.tile.s32 @!p0 $0x1;
	_ =	shalt  }
.Lfunc_end2:
_tile_overlayer_lowered:
.L_overlay_start_2:
0x56: {  	(tag) =	ssettag $0x2  }
0x57: {  	s0 =	rddreg [dreg:$0x0];
	s2 =	stileid.u32  }
0x58: {  	s1 =	rddreg [dreg:$0x1];
	p0 =	sne.s32 s2, $0x0  }
0x59: {  	s3 =	rddreg [dreg:$0x2];
	[bflag:$0x3] =	sbarrier.arrive $0xFFFF;
	s2 =	simm.s32 @!p0 $0x1C03  }
0x5a: {  	[timem:s3], [sflag:s2] =	dma.local @!p0 [hbm:s0], s1  }
0x5b: {  	s0 =	simm.s32 @!p0 $0x3  }
0x5c: {  	_ =	swait.ge @!p0 [sflag:s0], s1  }
0x5d: {  	s1 =	ssub.s32 @!p0 $0x0, s1;
	[sflag:s0] =	ssyncset.done @!p0 $0x0  }
0x5e: {  	[sflag:s0] =	ssyncadd.s32 @!p0 s1  }
0x5f: {  	[bflag:$0x3] =	sbarrier.arrive $0xFFFF  }
0x60: {  	_ =	shalt  }

// kernel: kernel.41.cloned.1.call-start
scs
__scs_entry_jumppad:
0x0: {  	(pc) =	sbr.rel $0x88, $3  }
0x1: {  	(tag) =	ssettag $0x0;
	lr =	simm.s32 $0x1  }
0x2: {  	[smem:$0x3F70] =	sst lr;
	_ =	strace $0xD0000000  }
0x3: {  	_ = 	snop  }
0x4: {  	_ = 	snop  }
0x5: {  	_ = 	snop  }
0x6: {  	_ = 	snop  }
0x7: {  	_ = 	snop  }
__scs_overlays_trampoline_lowered:
0x8: {  	[smem:$0x3F7F] =	sst s0  }
0x9: {  	[smem:$0x3F80] =	sst s1  }
0xa: {  	[smem:$0x3F81] =	sst s2  }
0xb: {  	[smem:$0x3F82] =	sst s3  }
0xc: {  	[smem:$0x3F83] =	sst s4  }
0xd: {  	[smem:$0x3F84] =	sst s5  }
0xe: {  	[smem:$0x3F85] =	sst s6  }
0xf: {  	[smem:$0x3F86] =	sst s7  }
0x10: {  	[smem:$0x3F87] =	sst s8  }
0x11: {  	[smem:$0x3F88] =	sst s9;
	s0 =	simm.s32 @!p0 $0x0  }
0x12: {  	s1 =	sld [smem:$0x3F6E];
	s0 =	simm.s32 @p0 $0x1  }
0x13: {  	[smem:$0x3F89] =	sst s0;
	s0 =	simm.s32 @!p1 $0x0  }
0x14: {  	s2 =	sld [smem:$0x3F6D];
	s0 =	simm.s32 @p1 $0x1  }
0x15: {  	[smem:$0x3F8A] =	sst s0;
	s0 =	simm.s32 @!p2 $0x0  }
0x16: {  	s3 =	sld [smem:$0x3FDB];
	s0 =	simm.s32 @p2 $0x1  }
0x17: {  	s4 =	simm.s32 $0x1BF5;
	[smem:$0x3F8C] =	sst s0  }
0x18: {  	s0 =	sld [smem:$0x3F6F];
	_ =	swait.ge [sflag:s4], $0x0  }
0x19: {  	s7 =	sld [smem:$0x3F70]  }
0x1a: {  	s8 =	sadd.s32 $0xFFFFE003, lr  }
0x1b: {  	s9 =	sadd.s32 $0xFFFFFEF7, lr;
	s5 =	simm.s32 $0xFFFFFFFF;
	p2 =	slt.u32 s8, $0xFFFFF086  }
0x1c: {  	p1 =	slt.u32 s9, $0xF7A;
	s5 =	simm.s32 @!p2 $0x0  }
0x1d: {  	s5 =	simm.s32 @p1 $0x1;
	p0 =	seq.s32 s7, s2  }
0x1e: {  	s7 =	smul.u32 @!p0 $0xF7A, s2;
	p2 =	seq.s32 @!p0 s5, $0x0  }
0x1f: {  	s9 =	smul.u32 $0xF7A, s1;
	s8 =	simm.s32 @!p0 $0x1BF5;
	p2 =	por !p2, p0  }
0x20: {  	[sflag:s8] =	ssyncset.s32 @!p0 $0xFFFFF086;
	s6 =	sadd.s32 @!p0 s3, s7;
	s7 =	simm.s32 @!p0 $0x108  }
0x21: {  	s3 =	sadd.s32 s3, s9;
	s6 =	sadd.s32 @!p0 $0x88, s6;
	s7 =	simm.s32 @p2 $0x1082  }
0x22: {  	[simem:s7], [sflag:s8] =	dma.local @!p0 [hbm:s6], $0xF7A  }
0x23: {  	s9 =	sor.u32 $0xD0000000, s2;
	s6 =	simm.s32 $0x108;
	_ =	swait.ge @!p0 [sflag:s8], $0x0  }
0x24: {  	s3 =	sadd.s32 $0x88, s3;
	s6 =	simm.s32 @!p1 $0x1082;
	[sflag:s4] =	ssyncset.s32 $0xFFFFF086  }
0x25: {  	[simem:s6], [sflag:s4] =	dma.local [hbm:s3], $0xF7A  }
0x26: {  	[smem:$0x3F70] =	sst s1;
	(tag) =	ssettag s2;
	_ =	strace s9  }
0x27: {  	s1 =	sld [smem:$0x3F80]  }
0x28: {  	s2 =	sld [smem:$0x3F81]  }
0x29: {  	s4 =	sld [smem:$0x3F83]  }
0x2a: {  	p0 =	seq.s32 s5, $0x0;
	s5 =	sld [smem:$0x3F84]  }
0x2b: {  	s6 =	sld [smem:$0x3F85]  }
0x2c: {  	s7 =	sld [smem:$0x3F86]  }
0x2d: {  	s3 =	simm.s32 $0x108;
	s8 =	sld [smem:$0x3F87]  }
0x2e: {  	s3 =	simm.s32 @!p0 $0x1082;
	s9 =	sld [smem:$0x3F88]  }
0x2f: {  	lr =	sadd.s32 s0, s3;
	s0 =	sld [smem:$0x3F7F]  }
0x30: {  	s3 =	sld [smem:$0x3F82]  }
0x31: {  	[smem:$0x3F8B] =	sst s10  }
0x32: {  	s10 =	sld [smem:$0x3F89];
	_ =	sdelay $0x3  }
0x33: {  	p0 =	seq.s32 s10, $0x1;
	s10 =	sld [smem:$0x3F8B];
	_ =	sdelay $0x3  }
0x34: {  	[smem:$0x3F8B] =	sst s10  }
0x35: {  	s10 =	sld [smem:$0x3F8A];
	_ =	sdelay $0x3  }
0x36: {  	p1 =	seq.s32 s10, $0x1;
	s10 =	sld [smem:$0x3F8B];
	_ =	sdelay $0x3  }
0x37: {  	[smem:$0x3F8B] =	sst s10  }
0x38: {  	s10 =	sld [smem:$0x3F8C]  }
0x39: {  	_ = 	snop;
	(pc) =	sbr.ind lr, $3  }
0x3a: {  	_ = 	snop  }
0x3b: {  	_ = 	snop  }
0x3c: {  	p2 =	seq.s32 s10, $0x1;
	s10 =	sld [smem:$0x3F8B]  }
0x3d: {  	_ =	shalt  }
0x3e: {  	_ =	shalt  }
0x3f: {  	_ =	shalt  }
0x40: {  	_ =	shalt  }
0x41: {  	_ =	shalt  }
0x42: {  	_ =	shalt  }
0x43: {  	_ =	shalt  }
0x44: {  	_ =	shalt  }
0x45: {  	_ =	shalt  }
0x46: {  	_ =	shalt  }
0x47: {  	_ =	shalt  }
0x48: {  	_ =	shalt  }
0x49: {  	_ =	shalt  }
0x4a: {  	_ =	shalt  }
0x4b: {  	_ =	shalt  }
0x4c: {  	_ =	shalt  }
0x4d: {  	_ =	shalt  }
0x4e: {  	_ =	shalt  }
0x4f: {  	_ =	shalt  }
0x50: {  	_ =	shalt  }
0x51: {  	_ =	shalt  }
0x52: {  	_ =	shalt  }
0x53: {  	_ =	shalt  }
0x54: {  	_ =	shalt  }
0x55: {  	_ =	shalt  }
0x56: {  	_ =	shalt  }
0x57: {  	_ =	shalt  }
0x58: {  	_ =	shalt  }
0x59: {  	_ =	shalt  }
0x5a: {  	_ =	shalt  }
0x5b: {  	_ =	shalt  }
0x5c: {  	_ =	shalt  }
0x5d: {  	_ =	shalt  }
0x5e: {  	_ =	shalt  }
0x5f: {  	_ =	shalt  }
0x60: {  	_ =	shalt  }
0x61: {  	_ =	shalt  }
0x62: {  	_ =	shalt  }
0x63: {  	_ =	shalt  }
0x64: {  	_ =	shalt  }
0x65: {  	_ =	shalt  }
0x66: {  	_ =	shalt  }
0x67: {  	_ =	shalt  }
0x68: {  	_ =	shalt  }
0x69: {  	_ =	shalt  }
0x6a: {  	_ =	shalt  }
0x6b: {  	_ =	shalt  }
0x6c: {  	_ =	shalt  }
0x6d: {  	_ =	shalt  }
0x6e: {  	_ =	shalt  }
0x6f: {  	_ =	shalt  }
0x70: {  	_ =	shalt  }
0x71: {  	_ =	shalt  }
0x72: {  	_ =	shalt  }
0x73: {  	_ =	shalt  }
0x74: {  	_ =	shalt  }
0x75: {  	_ =	shalt  }
0x76: {  	_ =	shalt  }
0x77: {  	_ =	shalt  }
0x78: {  	_ =	shalt  }
0x79: {  	_ =	shalt  }
0x7a: {  	_ =	shalt  }
0x7b: {  	_ =	shalt  }
0x7c: {  	_ =	shalt  }
0x7d: {  	_ =	shalt  }
0x7e: {  	_ =	shalt  }
0x7f: {  	_ =	shalt  }
0x80: {  	_ =	shalt  }
0x81: {  	_ =	shalt  }
0x82: {  	_ =	shalt  }
0x83: {  	_ =	shalt  }
0x84: {  	_ =	shalt  }
0x85: {  	_ =	shalt  }
0x86: {  	_ =	shalt  }
0x87: {  	_ =	shalt  }
.Lfunc_end0:
.L_simem_size_0:
called_computation.7_lowered:
.L_overlay_start_0:
0x88: {  	s2 =	sld [smem:$0x3FD9]  }
0x89: {  	s3 =	sld [smem:$0x3FFE];
	_ =	sdelay $0x1  }
0x8a: {  	s1 =	srdreg.scid  }
0x8b: {  	s0 =	sand.u32 $0x1, s1  }
0x8c: {  	s16 =	sshll.u32 s0, $0xA;
	s2 =	sadd.s32 s3, s2  }
0x8d: {  	s2 =	sadd.s32 s2, s16  }
0x8e: {  	[smem:$0x3F97] =	sst s2  }
0x8f: {  	_ = 	snop  }
0x90: {  	(tm) =	ssettm $0x1  }
0x91: {  	s17 =	sld [smem:$0x3FFB];
	_ =	sdelay $0x3  }
0x92: {  	_ =	strace s17  }
0x93: {  	s2 =	sld [smem:$0x3FFC];
	_ =	sdelay $0x3  }
0x94: {  	_ =	strace s2  }
0x95: {  	s2 =	sld [smem:$0x3FFD];
	_ =	sdelay $0x3  }
0x96: {  	_ =	strace s2  }
0x97: {  	_ =	strace $0x8FFFFFFF  }
0x98: {  	s18 =	sld [smem:$0x3FDB];
	_ =	sdelay $0x1  }
0x99: {  	s19 =	simm.s32 $_scs_section_size  }
0x9a: {  	s4 =	simm.s32 $_size__tile_overlayer_lowered;
	s5 =	simm.s32 $_tile_overlayer_lowered  }
0x9b: {  	s22 =	simm.s32 $0x1BFF;
	s21 =	sshll.u32 s5, $0x1;
	s2 =	sadd.s32 s19, s18  }
0x9c: {  	s6 =	simm.s32 $0x0;
	s20 =	sshll.u32 s4, $0x1;
	s4 =	sadd.s32 s21, s2  }
0x9d: {  	[timem:s6], [sflag:s22] =	dma.local [hbm:s4], s20  }
0x9e: {  	_ =	swait.ge [sflag:s22], s20  }
0x9f: {  	s3 =	ssub.s32 $0x0, s20;
	[sflag:s22] =	ssyncset.done $0x0  }
0xa0: {  	[sflag:s22] =	ssyncadd.s32 s3;
	_ =	sdelay $0x1  }
0xa1: {  	s23 =	simm.s32 $0x1B8B  }
0xa2: {  	_ =	swait.ge [sflag:s23], $0x1  }
0xa3: {  	[sflag:s23] =	ssyncset.done $0x0  }
0xa4: {  	s25 =	simm.s32 $0x1B8E;
	s24 =	sld [smem:$0x3FFE];
	[sflag:s23] =	ssyncadd.s32 $0xFFFFFFFF  }
0xa5: {  	s26 =	simm.s32 $execute0_lowered;
	[smem:$0x3FD2] =	sst s25  }
0xa6: {  	s4 =	sshll.u32 s26, $0x1;
	_ =	strace $0x8000005B;
	[dreg:$0x1] =	wrdreg $0xFFFFFFFF  }
0xa7: {  	s28 =	simm.s32 $_size_execute0_lowered;
	s2 =	sadd.s32 s2, s4;
	[dreg:$0x0] =	wrdreg $0x0  }
0xa8: {  	s4 =	sshll.u32 s28, $0x1;
	[dreg:$0x2] =	wrdreg s2  }
0xa9: {  	[dreg:$0x3] =	wrdreg s4  }
0xaa: {  	[dreg:$0x4] =	wrdreg $0xC0  }
0xab: {  	_ =	task [dreg:s6], $0x5FFFF  }
0xac: {  	[dreg:$0x1] =	wrdreg $0xFFFFFFFF  }
0xad: {  	[dreg:$0x0] =	wrdreg $0x60  }
0xae: {  	[dreg:$0x2] =	wrdreg s24  }
0xaf: {  	[dreg:$0x3] =	wrdreg $0x68800  }
0xb0: {  	[dreg:$0x4] =	wrdreg $0x9  }
0xb1: {  	_ =	task.clear_ibuf [dreg:s6], $0x5FFFF;
	_ =	strace $0x9000005B  }
0xb2: {  	s29 =	simm.s32 $0x9;
	_ =	strace $0x8000005D  }
0xb3: {  	_ =	swait.ge [sflag:s29], $0x1  }
0xb4: {  	[sflag:s29] =	ssyncadd.s32 $0xFFFFFFFF  }
0xb5: {  	_ =	strace $0x9000005D  }
0xb6: {  	_ =	sfence  }
0xb7: {  	s30 =	sld [smem:$0x0];
	_ =	sdelay $0x2  }
0xb8: {  	s31 =	sshll.u32 s1, $0xD;
	s1 =	sshrl.u32 s1, $0x2  }
0xb9: {  	s3 =	sand.u32 $0x4000, s31;
	s1 =	sadd.s32 s1, s30  }
0xba: {  	s0 =	sor.u32 s3, s0;
	s1 =	sshll.u32 s1, $0x11  }
0xbb: {  	s0 =	sor.u32 s1, s0  }
0xbc: {  	s0 =	sadd.s32 $0x8F2B, s0  }
0xbd: {  	[sflag:s0] =	ssyncadd.remote.s32 $0x1  }
0xbe: {  	_ =	sfence.sel $0xFFFF  }
0xbf: {  	[dreg:$0x0] =	wrdreg $0xFFFFFFFF;
	(pc) =	sbr.abs _section_cstart, $3  }
0xc0: {  	[dreg:$0x1] =	wrdreg $0xFFFFFFFF  }
0xc1: {  	_ =	task.clear_ibuf [dreg:s6], $0x2FFFF;
	_ =	strace $0x9FFFFFFF  }
0xc2: {  	(tm) =	ssettm $0x7FFFFFFF  }
0xc3: {  	_ =	shalt  }
tec
execute0_lowered:
.L_overlay_start_1:
0x0: {  	(tag) =	ssettag $0x1  }
0x1: {  	s4 =	rddreg [dreg:$0x0];
	s0 =	stileid.u32  }
0x2: {  	s1 =	srdreg.scid;
	s5 =	smul.u32 $0x4E200, s0  }
0x3: {  	s2 =	rddreg [dreg:$0x1];
	s3 =	simm.s32 $0x0;
	s6 =	smul.u32 $0x4E20, s0  }
0x4: {  	s13 =	sand.u32 $0x1, s1;
	s1 =	rddreg [dreg:$0x2];
	s8 =	smul.u32 $0x50000, s0  }
0x5: {  	[smem:$0x7FF] =	sst s3;
	s16 =	smul.u32 $0x14000, s0  }
0x6: {  	s18 =	sadd.s32 $0xEBE00, s4;
	s7 =	smul.u32 $0x2710, s13;
	_ =	strace $0x8000005C  }
0x7: {  	s14 =	smul.u32 $0x140000, s13;
	s23 =	ssub.s32 $0x2, s13;
	s15 =	sadd.s32 s5, s4  }
0x8: {  	s24 =	sshrl.u32 s23, $0x1;
	s25 =	sshrl.u32 s8, $0x2;
	s12 =	sadd.s32 $0x4000, s16  }
0x9: {  	s19 =	sadd.s32 $0x8000, s16;
	s31 =	sadd.s32 $0xC000, s16;
	s6 =	sadd.s32 s7, s6  }
0xa: {  	s26 =	sadd.s32 s14, s16;
	s28 =	ssub.s32 s23, s24;
	s10 =	sadd.s32 s14, s12  }
0xb: {  	s20 =	sadd.s32 s14, s19;
	s21 =	sadd.s32 s12, s2;
	s16 =	sadd.s32 $0x10000, s16  }
0xc: {  	s23 =	smul.u32 $0x27100, s13;
	s24 =	sadd.s32 s19, s2;
	s19 =	simm.s32 $0x80  }
0xd: {  	s22 =	sshrl.u32 s6, $0x3;
	s29 =	sshrl.u32 s26, $0x3;
	s6 =	smax.u32 s28, $0x1  }
0xe: {  	s11 =	sshrl.u32 s10, $0x3;
	s30 =	sshrl.u32 s20, $0x3;
	s26 =	sadd.s32 s16, s2  }
0xf: {  	s20 =	simm.s32 $0x50;
	s21 =	sshrl.u32 s21, $0x3;
	s17 =	sadd.s32 s22, s4  }
0x10: {  	s4 =	sadd.s32 s25, s2;
	s5 =	sadd.s32 s18, s29;
	s11 =	sadd.s32 s18, s11  }
0x11: {  	s12 =	sadd.s32 s18, s30;
	s22 =	sadd.s32 s14, s31;
	s14 =	sadd.s32 s14, s16  }
0x12: {  	s25 =	sadd.s32 s31, s2;
	s15 =	sadd.s32 s23, s15;
	s7 =	sadd.s32 $0x4000, s4  }
0x13: {  	s8 =	sadd.s32 $0x8000, s4;
	s9 =	sadd.s32 $0xC000, s4;
	s10 =	sadd.s32 $0x10000, s4  }
0x14: {  	s22 =	sshrl.u32 s22, $0x3;
	s14 =	sshrl.u32 s14, $0x3;
	s15 =	sadd.s32 $0x5CDE00, s15  }
0x15: {  	s16 =	sadd.s32 $0x6B200, s17;
	s17 =	simm.s32 $0x2880;
	s23 =	sshrl.u32 s25, $0x3  }
0x16: {  	s25 =	simm.s32 $0x0;
	s13 =	sadd.s32 s18, s22;
	s14 =	sadd.s32 s18, s14  }
0x17: {  	v0 =	vimm.f32 $0.0e+00;
	s18 =	simm.s32 $0x1;
	s22 =	sshrl.u32 s24, $0x3;
	s24 =	sshrl.u32 s26, $0x3  }
.LBB2_1:
0x18: {  	s26 =	simm.s32 $0x0;
	s28 =	simm.s32 $0x200  }
.LBB2_2:
0x19: {  	p0 =	sne.s32 s28, $0xFE00;
	[tilespmem:s26+$0x28F0] =	vst v0  }
0x1a: {  	[tilespmem:s26+$0x2880] =	vst v0  }
0x1b: {  	[tilespmem:s26+$0x2890] =	vst v0  }
.Ltmp0:
0x1c: {  	[tilespmem:s26+$0x28A0] =	vst v0;
	(pc) =	sbr.rel @p0 .LBB2_2-.Ltmp0, $4  }
0x1d: {  	[tilespmem:s26+$0x28B0] =	vst v0  }
0x1e: {  	[tilespmem:s26+$0x28C0] =	vst v0  }
0x1f: {  	[tilespmem:s26+$0x28D0] =	vst v0  }
0x20: {  	[tilespmem:s26+$0x28E0] =	vst v0;
	s26 =	sshra.s32 s28, $0x2;
	s28 =	sadd.s32 $0x200, s28  }
0x21: {  	[tilespmem:s26+$0x28F0] =	vst v0  }
0x22: {  	[tilespmem:s26+$0x2880] =	vst v0  }
0x23: {  	[tilespmem:s26+$0x2890] =	vst v0  }
0x24: {  	[tilespmem:s26+$0x28A0] =	vst v0  }
0x25: {  	[tilespmem:s26+$0x28B0] =	vst v0  }
0x26: {  	[tilespmem:s26+$0x28C0] =	vst v0  }
0x27: {  	[tilespmem:s26+$0x28D0] =	vst v0  }
0x28: {  	[tilespmem:s26+$0x28E0] =	vst v0  }
0x29: {  	[spmem:s4] =	stream.linear.scatter [tilespmem:s17], [sflag:$0x1], $0x4000, $0x38;
	[tilespmem:$0x1A880] =	vst v63  }
0x2a: {  	_ =	swait.ge [sflag:s18], $0x4000  }
0x2b: {  	[sflag:s18] =	ssyncset.done $0x0  }
0x2c: {  	[sflag:s18] =	ssyncadd.s32 $0xFFFFC000  }
0x2d: {  	[spmem:s7] =	stream.linear.scatter [tilespmem:s17], [sflag:$0x1], $0x4000, $0x38;
	[tilespmem:$0x1A880] =	vst v63  }
0x2e: {  	_ =	swait.ge [sflag:s18], $0x4000  }
0x2f: {  	[sflag:s18] =	ssyncset.done $0x0  }
0x30: {  	[sflag:s18] =	ssyncadd.s32 $0xFFFFC000  }
0x31: {  	[spmem:s8] =	stream.linear.scatter [tilespmem:s17], [sflag:$0x1], $0x4000, $0x38;
	[tilespmem:$0x1A880] =	vst v63  }
0x32: {  	_ =	swait.ge [sflag:s18], $0x4000  }
0x33: {  	[sflag:s18] =	ssyncset.done $0x0  }
0x34: {  	[sflag:s18] =	ssyncadd.s32 $0xFFFFC000  }
0x35: {  	[spmem:s9] =	stream.linear.scatter [tilespmem:s17], [sflag:$0x1], $0x4000, $0x38;
	[tilespmem:$0x1A880] =	vst v63  }
0x36: {  	_ =	swait.ge [sflag:s18], $0x4000  }
0x37: {  	[sflag:s18] =	ssyncset.done $0x0  }
0x38: {  	[sflag:s18] =	ssyncadd.s32 $0xFFFFC000  }
0x39: {  	[spmem:s10] =	stream.linear.scatter [tilespmem:s17], [sflag:$0x1], $0x4000, $0x38;
	[tilespmem:$0x1A880] =	vst v63  }
0x3a: {  	_ =	swait.ge [sflag:s18], $0x4000  }
0x3b: {  	[sflag:s18] =	ssyncset.done $0x0  }
0x3c: {  	[sflag:s18] =	ssyncadd.s32 $0xFFFFC000  }
0x3d: {  	s31 =	sadd.s32 $0x0, s16;
	[bflag:$0x0] =	sbarrier.arrive $0xFFFF  }
0x3e: {  	[tilespmem:s3], [sflag:$0x1] =	stream.linear.gather [hbm4b:s31+s3], $0x50, $0x38;
	[tilespmem:$0x1A880] =	vst v63  }
0x3f: {  	_ =	swait.ge [sflag:s18], $0x50  }
0x40: {  	[sflag:s18] =	ssyncset.done $0x0  }
0x41: {  	[sflag:s18] =	ssyncadd.s32 $0xFFFFFFB0  }
0x42: {  	[tilespmem:s19], [sflag:$0x1] =	stream.linear.gather [hbm4b:s15+s3], $0x2800, $0x38;
	[tilespmem:$0x1A880] =	vst v63  }
0x43: {  	_ =	swait.ge [sflag:s18], $0x2800  }
0x44: {  	[sflag:s18] =	ssyncset.done $0x0  }
0x45: {  	[sflag:s18] =	ssyncadd.s32 $0xFFFFD800  }
0x46: {  	[spmem:s2] =	stream.indirect.scatter.add.f32 [tilespmem:s19], [sflag:$0x1], $0x80, s3, s20, $0xb8;
	[tilespmem:$0x1A880] =	vst v63  }
0x47: {  	s28 =	simm.s32 $0xA;
	_ =	swait.ge [sflag:s18], $0x2800  }
0x48: {  	s29 =	simm.s32 $0x14;
	s26 =	sadd.s32 $0x500, s15;
	[sflag:s18] =	ssyncset.done $0x0  }
.LBB2_4:
0x49: {  	s30 =	sadd.s32 s28, s16  }
0x4a: {  	[sflag:s18] =	ssyncadd.s32 $0xFFFFD800;
	s28 =	smov.u32 s29;
	s31 =	sadd.s32 $0xA, s29  }
0x4b: {  	[tilespmem:s3], [sflag:$0x1] =	stream.linear.gather [hbm4b:s30+s3], $0x50, $0x38;
	[tilespmem:$0x1A880] =	vst v63  }
0x4c: {  	p0 =	sne.s32 s29, $0x4D8;
	_ =	swait.ge [sflag:s18], $0x50  }
0x4d: {  	[sflag:s18] =	ssyncset.done $0x0  }
0x4e: {  	[sflag:s18] =	ssyncadd.s32 $0xFFFFFFB0  }
0x4f: {  	[tilespmem:s19], [sflag:$0x1] =	stream.linear.gather [hbm4b:s26+s3], $0x2800, $0x38;
	[tilespmem:$0x1A880] =	vst v63  }
0x50: {  	_ =	swait.ge [sflag:s18], $0x2800  }
.Ltmp1:
0x51: {  	[sflag:s18] =	ssyncset.done $0x0;
	(pc) =	sbr.rel @p0 .LBB2_4-.Ltmp1, $4  }
0x52: {  	[sflag:s18] =	ssyncadd.s32 $0xFFFFD800  }
0x53: {  	[spmem:s2] =	stream.indirect.scatter.add.f32 [tilespmem:s19], [sflag:$0x1], $0x80, s3, s20, $0xb8;
	[tilespmem:$0x1A880] =	vst v63  }
0x54: {  	_ =	swait.ge [sflag:s18], $0x2800  }
0x55: {  	s29 =	smov.u32 s31;
	s26 =	sadd.s32 $0x500, s26;
	[sflag:s18] =	ssyncset.done $0x0  }
0x56: {  	s28 =	sadd.s32 s28, s16;
	[sflag:s18] =	ssyncadd.s32 $0xFFFFD800  }
0x57: {  	[tilespmem:s3], [sflag:$0x1] =	stream.linear.gather [hbm4b:s28+s3], $0x50, $0x38;
	[tilespmem:$0x1A880] =	vst v63  }
0x58: {  	_ =	swait.ge [sflag:s18], $0x50  }
0x59: {  	[sflag:s18] =	ssyncset.done $0x0  }
0x5a: {  	[sflag:s18] =	ssyncadd.s32 $0xFFFFFFB0  }
0x5b: {  	[tilespmem:s19], [sflag:$0x1] =	stream.linear.gather [hbm4b:s26+s3], $0x2800, $0x38;
	[tilespmem:$0x1A880] =	vst v63  }
0x5c: {  	_ =	swait.ge [sflag:s18], $0x2800  }
0x5d: {  	[sflag:s18] =	ssyncset.done $0x0  }
0x5e: {  	[sflag:s18] =	ssyncadd.s32 $0xFFFFD800  }
0x5f: {  	[spmem:s2] =	stream.indirect.scatter.add.f32 [tilespmem:s19], [sflag:$0x1], $0x80, s3, s20, $0xb8;
	[tilespmem:$0x1A880] =	vst v63  }
0x60: {  	_ =	swait.ge [sflag:s18], $0x2800  }
0x61: {  	[sflag:s18] =	ssyncset.done $0x0  }
0x62: {  	s30 =	sshll.u32 s0, $0x6;
	[sflag:s18] =	ssyncadd.s32 $0xFFFFD800  }
0x63: {  	s31 =	sshrl.u32 s4, $0x3;
	s26 =	sor.u32 $0x1C01, s30;
	[bflag:$0x0] =	sbarrier.arrive $0xFFFF  }
0x64: {  	[hbm:s5], [sflag:s26] =	dma.local [spmem:s31], $0x800  }
0x65: {  	_ =	swait.ge [sflag:s18], $0x800  }
0x66: {  	[sflag:s18] =	ssyncset.done $0x0  }
0x67: {  	[sflag:s18] =	ssyncadd.s32 $0xFFFFF800  }
0x68: {  	[hbm:s11], [sflag:s26] =	dma.local [spmem:s21], $0x800  }
0x69: {  	_ =	swait.ge [sflag:s18], $0x800  }
0x6a: {  	[sflag:s18] =	ssyncset.done $0x0  }
0x6b: {  	[sflag:s18] =	ssyncadd.s32 $0xFFFFF800  }
0x6c: {  	[hbm:s12], [sflag:s26] =	dma.local [spmem:s22], $0x800  }
0x6d: {  	_ =	swait.ge [sflag:s18], $0x800  }
0x6e: {  	[sflag:s18] =	ssyncset.done $0x0  }
0x6f: {  	[sflag:s18] =	ssyncadd.s32 $0xFFFFF800  }
0x70: {  	[hbm:s13], [sflag:s26] =	dma.local [spmem:s23], $0x800  }
0x71: {  	s25 =	sadd.s32 $0x1, s25;
	_ =	swait.ge [sflag:s18], $0x800  }
0x72: {  	p0 =	sne.s32 s25, s6;
	[sflag:s18] =	ssyncset.done $0x0  }
.Ltmp2:
0x73: {  	[sflag:s18] =	ssyncadd.s32 $0xFFFFF800;
	(pc) =	sbr.rel @p0 .LBB2_1-.Ltmp2, $4  }
0x74: {  	[hbm:s14], [sflag:s26] =	dma.local [spmem:s24], $0x800  }
0x75: {  	_ =	swait.ge [sflag:s18], $0x800  }
0x76: {  	[sflag:s18] =	ssyncset.done $0x0  }
0x77: {  	[sflag:s18] =	ssyncadd.s32 $0xFFFFF800  }
0x78: {  	_ =	sfence.sel $0x180000  }
0x79: {  	[bflag:$0x0] =	sbarrier.arrive $0xFFFF  }
0x7a: {  	p0 =	sne.s32 s0, $0x0;
	_ =	strace $0x9000005C  }
0x7b: {  	s0 =	sadd.s32 @!p0 $0x100000, s1;
	[bflag:$0x2] =	sbarrier.arrive $0xFFFF  }
0x7c: {  	[sflag:s0] =	ssyncadd.tile.s32 @!p0 $0x1;
	_ =	shalt  }
.Lfunc_end2:
_tile_overlayer_lowered:
.L_overlay_start_2:
0x7d: {  	(tag) =	ssettag $0x2  }
0x7e: {  	s0 =	rddreg [dreg:$0x0];
	s2 =	stileid.u32  }
0x7f: {  	s1 =	rddreg [dreg:$0x1];
	p0 =	sne.s32 s2, $0x0  }
0x80: {  	s3 =	rddreg [dreg:$0x2];
	[bflag:$0x3] =	sbarrier.arrive $0xFFFF;
	s2 =	simm.s32 @!p0 $0x1C01  }
0x81: {  	[timem:s3], [sflag:s2] =	dma.local @!p0 [hbm:s0], s1  }
0x82: {  	s0 =	simm.s32 @!p0 $0x1  }
0x83: {  	_ =	swait.ge @!p0 [sflag:s0], s1  }
0x84: {  	s1 =	ssub.s32 @!p0 $0x0, s1;
	[sflag:s0] =	ssyncset.done @!p0 $0x0  }
0x85: {  	[sflag:s0] =	ssyncadd.s32 @!p0 s1  }
0x86: {  	[bflag:$0x3] =	sbarrier.arrive $0xFFFF  }
0x87: {  	_ =	shalt  }

</sc_bundles>
